<compile_context>
chip_gen: v7x
topology: tpu7x:2x2x1
jax: 0.10.2.dev20260603
libtpu: 0.0.44.dev20260713+nightly
codegen_flags: <defaults>
</compile_context>

<pallas_src>
import functools

import jax
import jax.numpy as jnp
from jax import lax
from jax.experimental import pallas as pl
from jax.experimental.pallas import tpu as pltpu
from jax.experimental.pallas import tpu_sc as plsc

NN = 10000
EE = 320000
D = 128
PP = 1024
NC, NS = 2, 16
NW = NC * NS
CH = 128
NCHUNK = 80
IBLK = 8
GR = 256
E_PAD = NW * NCHUNK * CH
N_ACC = 10240
RPT = N_ACC // NS

_MESH = plsc.VectorSubcoreMesh(core_axis_name="c", subcore_axis_name="s")


NBLK = NCHUNK // IBLK


def _make_seg_sum(with_cnt):
    out_type = [jax.ShapeDtypeStruct((NC, N_ACC, D), jnp.float32)]
    if with_cnt:
        out_type.append(jax.ShapeDtypeStruct((NC, N_ACC, D), jnp.float32))

    @functools.partial(
        pl.kernel,
        out_type=out_type,
        mesh=_MESH,
        scratch_types=[
            pltpu.VMEM((IBLK, CH), jnp.int32),
            pltpu.VMEM((IBLK, CH), jnp.int32),
            pltpu.VMEM((IBLK, CH), jnp.int32),
            pltpu.VMEM((IBLK, CH), jnp.int32),
            pltpu.VMEM((CH, D), jnp.float32),
            pltpu.VMEM((CH, D), jnp.float32),
            pltpu.VMEM_SHARED((N_ACC, D), jnp.float32),
            pltpu.SemaphoreType.DMA,
            pltpu.SemaphoreType.DMA,
            pltpu.SemaphoreType.DMA,
            pltpu.SemaphoreType.DMA,
        ],
    )
    def seg(table_hbm, src_hbm, dst_hbm, zrows_hbm, ones_hbm,
            *out_and_scratch):
        if with_cnt:
            out_sum, out_cnt = out_and_scratch[:2]
            rest = out_and_scratch[2:]
        else:
            out_sum = out_and_scratch[0]
            rest = out_and_scratch[1:]
        (src_a, src_b, dst_a, dst_b, rows0, rows1, acc_s,
         sg0, sg1, ss0, ss1) = rest
        rows = (rows0, rows1)
        sg = (sg0, sg1)
        ss = (ss0, ss1)
        c = lax.axis_index("c")
        s = lax.axis_index("s")
        w = s * NC + c
        base = s * RPT
        ibase = w * NCHUNK

        def wait_g(b):
            pltpu.make_async_copy(table_hbm.at[pl.ds(0, CH)], rows[b],
                                  sg[b]).wait()

        def wait_s(b):
            pltpu.make_async_copy(rows[b], acc_s.at[pl.ds(0, CH)],
                                  ss[b]).wait()

        pltpu.sync_copy(zrows_hbm, acc_s.at[pl.ds(base, RPT)])
        plsc.subcore_barrier()

        pltpu.sync_copy(src_hbm.at[pl.ds(ibase, IBLK)], src_a)
        pltpu.sync_copy(dst_hbm.at[pl.ds(ibase, IBLK)], dst_a)
        pltpu.async_copy(table_hbm.at[src_a.at[0]], rows[0], sg[0])

        def a_block(ko, src_cur, dst_cur, src_nxt, dst_nxt):
            @pl.when(ko < NBLK - 1)
            def _():
                pltpu.sync_copy(
                    src_hbm.at[pl.ds(ibase + (ko + 1) * IBLK, IBLK)], src_nxt)

            for i in range(IBLK):
                b = i % 2
                bo = 1 - b
                wait_g(b)
                pltpu.async_copy(rows[b], acc_s.at[dst_cur.at[i]], ss[b],
                                 add=True)
                if i == 0:
                    @pl.when(ko > 0)
                    def _():
                        wait_s(bo)
                else:
                    wait_s(bo)
                if i == 0:
                    @pl.when(ko < NBLK - 1)
                    def _():
                        pltpu.sync_copy(
                            dst_hbm.at[pl.ds(ibase + (ko + 1) * IBLK, IBLK)],
                            dst_nxt)
                if i < IBLK - 1:
                    pltpu.async_copy(table_hbm.at[src_cur.at[i + 1]],
                                     rows[bo], sg[bo])
                else:
                    @pl.when(ko < NBLK - 1)
                    def _():
                        pltpu.async_copy(table_hbm.at[src_nxt.at[0]],
                                         rows[bo], sg[bo])

        def a_outer(ko, carry):
            @pl.when(ko % 2 == 0)
            def _():
                a_block(ko, src_a, dst_a, src_b, dst_b)

            @pl.when(ko % 2 == 1)
            def _():
                a_block(ko, src_b, dst_b, src_a, dst_a)

            return carry

        lax.fori_loop(0, NBLK, a_outer, 0)
        wait_s((IBLK - 1) % 2)
        plsc.subcore_barrier()
        pltpu.sync_copy(acc_s.at[pl.ds(base, RPT)],
                        out_sum.at[c, pl.ds(base, RPT)])

        if with_cnt:
            pltpu.sync_copy(ones_hbm, rows0)
            pltpu.sync_copy(ones_hbm, rows1)
            plsc.subcore_barrier()
            pltpu.sync_copy(zrows_hbm, acc_s.at[pl.ds(base, RPT)])
            plsc.subcore_barrier()
            pltpu.sync_copy(dst_hbm.at[pl.ds(ibase, IBLK)], dst_a)

            def b_block(ko, dst_cur, dst_nxt):
                for i in range(IBLK):
                    b = i % 2
                    if i >= 2:
                        wait_s(b)
                    else:
                        @pl.when(ko > 0)
                        def _():
                            wait_s(b)
                    pltpu.async_copy(rows[b], acc_s.at[dst_cur.at[i]], ss[b],
                                     add=True)
                    if i == 1:
                        @pl.when(ko < NBLK - 1)
                        def _():
                            pltpu.sync_copy(
                                dst_hbm.at[pl.ds(ibase + (ko + 1) * IBLK,
                                                 IBLK)], dst_nxt)

            def b_outer(ko, carry):
                @pl.when(ko % 2 == 0)
                def _():
                    b_block(ko, dst_a, dst_b)

                @pl.when(ko % 2 == 1)
                def _():
                    b_block(ko, dst_b, dst_a)

                return carry

            lax.fori_loop(0, NBLK, b_outer, 0)
            wait_s(0)
            wait_s(1)
            plsc.subcore_barrier()
            pltpu.sync_copy(acc_s.at[pl.ds(base, RPT)],
                            out_cnt.at[c, pl.ds(base, RPT)])

    return seg


_seg_sum_cnt = _make_seg_sum(True)
_seg_sum = _make_seg_sum(False)


PRED_ROWS = 2 * PP
PR_PER_W = PRED_ROWS // NW


@functools.partial(
    pl.kernel,
    out_type=jax.ShapeDtypeStruct((PRED_ROWS, D), jnp.float32),
    mesh=_MESH,
    scratch_types=[
        pltpu.VMEM((PR_PER_W,), jnp.int32),
        pltpu.VMEM((PR_PER_W, D), jnp.float32),
        pltpu.SemaphoreType.DMA,
    ],
)
def _gather_rows(h_hbm, idx_hbm, out, idx_v, rows_v, sem):
    c = lax.axis_index("c")
    s = lax.axis_index("s")
    base = (s * NC + c) * PR_PER_W
    pltpu.sync_copy(idx_hbm.at[pl.ds(base, PR_PER_W)], idx_v)
    pltpu.async_copy(h_hbm.at[idx_v], rows_v, sem).wait()
    pltpu.sync_copy(rows_v, out.at[pl.ds(base, PR_PER_W)])


BLK = 1000


def _layer_body(relu, x_ref, s0_ref, s1_ref, c0_ref, c1_ref, wr_ref, wn_ref,
                b_ref, o_ref):
    cnt = jnp.maximum(c0_ref[0][:, :1] + c1_ref[0][:, :1], 1.0)
    agg = (s0_ref[0] + s1_ref[0]) / cnt
    h = jnp.dot(x_ref[...], wr_ref[...], preferred_element_type=jnp.float32)
    h = h + jnp.dot(agg, wn_ref[...], preferred_element_type=jnp.float32)
    h = h + b_ref[...]
    if relu:
        h = jnp.maximum(h, 0.0)
    o_ref[...] = h


def _sage_layer_tc(x, sums, cnts, w_root, w_neigh, b, relu):
    n = x.shape[0]
    grid = (n // BLK,)
    return pl.pallas_call(
        functools.partial(_layer_body, relu),
        grid=grid,
        in_specs=[
            pl.BlockSpec((BLK, D), lambda i: (i, 0)),
            pl.BlockSpec((1, BLK, D), lambda i: (0, i, 0)),
            pl.BlockSpec((1, BLK, D), lambda i: (1, i, 0)),
            pl.BlockSpec((1, BLK, D), lambda i: (0, i, 0)),
            pl.BlockSpec((1, BLK, D), lambda i: (1, i, 0)),
            pl.BlockSpec((D, D), lambda i: (0, 0)),
            pl.BlockSpec((D, D), lambda i: (0, 0)),
            pl.BlockSpec((1, D), lambda i: (0, 0)),
        ],
        out_specs=pl.BlockSpec((BLK, D), lambda i: (i, 0)),
        out_shape=jax.ShapeDtypeStruct((n, D), jnp.float32),
    )(x, sums, sums, cnts, cnts, w_root, w_neigh, b)


def _pred_body(hs_ref, hd_ref, p1_ref, pb1_ref, p2_ref, pb2_ref, p3_ref,
               pb3_ref, o_ref):
    z = hs_ref[...] * hd_ref[...]
    z = jnp.maximum(
        jnp.dot(z, p1_ref[...], preferred_element_type=jnp.float32)
        + pb1_ref[...], 0.0)
    z = jnp.maximum(
        jnp.dot(z, p2_ref[...], preferred_element_type=jnp.float32)
        + pb2_ref[...], 0.0)
    o_ref[...] = (
        jnp.dot(z, p3_ref[...], preferred_element_type=jnp.float32)
        + pb3_ref[...])


def _predict_tc(hs, hd, p1, pb1, p2, pb2, p3, pb3):
    return pl.pallas_call(
        _pred_body,
        out_shape=jax.ShapeDtypeStruct((PP, 1), jnp.float32),
    )(hs, hd, p1, pb1, p2, pb2, p3, pb3)


def kernel(x, edge_index, W_root1, W_neigh1, b1, W_root2, W_neigh2, b2,
           P1, pb1, P2, pb2, P3, pb3):
    src = edge_index[0].astype(jnp.int32)
    dst = edge_index[1].astype(jnp.int32)
    pad = E_PAD - EE
    src_p = jnp.concatenate([src, jnp.zeros((pad,), jnp.int32)]).reshape(-1, CH)
    dst_p = jnp.concatenate([dst, jnp.full((pad,), NN, jnp.int32)]).reshape(-1, CH)
    zrows = jnp.zeros((RPT, D), jnp.float32)
    ones = jnp.ones((CH, D), jnp.float32)

    sums1, cnts = _seg_sum_cnt(x, src_p, dst_p, zrows, ones)
    h = _sage_layer_tc(x, sums1, cnts, W_root1, W_neigh1,
                       b1.reshape(1, D), relu=True)
    (sums2,) = _seg_sum(h, src_p, dst_p, zrows, ones)
    h2 = _sage_layer_tc(h, sums2, cnts, W_root2, W_neigh2,
                        b2.reshape(1, D), relu=False)

    pidx = jnp.concatenate([src[:PP], dst[:PP]])
    rows = _gather_rows(h2, pidx)
    return _predict_tc(rows[:PP], rows[PP:], P1, pb1.reshape(1, D),
                       P2, pb2.reshape(1, D), P3, pb3.reshape(1, 1))

# --- scband reference (transcript-rebuilt; emitter-appended) ---
"""Pipeline reference for scband-edge-prediction-gnnmodel-27779848471357 (READ-ONLY COPY).

The authoritative reference and input builder live on the scoring server;
editing this copy changes nothing except your own understanding.
"""

import jax, jax.numpy as jnp
import numpy as np

N = 10000
E = 320000
D = 128
H = 128
P = 1024


def _sage_layer(x, src, dst, W_root, W_neigh, b):
    # SAGEConv with mean aggregator: out = x @ W_root + mean_agg(x[src] -> dst) @ W_neigh + b
    msgs = jnp.take(x, src, axis=0)
    summed = jax.ops.segment_sum(msgs, dst, num_segments=N)
    cnt = jax.ops.segment_sum(jnp.ones((src.shape[0], 1), jnp.float32), dst, num_segments=N)
    agg = summed / jnp.maximum(cnt, 1.0)
    return x @ W_root + agg @ W_neigh + b


def setup_inputs(seed: int = 0) -> dict:
    key = jax.random.key(seed)
    ks = jax.random.split(key, 14)
    s = 1.0 / np.sqrt(D)
    inp = {}
    inp['x'] = jax.random.normal(ks[0], (N, D), dtype=jnp.float32)
    inp['edge_index'] = jax.random.randint(ks[1], (2, E), 0, N, dtype=jnp.int32).astype(jnp.int64)
    inp['W_root1'] = jax.random.normal(ks[2], (D, H), dtype=jnp.float32) * s
    inp['W_neigh1'] = jax.random.normal(ks[3], (D, H), dtype=jnp.float32) * s
    inp['b1'] = jnp.zeros((H,), jnp.float32)
    inp['W_root2'] = jax.random.normal(ks[4], (H, H), dtype=jnp.float32) * s
    inp['W_neigh2'] = jax.random.normal(ks[5], (H, H), dtype=jnp.float32) * s
    inp['b2'] = jnp.zeros((H,), jnp.float32)
    inp['P1'] = jax.random.normal(ks[6], (H, H), dtype=jnp.float32) * s
    inp['pb1'] = jnp.zeros((H,), jnp.float32)
    inp['P2'] = jax.random.normal(ks[7], (H, H), dtype=jnp.float32) * s
    inp['pb2'] = jnp.zeros((H,), jnp.float32)
    inp['P3'] = jax.random.normal(ks[8], (H, 1), dtype=jnp.float32) * s
    inp['pb3'] = jnp.zeros((1,), jnp.float32)
    return inp


def reference(x, edge_index, W_root1, W_neigh1, b1, W_root2, W_neigh2, b2, P1, pb1, P2, pb2, P3, pb3):
    src = edge_index[0]
    dst = edge_index[1]
    # gnn_forward: embedding gather (x is the looked-up node_feat), 2 SAGE layers, ReLU between
    h = jax.nn.relu(_sage_layer(x, src, dst, W_root1, W_neigh1, b1))
    h = _sage_layer(h, src, dst, W_root2, W_neigh2, b2)
    # predict(h_src, h_dst) on a batch of P candidate edges: MLP(h_src * h_dst)
    h_src = jnp.take(h, src[:P], axis=0)
    h_dst = jnp.take(h, dst[:P], axis=0)
    z = h_src * h_dst
    z = jax.nn.relu(z @ P1 + pb1)
    z = jax.nn.relu(z @ P2 + pb2)
    scores = z @ P3 + pb3
    return scores

if __name__ == "__main__":
    import jax
    _d = setup_inputs()
    print(jax.jit(kernel)(*tuple(_d.values())))

</pallas_src>

<mosaic_0001>
#map = affine_map<(d0, d1) -> (0, 0)>
#map1 = affine_map<(d0, d1) -> (0, 0, 0)>
module attributes {stable_mosaic.version = 14 : i64} {
  func.func @seg(%arg0: i32, %arg1: i32, %arg2: memref<10000x128xf32, #tpu.memory_space<hbm>>, %arg3: memref<2560x128xi32, #tpu.memory_space<hbm>>, %arg4: memref<2560x128xi32, #tpu.memory_space<hbm>>, %arg5: memref<640x128xf32, #tpu.memory_space<hbm>>, %arg6: memref<128x128xf32, #tpu.memory_space<hbm>>, %arg7: memref<2x10240x128xf32, #tpu.memory_space<hbm>>, %arg8: memref<8x128xi32, #tpu.memory_space<vmem>>, %arg9: memref<8x128xi32, #tpu.memory_space<vmem>>, %arg10: memref<8x128xi32, #tpu.memory_space<vmem>>, %arg11: memref<8x128xi32, #tpu.memory_space<vmem>>, %arg12: memref<128x128xf32, #tpu.memory_space<vmem>>, %arg13: memref<128x128xf32, #tpu.memory_space<vmem>>, %arg14: memref<10240x128xf32, #tpu.memory_space<vmem_shared>>, %arg15: memref<!tpu.dma_semaphore, #tpu.memory_space<semaphore_mem>>, %arg16: memref<!tpu.dma_semaphore, #tpu.memory_space<semaphore_mem>>, %arg17: memref<!tpu.dma_semaphore, #tpu.memory_space<semaphore_mem>>, %arg18: memref<!tpu.dma_semaphore, #tpu.memory_space<semaphore_mem>>) attributes {dimension_semantics = [#tpu.dimension_semantics<core_parallel>, #tpu.dimension_semantics<subcore_parallel>], iteration_bounds = array<i64: 2, 16>, scalar_prefetch = 0 : i64, scratch_operands = 11 : i64, tpu.core_type = #tpu.core_type<sc_vector_subcore>, window_params = [{transform_indices = #map}, {transform_indices = #map}, {transform_indices = #map}, {transform_indices = #map}, {transform_indices = #map}, {transform_indices = #map1}]} {
    %mul3A = arith.constant 2 : i32
    %mul3A_0 = arith.muli %arg1, %mul3A : i32
    %add3A = arith.addi %mul3A_0, %arg0 : i32
    %mul3A_1 = arith.constant 640 : i32
    %mul3A_2 = arith.muli %arg1, %mul3A_1 : i32
    %mul3A_3 = arith.constant 80 : i32
    %mul3A_4 = arith.muli %add3A, %mul3A_3 : i32
    "tpu.region"() ({
      %run_scoped3A = tpu.sem_alloc : memref<!tpu.dma_semaphore, #tpu.memory_space<semaphore_mem>>
      %dma_start3A_22 = arith.constant 0 : i32
      %dma_start3A_23 = tpu.memref_slice %arg14[%mul3A_2, %dma_start3A_22] : memref<10240x128xf32, #tpu.memory_space<vmem_shared>> -> memref<640x128xf32, #tpu.memory_space<vmem_shared>>
      tpu.enqueue_dma source(%arg5 : memref<640x128xf32, #tpu.memory_space<hbm>>) target(%dma_start3A_23 : memref<640x128xf32, #tpu.memory_space<vmem_shared>>) target_semaphore(%run_scoped3A : memref<!tpu.dma_semaphore, #tpu.memory_space<semaphore_mem>>)
      %dma_wait3A_24 = arith.constant 0 : i32
      %dma_wait3A_25 = tpu.memref_slice %arg14[%mul3A_2, %dma_wait3A_24] : memref<10240x128xf32, #tpu.memory_space<vmem_shared>> -> memref<640x128xf32, #tpu.memory_space<vmem_shared>>
      tpu.wait_dma2 semaphore(%run_scoped3A : memref<!tpu.dma_semaphore, #tpu.memory_space<semaphore_mem>>) src(%arg5 : memref<640x128xf32, #tpu.memory_space<hbm>>) dst(%dma_wait3A_25 : memref<640x128xf32, #tpu.memory_space<vmem_shared>>)
      tpu.yield
    }) : () -> ()
    %barrier3A = arith.constant 0 : index
    tpu.barrier barrier_id(%barrier3A)
    "tpu.region"() ({
      %run_scoped3A = tpu.sem_alloc : memref<!tpu.dma_semaphore, #tpu.memory_space<semaphore_mem>>
      %dma_start3A_22 = arith.constant 0 : i32
      %dma_start3A_23 = tpu.memref_slice %arg3[%mul3A_4, %dma_start3A_22] : memref<2560x128xi32, #tpu.memory_space<hbm>> -> memref<8x128xi32, #tpu.memory_space<hbm>>
      %dma_start3A_24 = arith.constant 0 : i32
      %dma_start3A_25 = tpu.memref_slice %arg3[%mul3A_4, %dma_start3A_24] : memref<2560x128xi32, #tpu.memory_space<hbm>> -> memref<8x128xi32, #tpu.memory_space<hbm>>
      tpu.enqueue_dma source(%dma_start3A_25 : memref<8x128xi32, #tpu.memory_space<hbm>>) target(%arg8 : memref<8x128xi32, #tpu.memory_space<vmem>>) target_semaphore(%run_scoped3A : memref<!tpu.dma_semaphore, #tpu.memory_space<semaphore_mem>>)
      %dma_wait3A_26 = arith.constant 0 : i32
      %dma_wait3A_27 = tpu.memref_slice %arg3[%mul3A_4, %dma_wait3A_26] : memref<2560x128xi32, #tpu.memory_space<hbm>> -> memref<8x128xi32, #tpu.memory_space<hbm>>
      %dma_wait3A_28 = arith.constant 0 : i32
      %dma_wait3A_29 = tpu.memref_slice %arg3[%mul3A_4, %dma_wait3A_28] : memref<2560x128xi32, #tpu.memory_space<hbm>> -> memref<8x128xi32, #tpu.memory_space<hbm>>
      tpu.wait_dma2 semaphore(%run_scoped3A : memref<!tpu.dma_semaphore, #tpu.memory_space<semaphore_mem>>) src(%dma_wait3A_29 : memref<8x128xi32, #tpu.memory_space<hbm>>) dst(%arg8 : memref<8x128xi32, #tpu.memory_space<vmem>>)
      tpu.yield
    }) : () -> ()
    "tpu.region"() ({
      %run_scoped3A = tpu.sem_alloc : memref<!tpu.dma_semaphore, #tpu.memory_space<semaphore_mem>>
      %dma_start3A_22 = arith.constant 0 : i32
      %dma_start3A_23 = tpu.memref_slice %arg4[%mul3A_4, %dma_start3A_22] : memref<2560x128xi32, #tpu.memory_space<hbm>> -> memref<8x128xi32, #tpu.memory_space<hbm>>
      %dma_start3A_24 = arith.constant 0 : i32
      %dma_start3A_25 = tpu.memref_slice %arg4[%mul3A_4, %dma_start3A_24] : memref<2560x128xi32, #tpu.memory_space<hbm>> -> memref<8x128xi32, #tpu.memory_space<hbm>>
      tpu.enqueue_dma source(%dma_start3A_25 : memref<8x128xi32, #tpu.memory_space<hbm>>) target(%arg10 : memref<8x128xi32, #tpu.memory_space<vmem>>) target_semaphore(%run_scoped3A : memref<!tpu.dma_semaphore, #tpu.memory_space<semaphore_mem>>)
      %dma_wait3A_26 = arith.constant 0 : i32
      %dma_wait3A_27 = tpu.memref_slice %arg4[%mul3A_4, %dma_wait3A_26] : memref<2560x128xi32, #tpu.memory_space<hbm>> -> memref<8x128xi32, #tpu.memory_space<hbm>>
      %dma_wait3A_28 = arith.constant 0 : i32
      %dma_wait3A_29 = tpu.memref_slice %arg4[%mul3A_4, %dma_wait3A_28] : memref<2560x128xi32, #tpu.memory_space<hbm>> -> memref<8x128xi32, #tpu.memory_space<hbm>>
      tpu.wait_dma2 semaphore(%run_scoped3A : memref<!tpu.dma_semaphore, #tpu.memory_space<semaphore_mem>>) src(%dma_wait3A_29 : memref<8x128xi32, #tpu.memory_space<hbm>>) dst(%arg10 : memref<8x128xi32, #tpu.memory_space<vmem>>)
      tpu.yield
    }) : () -> ()
    %dma_start3A = arith.constant 0 : i32
    %dma_start3A_5 = arith.constant 0 : i32
    %dma_start3A_6 = tpu.memref_slice %arg8[%dma_start3A, %dma_start3A_5] : memref<8x128xi32, #tpu.memory_space<vmem>> -> memref<1x128xi32, #tpu.memory_space<vmem>>
    %dma_start3A_7 = tpu.memref_squeeze %dma_start3A_6 : memref<1x128xi32, #tpu.memory_space<vmem>> -> memref<128xi32, #tpu.memory_space<vmem>>
    %dma_start3A_8 = arith.constant 0 : i32
    %dma_start3A_9 = arith.constant 0 : i32
    %dma_start3A_10 = tpu.memref_slice %arg2[%dma_start3A_8, %dma_start3A_9] : memref<10000x128xf32, #tpu.memory_space<hbm>> -> memref<10000x128xf32, #tpu.memory_space<hbm>>
    tpu.enqueue_indirect_dma source(%dma_start3A_10 : memref<10000x128xf32, #tpu.memory_space<hbm>>) target(%arg12 : memref<128x128xf32, #tpu.memory_space<vmem>>) offsets(%dma_start3A_7 : memref<128xi32, #tpu.memory_space<vmem>>) semaphore(%arg15 : memref<!tpu.dma_semaphore, #tpu.memory_space<semaphore_mem>>)
    %scan3A = arith.constant 0 : i32
    %scan3A_11 = arith.constant 0 : i32
    %scan3A_12 = arith.constant 10 : i32
    %scan3A_13 = arith.addi %scan3A_11, %scan3A_12 : i32
    %scan3A_14 = arith.constant 1 : i32
    scf.for %scan3A_22 = %scan3A_11 to %scan3A_13 step %scan3A_14  : i32 {
      %jit3A = arith.constant 2 : i32
      %eq3A = arith.constant 0 : i32
      %eq3A_23 = arith.cmpi eq, %jit3A, %eq3A : i32
      %jit3A_24 = arith.constant 1 : i32
      %select_n3A = arith.select %eq3A_23, %jit3A_24, %jit3A : i32
      %rem3A = arith.remsi %scan3A_22, %select_n3A : i32
      %ne3A = arith.constant 0 : i32
      %ne3A_25 = arith.cmpi ne, %rem3A, %ne3A : i32
      %lt3A = arith.constant 0 : i32
      %lt3A_26 = arith.cmpi slt, %rem3A, %lt3A : i32
      %lt3A_27 = arith.constant 0 : i32
      %lt3A_28 = arith.cmpi slt, %select_n3A, %lt3A_27 : i32
      %ne3A_29 = arith.xori %lt3A_26, %lt3A_28 : i1
      %and3A = arith.andi %ne3A_29, %ne3A_25 : i1
      %add3A_30 = arith.addi %rem3A, %select_n3A : i32
      %select_n3A_31 = arith.select %and3A, %add3A_30, %rem3A : i32
      %eq3A_32 = arith.constant 0 : i32
      %eq3A_33 = arith.cmpi eq, %select_n3A_31, %eq3A_32 : i32
      %convert_element_type3A = arith.extui %eq3A_33 : i1 to i32
      %cond3A = arith.constant 0 : i32
      %cond3A_34 = arith.cmpi ne, %convert_element_type3A, %cond3A : i32
      scf.if %cond3A_34 {
        %lt3A_56 = arith.constant 9 : i32
        %lt3A_57 = arith.cmpi slt, %scan3A_22, %lt3A_56 : i32
        %convert_element_type3A_58 = arith.extui %lt3A_57 : i1 to i32
        %cond3A_59 = arith.constant 0 : i32
        %cond3A_60 = arith.cmpi ne, %convert_element_type3A_58, %cond3A_59 : i32
        scf.if %cond3A_60 {
          %add3A_270 = arith.constant 1 : i32
          %add3A_271 = arith.addi %scan3A_22, %add3A_270 : i32
          %mul3A_272 = arith.constant 8 : i32
          %mul3A_273 = arith.muli %add3A_271, %mul3A_272 : i32
          %add3A_274 = arith.addi %mul3A_4, %mul3A_273 : i32
          "tpu.region"() ({
            %run_scoped3A = tpu.sem_alloc : memref<!tpu.dma_semaphore, #tpu.memory_space<semaphore_mem>>
            %dma_start3A_275 = arith.constant 0 : i32
            %dma_start3A_276 = tpu.memref_slice %arg3[%add3A_274, %dma_start3A_275] : memref<2560x128xi32, #tpu.memory_space<hbm>> -> memref<8x128xi32, #tpu.memory_space<hbm>>
            %dma_start3A_277 = arith.constant 0 : i32
            %dma_start3A_278 = tpu.memref_slice %arg3[%add3A_274, %dma_start3A_277] : memref<2560x128xi32, #tpu.memory_space<hbm>> -> memref<8x128xi32, #tpu.memory_space<hbm>>
            tpu.enqueue_dma source(%dma_start3A_278 : memref<8x128xi32, #tpu.memory_space<hbm>>) target(%arg9 : memref<8x128xi32, #tpu.memory_space<vmem>>) target_semaphore(%run_scoped3A : memref<!tpu.dma_semaphore, #tpu.memory_space<semaphore_mem>>)
            %dma_wait3A_279 = arith.constant 0 : i32
            %dma_wait3A_280 = tpu.memref_slice %arg3[%add3A_274, %dma_wait3A_279] : memref<2560x128xi32, #tpu.memory_space<hbm>> -> memref<8x128xi32, #tpu.memory_space<hbm>>
            %dma_wait3A_281 = arith.constant 0 : i32
            %dma_wait3A_282 = tpu.memref_slice %arg3[%add3A_274, %dma_wait3A_281] : memref<2560x128xi32, #tpu.memory_space<hbm>> -> memref<8x128xi32, #tpu.memory_space<hbm>>
            tpu.wait_dma2 semaphore(%run_scoped3A : memref<!tpu.dma_semaphore, #tpu.memory_space<semaphore_mem>>) src(%dma_wait3A_282 : memref<8x128xi32, #tpu.memory_space<hbm>>) dst(%arg9 : memref<8x128xi32, #tpu.memory_space<vmem>>)
            tpu.yield
          }) : () -> ()
        } else {
        }
        %dma_wait3A_61 = arith.constant 0 : i32
        %dma_wait3A_62 = arith.constant 0 : i32
        %dma_wait3A_63 = tpu.memref_slice %arg2[%dma_wait3A_61, %dma_wait3A_62] : memref<10000x128xf32, #tpu.memory_space<hbm>> -> memref<128x128xf32, #tpu.memory_space<hbm>>
        %dma_wait3A_64 = arith.constant 0 : i32
        %dma_wait3A_65 = arith.constant 0 : i32
        %dma_wait3A_66 = tpu.memref_slice %arg2[%dma_wait3A_64, %dma_wait3A_65] : memref<10000x128xf32, #tpu.memory_space<hbm>> -> memref<128x128xf32, #tpu.memory_space<hbm>>
        tpu.wait_dma2 semaphore(%arg15 : memref<!tpu.dma_semaphore, #tpu.memory_space<semaphore_mem>>) src(%dma_wait3A_66 : memref<128x128xf32, #tpu.memory_space<hbm>>) dst(%arg12 : memref<128x128xf32, #tpu.memory_space<vmem>>)
        %dma_start3A_67 = arith.constant 0 : i32
        %dma_start3A_68 = arith.constant 0 : i32
        %dma_start3A_69 = tpu.memref_slice %arg10[%dma_start3A_67, %dma_start3A_68] : memref<8x128xi32, #tpu.memory_space<vmem>> -> memref<1x128xi32, #tpu.memory_space<vmem>>
        %dma_start3A_70 = tpu.memref_squeeze %dma_start3A_69 : memref<1x128xi32, #tpu.memory_space<vmem>> -> memref<128xi32, #tpu.memory_space<vmem>>
        %dma_start3A_71 = arith.constant 0 : i32
        %dma_start3A_72 = arith.constant 0 : i32
        %dma_start3A_73 = tpu.memref_slice %arg14[%dma_start3A_71, %dma_start3A_72] : memref<10240x128xf32, #tpu.memory_space<vmem_shared>> -> memref<10240x128xf32, #tpu.memory_space<vmem_shared>>
        tpu.enqueue_indirect_dma source(%arg12 : memref<128x128xf32, #tpu.memory_space<vmem>>) target(%dma_start3A_73 : memref<10240x128xf32, #tpu.memory_space<vmem_shared>>) offsets(%dma_start3A_70 : memref<128xi32, #tpu.memory_space<vmem>>) semaphore(%arg17 : memref<!tpu.dma_semaphore, #tpu.memory_space<semaphore_mem>>) {add = true}
        %gt3A = arith.constant 0 : i32
        %gt3A_74 = arith.cmpi sgt, %scan3A_22, %gt3A : i32
        %convert_element_type3A_75 = arith.extui %gt3A_74 : i1 to i32
        %cond3A_76 = arith.constant 0 : i32
        %cond3A_77 = arith.cmpi ne, %convert_element_type3A_75, %cond3A_76 : i32
        scf.if %cond3A_77 {
          %dma_wait3A_270 = arith.constant 0 : i32
          %dma_wait3A_271 = arith.constant 0 : i32
          %dma_wait3A_272 = tpu.memref_slice %arg14[%dma_wait3A_270, %dma_wait3A_271] : memref<10240x128xf32, #tpu.memory_space<vmem_shared>> -> memref<128x128xf32, #tpu.memory_space<vmem_shared>>
          %dma_wait3A_273 = arith.constant 0 : i32
          %dma_wait3A_274 = arith.constant 0 : i32
          %dma_wait3A_275 = tpu.memref_slice %arg14[%dma_wait3A_273, %dma_wait3A_274] : memref<10240x128xf32, #tpu.memory_space<vmem_shared>> -> memref<128x128xf32, #tpu.memory_space<vmem_shared>>
          tpu.wait_dma2 semaphore(%arg18 : memref<!tpu.dma_semaphore, #tpu.memory_space<semaphore_mem>>) src(%arg13 : memref<128x128xf32, #tpu.memory_space<vmem>>) dst(%dma_wait3A_275 : memref<128x128xf32, #tpu.memory_space<vmem_shared>>)
        } else {
        }
        %lt3A_78 = arith.constant 9 : i32
        %lt3A_79 = arith.cmpi slt, %scan3A_22, %lt3A_78 : i32
        %convert_element_type3A_80 = arith.extui %lt3A_79 : i1 to i32
        %cond3A_81 = arith.constant 0 : i32
        %cond3A_82 = arith.cmpi ne, %convert_element_type3A_80, %cond3A_81 : i32
        scf.if %cond3A_82 {
          %add3A_270 = arith.constant 1 : i32
          %add3A_271 = arith.addi %scan3A_22, %add3A_270 : i32
          %mul3A_272 = arith.constant 8 : i32
          %mul3A_273 = arith.muli %add3A_271, %mul3A_272 : i32
          %add3A_274 = arith.addi %mul3A_4, %mul3A_273 : i32
          "tpu.region"() ({
            %run_scoped3A = tpu.sem_alloc : memref<!tpu.dma_semaphore, #tpu.memory_space<semaphore_mem>>
            %dma_start3A_275 = arith.constant 0 : i32
            %dma_start3A_276 = tpu.memref_slice %arg4[%add3A_274, %dma_start3A_275] : memref<2560x128xi32, #tpu.memory_space<hbm>> -> memref<8x128xi32, #tpu.memory_space<hbm>>
            %dma_start3A_277 = arith.constant 0 : i32
            %dma_start3A_278 = tpu.memref_slice %arg4[%add3A_274, %dma_start3A_277] : memref<2560x128xi32, #tpu.memory_space<hbm>> -> memref<8x128xi32, #tpu.memory_space<hbm>>
            tpu.enqueue_dma source(%dma_start3A_278 : memref<8x128xi32, #tpu.memory_space<hbm>>) target(%arg11 : memref<8x128xi32, #tpu.memory_space<vmem>>) target_semaphore(%run_scoped3A : memref<!tpu.dma_semaphore, #tpu.memory_space<semaphore_mem>>)
            %dma_wait3A_279 = arith.constant 0 : i32
            %dma_wait3A_280 = tpu.memref_slice %arg4[%add3A_274, %dma_wait3A_279] : memref<2560x128xi32, #tpu.memory_space<hbm>> -> memref<8x128xi32, #tpu.memory_space<hbm>>
            %dma_wait3A_281 = arith.constant 0 : i32
            %dma_wait3A_282 = tpu.memref_slice %arg4[%add3A_274, %dma_wait3A_281] : memref<2560x128xi32, #tpu.memory_space<hbm>> -> memref<8x128xi32, #tpu.memory_space<hbm>>
            tpu.wait_dma2 semaphore(%run_scoped3A : memref<!tpu.dma_semaphore, #tpu.memory_space<semaphore_mem>>) src(%dma_wait3A_282 : memref<8x128xi32, #tpu.memory_space<hbm>>) dst(%arg11 : memref<8x128xi32, #tpu.memory_space<vmem>>)
            tpu.yield
          }) : () -> ()
        } else {
        }
        %dma_start3A_83 = arith.constant 1 : i32
        %dma_start3A_84 = arith.constant 0 : i32
        %dma_start3A_85 = tpu.memref_slice %arg8[%dma_start3A_83, %dma_start3A_84] : memref<8x128xi32, #tpu.memory_space<vmem>> -> memref<1x128xi32, #tpu.memory_space<vmem>>
        %dma_start3A_86 = tpu.memref_squeeze %dma_start3A_85 : memref<1x128xi32, #tpu.memory_space<vmem>> -> memref<128xi32, #tpu.memory_space<vmem>>
        %dma_start3A_87 = arith.constant 0 : i32
        %dma_start3A_88 = arith.constant 0 : i32
        %dma_start3A_89 = tpu.memref_slice %arg2[%dma_start3A_87, %dma_start3A_88] : memref<10000x128xf32, #tpu.memory_space<hbm>> -> memref<10000x128xf32, #tpu.memory_space<hbm>>
        tpu.enqueue_indirect_dma source(%dma_start3A_89 : memref<10000x128xf32, #tpu.memory_space<hbm>>) target(%arg13 : memref<128x128xf32, #tpu.memory_space<vmem>>) offsets(%dma_start3A_86 : memref<128xi32, #tpu.memory_space<vmem>>) semaphore(%arg16 : memref<!tpu.dma_semaphore, #tpu.memory_space<semaphore_mem>>)
        %dma_wait3A_90 = arith.constant 0 : i32
        %dma_wait3A_91 = arith.constant 0 : i32
        %dma_wait3A_92 = tpu.memref_slice %arg2[%dma_wait3A_90, %dma_wait3A_91] : memref<10000x128xf32, #tpu.memory_space<hbm>> -> memref<128x128xf32, #tpu.memory_space<hbm>>
        %dma_wait3A_93 = arith.constant 0 : i32
        %dma_wait3A_94 = arith.constant 0 : i32
        %dma_wait3A_95 = tpu.memref_slice %arg2[%dma_wait3A_93, %dma_wait3A_94] : memref<10000x128xf32, #tpu.memory_space<hbm>> -> memref<128x128xf32, #tpu.memory_space<hbm>>
        tpu.wait_dma2 semaphore(%arg16 : memref<!tpu.dma_semaphore, #tpu.memory_space<semaphore_mem>>) src(%dma_wait3A_95 : memref<128x128xf32, #tpu.memory_space<hbm>>) dst(%arg13 : memref<128x128xf32, #tpu.memory_space<vmem>>)
        %dma_start3A_96 = arith.constant 1 : i32
        %dma_start3A_97 = arith.constant 0 : i32
        %dma_start3A_98 = tpu.memref_slice %arg10[%dma_start3A_96, %dma_start3A_97] : memref<8x128xi32, #tpu.memory_space<vmem>> -> memref<1x128xi32, #tpu.memory_space<vmem>>
        %dma_start3A_99 = tpu.memref_squeeze %dma_start3A_98 : memref<1x128xi32, #tpu.memory_space<vmem>> -> memref<128xi32, #tpu.memory_space<vmem>>
        %dma_start3A_100 = arith.constant 0 : i32
        %dma_start3A_101 = arith.constant 0 : i32
        %dma_start3A_102 = tpu.memref_slice %arg14[%dma_start3A_100, %dma_start3A_101] : memref<10240x128xf32, #tpu.memory_space<vmem_shared>> -> memref<10240x128xf32, #tpu.memory_space<vmem_shared>>
        tpu.enqueue_indirect_dma source(%arg13 : memref<128x128xf32, #tpu.memory_space<vmem>>) target(%dma_start3A_102 : memref<10240x128xf32, #tpu.memory_space<vmem_shared>>) offsets(%dma_start3A_99 : memref<128xi32, #tpu.memory_space<vmem>>) semaphore(%arg18 : memref<!tpu.dma_semaphore, #tpu.memory_space<semaphore_mem>>) {add = true}
        %dma_wait3A_103 = arith.constant 0 : i32
        %dma_wait3A_104 = arith.constant 0 : i32
        %dma_wait3A_105 = tpu.memref_slice %arg14[%dma_wait3A_103, %dma_wait3A_104] : memref<10240x128xf32, #tpu.memory_space<vmem_shared>> -> memref<128x128xf32, #tpu.memory_space<vmem_shared>>
        %dma_wait3A_106 = arith.constant 0 : i32
        %dma_wait3A_107 = arith.constant 0 : i32
        %dma_wait3A_108 = tpu.memref_slice %arg14[%dma_wait3A_106, %dma_wait3A_107] : memref<10240x128xf32, #tpu.memory_space<vmem_shared>> -> memref<128x128xf32, #tpu.memory_space<vmem_shared>>
        tpu.wait_dma2 semaphore(%arg17 : memref<!tpu.dma_semaphore, #tpu.memory_space<semaphore_mem>>) src(%arg12 : memref<128x128xf32, #tpu.memory_space<vmem>>) dst(%dma_wait3A_108 : memref<128x128xf32, #tpu.memory_space<vmem_shared>>)
        %dma_start3A_109 = arith.constant 2 : i32
        %dma_start3A_110 = arith.constant 0 : i32
        %dma_start3A_111 = tpu.memref_slice %arg8[%dma_start3A_109, %dma_start3A_110] : memref<8x128xi32, #tpu.memory_space<vmem>> -> memref<1x128xi32, #tpu.memory_space<vmem>>
        %dma_start3A_112 = tpu.memref_squeeze %dma_start3A_111 : memref<1x128xi32, #tpu.memory_space<vmem>> -> memref<128xi32, #tpu.memory_space<vmem>>
        %dma_start3A_113 = arith.constant 0 : i32
        %dma_start3A_114 = arith.constant 0 : i32
        %dma_start3A_115 = tpu.memref_slice %arg2[%dma_start3A_113, %dma_start3A_114] : memref<10000x128xf32, #tpu.memory_space<hbm>> -> memref<10000x128xf32, #tpu.memory_space<hbm>>
        tpu.enqueue_indirect_dma source(%dma_start3A_115 : memref<10000x128xf32, #tpu.memory_space<hbm>>) target(%arg12 : memref<128x128xf32, #tpu.memory_space<vmem>>) offsets(%dma_start3A_112 : memref<128xi32, #tpu.memory_space<vmem>>) semaphore(%arg15 : memref<!tpu.dma_semaphore, #tpu.memory_space<semaphore_mem>>)
        %dma_wait3A_116 = arith.constant 0 : i32
        %dma_wait3A_117 = arith.constant 0 : i32
        %dma_wait3A_118 = tpu.memref_slice %arg2[%dma_wait3A_116, %dma_wait3A_117] : memref<10000x128xf32, #tpu.memory_space<hbm>> -> memref<128x128xf32, #tpu.memory_space<hbm>>
        %dma_wait3A_119 = arith.constant 0 : i32
        %dma_wait3A_120 = arith.constant 0 : i32
        %dma_wait3A_121 = tpu.memref_slice %arg2[%dma_wait3A_119, %dma_wait3A_120] : memref<10000x128xf32, #tpu.memory_space<hbm>> -> memref<128x128xf32, #tpu.memory_space<hbm>>
        tpu.wait_dma2 semaphore(%arg15 : memref<!tpu.dma_semaphore, #tpu.memory_space<semaphore_mem>>) src(%dma_wait3A_121 : memref<128x128xf32, #tpu.memory_space<hbm>>) dst(%arg12 : memref<128x128xf32, #tpu.memory_space<vmem>>)
        %dma_start3A_122 = arith.constant 2 : i32
        %dma_start3A_123 = arith.constant 0 : i32
        %dma_start3A_124 = tpu.memref_slice %arg10[%dma_start3A_122, %dma_start3A_123] : memref<8x128xi32, #tpu.memory_space<vmem>> -> memref<1x128xi32, #tpu.memory_space<vmem>>
        %dma_start3A_125 = tpu.memref_squeeze %dma_start3A_124 : memref<1x128xi32, #tpu.memory_space<vmem>> -> memref<128xi32, #tpu.memory_space<vmem>>
        %dma_start3A_126 = arith.constant 0 : i32
        %dma_start3A_127 = arith.constant 0 : i32
        %dma_start3A_128 = tpu.memref_slice %arg14[%dma_start3A_126, %dma_start3A_127] : memref<10240x128xf32, #tpu.memory_space<vmem_shared>> -> memref<10240x128xf32, #tpu.memory_space<vmem_shared>>
        tpu.enqueue_indirect_dma source(%arg12 : memref<128x128xf32, #tpu.memory_space<vmem>>) target(%dma_start3A_128 : memref<10240x128xf32, #tpu.memory_space<vmem_shared>>) offsets(%dma_start3A_125 : memref<128xi32, #tpu.memory_space<vmem>>) semaphore(%arg17 : memref<!tpu.dma_semaphore, #tpu.memory_space<semaphore_mem>>) {add = true}
        %dma_wait3A_129 = arith.constant 0 : i32
        %dma_wait3A_130 = arith.constant 0 : i32
        %dma_wait3A_131 = tpu.memref_slice %arg14[%dma_wait3A_129, %dma_wait3A_130] : memref<10240x128xf32, #tpu.memory_space<vmem_shared>> -> memref<128x128xf32, #tpu.memory_space<vmem_shared>>
        %dma_wait3A_132 = arith.constant 0 : i32
        %dma_wait3A_133 = arith.constant 0 : i32
        %dma_wait3A_134 = tpu.memref_slice %arg14[%dma_wait3A_132, %dma_wait3A_133] : memref<10240x128xf32, #tpu.memory_space<vmem_shared>> -> memref<128x128xf32, #tpu.memory_space<vmem_shared>>
        tpu.wait_dma2 semaphore(%arg18 : memref<!tpu.dma_semaphore, #tpu.memory_space<semaphore_mem>>) src(%arg13 : memref<128x128xf32, #tpu.memory_space<vmem>>) dst(%dma_wait3A_134 : memref<128x128xf32, #tpu.memory_space<vmem_shared>>)
        %dma_start3A_135 = arith.constant 3 : i32
        %dma_start3A_136 = arith.constant 0 : i32
        %dma_start3A_137 = tpu.memref_slice %arg8[%dma_start3A_135, %dma_start3A_136] : memref<8x128xi32, #tpu.memory_space<vmem>> -> memref<1x128xi32, #tpu.memory_space<vmem>>
        %dma_start3A_138 = tpu.memref_squeeze %dma_start3A_137 : memref<1x128xi32, #tpu.memory_space<vmem>> -> memref<128xi32, #tpu.memory_space<vmem>>
        %dma_start3A_139 = arith.constant 0 : i32
        %dma_start3A_140 = arith.constant 0 : i32
        %dma_start3A_141 = tpu.memref_slice %arg2[%dma_start3A_139, %dma_start3A_140] : memref<10000x128xf32, #tpu.memory_space<hbm>> -> memref<10000x128xf32, #tpu.memory_space<hbm>>
        tpu.enqueue_indirect_dma source(%dma_start3A_141 : memref<10000x128xf32, #tpu.memory_space<hbm>>) target(%arg13 : memref<128x128xf32, #tpu.memory_space<vmem>>) offsets(%dma_start3A_138 : memref<128xi32, #tpu.memory_space<vmem>>) semaphore(%arg16 : memref<!tpu.dma_semaphore, #tpu.memory_space<semaphore_mem>>)
        %dma_wait3A_142 = arith.constant 0 : i32
        %dma_wait3A_143 = arith.constant 0 : i32
        %dma_wait3A_144 = tpu.memref_slice %arg2[%dma_wait3A_142, %dma_wait3A_143] : memref<10000x128xf32, #tpu.memory_space<hbm>> -> memref<128x128xf32, #tpu.memory_space<hbm>>
        %dma_wait3A_145 = arith.constant 0 : i32
        %dma_wait3A_146 = arith.constant 0 : i32
        %dma_wait3A_147 = tpu.memref_slice %arg2[%dma_wait3A_145, %dma_wait3A_146] : memref<10000x128xf32, #tpu.memory_space<hbm>> -> memref<128x128xf32, #tpu.memory_space<hbm>>
        tpu.wait_dma2 semaphore(%arg16 : memref<!tpu.dma_semaphore, #tpu.memory_space<semaphore_mem>>) src(%dma_wait3A_147 : memref<128x128xf32, #tpu.memory_space<hbm>>) dst(%arg13 : memref<128x128xf32, #tpu.memory_space<vmem>>)
        %dma_start3A_148 = arith.constant 3 : i32
        %dma_start3A_149 = arith.constant 0 : i32
        %dma_start3A_150 = tpu.memref_slice %arg10[%dma_start3A_148, %dma_start3A_149] : memref<8x128xi32, #tpu.memory_space<vmem>> -> memref<1x128xi32, #tpu.memory_space<vmem>>
        %dma_start3A_151 = tpu.memref_squeeze %dma_start3A_150 : memref<1x128xi32, #tpu.memory_space<vmem>> -> memref<128xi32, #tpu.memory_space<vmem>>
        %dma_start3A_152 = arith.constant 0 : i32
        %dma_start3A_153 = arith.constant 0 : i32
        %dma_start3A_154 = tpu.memref_slice %arg14[%dma_start3A_152, %dma_start3A_153] : memref<10240x128xf32, #tpu.memory_space<vmem_shared>> -> memref<10240x128xf32, #tpu.memory_space<vmem_shared>>
        tpu.enqueue_indirect_dma source(%arg13 : memref<128x128xf32, #tpu.memory_space<vmem>>) target(%dma_start3A_154 : memref<10240x128xf32, #tpu.memory_space<vmem_shared>>) offsets(%dma_start3A_151 : memref<128xi32, #tpu.memory_space<vmem>>) semaphore(%arg18 : memref<!tpu.dma_semaphore, #tpu.memory_space<semaphore_mem>>) {add = true}
        %dma_wait3A_155 = arith.constant 0 : i32
        %dma_wait3A_156 = arith.constant 0 : i32
        %dma_wait3A_157 = tpu.memref_slice %arg14[%dma_wait3A_155, %dma_wait3A_156] : memref<10240x128xf32, #tpu.memory_space<vmem_shared>> -> memref<128x128xf32, #tpu.memory_space<vmem_shared>>
        %dma_wait3A_158 = arith.constant 0 : i32
        %dma_wait3A_159 = arith.constant 0 : i32
        %dma_wait3A_160 = tpu.memref_slice %arg14[%dma_wait3A_158, %dma_wait3A_159] : memref<10240x128xf32, #tpu.memory_space<vmem_shared>> -> memref<128x128xf32, #tpu.memory_space<vmem_shared>>
        tpu.wait_dma2 semaphore(%arg17 : memref<!tpu.dma_semaphore, #tpu.memory_space<semaphore_mem>>) src(%arg12 : memref<128x128xf32, #tpu.memory_space<vmem>>) dst(%dma_wait3A_160 : memref<128x128xf32, #tpu.memory_space<vmem_shared>>)
        %dma_start3A_161 = arith.constant 4 : i32
        %dma_start3A_162 = arith.constant 0 : i32
        %dma_start3A_163 = tpu.memref_slice %arg8[%dma_start3A_161, %dma_start3A_162] : memref<8x128xi32, #tpu.memory_space<vmem>> -> memref<1x128xi32, #tpu.memory_space<vmem>>
        %dma_start3A_164 = tpu.memref_squeeze %dma_start3A_163 : memref<1x128xi32, #tpu.memory_space<vmem>> -> memref<128xi32, #tpu.memory_space<vmem>>
        %dma_start3A_165 = arith.constant 0 : i32
        %dma_start3A_166 = arith.constant 0 : i32
        %dma_start3A_167 = tpu.memref_slice %arg2[%dma_start3A_165, %dma_start3A_166] : memref<10000x128xf32, #tpu.memory_space<hbm>> -> memref<10000x128xf32, #tpu.memory_space<hbm>>
        tpu.enqueue_indirect_dma source(%dma_start3A_167 : memref<10000x128xf32, #tpu.memory_space<hbm>>) target(%arg12 : memref<128x128xf32, #tpu.memory_space<vmem>>) offsets(%dma_start3A_164 : memref<128xi32, #tpu.memory_space<vmem>>) semaphore(%arg15 : memref<!tpu.dma_semaphore, #tpu.memory_space<semaphore_mem>>)
        %dma_wait3A_168 = arith.constant 0 : i32
        %dma_wait3A_169 = arith.constant 0 : i32
        %dma_wait3A_170 = tpu.memref_slice %arg2[%dma_wait3A_168, %dma_wait3A_169] : memref<10000x128xf32, #tpu.memory_space<hbm>> -> memref<128x128xf32, #tpu.memory_space<hbm>>
        %dma_wait3A_171 = arith.constant 0 : i32
        %dma_wait3A_172 = arith.constant 0 : i32
        %dma_wait3A_173 = tpu.memref_slice %arg2[%dma_wait3A_171, %dma_wait3A_172] : memref<10000x128xf32, #tpu.memory_space<hbm>> -> memref<128x128xf32, #tpu.memory_space<hbm>>
        tpu.wait_dma2 semaphore(%arg15 : memref<!tpu.dma_semaphore, #tpu.memory_space<semaphore_mem>>) src(%dma_wait3A_173 : memref<128x128xf32, #tpu.memory_space<hbm>>) dst(%arg12 : memref<128x128xf32, #tpu.memory_space<vmem>>)
        %dma_start3A_174 = arith.constant 4 : i32
        %dma_start3A_175 = arith.constant 0 : i32
        %dma_start3A_176 = tpu.memref_slice %arg10[%dma_start3A_174, %dma_start3A_175] : memref<8x128xi32, #tpu.memory_space<vmem>> -> memref<1x128xi32, #tpu.memory_space<vmem>>
        %dma_start3A_177 = tpu.memref_squeeze %dma_start3A_176 : memref<1x128xi32, #tpu.memory_space<vmem>> -> memref<128xi32, #tpu.memory_space<vmem>>
        %dma_start3A_178 = arith.constant 0 : i32
        %dma_start3A_179 = arith.constant 0 : i32
        %dma_start3A_180 = tpu.memref_slice %arg14[%dma_start3A_178, %dma_start3A_179] : memref<10240x128xf32, #tpu.memory_space<vmem_shared>> -> memref<10240x128xf32, #tpu.memory_space<vmem_shared>>
        tpu.enqueue_indirect_dma source(%arg12 : memref<128x128xf32, #tpu.memory_space<vmem>>) target(%dma_start3A_180 : memref<10240x128xf32, #tpu.memory_space<vmem_shared>>) offsets(%dma_start3A_177 : memref<128xi32, #tpu.memory_space<vmem>>) semaphore(%arg17 : memref<!tpu.dma_semaphore, #tpu.memory_space<semaphore_mem>>) {add = true}
        %dma_wait3A_181 = arith.constant 0 : i32
        %dma_wait3A_182 = arith.constant 0 : i32
        %dma_wait3A_183 = tpu.memref_slice %arg14[%dma_wait3A_181, %dma_wait3A_182] : memref<10240x128xf32, #tpu.memory_space<vmem_shared>> -> memref<128x128xf32, #tpu.memory_space<vmem_shared>>
        %dma_wait3A_184 = arith.constant 0 : i32
        %dma_wait3A_185 = arith.constant 0 : i32
        %dma_wait3A_186 = tpu.memref_slice %arg14[%dma_wait3A_184, %dma_wait3A_185] : memref<10240x128xf32, #tpu.memory_space<vmem_shared>> -> memref<128x128xf32, #tpu.memory_space<vmem_shared>>
        tpu.wait_dma2 semaphore(%arg18 : memref<!tpu.dma_semaphore, #tpu.memory_space<semaphore_mem>>) src(%arg13 : memref<128x128xf32, #tpu.memory_space<vmem>>) dst(%dma_wait3A_186 : memref<128x128xf32, #tpu.memory_space<vmem_shared>>)
        %dma_start3A_187 = arith.constant 5 : i32
        %dma_start3A_188 = arith.constant 0 : i32
        %dma_start3A_189 = tpu.memref_slice %arg8[%dma_start3A_187, %dma_start3A_188] : memref<8x128xi32, #tpu.memory_space<vmem>> -> memref<1x128xi32, #tpu.memory_space<vmem>>
        %dma_start3A_190 = tpu.memref_squeeze %dma_start3A_189 : memref<1x128xi32, #tpu.memory_space<vmem>> -> memref<128xi32, #tpu.memory_space<vmem>>
        %dma_start3A_191 = arith.constant 0 : i32
        %dma_start3A_192 = arith.constant 0 : i32
        %dma_start3A_193 = tpu.memref_slice %arg2[%dma_start3A_191, %dma_start3A_192] : memref<10000x128xf32, #tpu.memory_space<hbm>> -> memref<10000x128xf32, #tpu.memory_space<hbm>>
        tpu.enqueue_indirect_dma source(%dma_start3A_193 : memref<10000x128xf32, #tpu.memory_space<hbm>>) target(%arg13 : memref<128x128xf32, #tpu.memory_space<vmem>>) offsets(%dma_start3A_190 : memref<128xi32, #tpu.memory_space<vmem>>) semaphore(%arg16 : memref<!tpu.dma_semaphore, #tpu.memory_space<semaphore_mem>>)
        %dma_wait3A_194 = arith.constant 0 : i32
        %dma_wait3A_195 = arith.constant 0 : i32
        %dma_wait3A_196 = tpu.memref_slice %arg2[%dma_wait3A_194, %dma_wait3A_195] : memref<10000x128xf32, #tpu.memory_space<hbm>> -> memref<128x128xf32, #tpu.memory_space<hbm>>
        %dma_wait3A_197 = arith.constant 0 : i32
        %dma_wait3A_198 = arith.constant 0 : i32
        %dma_wait3A_199 = tpu.memref_slice %arg2[%dma_wait3A_197, %dma_wait3A_198] : memref<10000x128xf32, #tpu.memory_space<hbm>> -> memref<128x128xf32, #tpu.memory_space<hbm>>
        tpu.wait_dma2 semaphore(%arg16 : memref<!tpu.dma_semaphore, #tpu.memory_space<semaphore_mem>>) src(%dma_wait3A_199 : memref<128x128xf32, #tpu.memory_space<hbm>>) dst(%arg13 : memref<128x128xf32, #tpu.memory_space<vmem>>)
        %dma_start3A_200 = arith.constant 5 : i32
        %dma_start3A_201 = arith.constant 0 : i32
        %dma_start3A_202 = tpu.memref_slice %arg10[%dma_start3A_200, %dma_start3A_201] : memref<8x128xi32, #tpu.memory_space<vmem>> -> memref<1x128xi32, #tpu.memory_space<vmem>>
        %dma_start3A_203 = tpu.memref_squeeze %dma_start3A_202 : memref<1x128xi32, #tpu.memory_space<vmem>> -> memref<128xi32, #tpu.memory_space<vmem>>
        %dma_start3A_204 = arith.constant 0 : i32
        %dma_start3A_205 = arith.constant 0 : i32
        %dma_start3A_206 = tpu.memref_slice %arg14[%dma_start3A_204, %dma_start3A_205] : memref<10240x128xf32, #tpu.memory_space<vmem_shared>> -> memref<10240x128xf32, #tpu.memory_space<vmem_shared>>
        tpu.enqueue_indirect_dma source(%arg13 : memref<128x128xf32, #tpu.memory_space<vmem>>) target(%dma_start3A_206 : memref<10240x128xf32, #tpu.memory_space<vmem_shared>>) offsets(%dma_start3A_203 : memref<128xi32, #tpu.memory_space<vmem>>) semaphore(%arg18 : memref<!tpu.dma_semaphore, #tpu.memory_space<semaphore_mem>>) {add = true}
        %dma_wait3A_207 = arith.constant 0 : i32
        %dma_wait3A_208 = arith.constant 0 : i32
        %dma_wait3A_209 = tpu.memref_slice %arg14[%dma_wait3A_207, %dma_wait3A_208] : memref<10240x128xf32, #tpu.memory_space<vmem_shared>> -> memref<128x128xf32, #tpu.memory_space<vmem_shared>>
        %dma_wait3A_210 = arith.constant 0 : i32
        %dma_wait3A_211 = arith.constant 0 : i32
        %dma_wait3A_212 = tpu.memref_slice %arg14[%dma_wait3A_210, %dma_wait3A_211] : memref<10240x128xf32, #tpu.memory_space<vmem_shared>> -> memref<128x128xf32, #tpu.memory_space<vmem_shared>>
        tpu.wait_dma2 semaphore(%arg17 : memref<!tpu.dma_semaphore, #tpu.memory_space<semaphore_mem>>) src(%arg12 : memref<128x128xf32, #tpu.memory_space<vmem>>) dst(%dma_wait3A_212 : memref<128x128xf32, #tpu.memory_space<vmem_shared>>)
        %dma_start3A_213 = arith.constant 6 : i32
        %dma_start3A_214 = arith.constant 0 : i32
        %dma_start3A_215 = tpu.memref_slice %arg8[%dma_start3A_213, %dma_start3A_214] : memref<8x128xi32, #tpu.memory_space<vmem>> -> memref<1x128xi32, #tpu.memory_space<vmem>>
        %dma_start3A_216 = tpu.memref_squeeze %dma_start3A_215 : memref<1x128xi32, #tpu.memory_space<vmem>> -> memref<128xi32, #tpu.memory_space<vmem>>
        %dma_start3A_217 = arith.constant 0 : i32
        %dma_start3A_218 = arith.constant 0 : i32
        %dma_start3A_219 = tpu.memref_slice %arg2[%dma_start3A_217, %dma_start3A_218] : memref<10000x128xf32, #tpu.memory_space<hbm>> -> memref<10000x128xf32, #tpu.memory_space<hbm>>
        tpu.enqueue_indirect_dma source(%dma_start3A_219 : memref<10000x128xf32, #tpu.memory_space<hbm>>) target(%arg12 : memref<128x128xf32, #tpu.memory_space<vmem>>) offsets(%dma_start3A_216 : memref<128xi32, #tpu.memory_space<vmem>>) semaphore(%arg15 : memref<!tpu.dma_semaphore, #tpu.memory_space<semaphore_mem>>)
        %dma_wait3A_220 = arith.constant 0 : i32
        %dma_wait3A_221 = arith.constant 0 : i32
        %dma_wait3A_222 = tpu.memref_slice %arg2[%dma_wait3A_220, %dma_wait3A_221] : memref<10000x128xf32, #tpu.memory_space<hbm>> -> memref<128x128xf32, #tpu.memory_space<hbm>>
        %dma_wait3A_223 = arith.constant 0 : i32
        %dma_wait3A_224 = arith.constant 0 : i32
        %dma_wait3A_225 = tpu.memref_slice %arg2[%dma_wait3A_223, %dma_wait3A_224] : memref<10000x128xf32, #tpu.memory_space<hbm>> -> memref<128x128xf32, #tpu.memory_space<hbm>>
        tpu.wait_dma2 semaphore(%arg15 : memref<!tpu.dma_semaphore, #tpu.memory_space<semaphore_mem>>) src(%dma_wait3A_225 : memref<128x128xf32, #tpu.memory_space<hbm>>) dst(%arg12 : memref<128x128xf32, #tpu.memory_space<vmem>>)
        %dma_start3A_226 = arith.constant 6 : i32
        %dma_start3A_227 = arith.constant 0 : i32
        %dma_start3A_228 = tpu.memref_slice %arg10[%dma_start3A_226, %dma_start3A_227] : memref<8x128xi32, #tpu.memory_space<vmem>> -> memref<1x128xi32, #tpu.memory_space<vmem>>
        %dma_start3A_229 = tpu.memref_squeeze %dma_start3A_228 : memref<1x128xi32, #tpu.memory_space<vmem>> -> memref<128xi32, #tpu.memory_space<vmem>>
        %dma_start3A_230 = arith.constant 0 : i32
        %dma_start3A_231 = arith.constant 0 : i32
        %dma_start3A_232 = tpu.memref_slice %arg14[%dma_start3A_230, %dma_start3A_231] : memref<10240x128xf32, #tpu.memory_space<vmem_shared>> -> memref<10240x128xf32, #tpu.memory_space<vmem_shared>>
        tpu.enqueue_indirect_dma source(%arg12 : memref<128x128xf32, #tpu.memory_space<vmem>>) target(%dma_start3A_232 : memref<10240x128xf32, #tpu.memory_space<vmem_shared>>) offsets(%dma_start3A_229 : memref<128xi32, #tpu.memory_space<vmem>>) semaphore(%arg17 : memref<!tpu.dma_semaphore, #tpu.memory_space<semaphore_mem>>) {add = true}
        %dma_wait3A_233 = arith.constant 0 : i32
        %dma_wait3A_234 = arith.constant 0 : i32
        %dma_wait3A_235 = tpu.memref_slice %arg14[%dma_wait3A_233, %dma_wait3A_234] : memref<10240x128xf32, #tpu.memory_space<vmem_shared>> -> memref<128x128xf32, #tpu.memory_space<vmem_shared>>
        %dma_wait3A_236 = arith.constant 0 : i32
        %dma_wait3A_237 = arith.constant 0 : i32
        %dma_wait3A_238 = tpu.memref_slice %arg14[%dma_wait3A_236, %dma_wait3A_237] : memref<10240x128xf32, #tpu.memory_space<vmem_shared>> -> memref<128x128xf32, #tpu.memory_space<vmem_shared>>
        tpu.wait_dma2 semaphore(%arg18 : memref<!tpu.dma_semaphore, #tpu.memory_space<semaphore_mem>>) src(%arg13 : memref<128x128xf32, #tpu.memory_space<vmem>>) dst(%dma_wait3A_238 : memref<128x128xf32, #tpu.memory_space<vmem_shared>>)
        %dma_start3A_239 = arith.constant 7 : i32
        %dma_start3A_240 = arith.constant 0 : i32
        %dma_start3A_241 = tpu.memref_slice %arg8[%dma_start3A_239, %dma_start3A_240] : memref<8x128xi32, #tpu.memory_space<vmem>> -> memref<1x128xi32, #tpu.memory_space<vmem>>
        %dma_start3A_242 = tpu.memref_squeeze %dma_start3A_241 : memref<1x128xi32, #tpu.memory_space<vmem>> -> memref<128xi32, #tpu.memory_space<vmem>>
        %dma_start3A_243 = arith.constant 0 : i32
        %dma_start3A_244 = arith.constant 0 : i32
        %dma_start3A_245 = tpu.memref_slice %arg2[%dma_start3A_243, %dma_start3A_244] : memref<10000x128xf32, #tpu.memory_space<hbm>> -> memref<10000x128xf32, #tpu.memory_space<hbm>>
        tpu.enqueue_indirect_dma source(%dma_start3A_245 : memref<10000x128xf32, #tpu.memory_space<hbm>>) target(%arg13 : memref<128x128xf32, #tpu.memory_space<vmem>>) offsets(%dma_start3A_242 : memref<128xi32, #tpu.memory_space<vmem>>) semaphore(%arg16 : memref<!tpu.dma_semaphore, #tpu.memory_space<semaphore_mem>>)
        %dma_wait3A_246 = arith.constant 0 : i32
        %dma_wait3A_247 = arith.constant 0 : i32
        %dma_wait3A_248 = tpu.memref_slice %arg2[%dma_wait3A_246, %dma_wait3A_247] : memref<10000x128xf32, #tpu.memory_space<hbm>> -> memref<128x128xf32, #tpu.memory_space<hbm>>
        %dma_wait3A_249 = arith.constant 0 : i32
        %dma_wait3A_250 = arith.constant 0 : i32
        %dma_wait3A_251 = tpu.memref_slice %arg2[%dma_wait3A_249, %dma_wait3A_250] : memref<10000x128xf32, #tpu.memory_space<hbm>> -> memref<128x128xf32, #tpu.memory_space<hbm>>
        tpu.wait_dma2 semaphore(%arg16 : memref<!tpu.dma_semaphore, #tpu.memory_space<semaphore_mem>>) src(%dma_wait3A_251 : memref<128x128xf32, #tpu.memory_space<hbm>>) dst(%arg13 : memref<128x128xf32, #tpu.memory_space<vmem>>)
        %dma_start3A_252 = arith.constant 7 : i32
        %dma_start3A_253 = arith.constant 0 : i32
        %dma_start3A_254 = tpu.memref_slice %arg10[%dma_start3A_252, %dma_start3A_253] : memref<8x128xi32, #tpu.memory_space<vmem>> -> memref<1x128xi32, #tpu.memory_space<vmem>>
        %dma_start3A_255 = tpu.memref_squeeze %dma_start3A_254 : memref<1x128xi32, #tpu.memory_space<vmem>> -> memref<128xi32, #tpu.memory_space<vmem>>
        %dma_start3A_256 = arith.constant 0 : i32
        %dma_start3A_257 = arith.constant 0 : i32
        %dma_start3A_258 = tpu.memref_slice %arg14[%dma_start3A_256, %dma_start3A_257] : memref<10240x128xf32, #tpu.memory_space<vmem_shared>> -> memref<10240x128xf32, #tpu.memory_space<vmem_shared>>
        tpu.enqueue_indirect_dma source(%arg13 : memref<128x128xf32, #tpu.memory_space<vmem>>) target(%dma_start3A_258 : memref<10240x128xf32, #tpu.memory_space<vmem_shared>>) offsets(%dma_start3A_255 : memref<128xi32, #tpu.memory_space<vmem>>) semaphore(%arg18 : memref<!tpu.dma_semaphore, #tpu.memory_space<semaphore_mem>>) {add = true}
        %dma_wait3A_259 = arith.constant 0 : i32
        %dma_wait3A_260 = arith.constant 0 : i32
        %dma_wait3A_261 = tpu.memref_slice %arg14[%dma_wait3A_259, %dma_wait3A_260] : memref<10240x128xf32, #tpu.memory_space<vmem_shared>> -> memref<128x128xf32, #tpu.memory_space<vmem_shared>>
        %dma_wait3A_262 = arith.constant 0 : i32
        %dma_wait3A_263 = arith.constant 0 : i32
        %dma_wait3A_264 = tpu.memref_slice %arg14[%dma_wait3A_262, %dma_wait3A_263] : memref<10240x128xf32, #tpu.memory_space<vmem_shared>> -> memref<128x128xf32, #tpu.memory_space<vmem_shared>>
        tpu.wait_dma2 semaphore(%arg17 : memref<!tpu.dma_semaphore, #tpu.memory_space<semaphore_mem>>) src(%arg12 : memref<128x128xf32, #tpu.memory_space<vmem>>) dst(%dma_wait3A_264 : memref<128x128xf32, #tpu.memory_space<vmem_shared>>)
        %lt3A_265 = arith.constant 9 : i32
        %lt3A_266 = arith.cmpi slt, %scan3A_22, %lt3A_265 : i32
        %convert_element_type3A_267 = arith.extui %lt3A_266 : i1 to i32
        %cond3A_268 = arith.constant 0 : i32
        %cond3A_269 = arith.cmpi ne, %convert_element_type3A_267, %cond3A_268 : i32
        scf.if %cond3A_269 {
          %dma_start3A_270 = arith.constant 0 : i32
          %dma_start3A_271 = arith.constant 0 : i32
          %dma_start3A_272 = tpu.memref_slice %arg9[%dma_start3A_270, %dma_start3A_271] : memref<8x128xi32, #tpu.memory_space<vmem>> -> memref<1x128xi32, #tpu.memory_space<vmem>>
          %dma_start3A_273 = tpu.memref_squeeze %dma_start3A_272 : memref<1x128xi32, #tpu.memory_space<vmem>> -> memref<128xi32, #tpu.memory_space<vmem>>
          %dma_start3A_274 = arith.constant 0 : i32
          %dma_start3A_275 = arith.constant 0 : i32
          %dma_start3A_276 = tpu.memref_slice %arg2[%dma_start3A_274, %dma_start3A_275] : memref<10000x128xf32, #tpu.memory_space<hbm>> -> memref<10000x128xf32, #tpu.memory_space<hbm>>
          tpu.enqueue_indirect_dma source(%dma_start3A_276 : memref<10000x128xf32, #tpu.memory_space<hbm>>) target(%arg12 : memref<128x128xf32, #tpu.memory_space<vmem>>) offsets(%dma_start3A_273 : memref<128xi32, #tpu.memory_space<vmem>>) semaphore(%arg15 : memref<!tpu.dma_semaphore, #tpu.memory_space<semaphore_mem>>)
        } else {
        }
      } else {
      }
      %jit3A_35 = arith.constant 2 : i32
      %eq3A_36 = arith.constant 0 : i32
      %eq3A_37 = arith.cmpi eq, %jit3A_35, %eq3A_36 : i32
      %jit3A_38 = arith.constant 1 : i32
      %select_n3A_39 = arith.select %eq3A_37, %jit3A_38, %jit3A_35 : i32
      %rem3A_40 = arith.remsi %scan3A_22, %select_n3A_39 : i32
      %ne3A_41 = arith.constant 0 : i32
      %ne3A_42 = arith.cmpi ne, %rem3A_40, %ne3A_41 : i32
      %lt3A_43 = arith.constant 0 : i32
      %lt3A_44 = arith.cmpi slt, %rem3A_40, %lt3A_43 : i32
      %lt3A_45 = arith.constant 0 : i32
      %lt3A_46 = arith.cmpi slt, %select_n3A_39, %lt3A_45 : i32
      %ne3A_47 = arith.xori %lt3A_44, %lt3A_46 : i1
      %and3A_48 = arith.andi %ne3A_47, %ne3A_42 : i1
      %add3A_49 = arith.addi %rem3A_40, %select_n3A_39 : i32
      %select_n3A_50 = arith.select %and3A_48, %add3A_49, %rem3A_40 : i32
      %eq3A_51 = arith.constant 1 : i32
      %eq3A_52 = arith.cmpi eq, %select_n3A_50, %eq3A_51 : i32
      %convert_element_type3A_53 = arith.extui %eq3A_52 : i1 to i32
      %cond3A_54 = arith.constant 0 : i32
      %cond3A_55 = arith.cmpi ne, %convert_element_type3A_53, %cond3A_54 : i32
      scf.if %cond3A_55 {
        %lt3A_56 = arith.constant 9 : i32
        %lt3A_57 = arith.cmpi slt, %scan3A_22, %lt3A_56 : i32
        %convert_element_type3A_58 = arith.extui %lt3A_57 : i1 to i32
        %cond3A_59 = arith.constant 0 : i32
        %cond3A_60 = arith.cmpi ne, %convert_element_type3A_58, %cond3A_59 : i32
        scf.if %cond3A_60 {
          %add3A_270 = arith.constant 1 : i32
          %add3A_271 = arith.addi %scan3A_22, %add3A_270 : i32
          %mul3A_272 = arith.constant 8 : i32
          %mul3A_273 = arith.muli %add3A_271, %mul3A_272 : i32
          %add3A_274 = arith.addi %mul3A_4, %mul3A_273 : i32
          "tpu.region"() ({
            %run_scoped3A = tpu.sem_alloc : memref<!tpu.dma_semaphore, #tpu.memory_space<semaphore_mem>>
            %dma_start3A_275 = arith.constant 0 : i32
            %dma_start3A_276 = tpu.memref_slice %arg3[%add3A_274, %dma_start3A_275] : memref<2560x128xi32, #tpu.memory_space<hbm>> -> memref<8x128xi32, #tpu.memory_space<hbm>>
            %dma_start3A_277 = arith.constant 0 : i32
            %dma_start3A_278 = tpu.memref_slice %arg3[%add3A_274, %dma_start3A_277] : memref<2560x128xi32, #tpu.memory_space<hbm>> -> memref<8x128xi32, #tpu.memory_space<hbm>>
            tpu.enqueue_dma source(%dma_start3A_278 : memref<8x128xi32, #tpu.memory_space<hbm>>) target(%arg8 : memref<8x128xi32, #tpu.memory_space<vmem>>) target_semaphore(%run_scoped3A : memref<!tpu.dma_semaphore, #tpu.memory_space<semaphore_mem>>)
            %dma_wait3A_279 = arith.constant 0 : i32
            %dma_wait3A_280 = tpu.memref_slice %arg3[%add3A_274, %dma_wait3A_279] : memref<2560x128xi32, #tpu.memory_space<hbm>> -> memref<8x128xi32, #tpu.memory_space<hbm>>
            %dma_wait3A_281 = arith.constant 0 : i32
            %dma_wait3A_282 = tpu.memref_slice %arg3[%add3A_274, %dma_wait3A_281] : memref<2560x128xi32, #tpu.memory_space<hbm>> -> memref<8x128xi32, #tpu.memory_space<hbm>>
            tpu.wait_dma2 semaphore(%run_scoped3A : memref<!tpu.dma_semaphore, #tpu.memory_space<semaphore_mem>>) src(%dma_wait3A_282 : memref<8x128xi32, #tpu.memory_space<hbm>>) dst(%arg8 : memref<8x128xi32, #tpu.memory_space<vmem>>)
            tpu.yield
          }) : () -> ()
        } else {
        }
        %dma_wait3A_61 = arith.constant 0 : i32
        %dma_wait3A_62 = arith.constant 0 : i32
        %dma_wait3A_63 = tpu.memref_slice %arg2[%dma_wait3A_61, %dma_wait3A_62] : memref<10000x128xf32, #tpu.memory_space<hbm>> -> memref<128x128xf32, #tpu.memory_space<hbm>>
        %dma_wait3A_64 = arith.constant 0 : i32
        %dma_wait3A_65 = arith.constant 0 : i32
        %dma_wait3A_66 = tpu.memref_slice %arg2[%dma_wait3A_64, %dma_wait3A_65] : memref<10000x128xf32, #tpu.memory_space<hbm>> -> memref<128x128xf32, #tpu.memory_space<hbm>>
        tpu.wait_dma2 semaphore(%arg15 : memref<!tpu.dma_semaphore, #tpu.memory_space<semaphore_mem>>) src(%dma_wait3A_66 : memref<128x128xf32, #tpu.memory_space<hbm>>) dst(%arg12 : memref<128x128xf32, #tpu.memory_space<vmem>>)
        %dma_start3A_67 = arith.constant 0 : i32
        %dma_start3A_68 = arith.constant 0 : i32
        %dma_start3A_69 = tpu.memref_slice %arg11[%dma_start3A_67, %dma_start3A_68] : memref<8x128xi32, #tpu.memory_space<vmem>> -> memref<1x128xi32, #tpu.memory_space<vmem>>
        %dma_start3A_70 = tpu.memref_squeeze %dma_start3A_69 : memref<1x128xi32, #tpu.memory_space<vmem>> -> memref<128xi32, #tpu.memory_space<vmem>>
        %dma_start3A_71 = arith.constant 0 : i32
        %dma_start3A_72 = arith.constant 0 : i32
        %dma_start3A_73 = tpu.memref_slice %arg14[%dma_start3A_71, %dma_start3A_72] : memref<10240x128xf32, #tpu.memory_space<vmem_shared>> -> memref<10240x128xf32, #tpu.memory_space<vmem_shared>>
        tpu.enqueue_indirect_dma source(%arg12 : memref<128x128xf32, #tpu.memory_space<vmem>>) target(%dma_start3A_73 : memref<10240x128xf32, #tpu.memory_space<vmem_shared>>) offsets(%dma_start3A_70 : memref<128xi32, #tpu.memory_space<vmem>>) semaphore(%arg17 : memref<!tpu.dma_semaphore, #tpu.memory_space<semaphore_mem>>) {add = true}
        %gt3A = arith.constant 0 : i32
        %gt3A_74 = arith.cmpi sgt, %scan3A_22, %gt3A : i32
        %convert_element_type3A_75 = arith.extui %gt3A_74 : i1 to i32
        %cond3A_76 = arith.constant 0 : i32
        %cond3A_77 = arith.cmpi ne, %convert_element_type3A_75, %cond3A_76 : i32
        scf.if %cond3A_77 {
          %dma_wait3A_270 = arith.constant 0 : i32
          %dma_wait3A_271 = arith.constant 0 : i32
          %dma_wait3A_272 = tpu.memref_slice %arg14[%dma_wait3A_270, %dma_wait3A_271] : memref<10240x128xf32, #tpu.memory_space<vmem_shared>> -> memref<128x128xf32, #tpu.memory_space<vmem_shared>>
          %dma_wait3A_273 = arith.constant 0 : i32
          %dma_wait3A_274 = arith.constant 0 : i32
          %dma_wait3A_275 = tpu.memref_slice %arg14[%dma_wait3A_273, %dma_wait3A_274] : memref<10240x128xf32, #tpu.memory_space<vmem_shared>> -> memref<128x128xf32, #tpu.memory_space<vmem_shared>>
          tpu.wait_dma2 semaphore(%arg18 : memref<!tpu.dma_semaphore, #tpu.memory_space<semaphore_mem>>) src(%arg13 : memref<128x128xf32, #tpu.memory_space<vmem>>) dst(%dma_wait3A_275 : memref<128x128xf32, #tpu.memory_space<vmem_shared>>)
        } else {
        }
        %lt3A_78 = arith.constant 9 : i32
        %lt3A_79 = arith.cmpi slt, %scan3A_22, %lt3A_78 : i32
        %convert_element_type3A_80 = arith.extui %lt3A_79 : i1 to i32
        %cond3A_81 = arith.constant 0 : i32
        %cond3A_82 = arith.cmpi ne, %convert_element_type3A_80, %cond3A_81 : i32
        scf.if %cond3A_82 {
          %add3A_270 = arith.constant 1 : i32
          %add3A_271 = arith.addi %scan3A_22, %add3A_270 : i32
          %mul3A_272 = arith.constant 8 : i32
          %mul3A_273 = arith.muli %add3A_271, %mul3A_272 : i32
          %add3A_274 = arith.addi %mul3A_4, %mul3A_273 : i32
          "tpu.region"() ({
            %run_scoped3A = tpu.sem_alloc : memref<!tpu.dma_semaphore, #tpu.memory_space<semaphore_mem>>
            %dma_start3A_275 = arith.constant 0 : i32
            %dma_start3A_276 = tpu.memref_slice %arg4[%add3A_274, %dma_start3A_275] : memref<2560x128xi32, #tpu.memory_space<hbm>> -> memref<8x128xi32, #tpu.memory_space<hbm>>
            %dma_start3A_277 = arith.constant 0 : i32
            %dma_start3A_278 = tpu.memref_slice %arg4[%add3A_274, %dma_start3A_277] : memref<2560x128xi32, #tpu.memory_space<hbm>> -> memref<8x128xi32, #tpu.memory_space<hbm>>
            tpu.enqueue_dma source(%dma_start3A_278 : memref<8x128xi32, #tpu.memory_space<hbm>>) target(%arg10 : memref<8x128xi32, #tpu.memory_space<vmem>>) target_semaphore(%run_scoped3A : memref<!tpu.dma_semaphore, #tpu.memory_space<semaphore_mem>>)
            %dma_wait3A_279 = arith.constant 0 : i32
            %dma_wait3A_280 = tpu.memref_slice %arg4[%add3A_274, %dma_wait3A_279] : memref<2560x128xi32, #tpu.memory_space<hbm>> -> memref<8x128xi32, #tpu.memory_space<hbm>>
            %dma_wait3A_281 = arith.constant 0 : i32
            %dma_wait3A_282 = tpu.memref_slice %arg4[%add3A_274, %dma_wait3A_281] : memref<2560x128xi32, #tpu.memory_space<hbm>> -> memref<8x128xi32, #tpu.memory_space<hbm>>
            tpu.wait_dma2 semaphore(%run_scoped3A : memref<!tpu.dma_semaphore, #tpu.memory_space<semaphore_mem>>) src(%dma_wait3A_282 : memref<8x128xi32, #tpu.memory_space<hbm>>) dst(%arg10 : memref<8x128xi32, #tpu.memory_space<vmem>>)
            tpu.yield
          }) : () -> ()
        } else {
        }
        %dma_start3A_83 = arith.constant 1 : i32
        %dma_start3A_84 = arith.constant 0 : i32
        %dma_start3A_85 = tpu.memref_slice %arg9[%dma_start3A_83, %dma_start3A_84] : memref<8x128xi32, #tpu.memory_space<vmem>> -> memref<1x128xi32, #tpu.memory_space<vmem>>
        %dma_start3A_86 = tpu.memref_squeeze %dma_start3A_85 : memref<1x128xi32, #tpu.memory_space<vmem>> -> memref<128xi32, #tpu.memory_space<vmem>>
        %dma_start3A_87 = arith.constant 0 : i32
        %dma_start3A_88 = arith.constant 0 : i32
        %dma_start3A_89 = tpu.memref_slice %arg2[%dma_start3A_87, %dma_start3A_88] : memref<10000x128xf32, #tpu.memory_space<hbm>> -> memref<10000x128xf32, #tpu.memory_space<hbm>>
        tpu.enqueue_indirect_dma source(%dma_start3A_89 : memref<10000x128xf32, #tpu.memory_space<hbm>>) target(%arg13 : memref<128x128xf32, #tpu.memory_space<vmem>>) offsets(%dma_start3A_86 : memref<128xi32, #tpu.memory_space<vmem>>) semaphore(%arg16 : memref<!tpu.dma_semaphore, #tpu.memory_space<semaphore_mem>>)
        %dma_wait3A_90 = arith.constant 0 : i32
        %dma_wait3A_91 = arith.constant 0 : i32
        %dma_wait3A_92 = tpu.memref_slice %arg2[%dma_wait3A_90, %dma_wait3A_91] : memref<10000x128xf32, #tpu.memory_space<hbm>> -> memref<128x128xf32, #tpu.memory_space<hbm>>
        %dma_wait3A_93 = arith.constant 0 : i32
        %dma_wait3A_94 = arith.constant 0 : i32
        %dma_wait3A_95 = tpu.memref_slice %arg2[%dma_wait3A_93, %dma_wait3A_94] : memref<10000x128xf32, #tpu.memory_space<hbm>> -> memref<128x128xf32, #tpu.memory_space<hbm>>
        tpu.wait_dma2 semaphore(%arg16 : memref<!tpu.dma_semaphore, #tpu.memory_space<semaphore_mem>>) src(%dma_wait3A_95 : memref<128x128xf32, #tpu.memory_space<hbm>>) dst(%arg13 : memref<128x128xf32, #tpu.memory_space<vmem>>)
        %dma_start3A_96 = arith.constant 1 : i32
        %dma_start3A_97 = arith.constant 0 : i32
        %dma_start3A_98 = tpu.memref_slice %arg11[%dma_start3A_96, %dma_start3A_97] : memref<8x128xi32, #tpu.memory_space<vmem>> -> memref<1x128xi32, #tpu.memory_space<vmem>>
        %dma_start3A_99 = tpu.memref_squeeze %dma_start3A_98 : memref<1x128xi32, #tpu.memory_space<vmem>> -> memref<128xi32, #tpu.memory_space<vmem>>
        %dma_start3A_100 = arith.constant 0 : i32
        %dma_start3A_101 = arith.constant 0 : i32
        %dma_start3A_102 = tpu.memref_slice %arg14[%dma_start3A_100, %dma_start3A_101] : memref<10240x128xf32, #tpu.memory_space<vmem_shared>> -> memref<10240x128xf32, #tpu.memory_space<vmem_shared>>
        tpu.enqueue_indirect_dma source(%arg13 : memref<128x128xf32, #tpu.memory_space<vmem>>) target(%dma_start3A_102 : memref<10240x128xf32, #tpu.memory_space<vmem_shared>>) offsets(%dma_start3A_99 : memref<128xi32, #tpu.memory_space<vmem>>) semaphore(%arg18 : memref<!tpu.dma_semaphore, #tpu.memory_space<semaphore_mem>>) {add = true}
        %dma_wait3A_103 = arith.constant 0 : i32
        %dma_wait3A_104 = arith.constant 0 : i32
        %dma_wait3A_105 = tpu.memref_slice %arg14[%dma_wait3A_103, %dma_wait3A_104] : memref<10240x128xf32, #tpu.memory_space<vmem_shared>> -> memref<128x128xf32, #tpu.memory_space<vmem_shared>>
        %dma_wait3A_106 = arith.constant 0 : i32
        %dma_wait3A_107 = arith.constant 0 : i32
        %dma_wait3A_108 = tpu.memref_slice %arg14[%dma_wait3A_106, %dma_wait3A_107] : memref<10240x128xf32, #tpu.memory_space<vmem_shared>> -> memref<128x128xf32, #tpu.memory_space<vmem_shared>>
        tpu.wait_dma2 semaphore(%arg17 : memref<!tpu.dma_semaphore, #tpu.memory_space<semaphore_mem>>) src(%arg12 : memref<128x128xf32, #tpu.memory_space<vmem>>) dst(%dma_wait3A_108 : memref<128x128xf32, #tpu.memory_space<vmem_shared>>)
        %dma_start3A_109 = arith.constant 2 : i32
        %dma_start3A_110 = arith.constant 0 : i32
        %dma_start3A_111 = tpu.memref_slice %arg9[%dma_start3A_109, %dma_start3A_110] : memref<8x128xi32, #tpu.memory_space<vmem>> -> memref<1x128xi32, #tpu.memory_space<vmem>>
        %dma_start3A_112 = tpu.memref_squeeze %dma_start3A_111 : memref<1x128xi32, #tpu.memory_space<vmem>> -> memref<128xi32, #tpu.memory_space<vmem>>
        %dma_start3A_113 = arith.constant 0 : i32
        %dma_start3A_114 = arith.constant 0 : i32
        %dma_start3A_115 = tpu.memref_slice %arg2[%dma_start3A_113, %dma_start3A_114] : memref<10000x128xf32, #tpu.memory_space<hbm>> -> memref<10000x128xf32, #tpu.memory_space<hbm>>
        tpu.enqueue_indirect_dma source(%dma_start3A_115 : memref<10000x128xf32, #tpu.memory_space<hbm>>) target(%arg12 : memref<128x128xf32, #tpu.memory_space<vmem>>) offsets(%dma_start3A_112 : memref<128xi32, #tpu.memory_space<vmem>>) semaphore(%arg15 : memref<!tpu.dma_semaphore, #tpu.memory_space<semaphore_mem>>)
        %dma_wait3A_116 = arith.constant 0 : i32
        %dma_wait3A_117 = arith.constant 0 : i32
        %dma_wait3A_118 = tpu.memref_slice %arg2[%dma_wait3A_116, %dma_wait3A_117] : memref<10000x128xf32, #tpu.memory_space<hbm>> -> memref<128x128xf32, #tpu.memory_space<hbm>>
        %dma_wait3A_119 = arith.constant 0 : i32
        %dma_wait3A_120 = arith.constant 0 : i32
        %dma_wait3A_121 = tpu.memref_slice %arg2[%dma_wait3A_119, %dma_wait3A_120] : memref<10000x128xf32, #tpu.memory_space<hbm>> -> memref<128x128xf32, #tpu.memory_space<hbm>>
        tpu.wait_dma2 semaphore(%arg15 : memref<!tpu.dma_semaphore, #tpu.memory_space<semaphore_mem>>) src(%dma_wait3A_121 : memref<128x128xf32, #tpu.memory_space<hbm>>) dst(%arg12 : memref<128x128xf32, #tpu.memory_space<vmem>>)
        %dma_start3A_122 = arith.constant 2 : i32
        %dma_start3A_123 = arith.constant 0 : i32
        %dma_start3A_124 = tpu.memref_slice %arg11[%dma_start3A_122, %dma_start3A_123] : memref<8x128xi32, #tpu.memory_space<vmem>> -> memref<1x128xi32, #tpu.memory_space<vmem>>
        %dma_start3A_125 = tpu.memref_squeeze %dma_start3A_124 : memref<1x128xi32, #tpu.memory_space<vmem>> -> memref<128xi32, #tpu.memory_space<vmem>>
        %dma_start3A_126 = arith.constant 0 : i32
        %dma_start3A_127 = arith.constant 0 : i32
        %dma_start3A_128 = tpu.memref_slice %arg14[%dma_start3A_126, %dma_start3A_127] : memref<10240x128xf32, #tpu.memory_space<vmem_shared>> -> memref<10240x128xf32, #tpu.memory_space<vmem_shared>>
        tpu.enqueue_indirect_dma source(%arg12 : memref<128x128xf32, #tpu.memory_space<vmem>>) target(%dma_start3A_128 : memref<10240x128xf32, #tpu.memory_space<vmem_shared>>) offsets(%dma_start3A_125 : memref<128xi32, #tpu.memory_space<vmem>>) semaphore(%arg17 : memref<!tpu.dma_semaphore, #tpu.memory_space<semaphore_mem>>) {add = true}
        %dma_wait3A_129 = arith.constant 0 : i32
        %dma_wait3A_130 = arith.constant 0 : i32
        %dma_wait3A_131 = tpu.memref_slice %arg14[%dma_wait3A_129, %dma_wait3A_130] : memref<10240x128xf32, #tpu.memory_space<vmem_shared>> -> memref<128x128xf32, #tpu.memory_space<vmem_shared>>
        %dma_wait3A_132 = arith.constant 0 : i32
        %dma_wait3A_133 = arith.constant 0 : i32
        %dma_wait3A_134 = tpu.memref_slice %arg14[%dma_wait3A_132, %dma_wait3A_133] : memref<10240x128xf32, #tpu.memory_space<vmem_shared>> -> memref<128x128xf32, #tpu.memory_space<vmem_shared>>
        tpu.wait_dma2 semaphore(%arg18 : memref<!tpu.dma_semaphore, #tpu.memory_space<semaphore_mem>>) src(%arg13 : memref<128x128xf32, #tpu.memory_space<vmem>>) dst(%dma_wait3A_134 : memref<128x128xf32, #tpu.memory_space<vmem_shared>>)
        %dma_start3A_135 = arith.constant 3 : i32
        %dma_start3A_136 = arith.constant 0 : i32
        %dma_start3A_137 = tpu.memref_slice %arg9[%dma_start3A_135, %dma_start3A_136] : memref<8x128xi32, #tpu.memory_space<vmem>> -> memref<1x128xi32, #tpu.memory_space<vmem>>
        %dma_start3A_138 = tpu.memref_squeeze %dma_start3A_137 : memref<1x128xi32, #tpu.memory_space<vmem>> -> memref<128xi32, #tpu.memory_space<vmem>>
        %dma_start3A_139 = arith.constant 0 : i32
        %dma_start3A_140 = arith.constant 0 : i32
        %dma_start3A_141 = tpu.memref_slice %arg2[%dma_start3A_139, %dma_start3A_140] : memref<10000x128xf32, #tpu.memory_space<hbm>> -> memref<10000x128xf32, #tpu.memory_space<hbm>>
        tpu.enqueue_indirect_dma source(%dma_start3A_141 : memref<10000x128xf32, #tpu.memory_space<hbm>>) target(%arg13 : memref<128x128xf32, #tpu.memory_space<vmem>>) offsets(%dma_start3A_138 : memref<128xi32, #tpu.memory_space<vmem>>) semaphore(%arg16 : memref<!tpu.dma_semaphore, #tpu.memory_space<semaphore_mem>>)
        %dma_wait3A_142 = arith.constant 0 : i32
        %dma_wait3A_143 = arith.constant 0 : i32
        %dma_wait3A_144 = tpu.memref_slice %arg2[%dma_wait3A_142, %dma_wait3A_143] : memref<10000x128xf32, #tpu.memory_space<hbm>> -> memref<128x128xf32, #tpu.memory_space<hbm>>
        %dma_wait3A_145 = arith.constant 0 : i32
        %dma_wait3A_146 = arith.constant 0 : i32
        %dma_wait3A_147 = tpu.memref_slice %arg2[%dma_wait3A_145, %dma_wait3A_146] : memref<10000x128xf32, #tpu.memory_space<hbm>> -> memref<128x128xf32, #tpu.memory_space<hbm>>
        tpu.wait_dma2 semaphore(%arg16 : memref<!tpu.dma_semaphore, #tpu.memory_space<semaphore_mem>>) src(%dma_wait3A_147 : memref<128x128xf32, #tpu.memory_space<hbm>>) dst(%arg13 : memref<128x128xf32, #tpu.memory_space<vmem>>)
        %dma_start3A_148 = arith.constant 3 : i32
        %dma_start3A_149 = arith.constant 0 : i32
        %dma_start3A_150 = tpu.memref_slice %arg11[%dma_start3A_148, %dma_start3A_149] : memref<8x128xi32, #tpu.memory_space<vmem>> -> memref<1x128xi32, #tpu.memory_space<vmem>>
        %dma_start3A_151 = tpu.memref_squeeze %dma_start3A_150 : memref<1x128xi32, #tpu.memory_space<vmem>> -> memref<128xi32, #tpu.memory_space<vmem>>
        %dma_start3A_152 = arith.constant 0 : i32
        %dma_start3A_153 = arith.constant 0 : i32
        %dma_start3A_154 = tpu.memref_slice %arg14[%dma_start3A_152, %dma_start3A_153] : memref<10240x128xf32, #tpu.memory_space<vmem_shared>> -> memref<10240x128xf32, #tpu.memory_space<vmem_shared>>
        tpu.enqueue_indirect_dma source(%arg13 : memref<128x128xf32, #tpu.memory_space<vmem>>) target(%dma_start3A_154 : memref<10240x128xf32, #tpu.memory_space<vmem_shared>>) offsets(%dma_start3A_151 : memref<128xi32, #tpu.memory_space<vmem>>) semaphore(%arg18 : memref<!tpu.dma_semaphore, #tpu.memory_space<semaphore_mem>>) {add = true}
        %dma_wait3A_155 = arith.constant 0 : i32
        %dma_wait3A_156 = arith.constant 0 : i32
        %dma_wait3A_157 = tpu.memref_slice %arg14[%dma_wait3A_155, %dma_wait3A_156] : memref<10240x128xf32, #tpu.memory_space<vmem_shared>> -> memref<128x128xf32, #tpu.memory_space<vmem_shared>>
        %dma_wait3A_158 = arith.constant 0 : i32
        %dma_wait3A_159 = arith.constant 0 : i32
        %dma_wait3A_160 = tpu.memref_slice %arg14[%dma_wait3A_158, %dma_wait3A_159] : memref<10240x128xf32, #tpu.memory_space<vmem_shared>> -> memref<128x128xf32, #tpu.memory_space<vmem_shared>>
        tpu.wait_dma2 semaphore(%arg17 : memref<!tpu.dma_semaphore, #tpu.memory_space<semaphore_mem>>) src(%arg12 : memref<128x128xf32, #tpu.memory_space<vmem>>) dst(%dma_wait3A_160 : memref<128x128xf32, #tpu.memory_space<vmem_shared>>)
        %dma_start3A_161 = arith.constant 4 : i32
        %dma_start3A_162 = arith.constant 0 : i32
        %dma_start3A_163 = tpu.memref_slice %arg9[%dma_start3A_161, %dma_start3A_162] : memref<8x128xi32, #tpu.memory_space<vmem>> -> memref<1x128xi32, #tpu.memory_space<vmem>>
        %dma_start3A_164 = tpu.memref_squeeze %dma_start3A_163 : memref<1x128xi32, #tpu.memory_space<vmem>> -> memref<128xi32, #tpu.memory_space<vmem>>
        %dma_start3A_165 = arith.constant 0 : i32
        %dma_start3A_166 = arith.constant 0 : i32
        %dma_start3A_167 = tpu.memref_slice %arg2[%dma_start3A_165, %dma_start3A_166] : memref<10000x128xf32, #tpu.memory_space<hbm>> -> memref<10000x128xf32, #tpu.memory_space<hbm>>
        tpu.enqueue_indirect_dma source(%dma_start3A_167 : memref<10000x128xf32, #tpu.memory_space<hbm>>) target(%arg12 : memref<128x128xf32, #tpu.memory_space<vmem>>) offsets(%dma_start3A_164 : memref<128xi32, #tpu.memory_space<vmem>>) semaphore(%arg15 : memref<!tpu.dma_semaphore, #tpu.memory_space<semaphore_mem>>)
        %dma_wait3A_168 = arith.constant 0 : i32
        %dma_wait3A_169 = arith.constant 0 : i32
        %dma_wait3A_170 = tpu.memref_slice %arg2[%dma_wait3A_168, %dma_wait3A_169] : memref<10000x128xf32, #tpu.memory_space<hbm>> -> memref<128x128xf32, #tpu.memory_space<hbm>>
        %dma_wait3A_171 = arith.constant 0 : i32
        %dma_wait3A_172 = arith.constant 0 : i32
        %dma_wait3A_173 = tpu.memref_slice %arg2[%dma_wait3A_171, %dma_wait3A_172] : memref<10000x128xf32, #tpu.memory_space<hbm>> -> memref<128x128xf32, #tpu.memory_space<hbm>>
        tpu.wait_dma2 semaphore(%arg15 : memref<!tpu.dma_semaphore, #tpu.memory_space<semaphore_mem>>) src(%dma_wait3A_173 : memref<128x128xf32, #tpu.memory_space<hbm>>) dst(%arg12 : memref<128x128xf32, #tpu.memory_space<vmem>>)
        %dma_start3A_174 = arith.constant 4 : i32
        %dma_start3A_175 = arith.constant 0 : i32
        %dma_start3A_176 = tpu.memref_slice %arg11[%dma_start3A_174, %dma_start3A_175] : memref<8x128xi32, #tpu.memory_space<vmem>> -> memref<1x128xi32, #tpu.memory_space<vmem>>
        %dma_start3A_177 = tpu.memref_squeeze %dma_start3A_176 : memref<1x128xi32, #tpu.memory_space<vmem>> -> memref<128xi32, #tpu.memory_space<vmem>>
        %dma_start3A_178 = arith.constant 0 : i32
        %dma_start3A_179 = arith.constant 0 : i32
        %dma_start3A_180 = tpu.memref_slice %arg14[%dma_start3A_178, %dma_start3A_179] : memref<10240x128xf32, #tpu.memory_space<vmem_shared>> -> memref<10240x128xf32, #tpu.memory_space<vmem_shared>>
        tpu.enqueue_indirect_dma source(%arg12 : memref<128x128xf32, #tpu.memory_space<vmem>>) target(%dma_start3A_180 : memref<10240x128xf32, #tpu.memory_space<vmem_shared>>) offsets(%dma_start3A_177 : memref<128xi32, #tpu.memory_space<vmem>>) semaphore(%arg17 : memref<!tpu.dma_semaphore, #tpu.memory_space<semaphore_mem>>) {add = true}
        %dma_wait3A_181 = arith.constant 0 : i32
        %dma_wait3A_182 = arith.constant 0 : i32
        %dma_wait3A_183 = tpu.memref_slice %arg14[%dma_wait3A_181, %dma_wait3A_182] : memref<10240x128xf32, #tpu.memory_space<vmem_shared>> -> memref<128x128xf32, #tpu.memory_space<vmem_shared>>
        %dma_wait3A_184 = arith.constant 0 : i32
        %dma_wait3A_185 = arith.constant 0 : i32
        %dma_wait3A_186 = tpu.memref_slice %arg14[%dma_wait3A_184, %dma_wait3A_185] : memref<10240x128xf32, #tpu.memory_space<vmem_shared>> -> memref<128x128xf32, #tpu.memory_space<vmem_shared>>
        tpu.wait_dma2 semaphore(%arg18 : memref<!tpu.dma_semaphore, #tpu.memory_space<semaphore_mem>>) src(%arg13 : memref<128x128xf32, #tpu.memory_space<vmem>>) dst(%dma_wait3A_186 : memref<128x128xf32, #tpu.memory_space<vmem_shared>>)
        %dma_start3A_187 = arith.constant 5 : i32
        %dma_start3A_188 = arith.constant 0 : i32
        %dma_start3A_189 = tpu.memref_slice %arg9[%dma_start3A_187, %dma_start3A_188] : memref<8x128xi32, #tpu.memory_space<vmem>> -> memref<1x128xi32, #tpu.memory_space<vmem>>
        %dma_start3A_190 = tpu.memref_squeeze %dma_start3A_189 : memref<1x128xi32, #tpu.memory_space<vmem>> -> memref<128xi32, #tpu.memory_space<vmem>>
        %dma_start3A_191 = arith.constant 0 : i32
        %dma_start3A_192 = arith.constant 0 : i32
        %dma_start3A_193 = tpu.memref_slice %arg2[%dma_start3A_191, %dma_start3A_192] : memref<10000x128xf32, #tpu.memory_space<hbm>> -> memref<10000x128xf32, #tpu.memory_space<hbm>>
        tpu.enqueue_indirect_dma source(%dma_start3A_193 : memref<10000x128xf32, #tpu.memory_space<hbm>>) target(%arg13 : memref<128x128xf32, #tpu.memory_space<vmem>>) offsets(%dma_start3A_190 : memref<128xi32, #tpu.memory_space<vmem>>) semaphore(%arg16 : memref<!tpu.dma_semaphore, #tpu.memory_space<semaphore_mem>>)
        %dma_wait3A_194 = arith.constant 0 : i32
        %dma_wait3A_195 = arith.constant 0 : i32
        %dma_wait3A_196 = tpu.memref_slice %arg2[%dma_wait3A_194, %dma_wait3A_195] : memref<10000x128xf32, #tpu.memory_space<hbm>> -> memref<128x128xf32, #tpu.memory_space<hbm>>
        %dma_wait3A_197 = arith.constant 0 : i32
        %dma_wait3A_198 = arith.constant 0 : i32
        %dma_wait3A_199 = tpu.memref_slice %arg2[%dma_wait3A_197, %dma_wait3A_198] : memref<10000x128xf32, #tpu.memory_space<hbm>> -> memref<128x128xf32, #tpu.memory_space<hbm>>
        tpu.wait_dma2 semaphore(%arg16 : memref<!tpu.dma_semaphore, #tpu.memory_space<semaphore_mem>>) src(%dma_wait3A_199 : memref<128x128xf32, #tpu.memory_space<hbm>>) dst(%arg13 : memref<128x128xf32, #tpu.memory_space<vmem>>)
        %dma_start3A_200 = arith.constant 5 : i32
        %dma_start3A_201 = arith.constant 0 : i32
        %dma_start3A_202 = tpu.memref_slice %arg11[%dma_start3A_200, %dma_start3A_201] : memref<8x128xi32, #tpu.memory_space<vmem>> -> memref<1x128xi32, #tpu.memory_space<vmem>>
        %dma_start3A_203 = tpu.memref_squeeze %dma_start3A_202 : memref<1x128xi32, #tpu.memory_space<vmem>> -> memref<128xi32, #tpu.memory_space<vmem>>
        %dma_start3A_204 = arith.constant 0 : i32
        %dma_start3A_205 = arith.constant 0 : i32
        %dma_start3A_206 = tpu.memref_slice %arg14[%dma_start3A_204, %dma_start3A_205] : memref<10240x128xf32, #tpu.memory_space<vmem_shared>> -> memref<10240x128xf32, #tpu.memory_space<vmem_shared>>
        tpu.enqueue_indirect_dma source(%arg13 : memref<128x128xf32, #tpu.memory_space<vmem>>) target(%dma_start3A_206 : memref<10240x128xf32, #tpu.memory_space<vmem_shared>>) offsets(%dma_start3A_203 : memref<128xi32, #tpu.memory_space<vmem>>) semaphore(%arg18 : memref<!tpu.dma_semaphore, #tpu.memory_space<semaphore_mem>>) {add = true}
        %dma_wait3A_207 = arith.constant 0 : i32
        %dma_wait3A_208 = arith.constant 0 : i32
        %dma_wait3A_209 = tpu.memref_slice %arg14[%dma_wait3A_207, %dma_wait3A_208] : memref<10240x128xf32, #tpu.memory_space<vmem_shared>> -> memref<128x128xf32, #tpu.memory_space<vmem_shared>>
        %dma_wait3A_210 = arith.constant 0 : i32
        %dma_wait3A_211 = arith.constant 0 : i32
        %dma_wait3A_212 = tpu.memref_slice %arg14[%dma_wait3A_210, %dma_wait3A_211] : memref<10240x128xf32, #tpu.memory_space<vmem_shared>> -> memref<128x128xf32, #tpu.memory_space<vmem_shared>>
        tpu.wait_dma2 semaphore(%arg17 : memref<!tpu.dma_semaphore, #tpu.memory_space<semaphore_mem>>) src(%arg12 : memref<128x128xf32, #tpu.memory_space<vmem>>) dst(%dma_wait3A_212 : memref<128x128xf32, #tpu.memory_space<vmem_shared>>)
        %dma_start3A_213 = arith.constant 6 : i32
        %dma_start3A_214 = arith.constant 0 : i32
        %dma_start3A_215 = tpu.memref_slice %arg9[%dma_start3A_213, %dma_start3A_214] : memref<8x128xi32, #tpu.memory_space<vmem>> -> memref<1x128xi32, #tpu.memory_space<vmem>>
        %dma_start3A_216 = tpu.memref_squeeze %dma_start3A_215 : memref<1x128xi32, #tpu.memory_space<vmem>> -> memref<128xi32, #tpu.memory_space<vmem>>
        %dma_start3A_217 = arith.constant 0 : i32
        %dma_start3A_218 = arith.constant 0 : i32
        %dma_start3A_219 = tpu.memref_slice %arg2[%dma_start3A_217, %dma_start3A_218] : memref<10000x128xf32, #tpu.memory_space<hbm>> -> memref<10000x128xf32, #tpu.memory_space<hbm>>
        tpu.enqueue_indirect_dma source(%dma_start3A_219 : memref<10000x128xf32, #tpu.memory_space<hbm>>) target(%arg12 : memref<128x128xf32, #tpu.memory_space<vmem>>) offsets(%dma_start3A_216 : memref<128xi32, #tpu.memory_space<vmem>>) semaphore(%arg15 : memref<!tpu.dma_semaphore, #tpu.memory_space<semaphore_mem>>)
        %dma_wait3A_220 = arith.constant 0 : i32
        %dma_wait3A_221 = arith.constant 0 : i32
        %dma_wait3A_222 = tpu.memref_slice %arg2[%dma_wait3A_220, %dma_wait3A_221] : memref<10000x128xf32, #tpu.memory_space<hbm>> -> memref<128x128xf32, #tpu.memory_space<hbm>>
        %dma_wait3A_223 = arith.constant 0 : i32
        %dma_wait3A_224 = arith.constant 0 : i32
        %dma_wait3A_225 = tpu.memref_slice %arg2[%dma_wait3A_223, %dma_wait3A_224] : memref<10000x128xf32, #tpu.memory_space<hbm>> -> memref<128x128xf32, #tpu.memory_space<hbm>>
        tpu.wait_dma2 semaphore(%arg15 : memref<!tpu.dma_semaphore, #tpu.memory_space<semaphore_mem>>) src(%dma_wait3A_225 : memref<128x128xf32, #tpu.memory_space<hbm>>) dst(%arg12 : memref<128x128xf32, #tpu.memory_space<vmem>>)
        %dma_start3A_226 = arith.constant 6 : i32
        %dma_start3A_227 = arith.constant 0 : i32
        %dma_start3A_228 = tpu.memref_slice %arg11[%dma_start3A_226, %dma_start3A_227] : memref<8x128xi32, #tpu.memory_space<vmem>> -> memref<1x128xi32, #tpu.memory_space<vmem>>
        %dma_start3A_229 = tpu.memref_squeeze %dma_start3A_228 : memref<1x128xi32, #tpu.memory_space<vmem>> -> memref<128xi32, #tpu.memory_space<vmem>>
        %dma_start3A_230 = arith.constant 0 : i32
        %dma_start3A_231 = arith.constant 0 : i32
        %dma_start3A_232 = tpu.memref_slice %arg14[%dma_start3A_230, %dma_start3A_231] : memref<10240x128xf32, #tpu.memory_space<vmem_shared>> -> memref<10240x128xf32, #tpu.memory_space<vmem_shared>>
        tpu.enqueue_indirect_dma source(%arg12 : memref<128x128xf32, #tpu.memory_space<vmem>>) target(%dma_start3A_232 : memref<10240x128xf32, #tpu.memory_space<vmem_shared>>) offsets(%dma_start3A_229 : memref<128xi32, #tpu.memory_space<vmem>>) semaphore(%arg17 : memref<!tpu.dma_semaphore, #tpu.memory_space<semaphore_mem>>) {add = true}
        %dma_wait3A_233 = arith.constant 0 : i32
        %dma_wait3A_234 = arith.constant 0 : i32
        %dma_wait3A_235 = tpu.memref_slice %arg14[%dma_wait3A_233, %dma_wait3A_234] : memref<10240x128xf32, #tpu.memory_space<vmem_shared>> -> memref<128x128xf32, #tpu.memory_space<vmem_shared>>
        %dma_wait3A_236 = arith.constant 0 : i32
        %dma_wait3A_237 = arith.constant 0 : i32
        %dma_wait3A_238 = tpu.memref_slice %arg14[%dma_wait3A_236, %dma_wait3A_237] : memref<10240x128xf32, #tpu.memory_space<vmem_shared>> -> memref<128x128xf32, #tpu.memory_space<vmem_shared>>
        tpu.wait_dma2 semaphore(%arg18 : memref<!tpu.dma_semaphore, #tpu.memory_space<semaphore_mem>>) src(%arg13 : memref<128x128xf32, #tpu.memory_space<vmem>>) dst(%dma_wait3A_238 : memref<128x128xf32, #tpu.memory_space<vmem_shared>>)
        %dma_start3A_239 = arith.constant 7 : i32
        %dma_start3A_240 = arith.constant 0 : i32
        %dma_start3A_241 = tpu.memref_slice %arg9[%dma_start3A_239, %dma_start3A_240] : memref<8x128xi32, #tpu.memory_space<vmem>> -> memref<1x128xi32, #tpu.memory_space<vmem>>
        %dma_start3A_242 = tpu.memref_squeeze %dma_start3A_241 : memref<1x128xi32, #tpu.memory_space<vmem>> -> memref<128xi32, #tpu.memory_space<vmem>>
        %dma_start3A_243 = arith.constant 0 : i32
        %dma_start3A_244 = arith.constant 0 : i32
        %dma_start3A_245 = tpu.memref_slice %arg2[%dma_start3A_243, %dma_start3A_244] : memref<10000x128xf32, #tpu.memory_space<hbm>> -> memref<10000x128xf32, #tpu.memory_space<hbm>>
        tpu.enqueue_indirect_dma source(%dma_start3A_245 : memref<10000x128xf32, #tpu.memory_space<hbm>>) target(%arg13 : memref<128x128xf32, #tpu.memory_space<vmem>>) offsets(%dma_start3A_242 : memref<128xi32, #tpu.memory_space<vmem>>) semaphore(%arg16 : memref<!tpu.dma_semaphore, #tpu.memory_space<semaphore_mem>>)
        %dma_wait3A_246 = arith.constant 0 : i32
        %dma_wait3A_247 = arith.constant 0 : i32
        %dma_wait3A_248 = tpu.memref_slice %arg2[%dma_wait3A_246, %dma_wait3A_247] : memref<10000x128xf32, #tpu.memory_space<hbm>> -> memref<128x128xf32, #tpu.memory_space<hbm>>
        %dma_wait3A_249 = arith.constant 0 : i32
        %dma_wait3A_250 = arith.constant 0 : i32
        %dma_wait3A_251 = tpu.memref_slice %arg2[%dma_wait3A_249, %dma_wait3A_250] : memref<10000x128xf32, #tpu.memory_space<hbm>> -> memref<128x128xf32, #tpu.memory_space<hbm>>
        tpu.wait_dma2 semaphore(%arg16 : memref<!tpu.dma_semaphore, #tpu.memory_space<semaphore_mem>>) src(%dma_wait3A_251 : memref<128x128xf32, #tpu.memory_space<hbm>>) dst(%arg13 : memref<128x128xf32, #tpu.memory_space<vmem>>)
        %dma_start3A_252 = arith.constant 7 : i32
        %dma_start3A_253 = arith.constant 0 : i32
        %dma_start3A_254 = tpu.memref_slice %arg11[%dma_start3A_252, %dma_start3A_253] : memref<8x128xi32, #tpu.memory_space<vmem>> -> memref<1x128xi32, #tpu.memory_space<vmem>>
        %dma_start3A_255 = tpu.memref_squeeze %dma_start3A_254 : memref<1x128xi32, #tpu.memory_space<vmem>> -> memref<128xi32, #tpu.memory_space<vmem>>
        %dma_start3A_256 = arith.constant 0 : i32
        %dma_start3A_257 = arith.constant 0 : i32
        %dma_start3A_258 = tpu.memref_slice %arg14[%dma_start3A_256, %dma_start3A_257] : memref<10240x128xf32, #tpu.memory_space<vmem_shared>> -> memref<10240x128xf32, #tpu.memory_space<vmem_shared>>
        tpu.enqueue_indirect_dma source(%arg13 : memref<128x128xf32, #tpu.memory_space<vmem>>) target(%dma_start3A_258 : memref<10240x128xf32, #tpu.memory_space<vmem_shared>>) offsets(%dma_start3A_255 : memref<128xi32, #tpu.memory_space<vmem>>) semaphore(%arg18 : memref<!tpu.dma_semaphore, #tpu.memory_space<semaphore_mem>>) {add = true}
        %dma_wait3A_259 = arith.constant 0 : i32
        %dma_wait3A_260 = arith.constant 0 : i32
        %dma_wait3A_261 = tpu.memref_slice %arg14[%dma_wait3A_259, %dma_wait3A_260] : memref<10240x128xf32, #tpu.memory_space<vmem_shared>> -> memref<128x128xf32, #tpu.memory_space<vmem_shared>>
        %dma_wait3A_262 = arith.constant 0 : i32
        %dma_wait3A_263 = arith.constant 0 : i32
        %dma_wait3A_264 = tpu.memref_slice %arg14[%dma_wait3A_262, %dma_wait3A_263] : memref<10240x128xf32, #tpu.memory_space<vmem_shared>> -> memref<128x128xf32, #tpu.memory_space<vmem_shared>>
        tpu.wait_dma2 semaphore(%arg17 : memref<!tpu.dma_semaphore, #tpu.memory_space<semaphore_mem>>) src(%arg12 : memref<128x128xf32, #tpu.memory_space<vmem>>) dst(%dma_wait3A_264 : memref<128x128xf32, #tpu.memory_space<vmem_shared>>)
        %lt3A_265 = arith.constant 9 : i32
        %lt3A_266 = arith.cmpi slt, %scan3A_22, %lt3A_265 : i32
        %convert_element_type3A_267 = arith.extui %lt3A_266 : i1 to i32
        %cond3A_268 = arith.constant 0 : i32
        %cond3A_269 = arith.cmpi ne, %convert_element_type3A_267, %cond3A_268 : i32
        scf.if %cond3A_269 {
          %dma_start3A_270 = arith.constant 0 : i32
          %dma_start3A_271 = arith.constant 0 : i32
          %dma_start3A_272 = tpu.memref_slice %arg8[%dma_start3A_270, %dma_start3A_271] : memref<8x128xi32, #tpu.memory_space<vmem>> -> memref<1x128xi32, #tpu.memory_space<vmem>>
          %dma_start3A_273 = tpu.memref_squeeze %dma_start3A_272 : memref<1x128xi32, #tpu.memory_space<vmem>> -> memref<128xi32, #tpu.memory_space<vmem>>
          %dma_start3A_274 = arith.constant 0 : i32
          %dma_start3A_275 = arith.constant 0 : i32
          %dma_start3A_276 = tpu.memref_slice %arg2[%dma_start3A_274, %dma_start3A_275] : memref<10000x128xf32, #tpu.memory_space<hbm>> -> memref<10000x128xf32, #tpu.memory_space<hbm>>
          tpu.enqueue_indirect_dma source(%dma_start3A_276 : memref<10000x128xf32, #tpu.memory_space<hbm>>) target(%arg12 : memref<128x128xf32, #tpu.memory_space<vmem>>) offsets(%dma_start3A_273 : memref<128xi32, #tpu.memory_space<vmem>>) semaphore(%arg15 : memref<!tpu.dma_semaphore, #tpu.memory_space<semaphore_mem>>)
        } else {
        }
      } else {
      }
    }
    %scan3A_15 = arith.constant 10 : i32
    %dma_wait3A = arith.constant 0 : i32
    %dma_wait3A_16 = arith.constant 0 : i32
    %dma_wait3A_17 = tpu.memref_slice %arg14[%dma_wait3A, %dma_wait3A_16] : memref<10240x128xf32, #tpu.memory_space<vmem_shared>> -> memref<128x128xf32, #tpu.memory_space<vmem_shared>>
    %dma_wait3A_18 = arith.constant 0 : i32
    %dma_wait3A_19 = arith.constant 0 : i32
    %dma_wait3A_20 = tpu.memref_slice %arg14[%dma_wait3A_18, %dma_wait3A_19] : memref<10240x128xf32, #tpu.memory_space<vmem_shared>> -> memref<128x128xf32, #tpu.memory_space<vmem_shared>>
    tpu.wait_dma2 semaphore(%arg18 : memref<!tpu.dma_semaphore, #tpu.memory_space<semaphore_mem>>) src(%arg13 : memref<128x128xf32, #tpu.memory_space<vmem>>) dst(%dma_wait3A_20 : memref<128x128xf32, #tpu.memory_space<vmem_shared>>)
    %barrier3A_21 = arith.constant 0 : index
    tpu.barrier barrier_id(%barrier3A_21)
    "tpu.region"() ({
      %run_scoped3A = tpu.sem_alloc : memref<!tpu.dma_semaphore, #tpu.memory_space<semaphore_mem>>
      %dma_start3A_22 = arith.constant 0 : i32
      %dma_start3A_23 = tpu.memref_slice %arg7[%arg0, %mul3A_2, %dma_start3A_22] : memref<2x10240x128xf32, #tpu.memory_space<hbm>> -> memref<1x640x128xf32, #tpu.memory_space<hbm>>
      %dma_start3A_24 = tpu.memref_squeeze %dma_start3A_23 : memref<1x640x128xf32, #tpu.memory_space<hbm>> -> memref<640x128xf32, #tpu.memory_space<hbm>>
      %dma_start3A_25 = arith.constant 0 : i32
      %dma_start3A_26 = tpu.memref_slice %arg14[%mul3A_2, %dma_start3A_25] : memref<10240x128xf32, #tpu.memory_space<vmem_shared>> -> memref<640x128xf32, #tpu.memory_space<vmem_shared>>
      tpu.enqueue_dma source(%dma_start3A_26 : memref<640x128xf32, #tpu.memory_space<vmem_shared>>) target(%dma_start3A_24 : memref<640x128xf32, #tpu.memory_space<hbm>>) target_semaphore(%run_scoped3A : memref<!tpu.dma_semaphore, #tpu.memory_space<semaphore_mem>>)
      %dma_wait3A_27 = arith.constant 0 : i32
      %dma_wait3A_28 = tpu.memref_slice %arg7[%arg0, %mul3A_2, %dma_wait3A_27] : memref<2x10240x128xf32, #tpu.memory_space<hbm>> -> memref<1x640x128xf32, #tpu.memory_space<hbm>>
      %dma_wait3A_29 = tpu.memref_squeeze %dma_wait3A_28 : memref<1x640x128xf32, #tpu.memory_space<hbm>> -> memref<640x128xf32, #tpu.memory_space<hbm>>
      %dma_wait3A_30 = arith.constant 0 : i32
      %dma_wait3A_31 = tpu.memref_slice %arg14[%mul3A_2, %dma_wait3A_30] : memref<10240x128xf32, #tpu.memory_space<vmem_shared>> -> memref<640x128xf32, #tpu.memory_space<vmem_shared>>
      tpu.wait_dma2 semaphore(%run_scoped3A : memref<!tpu.dma_semaphore, #tpu.memory_space<semaphore_mem>>) src(%dma_wait3A_31 : memref<640x128xf32, #tpu.memory_space<vmem_shared>>) dst(%dma_wait3A_29 : memref<640x128xf32, #tpu.memory_space<hbm>>)
      tpu.yield
    }) : () -> ()
    return
  }
}

#map = affine_map<(d0, d1) -> (0, 0)>
#map1 = affine_map<(d0, d1) -> (0)>
module attributes {stable_mosaic.version = 14 : i64} {
  func.func @_gather_rows(%arg0: i32, %arg1: i32, %arg2: memref<10000x128xf32, #tpu.memory_space<hbm>>, %arg3: memref<2048xi32, #tpu.memory_space<hbm>>, %arg4: memref<2048x128xf32, #tpu.memory_space<hbm>>, %arg5: memref<64xi32, #tpu.memory_space<vmem>>, %arg6: memref<64x128xf32, #tpu.memory_space<vmem>>, %arg7: memref<!tpu.dma_semaphore, #tpu.memory_space<semaphore_mem>>) attributes {dimension_semantics = [#tpu.dimension_semantics<core_parallel>, #tpu.dimension_semantics<subcore_parallel>], iteration_bounds = array<i64: 2, 16>, scalar_prefetch = 0 : i64, scratch_operands = 3 : i64, tpu.core_type = #tpu.core_type<sc_vector_subcore>, window_params = [{transform_indices = #map}, {transform_indices = #map1}, {transform_indices = #map}]} {
    %mul3A = arith.constant 2 : i32
    %mul3A_0 = arith.muli %arg1, %mul3A : i32
    %add3A = arith.addi %mul3A_0, %arg0 : i32
    %mul3A_1 = arith.constant 64 : i32
    %mul3A_2 = arith.muli %add3A, %mul3A_1 : i32
    "tpu.region"() ({
      %run_scoped3A = tpu.sem_alloc : memref<!tpu.dma_semaphore, #tpu.memory_space<semaphore_mem>>
      %dma_start3A_7 = tpu.memref_slice %arg3[%mul3A_2] : memref<2048xi32, #tpu.memory_space<hbm>> -> memref<64xi32, #tpu.memory_space<hbm>>
      %dma_start3A_8 = tpu.memref_slice %arg3[%mul3A_2] : memref<2048xi32, #tpu.memory_space<hbm>> -> memref<64xi32, #tpu.memory_space<hbm>>
      tpu.enqueue_dma source(%dma_start3A_8 : memref<64xi32, #tpu.memory_space<hbm>>) target(%arg5 : memref<64xi32, #tpu.memory_space<vmem>>) target_semaphore(%run_scoped3A : memref<!tpu.dma_semaphore, #tpu.memory_space<semaphore_mem>>)
      %dma_wait3A_9 = tpu.memref_slice %arg3[%mul3A_2] : memref<2048xi32, #tpu.memory_space<hbm>> -> memref<64xi32, #tpu.memory_space<hbm>>
      %dma_wait3A_10 = tpu.memref_slice %arg3[%mul3A_2] : memref<2048xi32, #tpu.memory_space<hbm>> -> memref<64xi32, #tpu.memory_space<hbm>>
      tpu.wait_dma2 semaphore(%run_scoped3A : memref<!tpu.dma_semaphore, #tpu.memory_space<semaphore_mem>>) src(%dma_wait3A_10 : memref<64xi32, #tpu.memory_space<hbm>>) dst(%arg5 : memref<64xi32, #tpu.memory_space<vmem>>)
      tpu.yield
    }) : () -> ()
    %dma_start3A = arith.constant 0 : i32
    %dma_start3A_3 = arith.constant 0 : i32
    %dma_start3A_4 = tpu.memref_slice %arg2[%dma_start3A, %dma_start3A_3] : memref<10000x128xf32, #tpu.memory_space<hbm>> -> memref<10000x128xf32, #tpu.memory_space<hbm>>
    tpu.enqueue_indirect_dma source(%dma_start3A_4 : memref<10000x128xf32, #tpu.memory_space<hbm>>) target(%arg6 : memref<64x128xf32, #tpu.memory_space<vmem>>) offsets(%arg5 : memref<64xi32, #tpu.memory_space<vmem>>) semaphore(%arg7 : memref<!tpu.dma_semaphore, #tpu.memory_space<semaphore_mem>>)
    %dma_wait3A = arith.constant 0 : i32
    %dma_wait3A_5 = arith.constant 0 : i32
    %dma_wait3A_6 = tpu.memref_slice %arg2[%dma_wait3A, %dma_wait3A_5] : memref<10000x128xf32, #tpu.memory_space<hbm>> -> memref<10000x128xf32, #tpu.memory_space<hbm>>
    tpu.wait_indirect_dma semaphore(%arg7 : memref<!tpu.dma_semaphore, #tpu.memory_space<semaphore_mem>>) src(%dma_wait3A_6 : memref<10000x128xf32, #tpu.memory_space<hbm>>) dst(%arg6 : memref<64x128xf32, #tpu.memory_space<vmem>>)
    "tpu.region"() ({
      %run_scoped3A = tpu.sem_alloc : memref<!tpu.dma_semaphore, #tpu.memory_space<semaphore_mem>>
      %dma_start3A_7 = arith.constant 0 : i32
      %dma_start3A_8 = tpu.memref_slice %arg4[%mul3A_2, %dma_start3A_7] : memref<2048x128xf32, #tpu.memory_space<hbm>> -> memref<64x128xf32, #tpu.memory_space<hbm>>
      %dma_start3A_9 = arith.constant 0 : i32
      %dma_start3A_10 = tpu.memref_slice %arg4[%mul3A_2, %dma_start3A_9] : memref<2048x128xf32, #tpu.memory_space<hbm>> -> memref<64x128xf32, #tpu.memory_space<hbm>>
      tpu.enqueue_dma source(%arg6 : memref<64x128xf32, #tpu.memory_space<vmem>>) target(%dma_start3A_10 : memref<64x128xf32, #tpu.memory_space<hbm>>) target_semaphore(%run_scoped3A : memref<!tpu.dma_semaphore, #tpu.memory_space<semaphore_mem>>)
      %dma_wait3A_11 = arith.constant 0 : i32
      %dma_wait3A_12 = tpu.memref_slice %arg4[%mul3A_2, %dma_wait3A_11] : memref<2048x128xf32, #tpu.memory_space<hbm>> -> memref<64x128xf32, #tpu.memory_space<hbm>>
      %dma_wait3A_13 = arith.constant 0 : i32
      %dma_wait3A_14 = tpu.memref_slice %arg4[%mul3A_2, %dma_wait3A_13] : memref<2048x128xf32, #tpu.memory_space<hbm>> -> memref<64x128xf32, #tpu.memory_space<hbm>>
      tpu.wait_dma2 semaphore(%run_scoped3A : memref<!tpu.dma_semaphore, #tpu.memory_space<semaphore_mem>>) src(%arg6 : memref<64x128xf32, #tpu.memory_space<vmem>>) dst(%dma_wait3A_14 : memref<64x128xf32, #tpu.memory_space<hbm>>)
      tpu.yield
    }) : () -> ()
    return
  }
}

#map = affine_map<(d0, d1) -> (0, 0)>
#map1 = affine_map<(d0, d1) -> (0, 0, 0)>
module attributes {stable_mosaic.version = 14 : i64} {
  func.func @seg(%arg0: i32, %arg1: i32, %arg2: memref<10000x128xf32, #tpu.memory_space<hbm>>, %arg3: memref<2560x128xi32, #tpu.memory_space<hbm>>, %arg4: memref<2560x128xi32, #tpu.memory_space<hbm>>, %arg5: memref<640x128xf32, #tpu.memory_space<hbm>>, %arg6: memref<128x128xf32, #tpu.memory_space<hbm>>, %arg7: memref<2x10240x128xf32, #tpu.memory_space<hbm>>, %arg8: memref<2x10240x128xf32, #tpu.memory_space<hbm>>, %arg9: memref<8x128xi32, #tpu.memory_space<vmem>>, %arg10: memref<8x128xi32, #tpu.memory_space<vmem>>, %arg11: memref<8x128xi32, #tpu.memory_space<vmem>>, %arg12: memref<8x128xi32, #tpu.memory_space<vmem>>, %arg13: memref<128x128xf32, #tpu.memory_space<vmem>>, %arg14: memref<128x128xf32, #tpu.memory_space<vmem>>, %arg15: memref<10240x128xf32, #tpu.memory_space<vmem_shared>>, %arg16: memref<!tpu.dma_semaphore, #tpu.memory_space<semaphore_mem>>, %arg17: memref<!tpu.dma_semaphore, #tpu.memory_space<semaphore_mem>>, %arg18: memref<!tpu.dma_semaphore, #tpu.memory_space<semaphore_mem>>, %arg19: memref<!tpu.dma_semaphore, #tpu.memory_space<semaphore_mem>>) attributes {dimension_semantics = [#tpu.dimension_semantics<core_parallel>, #tpu.dimension_semantics<subcore_parallel>], iteration_bounds = array<i64: 2, 16>, scalar_prefetch = 0 : i64, scratch_operands = 11 : i64, tpu.core_type = #tpu.core_type<sc_vector_subcore>, window_params = [{transform_indices = #map}, {transform_indices = #map}, {transform_indices = #map}, {transform_indices = #map}, {transform_indices = #map}, {transform_indices = #map1}, {transform_indices = #map1}]} {
    %mul3A = arith.constant 2 : i32
    %mul3A_0 = arith.muli %arg1, %mul3A : i32
    %add3A = arith.addi %mul3A_0, %arg0 : i32
    %mul3A_1 = arith.constant 640 : i32
    %mul3A_2 = arith.muli %arg1, %mul3A_1 : i32
    %mul3A_3 = arith.constant 80 : i32
    %mul3A_4 = arith.muli %add3A, %mul3A_3 : i32
    "tpu.region"() ({
      %run_scoped3A = tpu.sem_alloc : memref<!tpu.dma_semaphore, #tpu.memory_space<semaphore_mem>>
      %dma_start3A_43 = arith.constant 0 : i32
      %dma_start3A_44 = tpu.memref_slice %arg15[%mul3A_2, %dma_start3A_43] : memref<10240x128xf32, #tpu.memory_space<vmem_shared>> -> memref<640x128xf32, #tpu.memory_space<vmem_shared>>
      tpu.enqueue_dma source(%arg5 : memref<640x128xf32, #tpu.memory_space<hbm>>) target(%dma_start3A_44 : memref<640x128xf32, #tpu.memory_space<vmem_shared>>) target_semaphore(%run_scoped3A : memref<!tpu.dma_semaphore, #tpu.memory_space<semaphore_mem>>)
      %dma_wait3A_45 = arith.constant 0 : i32
      %dma_wait3A_46 = tpu.memref_slice %arg15[%mul3A_2, %dma_wait3A_45] : memref<10240x128xf32, #tpu.memory_space<vmem_shared>> -> memref<640x128xf32, #tpu.memory_space<vmem_shared>>
      tpu.wait_dma2 semaphore(%run_scoped3A : memref<!tpu.dma_semaphore, #tpu.memory_space<semaphore_mem>>) src(%arg5 : memref<640x128xf32, #tpu.memory_space<hbm>>) dst(%dma_wait3A_46 : memref<640x128xf32, #tpu.memory_space<vmem_shared>>)
      tpu.yield
    }) : () -> ()
    %barrier3A = arith.constant 0 : index
    tpu.barrier barrier_id(%barrier3A)
    "tpu.region"() ({
      %run_scoped3A = tpu.sem_alloc : memref<!tpu.dma_semaphore, #tpu.memory_space<semaphore_mem>>
      %dma_start3A_43 = arith.constant 0 : i32
      %dma_start3A_44 = tpu.memref_slice %arg3[%mul3A_4, %dma_start3A_43] : memref<2560x128xi32, #tpu.memory_space<hbm>> -> memref<8x128xi32, #tpu.memory_space<hbm>>
      %dma_start3A_45 = arith.constant 0 : i32
      %dma_start3A_46 = tpu.memref_slice %arg3[%mul3A_4, %dma_start3A_45] : memref<2560x128xi32, #tpu.memory_space<hbm>> -> memref<8x128xi32, #tpu.memory_space<hbm>>
      tpu.enqueue_dma source(%dma_start3A_46 : memref<8x128xi32, #tpu.memory_space<hbm>>) target(%arg9 : memref<8x128xi32, #tpu.memory_space<vmem>>) target_semaphore(%run_scoped3A : memref<!tpu.dma_semaphore, #tpu.memory_space<semaphore_mem>>)
      %dma_wait3A_47 = arith.constant 0 : i32
      %dma_wait3A_48 = tpu.memref_slice %arg3[%mul3A_4, %dma_wait3A_47] : memref<2560x128xi32, #tpu.memory_space<hbm>> -> memref<8x128xi32, #tpu.memory_space<hbm>>
      %dma_wait3A_49 = arith.constant 0 : i32
      %dma_wait3A_50 = tpu.memref_slice %arg3[%mul3A_4, %dma_wait3A_49] : memref<2560x128xi32, #tpu.memory_space<hbm>> -> memref<8x128xi32, #tpu.memory_space<hbm>>
      tpu.wait_dma2 semaphore(%run_scoped3A : memref<!tpu.dma_semaphore, #tpu.memory_space<semaphore_mem>>) src(%dma_wait3A_50 : memref<8x128xi32, #tpu.memory_space<hbm>>) dst(%arg9 : memref<8x128xi32, #tpu.memory_space<vmem>>)
      tpu.yield
    }) : () -> ()
    "tpu.region"() ({
      %run_scoped3A = tpu.sem_alloc : memref<!tpu.dma_semaphore, #tpu.memory_space<semaphore_mem>>
      %dma_start3A_43 = arith.constant 0 : i32
      %dma_start3A_44 = tpu.memref_slice %arg4[%mul3A_4, %dma_start3A_43] : memref<2560x128xi32, #tpu.memory_space<hbm>> -> memref<8x128xi32, #tpu.memory_space<hbm>>
      %dma_start3A_45 = arith.constant 0 : i32
      %dma_start3A_46 = tpu.memref_slice %arg4[%mul3A_4, %dma_start3A_45] : memref<2560x128xi32, #tpu.memory_space<hbm>> -> memref<8x128xi32, #tpu.memory_space<hbm>>
      tpu.enqueue_dma source(%dma_start3A_46 : memref<8x128xi32, #tpu.memory_space<hbm>>) target(%arg11 : memref<8x128xi32, #tpu.memory_space<vmem>>) target_semaphore(%run_scoped3A : memref<!tpu.dma_semaphore, #tpu.memory_space<semaphore_mem>>)
      %dma_wait3A_47 = arith.constant 0 : i32
      %dma_wait3A_48 = tpu.memref_slice %arg4[%mul3A_4, %dma_wait3A_47] : memref<2560x128xi32, #tpu.memory_space<hbm>> -> memref<8x128xi32, #tpu.memory_space<hbm>>
      %dma_wait3A_49 = arith.constant 0 : i32
      %dma_wait3A_50 = tpu.memref_slice %arg4[%mul3A_4, %dma_wait3A_49] : memref<2560x128xi32, #tpu.memory_space<hbm>> -> memref<8x128xi32, #tpu.memory_space<hbm>>
      tpu.wait_dma2 semaphore(%run_scoped3A : memref<!tpu.dma_semaphore, #tpu.memory_space<semaphore_mem>>) src(%dma_wait3A_50 : memref<8x128xi32, #tpu.memory_space<hbm>>) dst(%arg11 : memref<8x128xi32, #tpu.memory_space<vmem>>)
      tpu.yield
    }) : () -> ()
    %dma_start3A = arith.constant 0 : i32
    %dma_start3A_5 = arith.constant 0 : i32
    %dma_start3A_6 = tpu.memref_slice %arg9[%dma_start3A, %dma_start3A_5] : memref<8x128xi32, #tpu.memory_space<vmem>> -> memref<1x128xi32, #tpu.memory_space<vmem>>
    %dma_start3A_7 = tpu.memref_squeeze %dma_start3A_6 : memref<1x128xi32, #tpu.memory_space<vmem>> -> memref<128xi32, #tpu.memory_space<vmem>>
    %dma_start3A_8 = arith.constant 0 : i32
    %dma_start3A_9 = arith.constant 0 : i32
    %dma_start3A_10 = tpu.memref_slice %arg2[%dma_start3A_8, %dma_start3A_9] : memref<10000x128xf32, #tpu.memory_space<hbm>> -> memref<10000x128xf32, #tpu.memory_space<hbm>>
    tpu.enqueue_indirect_dma source(%dma_start3A_10 : memref<10000x128xf32, #tpu.memory_space<hbm>>) target(%arg13 : memref<128x128xf32, #tpu.memory_space<vmem>>) offsets(%dma_start3A_7 : memref<128xi32, #tpu.memory_space<vmem>>) semaphore(%arg16 : memref<!tpu.dma_semaphore, #tpu.memory_space<semaphore_mem>>)
    %scan3A = arith.constant 0 : i32
    %scan3A_11 = arith.constant 0 : i32
    %scan3A_12 = arith.constant 10 : i32
    %scan3A_13 = arith.addi %scan3A_11, %scan3A_12 : i32
    %scan3A_14 = arith.constant 1 : i32
    scf.for %scan3A_43 = %scan3A_11 to %scan3A_13 step %scan3A_14  : i32 {
      %jit3A = arith.constant 2 : i32
      %eq3A = arith.constant 0 : i32
      %eq3A_44 = arith.cmpi eq, %jit3A, %eq3A : i32
      %jit3A_45 = arith.constant 1 : i32
      %select_n3A = arith.select %eq3A_44, %jit3A_45, %jit3A : i32
      %rem3A = arith.remsi %scan3A_43, %select_n3A : i32
      %ne3A = arith.constant 0 : i32
      %ne3A_46 = arith.cmpi ne, %rem3A, %ne3A : i32
      %lt3A = arith.constant 0 : i32
      %lt3A_47 = arith.cmpi slt, %rem3A, %lt3A : i32
      %lt3A_48 = arith.constant 0 : i32
      %lt3A_49 = arith.cmpi slt, %select_n3A, %lt3A_48 : i32
      %ne3A_50 = arith.xori %lt3A_47, %lt3A_49 : i1
      %and3A = arith.andi %ne3A_50, %ne3A_46 : i1
      %add3A_51 = arith.addi %rem3A, %select_n3A : i32
      %select_n3A_52 = arith.select %and3A, %add3A_51, %rem3A : i32
      %eq3A_53 = arith.constant 0 : i32
      %eq3A_54 = arith.cmpi eq, %select_n3A_52, %eq3A_53 : i32
      %convert_element_type3A = arith.extui %eq3A_54 : i1 to i32
      %cond3A = arith.constant 0 : i32
      %cond3A_55 = arith.cmpi ne, %convert_element_type3A, %cond3A : i32
      scf.if %cond3A_55 {
        %lt3A_77 = arith.constant 9 : i32
        %lt3A_78 = arith.cmpi slt, %scan3A_43, %lt3A_77 : i32
        %convert_element_type3A_79 = arith.extui %lt3A_78 : i1 to i32
        %cond3A_80 = arith.constant 0 : i32
        %cond3A_81 = arith.cmpi ne, %convert_element_type3A_79, %cond3A_80 : i32
        scf.if %cond3A_81 {
          %add3A_291 = arith.constant 1 : i32
          %add3A_292 = arith.addi %scan3A_43, %add3A_291 : i32
          %mul3A_293 = arith.constant 8 : i32
          %mul3A_294 = arith.muli %add3A_292, %mul3A_293 : i32
          %add3A_295 = arith.addi %mul3A_4, %mul3A_294 : i32
          "tpu.region"() ({
            %run_scoped3A = tpu.sem_alloc : memref<!tpu.dma_semaphore, #tpu.memory_space<semaphore_mem>>
            %dma_start3A_296 = arith.constant 0 : i32
            %dma_start3A_297 = tpu.memref_slice %arg3[%add3A_295, %dma_start3A_296] : memref<2560x128xi32, #tpu.memory_space<hbm>> -> memref<8x128xi32, #tpu.memory_space<hbm>>
            %dma_start3A_298 = arith.constant 0 : i32
            %dma_start3A_299 = tpu.memref_slice %arg3[%add3A_295, %dma_start3A_298] : memref<2560x128xi32, #tpu.memory_space<hbm>> -> memref<8x128xi32, #tpu.memory_space<hbm>>
            tpu.enqueue_dma source(%dma_start3A_299 : memref<8x128xi32, #tpu.memory_space<hbm>>) target(%arg10 : memref<8x128xi32, #tpu.memory_space<vmem>>) target_semaphore(%run_scoped3A : memref<!tpu.dma_semaphore, #tpu.memory_space<semaphore_mem>>)
            %dma_wait3A_300 = arith.constant 0 : i32
            %dma_wait3A_301 = tpu.memref_slice %arg3[%add3A_295, %dma_wait3A_300] : memref<2560x128xi32, #tpu.memory_space<hbm>> -> memref<8x128xi32, #tpu.memory_space<hbm>>
            %dma_wait3A_302 = arith.constant 0 : i32
            %dma_wait3A_303 = tpu.memref_slice %arg3[%add3A_295, %dma_wait3A_302] : memref<2560x128xi32, #tpu.memory_space<hbm>> -> memref<8x128xi32, #tpu.memory_space<hbm>>
            tpu.wait_dma2 semaphore(%run_scoped3A : memref<!tpu.dma_semaphore, #tpu.memory_space<semaphore_mem>>) src(%dma_wait3A_303 : memref<8x128xi32, #tpu.memory_space<hbm>>) dst(%arg10 : memref<8x128xi32, #tpu.memory_space<vmem>>)
            tpu.yield
          }) : () -> ()
        } else {
        }
        %dma_wait3A_82 = arith.constant 0 : i32
        %dma_wait3A_83 = arith.constant 0 : i32
        %dma_wait3A_84 = tpu.memref_slice %arg2[%dma_wait3A_82, %dma_wait3A_83] : memref<10000x128xf32, #tpu.memory_space<hbm>> -> memref<128x128xf32, #tpu.memory_space<hbm>>
        %dma_wait3A_85 = arith.constant 0 : i32
        %dma_wait3A_86 = arith.constant 0 : i32
        %dma_wait3A_87 = tpu.memref_slice %arg2[%dma_wait3A_85, %dma_wait3A_86] : memref<10000x128xf32, #tpu.memory_space<hbm>> -> memref<128x128xf32, #tpu.memory_space<hbm>>
        tpu.wait_dma2 semaphore(%arg16 : memref<!tpu.dma_semaphore, #tpu.memory_space<semaphore_mem>>) src(%dma_wait3A_87 : memref<128x128xf32, #tpu.memory_space<hbm>>) dst(%arg13 : memref<128x128xf32, #tpu.memory_space<vmem>>)
        %dma_start3A_88 = arith.constant 0 : i32
        %dma_start3A_89 = arith.constant 0 : i32
        %dma_start3A_90 = tpu.memref_slice %arg11[%dma_start3A_88, %dma_start3A_89] : memref<8x128xi32, #tpu.memory_space<vmem>> -> memref<1x128xi32, #tpu.memory_space<vmem>>
        %dma_start3A_91 = tpu.memref_squeeze %dma_start3A_90 : memref<1x128xi32, #tpu.memory_space<vmem>> -> memref<128xi32, #tpu.memory_space<vmem>>
        %dma_start3A_92 = arith.constant 0 : i32
        %dma_start3A_93 = arith.constant 0 : i32
        %dma_start3A_94 = tpu.memref_slice %arg15[%dma_start3A_92, %dma_start3A_93] : memref<10240x128xf32, #tpu.memory_space<vmem_shared>> -> memref<10240x128xf32, #tpu.memory_space<vmem_shared>>
        tpu.enqueue_indirect_dma source(%arg13 : memref<128x128xf32, #tpu.memory_space<vmem>>) target(%dma_start3A_94 : memref<10240x128xf32, #tpu.memory_space<vmem_shared>>) offsets(%dma_start3A_91 : memref<128xi32, #tpu.memory_space<vmem>>) semaphore(%arg18 : memref<!tpu.dma_semaphore, #tpu.memory_space<semaphore_mem>>) {add = true}
        %gt3A = arith.constant 0 : i32
        %gt3A_95 = arith.cmpi sgt, %scan3A_43, %gt3A : i32
        %convert_element_type3A_96 = arith.extui %gt3A_95 : i1 to i32
        %cond3A_97 = arith.constant 0 : i32
        %cond3A_98 = arith.cmpi ne, %convert_element_type3A_96, %cond3A_97 : i32
        scf.if %cond3A_98 {
          %dma_wait3A_291 = arith.constant 0 : i32
          %dma_wait3A_292 = arith.constant 0 : i32
          %dma_wait3A_293 = tpu.memref_slice %arg15[%dma_wait3A_291, %dma_wait3A_292] : memref<10240x128xf32, #tpu.memory_space<vmem_shared>> -> memref<128x128xf32, #tpu.memory_space<vmem_shared>>
          %dma_wait3A_294 = arith.constant 0 : i32
          %dma_wait3A_295 = arith.constant 0 : i32
          %dma_wait3A_296 = tpu.memref_slice %arg15[%dma_wait3A_294, %dma_wait3A_295] : memref<10240x128xf32, #tpu.memory_space<vmem_shared>> -> memref<128x128xf32, #tpu.memory_space<vmem_shared>>
          tpu.wait_dma2 semaphore(%arg19 : memref<!tpu.dma_semaphore, #tpu.memory_space<semaphore_mem>>) src(%arg14 : memref<128x128xf32, #tpu.memory_space<vmem>>) dst(%dma_wait3A_296 : memref<128x128xf32, #tpu.memory_space<vmem_shared>>)
        } else {
        }
        %lt3A_99 = arith.constant 9 : i32
        %lt3A_100 = arith.cmpi slt, %scan3A_43, %lt3A_99 : i32
        %convert_element_type3A_101 = arith.extui %lt3A_100 : i1 to i32
        %cond3A_102 = arith.constant 0 : i32
        %cond3A_103 = arith.cmpi ne, %convert_element_type3A_101, %cond3A_102 : i32
        scf.if %cond3A_103 {
          %add3A_291 = arith.constant 1 : i32
          %add3A_292 = arith.addi %scan3A_43, %add3A_291 : i32
          %mul3A_293 = arith.constant 8 : i32
          %mul3A_294 = arith.muli %add3A_292, %mul3A_293 : i32
          %add3A_295 = arith.addi %mul3A_4, %mul3A_294 : i32
          "tpu.region"() ({
            %run_scoped3A = tpu.sem_alloc : memref<!tpu.dma_semaphore, #tpu.memory_space<semaphore_mem>>
            %dma_start3A_296 = arith.constant 0 : i32
            %dma_start3A_297 = tpu.memref_slice %arg4[%add3A_295, %dma_start3A_296] : memref<2560x128xi32, #tpu.memory_space<hbm>> -> memref<8x128xi32, #tpu.memory_space<hbm>>
            %dma_start3A_298 = arith.constant 0 : i32
            %dma_start3A_299 = tpu.memref_slice %arg4[%add3A_295, %dma_start3A_298] : memref<2560x128xi32, #tpu.memory_space<hbm>> -> memref<8x128xi32, #tpu.memory_space<hbm>>
            tpu.enqueue_dma source(%dma_start3A_299 : memref<8x128xi32, #tpu.memory_space<hbm>>) target(%arg12 : memref<8x128xi32, #tpu.memory_space<vmem>>) target_semaphore(%run_scoped3A : memref<!tpu.dma_semaphore, #tpu.memory_space<semaphore_mem>>)
            %dma_wait3A_300 = arith.constant 0 : i32
            %dma_wait3A_301 = tpu.memref_slice %arg4[%add3A_295, %dma_wait3A_300] : memref<2560x128xi32, #tpu.memory_space<hbm>> -> memref<8x128xi32, #tpu.memory_space<hbm>>
            %dma_wait3A_302 = arith.constant 0 : i32
            %dma_wait3A_303 = tpu.memref_slice %arg4[%add3A_295, %dma_wait3A_302] : memref<2560x128xi32, #tpu.memory_space<hbm>> -> memref<8x128xi32, #tpu.memory_space<hbm>>
            tpu.wait_dma2 semaphore(%run_scoped3A : memref<!tpu.dma_semaphore, #tpu.memory_space<semaphore_mem>>) src(%dma_wait3A_303 : memref<8x128xi32, #tpu.memory_space<hbm>>) dst(%arg12 : memref<8x128xi32, #tpu.memory_space<vmem>>)
            tpu.yield
          }) : () -> ()
        } else {
        }
        %dma_start3A_104 = arith.constant 1 : i32
        %dma_start3A_105 = arith.constant 0 : i32
        %dma_start3A_106 = tpu.memref_slice %arg9[%dma_start3A_104, %dma_start3A_105] : memref<8x128xi32, #tpu.memory_space<vmem>> -> memref<1x128xi32, #tpu.memory_space<vmem>>
        %dma_start3A_107 = tpu.memref_squeeze %dma_start3A_106 : memref<1x128xi32, #tpu.memory_space<vmem>> -> memref<128xi32, #tpu.memory_space<vmem>>
        %dma_start3A_108 = arith.constant 0 : i32
        %dma_start3A_109 = arith.constant 0 : i32
        %dma_start3A_110 = tpu.memref_slice %arg2[%dma_start3A_108, %dma_start3A_109] : memref<10000x128xf32, #tpu.memory_space<hbm>> -> memref<10000x128xf32, #tpu.memory_space<hbm>>
        tpu.enqueue_indirect_dma source(%dma_start3A_110 : memref<10000x128xf32, #tpu.memory_space<hbm>>) target(%arg14 : memref<128x128xf32, #tpu.memory_space<vmem>>) offsets(%dma_start3A_107 : memref<128xi32, #tpu.memory_space<vmem>>) semaphore(%arg17 : memref<!tpu.dma_semaphore, #tpu.memory_space<semaphore_mem>>)
        %dma_wait3A_111 = arith.constant 0 : i32
        %dma_wait3A_112 = arith.constant 0 : i32
        %dma_wait3A_113 = tpu.memref_slice %arg2[%dma_wait3A_111, %dma_wait3A_112] : memref<10000x128xf32, #tpu.memory_space<hbm>> -> memref<128x128xf32, #tpu.memory_space<hbm>>
        %dma_wait3A_114 = arith.constant 0 : i32
        %dma_wait3A_115 = arith.constant 0 : i32
        %dma_wait3A_116 = tpu.memref_slice %arg2[%dma_wait3A_114, %dma_wait3A_115] : memref<10000x128xf32, #tpu.memory_space<hbm>> -> memref<128x128xf32, #tpu.memory_space<hbm>>
        tpu.wait_dma2 semaphore(%arg17 : memref<!tpu.dma_semaphore, #tpu.memory_space<semaphore_mem>>) src(%dma_wait3A_116 : memref<128x128xf32, #tpu.memory_space<hbm>>) dst(%arg14 : memref<128x128xf32, #tpu.memory_space<vmem>>)
        %dma_start3A_117 = arith.constant 1 : i32
        %dma_start3A_118 = arith.constant 0 : i32
        %dma_start3A_119 = tpu.memref_slice %arg11[%dma_start3A_117, %dma_start3A_118] : memref<8x128xi32, #tpu.memory_space<vmem>> -> memref<1x128xi32, #tpu.memory_space<vmem>>
        %dma_start3A_120 = tpu.memref_squeeze %dma_start3A_119 : memref<1x128xi32, #tpu.memory_space<vmem>> -> memref<128xi32, #tpu.memory_space<vmem>>
        %dma_start3A_121 = arith.constant 0 : i32
        %dma_start3A_122 = arith.constant 0 : i32
        %dma_start3A_123 = tpu.memref_slice %arg15[%dma_start3A_121, %dma_start3A_122] : memref<10240x128xf32, #tpu.memory_space<vmem_shared>> -> memref<10240x128xf32, #tpu.memory_space<vmem_shared>>
        tpu.enqueue_indirect_dma source(%arg14 : memref<128x128xf32, #tpu.memory_space<vmem>>) target(%dma_start3A_123 : memref<10240x128xf32, #tpu.memory_space<vmem_shared>>) offsets(%dma_start3A_120 : memref<128xi32, #tpu.memory_space<vmem>>) semaphore(%arg19 : memref<!tpu.dma_semaphore, #tpu.memory_space<semaphore_mem>>) {add = true}
        %dma_wait3A_124 = arith.constant 0 : i32
        %dma_wait3A_125 = arith.constant 0 : i32
        %dma_wait3A_126 = tpu.memref_slice %arg15[%dma_wait3A_124, %dma_wait3A_125] : memref<10240x128xf32, #tpu.memory_space<vmem_shared>> -> memref<128x128xf32, #tpu.memory_space<vmem_shared>>
        %dma_wait3A_127 = arith.constant 0 : i32
        %dma_wait3A_128 = arith.constant 0 : i32
        %dma_wait3A_129 = tpu.memref_slice %arg15[%dma_wait3A_127, %dma_wait3A_128] : memref<10240x128xf32, #tpu.memory_space<vmem_shared>> -> memref<128x128xf32, #tpu.memory_space<vmem_shared>>
        tpu.wait_dma2 semaphore(%arg18 : memref<!tpu.dma_semaphore, #tpu.memory_space<semaphore_mem>>) src(%arg13 : memref<128x128xf32, #tpu.memory_space<vmem>>) dst(%dma_wait3A_129 : memref<128x128xf32, #tpu.memory_space<vmem_shared>>)
        %dma_start3A_130 = arith.constant 2 : i32
        %dma_start3A_131 = arith.constant 0 : i32
        %dma_start3A_132 = tpu.memref_slice %arg9[%dma_start3A_130, %dma_start3A_131] : memref<8x128xi32, #tpu.memory_space<vmem>> -> memref<1x128xi32, #tpu.memory_space<vmem>>
        %dma_start3A_133 = tpu.memref_squeeze %dma_start3A_132 : memref<1x128xi32, #tpu.memory_space<vmem>> -> memref<128xi32, #tpu.memory_space<vmem>>
        %dma_start3A_134 = arith.constant 0 : i32
        %dma_start3A_135 = arith.constant 0 : i32
        %dma_start3A_136 = tpu.memref_slice %arg2[%dma_start3A_134, %dma_start3A_135] : memref<10000x128xf32, #tpu.memory_space<hbm>> -> memref<10000x128xf32, #tpu.memory_space<hbm>>
        tpu.enqueue_indirect_dma source(%dma_start3A_136 : memref<10000x128xf32, #tpu.memory_space<hbm>>) target(%arg13 : memref<128x128xf32, #tpu.memory_space<vmem>>) offsets(%dma_start3A_133 : memref<128xi32, #tpu.memory_space<vmem>>) semaphore(%arg16 : memref<!tpu.dma_semaphore, #tpu.memory_space<semaphore_mem>>)
        %dma_wait3A_137 = arith.constant 0 : i32
        %dma_wait3A_138 = arith.constant 0 : i32
        %dma_wait3A_139 = tpu.memref_slice %arg2[%dma_wait3A_137, %dma_wait3A_138] : memref<10000x128xf32, #tpu.memory_space<hbm>> -> memref<128x128xf32, #tpu.memory_space<hbm>>
        %dma_wait3A_140 = arith.constant 0 : i32
        %dma_wait3A_141 = arith.constant 0 : i32
        %dma_wait3A_142 = tpu.memref_slice %arg2[%dma_wait3A_140, %dma_wait3A_141] : memref<10000x128xf32, #tpu.memory_space<hbm>> -> memref<128x128xf32, #tpu.memory_space<hbm>>
        tpu.wait_dma2 semaphore(%arg16 : memref<!tpu.dma_semaphore, #tpu.memory_space<semaphore_mem>>) src(%dma_wait3A_142 : memref<128x128xf32, #tpu.memory_space<hbm>>) dst(%arg13 : memref<128x128xf32, #tpu.memory_space<vmem>>)
        %dma_start3A_143 = arith.constant 2 : i32
        %dma_start3A_144 = arith.constant 0 : i32
        %dma_start3A_145 = tpu.memref_slice %arg11[%dma_start3A_143, %dma_start3A_144] : memref<8x128xi32, #tpu.memory_space<vmem>> -> memref<1x128xi32, #tpu.memory_space<vmem>>
        %dma_start3A_146 = tpu.memref_squeeze %dma_start3A_145 : memref<1x128xi32, #tpu.memory_space<vmem>> -> memref<128xi32, #tpu.memory_space<vmem>>
        %dma_start3A_147 = arith.constant 0 : i32
        %dma_start3A_148 = arith.constant 0 : i32
        %dma_start3A_149 = tpu.memref_slice %arg15[%dma_start3A_147, %dma_start3A_148] : memref<10240x128xf32, #tpu.memory_space<vmem_shared>> -> memref<10240x128xf32, #tpu.memory_space<vmem_shared>>
        tpu.enqueue_indirect_dma source(%arg13 : memref<128x128xf32, #tpu.memory_space<vmem>>) target(%dma_start3A_149 : memref<10240x128xf32, #tpu.memory_space<vmem_shared>>) offsets(%dma_start3A_146 : memref<128xi32, #tpu.memory_space<vmem>>) semaphore(%arg18 : memref<!tpu.dma_semaphore, #tpu.memory_space<semaphore_mem>>) {add = true}
        %dma_wait3A_150 = arith.constant 0 : i32
        %dma_wait3A_151 = arith.constant 0 : i32
        %dma_wait3A_152 = tpu.memref_slice %arg15[%dma_wait3A_150, %dma_wait3A_151] : memref<10240x128xf32, #tpu.memory_space<vmem_shared>> -> memref<128x128xf32, #tpu.memory_space<vmem_shared>>
        %dma_wait3A_153 = arith.constant 0 : i32
        %dma_wait3A_154 = arith.constant 0 : i32
        %dma_wait3A_155 = tpu.memref_slice %arg15[%dma_wait3A_153, %dma_wait3A_154] : memref<10240x128xf32, #tpu.memory_space<vmem_shared>> -> memref<128x128xf32, #tpu.memory_space<vmem_shared>>
        tpu.wait_dma2 semaphore(%arg19 : memref<!tpu.dma_semaphore, #tpu.memory_space<semaphore_mem>>) src(%arg14 : memref<128x128xf32, #tpu.memory_space<vmem>>) dst(%dma_wait3A_155 : memref<128x128xf32, #tpu.memory_space<vmem_shared>>)
        %dma_start3A_156 = arith.constant 3 : i32
        %dma_start3A_157 = arith.constant 0 : i32
        %dma_start3A_158 = tpu.memref_slice %arg9[%dma_start3A_156, %dma_start3A_157] : memref<8x128xi32, #tpu.memory_space<vmem>> -> memref<1x128xi32, #tpu.memory_space<vmem>>
        %dma_start3A_159 = tpu.memref_squeeze %dma_start3A_158 : memref<1x128xi32, #tpu.memory_space<vmem>> -> memref<128xi32, #tpu.memory_space<vmem>>
        %dma_start3A_160 = arith.constant 0 : i32
        %dma_start3A_161 = arith.constant 0 : i32
        %dma_start3A_162 = tpu.memref_slice %arg2[%dma_start3A_160, %dma_start3A_161] : memref<10000x128xf32, #tpu.memory_space<hbm>> -> memref<10000x128xf32, #tpu.memory_space<hbm>>
        tpu.enqueue_indirect_dma source(%dma_start3A_162 : memref<10000x128xf32, #tpu.memory_space<hbm>>) target(%arg14 : memref<128x128xf32, #tpu.memory_space<vmem>>) offsets(%dma_start3A_159 : memref<128xi32, #tpu.memory_space<vmem>>) semaphore(%arg17 : memref<!tpu.dma_semaphore, #tpu.memory_space<semaphore_mem>>)
        %dma_wait3A_163 = arith.constant 0 : i32
        %dma_wait3A_164 = arith.constant 0 : i32
        %dma_wait3A_165 = tpu.memref_slice %arg2[%dma_wait3A_163, %dma_wait3A_164] : memref<10000x128xf32, #tpu.memory_space<hbm>> -> memref<128x128xf32, #tpu.memory_space<hbm>>
        %dma_wait3A_166 = arith.constant 0 : i32
        %dma_wait3A_167 = arith.constant 0 : i32
        %dma_wait3A_168 = tpu.memref_slice %arg2[%dma_wait3A_166, %dma_wait3A_167] : memref<10000x128xf32, #tpu.memory_space<hbm>> -> memref<128x128xf32, #tpu.memory_space<hbm>>
        tpu.wait_dma2 semaphore(%arg17 : memref<!tpu.dma_semaphore, #tpu.memory_space<semaphore_mem>>) src(%dma_wait3A_168 : memref<128x128xf32, #tpu.memory_space<hbm>>) dst(%arg14 : memref<128x128xf32, #tpu.memory_space<vmem>>)
        %dma_start3A_169 = arith.constant 3 : i32
        %dma_start3A_170 = arith.constant 0 : i32
        %dma_start3A_171 = tpu.memref_slice %arg11[%dma_start3A_169, %dma_start3A_170] : memref<8x128xi32, #tpu.memory_space<vmem>> -> memref<1x128xi32, #tpu.memory_space<vmem>>
        %dma_start3A_172 = tpu.memref_squeeze %dma_start3A_171 : memref<1x128xi32, #tpu.memory_space<vmem>> -> memref<128xi32, #tpu.memory_space<vmem>>
        %dma_start3A_173 = arith.constant 0 : i32
        %dma_start3A_174 = arith.constant 0 : i32
        %dma_start3A_175 = tpu.memref_slice %arg15[%dma_start3A_173, %dma_start3A_174] : memref<10240x128xf32, #tpu.memory_space<vmem_shared>> -> memref<10240x128xf32, #tpu.memory_space<vmem_shared>>
        tpu.enqueue_indirect_dma source(%arg14 : memref<128x128xf32, #tpu.memory_space<vmem>>) target(%dma_start3A_175 : memref<10240x128xf32, #tpu.memory_space<vmem_shared>>) offsets(%dma_start3A_172 : memref<128xi32, #tpu.memory_space<vmem>>) semaphore(%arg19 : memref<!tpu.dma_semaphore, #tpu.memory_space<semaphore_mem>>) {add = true}
        %dma_wait3A_176 = arith.constant 0 : i32
        %dma_wait3A_177 = arith.constant 0 : i32
        %dma_wait3A_178 = tpu.memref_slice %arg15[%dma_wait3A_176, %dma_wait3A_177] : memref<10240x128xf32, #tpu.memory_space<vmem_shared>> -> memref<128x128xf32, #tpu.memory_space<vmem_shared>>
        %dma_wait3A_179 = arith.constant 0 : i32
        %dma_wait3A_180 = arith.constant 0 : i32
        %dma_wait3A_181 = tpu.memref_slice %arg15[%dma_wait3A_179, %dma_wait3A_180] : memref<10240x128xf32, #tpu.memory_space<vmem_shared>> -> memref<128x128xf32, #tpu.memory_space<vmem_shared>>
        tpu.wait_dma2 semaphore(%arg18 : memref<!tpu.dma_semaphore, #tpu.memory_space<semaphore_mem>>) src(%arg13 : memref<128x128xf32, #tpu.memory_space<vmem>>) dst(%dma_wait3A_181 : memref<128x128xf32, #tpu.memory_space<vmem_shared>>)
        %dma_start3A_182 = arith.constant 4 : i32
        %dma_start3A_183 = arith.constant 0 : i32
        %dma_start3A_184 = tpu.memref_slice %arg9[%dma_start3A_182, %dma_start3A_183] : memref<8x128xi32, #tpu.memory_space<vmem>> -> memref<1x128xi32, #tpu.memory_space<vmem>>
        %dma_start3A_185 = tpu.memref_squeeze %dma_start3A_184 : memref<1x128xi32, #tpu.memory_space<vmem>> -> memref<128xi32, #tpu.memory_space<vmem>>
        %dma_start3A_186 = arith.constant 0 : i32
        %dma_start3A_187 = arith.constant 0 : i32
        %dma_start3A_188 = tpu.memref_slice %arg2[%dma_start3A_186, %dma_start3A_187] : memref<10000x128xf32, #tpu.memory_space<hbm>> -> memref<10000x128xf32, #tpu.memory_space<hbm>>
        tpu.enqueue_indirect_dma source(%dma_start3A_188 : memref<10000x128xf32, #tpu.memory_space<hbm>>) target(%arg13 : memref<128x128xf32, #tpu.memory_space<vmem>>) offsets(%dma_start3A_185 : memref<128xi32, #tpu.memory_space<vmem>>) semaphore(%arg16 : memref<!tpu.dma_semaphore, #tpu.memory_space<semaphore_mem>>)
        %dma_wait3A_189 = arith.constant 0 : i32
        %dma_wait3A_190 = arith.constant 0 : i32
        %dma_wait3A_191 = tpu.memref_slice %arg2[%dma_wait3A_189, %dma_wait3A_190] : memref<10000x128xf32, #tpu.memory_space<hbm>> -> memref<128x128xf32, #tpu.memory_space<hbm>>
        %dma_wait3A_192 = arith.constant 0 : i32
        %dma_wait3A_193 = arith.constant 0 : i32
        %dma_wait3A_194 = tpu.memref_slice %arg2[%dma_wait3A_192, %dma_wait3A_193] : memref<10000x128xf32, #tpu.memory_space<hbm>> -> memref<128x128xf32, #tpu.memory_space<hbm>>
        tpu.wait_dma2 semaphore(%arg16 : memref<!tpu.dma_semaphore, #tpu.memory_space<semaphore_mem>>) src(%dma_wait3A_194 : memref<128x128xf32, #tpu.memory_space<hbm>>) dst(%arg13 : memref<128x128xf32, #tpu.memory_space<vmem>>)
        %dma_start3A_195 = arith.constant 4 : i32
        %dma_start3A_196 = arith.constant 0 : i32
        %dma_start3A_197 = tpu.memref_slice %arg11[%dma_start3A_195, %dma_start3A_196] : memref<8x128xi32, #tpu.memory_space<vmem>> -> memref<1x128xi32, #tpu.memory_space<vmem>>
        %dma_start3A_198 = tpu.memref_squeeze %dma_start3A_197 : memref<1x128xi32, #tpu.memory_space<vmem>> -> memref<128xi32, #tpu.memory_space<vmem>>
        %dma_start3A_199 = arith.constant 0 : i32
        %dma_start3A_200 = arith.constant 0 : i32
        %dma_start3A_201 = tpu.memref_slice %arg15[%dma_start3A_199, %dma_start3A_200] : memref<10240x128xf32, #tpu.memory_space<vmem_shared>> -> memref<10240x128xf32, #tpu.memory_space<vmem_shared>>
        tpu.enqueue_indirect_dma source(%arg13 : memref<128x128xf32, #tpu.memory_space<vmem>>) target(%dma_start3A_201 : memref<10240x128xf32, #tpu.memory_space<vmem_shared>>) offsets(%dma_start3A_198 : memref<128xi32, #tpu.memory_space<vmem>>) semaphore(%arg18 : memref<!tpu.dma_semaphore, #tpu.memory_space<semaphore_mem>>) {add = true}
        %dma_wait3A_202 = arith.constant 0 : i32
        %dma_wait3A_203 = arith.constant 0 : i32
        %dma_wait3A_204 = tpu.memref_slice %arg15[%dma_wait3A_202, %dma_wait3A_203] : memref<10240x128xf32, #tpu.memory_space<vmem_shared>> -> memref<128x128xf32, #tpu.memory_space<vmem_shared>>
        %dma_wait3A_205 = arith.constant 0 : i32
        %dma_wait3A_206 = arith.constant 0 : i32
        %dma_wait3A_207 = tpu.memref_slice %arg15[%dma_wait3A_205, %dma_wait3A_206] : memref<10240x128xf32, #tpu.memory_space<vmem_shared>> -> memref<128x128xf32, #tpu.memory_space<vmem_shared>>
        tpu.wait_dma2 semaphore(%arg19 : memref<!tpu.dma_semaphore, #tpu.memory_space<semaphore_mem>>) src(%arg14 : memref<128x128xf32, #tpu.memory_space<vmem>>) dst(%dma_wait3A_207 : memref<128x128xf32, #tpu.memory_space<vmem_shared>>)
        %dma_start3A_208 = arith.constant 5 : i32
        %dma_start3A_209 = arith.constant 0 : i32
        %dma_start3A_210 = tpu.memref_slice %arg9[%dma_start3A_208, %dma_start3A_209] : memref<8x128xi32, #tpu.memory_space<vmem>> -> memref<1x128xi32, #tpu.memory_space<vmem>>
        %dma_start3A_211 = tpu.memref_squeeze %dma_start3A_210 : memref<1x128xi32, #tpu.memory_space<vmem>> -> memref<128xi32, #tpu.memory_space<vmem>>
        %dma_start3A_212 = arith.constant 0 : i32
        %dma_start3A_213 = arith.constant 0 : i32
        %dma_start3A_214 = tpu.memref_slice %arg2[%dma_start3A_212, %dma_start3A_213] : memref<10000x128xf32, #tpu.memory_space<hbm>> -> memref<10000x128xf32, #tpu.memory_space<hbm>>
        tpu.enqueue_indirect_dma source(%dma_start3A_214 : memref<10000x128xf32, #tpu.memory_space<hbm>>) target(%arg14 : memref<128x128xf32, #tpu.memory_space<vmem>>) offsets(%dma_start3A_211 : memref<128xi32, #tpu.memory_space<vmem>>) semaphore(%arg17 : memref<!tpu.dma_semaphore, #tpu.memory_space<semaphore_mem>>)
        %dma_wait3A_215 = arith.constant 0 : i32
        %dma_wait3A_216 = arith.constant 0 : i32
        %dma_wait3A_217 = tpu.memref_slice %arg2[%dma_wait3A_215, %dma_wait3A_216] : memref<10000x128xf32, #tpu.memory_space<hbm>> -> memref<128x128xf32, #tpu.memory_space<hbm>>
        %dma_wait3A_218 = arith.constant 0 : i32
        %dma_wait3A_219 = arith.constant 0 : i32
        %dma_wait3A_220 = tpu.memref_slice %arg2[%dma_wait3A_218, %dma_wait3A_219] : memref<10000x128xf32, #tpu.memory_space<hbm>> -> memref<128x128xf32, #tpu.memory_space<hbm>>
        tpu.wait_dma2 semaphore(%arg17 : memref<!tpu.dma_semaphore, #tpu.memory_space<semaphore_mem>>) src(%dma_wait3A_220 : memref<128x128xf32, #tpu.memory_space<hbm>>) dst(%arg14 : memref<128x128xf32, #tpu.memory_space<vmem>>)
        %dma_start3A_221 = arith.constant 5 : i32
        %dma_start3A_222 = arith.constant 0 : i32
        %dma_start3A_223 = tpu.memref_slice %arg11[%dma_start3A_221, %dma_start3A_222] : memref<8x128xi32, #tpu.memory_space<vmem>> -> memref<1x128xi32, #tpu.memory_space<vmem>>
        %dma_start3A_224 = tpu.memref_squeeze %dma_start3A_223 : memref<1x128xi32, #tpu.memory_space<vmem>> -> memref<128xi32, #tpu.memory_space<vmem>>
        %dma_start3A_225 = arith.constant 0 : i32
        %dma_start3A_226 = arith.constant 0 : i32
        %dma_start3A_227 = tpu.memref_slice %arg15[%dma_start3A_225, %dma_start3A_226] : memref<10240x128xf32, #tpu.memory_space<vmem_shared>> -> memref<10240x128xf32, #tpu.memory_space<vmem_shared>>
        tpu.enqueue_indirect_dma source(%arg14 : memref<128x128xf32, #tpu.memory_space<vmem>>) target(%dma_start3A_227 : memref<10240x128xf32, #tpu.memory_space<vmem_shared>>) offsets(%dma_start3A_224 : memref<128xi32, #tpu.memory_space<vmem>>) semaphore(%arg19 : memref<!tpu.dma_semaphore, #tpu.memory_space<semaphore_mem>>) {add = true}
        %dma_wait3A_228 = arith.constant 0 : i32
        %dma_wait3A_229 = arith.constant 0 : i32
        %dma_wait3A_230 = tpu.memref_slice %arg15[%dma_wait3A_228, %dma_wait3A_229] : memref<10240x128xf32, #tpu.memory_space<vmem_shared>> -> memref<128x128xf32, #tpu.memory_space<vmem_shared>>
        %dma_wait3A_231 = arith.constant 0 : i32
        %dma_wait3A_232 = arith.constant 0 : i32
        %dma_wait3A_233 = tpu.memref_slice %arg15[%dma_wait3A_231, %dma_wait3A_232] : memref<10240x128xf32, #tpu.memory_space<vmem_shared>> -> memref<128x128xf32, #tpu.memory_space<vmem_shared>>
        tpu.wait_dma2 semaphore(%arg18 : memref<!tpu.dma_semaphore, #tpu.memory_space<semaphore_mem>>) src(%arg13 : memref<128x128xf32, #tpu.memory_space<vmem>>) dst(%dma_wait3A_233 : memref<128x128xf32, #tpu.memory_space<vmem_shared>>)
        %dma_start3A_234 = arith.constant 6 : i32
        %dma_start3A_235 = arith.constant 0 : i32
        %dma_start3A_236 = tpu.memref_slice %arg9[%dma_start3A_234, %dma_start3A_235] : memref<8x128xi32, #tpu.memory_space<vmem>> -> memref<1x128xi32, #tpu.memory_space<vmem>>
        %dma_start3A_237 = tpu.memref_squeeze %dma_start3A_236 : memref<1x128xi32, #tpu.memory_space<vmem>> -> memref<128xi32, #tpu.memory_space<vmem>>
        %dma_start3A_238 = arith.constant 0 : i32
        %dma_start3A_239 = arith.constant 0 : i32
        %dma_start3A_240 = tpu.memref_slice %arg2[%dma_start3A_238, %dma_start3A_239] : memref<10000x128xf32, #tpu.memory_space<hbm>> -> memref<10000x128xf32, #tpu.memory_space<hbm>>
        tpu.enqueue_indirect_dma source(%dma_start3A_240 : memref<10000x128xf32, #tpu.memory_space<hbm>>) target(%arg13 : memref<128x128xf32, #tpu.memory_space<vmem>>) offsets(%dma_start3A_237 : memref<128xi32, #tpu.memory_space<vmem>>) semaphore(%arg16 : memref<!tpu.dma_semaphore, #tpu.memory_space<semaphore_mem>>)
        %dma_wait3A_241 = arith.constant 0 : i32
        %dma_wait3A_242 = arith.constant 0 : i32
        %dma_wait3A_243 = tpu.memref_slice %arg2[%dma_wait3A_241, %dma_wait3A_242] : memref<10000x128xf32, #tpu.memory_space<hbm>> -> memref<128x128xf32, #tpu.memory_space<hbm>>
        %dma_wait3A_244 = arith.constant 0 : i32
        %dma_wait3A_245 = arith.constant 0 : i32
        %dma_wait3A_246 = tpu.memref_slice %arg2[%dma_wait3A_244, %dma_wait3A_245] : memref<10000x128xf32, #tpu.memory_space<hbm>> -> memref<128x128xf32, #tpu.memory_space<hbm>>
        tpu.wait_dma2 semaphore(%arg16 : memref<!tpu.dma_semaphore, #tpu.memory_space<semaphore_mem>>) src(%dma_wait3A_246 : memref<128x128xf32, #tpu.memory_space<hbm>>) dst(%arg13 : memref<128x128xf32, #tpu.memory_space<vmem>>)
        %dma_start3A_247 = arith.constant 6 : i32
        %dma_start3A_248 = arith.constant 0 : i32
        %dma_start3A_249 = tpu.memref_slice %arg11[%dma_start3A_247, %dma_start3A_248] : memref<8x128xi32, #tpu.memory_space<vmem>> -> memref<1x128xi32, #tpu.memory_space<vmem>>
        %dma_start3A_250 = tpu.memref_squeeze %dma_start3A_249 : memref<1x128xi32, #tpu.memory_space<vmem>> -> memref<128xi32, #tpu.memory_space<vmem>>
        %dma_start3A_251 = arith.constant 0 : i32
        %dma_start3A_252 = arith.constant 0 : i32
        %dma_start3A_253 = tpu.memref_slice %arg15[%dma_start3A_251, %dma_start3A_252] : memref<10240x128xf32, #tpu.memory_space<vmem_shared>> -> memref<10240x128xf32, #tpu.memory_space<vmem_shared>>
        tpu.enqueue_indirect_dma source(%arg13 : memref<128x128xf32, #tpu.memory_space<vmem>>) target(%dma_start3A_253 : memref<10240x128xf32, #tpu.memory_space<vmem_shared>>) offsets(%dma_start3A_250 : memref<128xi32, #tpu.memory_space<vmem>>) semaphore(%arg18 : memref<!tpu.dma_semaphore, #tpu.memory_space<semaphore_mem>>) {add = true}
        %dma_wait3A_254 = arith.constant 0 : i32
        %dma_wait3A_255 = arith.constant 0 : i32
        %dma_wait3A_256 = tpu.memref_slice %arg15[%dma_wait3A_254, %dma_wait3A_255] : memref<10240x128xf32, #tpu.memory_space<vmem_shared>> -> memref<128x128xf32, #tpu.memory_space<vmem_shared>>
        %dma_wait3A_257 = arith.constant 0 : i32
        %dma_wait3A_258 = arith.constant 0 : i32
        %dma_wait3A_259 = tpu.memref_slice %arg15[%dma_wait3A_257, %dma_wait3A_258] : memref<10240x128xf32, #tpu.memory_space<vmem_shared>> -> memref<128x128xf32, #tpu.memory_space<vmem_shared>>
        tpu.wait_dma2 semaphore(%arg19 : memref<!tpu.dma_semaphore, #tpu.memory_space<semaphore_mem>>) src(%arg14 : memref<128x128xf32, #tpu.memory_space<vmem>>) dst(%dma_wait3A_259 : memref<128x128xf32, #tpu.memory_space<vmem_shared>>)
        %dma_start3A_260 = arith.constant 7 : i32
        %dma_start3A_261 = arith.constant 0 : i32
        %dma_start3A_262 = tpu.memref_slice %arg9[%dma_start3A_260, %dma_start3A_261] : memref<8x128xi32, #tpu.memory_space<vmem>> -> memref<1x128xi32, #tpu.memory_space<vmem>>
        %dma_start3A_263 = tpu.memref_squeeze %dma_start3A_262 : memref<1x128xi32, #tpu.memory_space<vmem>> -> memref<128xi32, #tpu.memory_space<vmem>>
        %dma_start3A_264 = arith.constant 0 : i32
        %dma_start3A_265 = arith.constant 0 : i32
        %dma_start3A_266 = tpu.memref_slice %arg2[%dma_start3A_264, %dma_start3A_265] : memref<10000x128xf32, #tpu.memory_space<hbm>> -> memref<10000x128xf32, #tpu.memory_space<hbm>>
        tpu.enqueue_indirect_dma source(%dma_start3A_266 : memref<10000x128xf32, #tpu.memory_space<hbm>>) target(%arg14 : memref<128x128xf32, #tpu.memory_space<vmem>>) offsets(%dma_start3A_263 : memref<128xi32, #tpu.memory_space<vmem>>) semaphore(%arg17 : memref<!tpu.dma_semaphore, #tpu.memory_space<semaphore_mem>>)
        %dma_wait3A_267 = arith.constant 0 : i32
        %dma_wait3A_268 = arith.constant 0 : i32
        %dma_wait3A_269 = tpu.memref_slice %arg2[%dma_wait3A_267, %dma_wait3A_268] : memref<10000x128xf32, #tpu.memory_space<hbm>> -> memref<128x128xf32, #tpu.memory_space<hbm>>
        %dma_wait3A_270 = arith.constant 0 : i32
        %dma_wait3A_271 = arith.constant 0 : i32
        %dma_wait3A_272 = tpu.memref_slice %arg2[%dma_wait3A_270, %dma_wait3A_271] : memref<10000x128xf32, #tpu.memory_space<hbm>> -> memref<128x128xf32, #tpu.memory_space<hbm>>
        tpu.wait_dma2 semaphore(%arg17 : memref<!tpu.dma_semaphore, #tpu.memory_space<semaphore_mem>>) src(%dma_wait3A_272 : memref<128x128xf32, #tpu.memory_space<hbm>>) dst(%arg14 : memref<128x128xf32, #tpu.memory_space<vmem>>)
        %dma_start3A_273 = arith.constant 7 : i32
        %dma_start3A_274 = arith.constant 0 : i32
        %dma_start3A_275 = tpu.memref_slice %arg11[%dma_start3A_273, %dma_start3A_274] : memref<8x128xi32, #tpu.memory_space<vmem>> -> memref<1x128xi32, #tpu.memory_space<vmem>>
        %dma_start3A_276 = tpu.memref_squeeze %dma_start3A_275 : memref<1x128xi32, #tpu.memory_space<vmem>> -> memref<128xi32, #tpu.memory_space<vmem>>
        %dma_start3A_277 = arith.constant 0 : i32
        %dma_start3A_278 = arith.constant 0 : i32
        %dma_start3A_279 = tpu.memref_slice %arg15[%dma_start3A_277, %dma_start3A_278] : memref<10240x128xf32, #tpu.memory_space<vmem_shared>> -> memref<10240x128xf32, #tpu.memory_space<vmem_shared>>
        tpu.enqueue_indirect_dma source(%arg14 : memref<128x128xf32, #tpu.memory_space<vmem>>) target(%dma_start3A_279 : memref<10240x128xf32, #tpu.memory_space<vmem_shared>>) offsets(%dma_start3A_276 : memref<128xi32, #tpu.memory_space<vmem>>) semaphore(%arg19 : memref<!tpu.dma_semaphore, #tpu.memory_space<semaphore_mem>>) {add = true}
        %dma_wait3A_280 = arith.constant 0 : i32
        %dma_wait3A_281 = arith.constant 0 : i32
        %dma_wait3A_282 = tpu.memref_slice %arg15[%dma_wait3A_280, %dma_wait3A_281] : memref<10240x128xf32, #tpu.memory_space<vmem_shared>> -> memref<128x128xf32, #tpu.memory_space<vmem_shared>>
        %dma_wait3A_283 = arith.constant 0 : i32
        %dma_wait3A_284 = arith.constant 0 : i32
        %dma_wait3A_285 = tpu.memref_slice %arg15[%dma_wait3A_283, %dma_wait3A_284] : memref<10240x128xf32, #tpu.memory_space<vmem_shared>> -> memref<128x128xf32, #tpu.memory_space<vmem_shared>>
        tpu.wait_dma2 semaphore(%arg18 : memref<!tpu.dma_semaphore, #tpu.memory_space<semaphore_mem>>) src(%arg13 : memref<128x128xf32, #tpu.memory_space<vmem>>) dst(%dma_wait3A_285 : memref<128x128xf32, #tpu.memory_space<vmem_shared>>)
        %lt3A_286 = arith.constant 9 : i32
        %lt3A_287 = arith.cmpi slt, %scan3A_43, %lt3A_286 : i32
        %convert_element_type3A_288 = arith.extui %lt3A_287 : i1 to i32
        %cond3A_289 = arith.constant 0 : i32
        %cond3A_290 = arith.cmpi ne, %convert_element_type3A_288, %cond3A_289 : i32
        scf.if %cond3A_290 {
          %dma_start3A_291 = arith.constant 0 : i32
          %dma_start3A_292 = arith.constant 0 : i32
          %dma_start3A_293 = tpu.memref_slice %arg10[%dma_start3A_291, %dma_start3A_292] : memref<8x128xi32, #tpu.memory_space<vmem>> -> memref<1x128xi32, #tpu.memory_space<vmem>>
          %dma_start3A_294 = tpu.memref_squeeze %dma_start3A_293 : memref<1x128xi32, #tpu.memory_space<vmem>> -> memref<128xi32, #tpu.memory_space<vmem>>
          %dma_start3A_295 = arith.constant 0 : i32
          %dma_start3A_296 = arith.constant 0 : i32
          %dma_start3A_297 = tpu.memref_slice %arg2[%dma_start3A_295, %dma_start3A_296] : memref<10000x128xf32, #tpu.memory_space<hbm>> -> memref<10000x128xf32, #tpu.memory_space<hbm>>
          tpu.enqueue_indirect_dma source(%dma_start3A_297 : memref<10000x128xf32, #tpu.memory_space<hbm>>) target(%arg13 : memref<128x128xf32, #tpu.memory_space<vmem>>) offsets(%dma_start3A_294 : memref<128xi32, #tpu.memory_space<vmem>>) semaphore(%arg16 : memref<!tpu.dma_semaphore, #tpu.memory_space<semaphore_mem>>)
        } else {
        }
      } else {
      }
      %jit3A_56 = arith.constant 2 : i32
      %eq3A_57 = arith.constant 0 : i32
      %eq3A_58 = arith.cmpi eq, %jit3A_56, %eq3A_57 : i32
      %jit3A_59 = arith.constant 1 : i32
      %select_n3A_60 = arith.select %eq3A_58, %jit3A_59, %jit3A_56 : i32
      %rem3A_61 = arith.remsi %scan3A_43, %select_n3A_60 : i32
      %ne3A_62 = arith.constant 0 : i32
      %ne3A_63 = arith.cmpi ne, %rem3A_61, %ne3A_62 : i32
      %lt3A_64 = arith.constant 0 : i32
      %lt3A_65 = arith.cmpi slt, %rem3A_61, %lt3A_64 : i32
      %lt3A_66 = arith.constant 0 : i32
      %lt3A_67 = arith.cmpi slt, %select_n3A_60, %lt3A_66 : i32
      %ne3A_68 = arith.xori %lt3A_65, %lt3A_67 : i1
      %and3A_69 = arith.andi %ne3A_68, %ne3A_63 : i1
      %add3A_70 = arith.addi %rem3A_61, %select_n3A_60 : i32
      %select_n3A_71 = arith.select %and3A_69, %add3A_70, %rem3A_61 : i32
      %eq3A_72 = arith.constant 1 : i32
      %eq3A_73 = arith.cmpi eq, %select_n3A_71, %eq3A_72 : i32
      %convert_element_type3A_74 = arith.extui %eq3A_73 : i1 to i32
      %cond3A_75 = arith.constant 0 : i32
      %cond3A_76 = arith.cmpi ne, %convert_element_type3A_74, %cond3A_75 : i32
      scf.if %cond3A_76 {
        %lt3A_77 = arith.constant 9 : i32
        %lt3A_78 = arith.cmpi slt, %scan3A_43, %lt3A_77 : i32
        %convert_element_type3A_79 = arith.extui %lt3A_78 : i1 to i32
        %cond3A_80 = arith.constant 0 : i32
        %cond3A_81 = arith.cmpi ne, %convert_element_type3A_79, %cond3A_80 : i32
        scf.if %cond3A_81 {
          %add3A_291 = arith.constant 1 : i32
          %add3A_292 = arith.addi %scan3A_43, %add3A_291 : i32
          %mul3A_293 = arith.constant 8 : i32
          %mul3A_294 = arith.muli %add3A_292, %mul3A_293 : i32
          %add3A_295 = arith.addi %mul3A_4, %mul3A_294 : i32
          "tpu.region"() ({
            %run_scoped3A = tpu.sem_alloc : memref<!tpu.dma_semaphore, #tpu.memory_space<semaphore_mem>>
            %dma_start3A_296 = arith.constant 0 : i32
            %dma_start3A_297 = tpu.memref_slice %arg3[%add3A_295, %dma_start3A_296] : memref<2560x128xi32, #tpu.memory_space<hbm>> -> memref<8x128xi32, #tpu.memory_space<hbm>>
            %dma_start3A_298 = arith.constant 0 : i32
            %dma_start3A_299 = tpu.memref_slice %arg3[%add3A_295, %dma_start3A_298] : memref<2560x128xi32, #tpu.memory_space<hbm>> -> memref<8x128xi32, #tpu.memory_space<hbm>>
            tpu.enqueue_dma source(%dma_start3A_299 : memref<8x128xi32, #tpu.memory_space<hbm>>) target(%arg9 : memref<8x128xi32, #tpu.memory_space<vmem>>) target_semaphore(%run_scoped3A : memref<!tpu.dma_semaphore, #tpu.memory_space<semaphore_mem>>)
            %dma_wait3A_300 = arith.constant 0 : i32
            %dma_wait3A_301 = tpu.memref_slice %arg3[%add3A_295, %dma_wait3A_300] : memref<2560x128xi32, #tpu.memory_space<hbm>> -> memref<8x128xi32, #tpu.memory_space<hbm>>
            %dma_wait3A_302 = arith.constant 0 : i32
            %dma_wait3A_303 = tpu.memref_slice %arg3[%add3A_295, %dma_wait3A_302] : memref<2560x128xi32, #tpu.memory_space<hbm>> -> memref<8x128xi32, #tpu.memory_space<hbm>>
            tpu.wait_dma2 semaphore(%run_scoped3A : memref<!tpu.dma_semaphore, #tpu.memory_space<semaphore_mem>>) src(%dma_wait3A_303 : memref<8x128xi32, #tpu.memory_space<hbm>>) dst(%arg9 : memref<8x128xi32, #tpu.memory_space<vmem>>)
            tpu.yield
          }) : () -> ()
        } else {
        }
        %dma_wait3A_82 = arith.constant 0 : i32
        %dma_wait3A_83 = arith.constant 0 : i32
        %dma_wait3A_84 = tpu.memref_slice %arg2[%dma_wait3A_82, %dma_wait3A_83] : memref<10000x128xf32, #tpu.memory_space<hbm>> -> memref<128x128xf32, #tpu.memory_space<hbm>>
        %dma_wait3A_85 = arith.constant 0 : i32
        %dma_wait3A_86 = arith.constant 0 : i32
        %dma_wait3A_87 = tpu.memref_slice %arg2[%dma_wait3A_85, %dma_wait3A_86] : memref<10000x128xf32, #tpu.memory_space<hbm>> -> memref<128x128xf32, #tpu.memory_space<hbm>>
        tpu.wait_dma2 semaphore(%arg16 : memref<!tpu.dma_semaphore, #tpu.memory_space<semaphore_mem>>) src(%dma_wait3A_87 : memref<128x128xf32, #tpu.memory_space<hbm>>) dst(%arg13 : memref<128x128xf32, #tpu.memory_space<vmem>>)
        %dma_start3A_88 = arith.constant 0 : i32
        %dma_start3A_89 = arith.constant 0 : i32
        %dma_start3A_90 = tpu.memref_slice %arg12[%dma_start3A_88, %dma_start3A_89] : memref<8x128xi32, #tpu.memory_space<vmem>> -> memref<1x128xi32, #tpu.memory_space<vmem>>
        %dma_start3A_91 = tpu.memref_squeeze %dma_start3A_90 : memref<1x128xi32, #tpu.memory_space<vmem>> -> memref<128xi32, #tpu.memory_space<vmem>>
        %dma_start3A_92 = arith.constant 0 : i32
        %dma_start3A_93 = arith.constant 0 : i32
        %dma_start3A_94 = tpu.memref_slice %arg15[%dma_start3A_92, %dma_start3A_93] : memref<10240x128xf32, #tpu.memory_space<vmem_shared>> -> memref<10240x128xf32, #tpu.memory_space<vmem_shared>>
        tpu.enqueue_indirect_dma source(%arg13 : memref<128x128xf32, #tpu.memory_space<vmem>>) target(%dma_start3A_94 : memref<10240x128xf32, #tpu.memory_space<vmem_shared>>) offsets(%dma_start3A_91 : memref<128xi32, #tpu.memory_space<vmem>>) semaphore(%arg18 : memref<!tpu.dma_semaphore, #tpu.memory_space<semaphore_mem>>) {add = true}
        %gt3A = arith.constant 0 : i32
        %gt3A_95 = arith.cmpi sgt, %scan3A_43, %gt3A : i32
        %convert_element_type3A_96 = arith.extui %gt3A_95 : i1 to i32
        %cond3A_97 = arith.constant 0 : i32
        %cond3A_98 = arith.cmpi ne, %convert_element_type3A_96, %cond3A_97 : i32
        scf.if %cond3A_98 {
          %dma_wait3A_291 = arith.constant 0 : i32
          %dma_wait3A_292 = arith.constant 0 : i32
          %dma_wait3A_293 = tpu.memref_slice %arg15[%dma_wait3A_291, %dma_wait3A_292] : memref<10240x128xf32, #tpu.memory_space<vmem_shared>> -> memref<128x128xf32, #tpu.memory_space<vmem_shared>>
          %dma_wait3A_294 = arith.constant 0 : i32
          %dma_wait3A_295 = arith.constant 0 : i32
          %dma_wait3A_296 = tpu.memref_slice %arg15[%dma_wait3A_294, %dma_wait3A_295] : memref<10240x128xf32, #tpu.memory_space<vmem_shared>> -> memref<128x128xf32, #tpu.memory_space<vmem_shared>>
          tpu.wait_dma2 semaphore(%arg19 : memref<!tpu.dma_semaphore, #tpu.memory_space<semaphore_mem>>) src(%arg14 : memref<128x128xf32, #tpu.memory_space<vmem>>) dst(%dma_wait3A_296 : memref<128x128xf32, #tpu.memory_space<vmem_shared>>)
        } else {
        }
        %lt3A_99 = arith.constant 9 : i32
        %lt3A_100 = arith.cmpi slt, %scan3A_43, %lt3A_99 : i32
        %convert_element_type3A_101 = arith.extui %lt3A_100 : i1 to i32
        %cond3A_102 = arith.constant 0 : i32
        %cond3A_103 = arith.cmpi ne, %convert_element_type3A_101, %cond3A_102 : i32
        scf.if %cond3A_103 {
          %add3A_291 = arith.constant 1 : i32
          %add3A_292 = arith.addi %scan3A_43, %add3A_291 : i32
          %mul3A_293 = arith.constant 8 : i32
          %mul3A_294 = arith.muli %add3A_292, %mul3A_293 : i32
          %add3A_295 = arith.addi %mul3A_4, %mul3A_294 : i32
          "tpu.region"() ({
            %run_scoped3A = tpu.sem_alloc : memref<!tpu.dma_semaphore, #tpu.memory_space<semaphore_mem>>
            %dma_start3A_296 = arith.constant 0 : i32
            %dma_start3A_297 = tpu.memref_slice %arg4[%add3A_295, %dma_start3A_296] : memref<2560x128xi32, #tpu.memory_space<hbm>> -> memref<8x128xi32, #tpu.memory_space<hbm>>
            %dma_start3A_298 = arith.constant 0 : i32
            %dma_start3A_299 = tpu.memref_slice %arg4[%add3A_295, %dma_start3A_298] : memref<2560x128xi32, #tpu.memory_space<hbm>> -> memref<8x128xi32, #tpu.memory_space<hbm>>
            tpu.enqueue_dma source(%dma_start3A_299 : memref<8x128xi32, #tpu.memory_space<hbm>>) target(%arg11 : memref<8x128xi32, #tpu.memory_space<vmem>>) target_semaphore(%run_scoped3A : memref<!tpu.dma_semaphore, #tpu.memory_space<semaphore_mem>>)
            %dma_wait3A_300 = arith.constant 0 : i32
            %dma_wait3A_301 = tpu.memref_slice %arg4[%add3A_295, %dma_wait3A_300] : memref<2560x128xi32, #tpu.memory_space<hbm>> -> memref<8x128xi32, #tpu.memory_space<hbm>>
            %dma_wait3A_302 = arith.constant 0 : i32
            %dma_wait3A_303 = tpu.memref_slice %arg4[%add3A_295, %dma_wait3A_302] : memref<2560x128xi32, #tpu.memory_space<hbm>> -> memref<8x128xi32, #tpu.memory_space<hbm>>
            tpu.wait_dma2 semaphore(%run_scoped3A : memref<!tpu.dma_semaphore, #tpu.memory_space<semaphore_mem>>) src(%dma_wait3A_303 : memref<8x128xi32, #tpu.memory_space<hbm>>) dst(%arg11 : memref<8x128xi32, #tpu.memory_space<vmem>>)
            tpu.yield
          }) : () -> ()
        } else {
        }
        %dma_start3A_104 = arith.constant 1 : i32
        %dma_start3A_105 = arith.constant 0 : i32
        %dma_start3A_106 = tpu.memref_slice %arg10[%dma_start3A_104, %dma_start3A_105] : memref<8x128xi32, #tpu.memory_space<vmem>> -> memref<1x128xi32, #tpu.memory_space<vmem>>
        %dma_start3A_107 = tpu.memref_squeeze %dma_start3A_106 : memref<1x128xi32, #tpu.memory_space<vmem>> -> memref<128xi32, #tpu.memory_space<vmem>>
        %dma_start3A_108 = arith.constant 0 : i32
        %dma_start3A_109 = arith.constant 0 : i32
        %dma_start3A_110 = tpu.memref_slice %arg2[%dma_start3A_108, %dma_start3A_109] : memref<10000x128xf32, #tpu.memory_space<hbm>> -> memref<10000x128xf32, #tpu.memory_space<hbm>>
        tpu.enqueue_indirect_dma source(%dma_start3A_110 : memref<10000x128xf32, #tpu.memory_space<hbm>>) target(%arg14 : memref<128x128xf32, #tpu.memory_space<vmem>>) offsets(%dma_start3A_107 : memref<128xi32, #tpu.memory_space<vmem>>) semaphore(%arg17 : memref<!tpu.dma_semaphore, #tpu.memory_space<semaphore_mem>>)
        %dma_wait3A_111 = arith.constant 0 : i32
        %dma_wait3A_112 = arith.constant 0 : i32
        %dma_wait3A_113 = tpu.memref_slice %arg2[%dma_wait3A_111, %dma_wait3A_112] : memref<10000x128xf32, #tpu.memory_space<hbm>> -> memref<128x128xf32, #tpu.memory_space<hbm>>
        %dma_wait3A_114 = arith.constant 0 : i32
        %dma_wait3A_115 = arith.constant 0 : i32
        %dma_wait3A_116 = tpu.memref_slice %arg2[%dma_wait3A_114, %dma_wait3A_115] : memref<10000x128xf32, #tpu.memory_space<hbm>> -> memref<128x128xf32, #tpu.memory_space<hbm>>
        tpu.wait_dma2 semaphore(%arg17 : memref<!tpu.dma_semaphore, #tpu.memory_space<semaphore_mem>>) src(%dma_wait3A_116 : memref<128x128xf32, #tpu.memory_space<hbm>>) dst(%arg14 : memref<128x128xf32, #tpu.memory_space<vmem>>)
        %dma_start3A_117 = arith.constant 1 : i32
        %dma_start3A_118 = arith.constant 0 : i32
        %dma_start3A_119 = tpu.memref_slice %arg12[%dma_start3A_117, %dma_start3A_118] : memref<8x128xi32, #tpu.memory_space<vmem>> -> memref<1x128xi32, #tpu.memory_space<vmem>>
        %dma_start3A_120 = tpu.memref_squeeze %dma_start3A_119 : memref<1x128xi32, #tpu.memory_space<vmem>> -> memref<128xi32, #tpu.memory_space<vmem>>
        %dma_start3A_121 = arith.constant 0 : i32
        %dma_start3A_122 = arith.constant 0 : i32
        %dma_start3A_123 = tpu.memref_slice %arg15[%dma_start3A_121, %dma_start3A_122] : memref<10240x128xf32, #tpu.memory_space<vmem_shared>> -> memref<10240x128xf32, #tpu.memory_space<vmem_shared>>
        tpu.enqueue_indirect_dma source(%arg14 : memref<128x128xf32, #tpu.memory_space<vmem>>) target(%dma_start3A_123 : memref<10240x128xf32, #tpu.memory_space<vmem_shared>>) offsets(%dma_start3A_120 : memref<128xi32, #tpu.memory_space<vmem>>) semaphore(%arg19 : memref<!tpu.dma_semaphore, #tpu.memory_space<semaphore_mem>>) {add = true}
        %dma_wait3A_124 = arith.constant 0 : i32
        %dma_wait3A_125 = arith.constant 0 : i32
        %dma_wait3A_126 = tpu.memref_slice %arg15[%dma_wait3A_124, %dma_wait3A_125] : memref<10240x128xf32, #tpu.memory_space<vmem_shared>> -> memref<128x128xf32, #tpu.memory_space<vmem_shared>>
        %dma_wait3A_127 = arith.constant 0 : i32
        %dma_wait3A_128 = arith.constant 0 : i32
        %dma_wait3A_129 = tpu.memref_slice %arg15[%dma_wait3A_127, %dma_wait3A_128] : memref<10240x128xf32, #tpu.memory_space<vmem_shared>> -> memref<128x128xf32, #tpu.memory_space<vmem_shared>>
        tpu.wait_dma2 semaphore(%arg18 : memref<!tpu.dma_semaphore, #tpu.memory_space<semaphore_mem>>) src(%arg13 : memref<128x128xf32, #tpu.memory_space<vmem>>) dst(%dma_wait3A_129 : memref<128x128xf32, #tpu.memory_space<vmem_shared>>)
        %dma_start3A_130 = arith.constant 2 : i32
        %dma_start3A_131 = arith.constant 0 : i32
        %dma_start3A_132 = tpu.memref_slice %arg10[%dma_start3A_130, %dma_start3A_131] : memref<8x128xi32, #tpu.memory_space<vmem>> -> memref<1x128xi32, #tpu.memory_space<vmem>>
        %dma_start3A_133 = tpu.memref_squeeze %dma_start3A_132 : memref<1x128xi32, #tpu.memory_space<vmem>> -> memref<128xi32, #tpu.memory_space<vmem>>
        %dma_start3A_134 = arith.constant 0 : i32
        %dma_start3A_135 = arith.constant 0 : i32
        %dma_start3A_136 = tpu.memref_slice %arg2[%dma_start3A_134, %dma_start3A_135] : memref<10000x128xf32, #tpu.memory_space<hbm>> -> memref<10000x128xf32, #tpu.memory_space<hbm>>
        tpu.enqueue_indirect_dma source(%dma_start3A_136 : memref<10000x128xf32, #tpu.memory_space<hbm>>) target(%arg13 : memref<128x128xf32, #tpu.memory_space<vmem>>) offsets(%dma_start3A_133 : memref<128xi32, #tpu.memory_space<vmem>>) semaphore(%arg16 : memref<!tpu.dma_semaphore, #tpu.memory_space<semaphore_mem>>)
        %dma_wait3A_137 = arith.constant 0 : i32
        %dma_wait3A_138 = arith.constant 0 : i32
        %dma_wait3A_139 = tpu.memref_slice %arg2[%dma_wait3A_137, %dma_wait3A_138] : memref<10000x128xf32, #tpu.memory_space<hbm>> -> memref<128x128xf32, #tpu.memory_space<hbm>>
        %dma_wait3A_140 = arith.constant 0 : i32
        %dma_wait3A_141 = arith.constant 0 : i32
        %dma_wait3A_142 = tpu.memref_slice %arg2[%dma_wait3A_140, %dma_wait3A_141] : memref<10000x128xf32, #tpu.memory_space<hbm>> -> memref<128x128xf32, #tpu.memory_space<hbm>>
        tpu.wait_dma2 semaphore(%arg16 : memref<!tpu.dma_semaphore, #tpu.memory_space<semaphore_mem>>) src(%dma_wait3A_142 : memref<128x128xf32, #tpu.memory_space<hbm>>) dst(%arg13 : memref<128x128xf32, #tpu.memory_space<vmem>>)
        %dma_start3A_143 = arith.constant 2 : i32
        %dma_start3A_144 = arith.constant 0 : i32
        %dma_start3A_145 = tpu.memref_slice %arg12[%dma_start3A_143, %dma_start3A_144] : memref<8x128xi32, #tpu.memory_space<vmem>> -> memref<1x128xi32, #tpu.memory_space<vmem>>
        %dma_start3A_146 = tpu.memref_squeeze %dma_start3A_145 : memref<1x128xi32, #tpu.memory_space<vmem>> -> memref<128xi32, #tpu.memory_space<vmem>>
        %dma_start3A_147 = arith.constant 0 : i32
        %dma_start3A_148 = arith.constant 0 : i32
        %dma_start3A_149 = tpu.memref_slice %arg15[%dma_start3A_147, %dma_start3A_148] : memref<10240x128xf32, #tpu.memory_space<vmem_shared>> -> memref<10240x128xf32, #tpu.memory_space<vmem_shared>>
        tpu.enqueue_indirect_dma source(%arg13 : memref<128x128xf32, #tpu.memory_space<vmem>>) target(%dma_start3A_149 : memref<10240x128xf32, #tpu.memory_space<vmem_shared>>) offsets(%dma_start3A_146 : memref<128xi32, #tpu.memory_space<vmem>>) semaphore(%arg18 : memref<!tpu.dma_semaphore, #tpu.memory_space<semaphore_mem>>) {add = true}
        %dma_wait3A_150 = arith.constant 0 : i32
        %dma_wait3A_151 = arith.constant 0 : i32
        %dma_wait3A_152 = tpu.memref_slice %arg15[%dma_wait3A_150, %dma_wait3A_151] : memref<10240x128xf32, #tpu.memory_space<vmem_shared>> -> memref<128x128xf32, #tpu.memory_space<vmem_shared>>
        %dma_wait3A_153 = arith.constant 0 : i32
        %dma_wait3A_154 = arith.constant 0 : i32
        %dma_wait3A_155 = tpu.memref_slice %arg15[%dma_wait3A_153, %dma_wait3A_154] : memref<10240x128xf32, #tpu.memory_space<vmem_shared>> -> memref<128x128xf32, #tpu.memory_space<vmem_shared>>
        tpu.wait_dma2 semaphore(%arg19 : memref<!tpu.dma_semaphore, #tpu.memory_space<semaphore_mem>>) src(%arg14 : memref<128x128xf32, #tpu.memory_space<vmem>>) dst(%dma_wait3A_155 : memref<128x128xf32, #tpu.memory_space<vmem_shared>>)
        %dma_start3A_156 = arith.constant 3 : i32
        %dma_start3A_157 = arith.constant 0 : i32
        %dma_start3A_158 = tpu.memref_slice %arg10[%dma_start3A_156, %dma_start3A_157] : memref<8x128xi32, #tpu.memory_space<vmem>> -> memref<1x128xi32, #tpu.memory_space<vmem>>
        %dma_start3A_159 = tpu.memref_squeeze %dma_start3A_158 : memref<1x128xi32, #tpu.memory_space<vmem>> -> memref<128xi32, #tpu.memory_space<vmem>>
        %dma_start3A_160 = arith.constant 0 : i32
        %dma_start3A_161 = arith.constant 0 : i32
        %dma_start3A_162 = tpu.memref_slice %arg2[%dma_start3A_160, %dma_start3A_161] : memref<10000x128xf32, #tpu.memory_space<hbm>> -> memref<10000x128xf32, #tpu.memory_space<hbm>>
        tpu.enqueue_indirect_dma source(%dma_start3A_162 : memref<10000x128xf32, #tpu.memory_space<hbm>>) target(%arg14 : memref<128x128xf32, #tpu.memory_space<vmem>>) offsets(%dma_start3A_159 : memref<128xi32, #tpu.memory_space<vmem>>) semaphore(%arg17 : memref<!tpu.dma_semaphore, #tpu.memory_space<semaphore_mem>>)
        %dma_wait3A_163 = arith.constant 0 : i32
        %dma_wait3A_164 = arith.constant 0 : i32
        %dma_wait3A_165 = tpu.memref_slice %arg2[%dma_wait3A_163, %dma_wait3A_164] : memref<10000x128xf32, #tpu.memory_space<hbm>> -> memref<128x128xf32, #tpu.memory_space<hbm>>
        %dma_wait3A_166 = arith.constant 0 : i32
        %dma_wait3A_167 = arith.constant 0 : i32
        %dma_wait3A_168 = tpu.memref_slice %arg2[%dma_wait3A_166, %dma_wait3A_167] : memref<10000x128xf32, #tpu.memory_space<hbm>> -> memref<128x128xf32, #tpu.memory_space<hbm>>
        tpu.wait_dma2 semaphore(%arg17 : memref<!tpu.dma_semaphore, #tpu.memory_space<semaphore_mem>>) src(%dma_wait3A_168 : memref<128x128xf32, #tpu.memory_space<hbm>>) dst(%arg14 : memref<128x128xf32, #tpu.memory_space<vmem>>)
        %dma_start3A_169 = arith.constant 3 : i32
        %dma_start3A_170 = arith.constant 0 : i32
        %dma_start3A_171 = tpu.memref_slice %arg12[%dma_start3A_169, %dma_start3A_170] : memref<8x128xi32, #tpu.memory_space<vmem>> -> memref<1x128xi32, #tpu.memory_space<vmem>>
        %dma_start3A_172 = tpu.memref_squeeze %dma_start3A_171 : memref<1x128xi32, #tpu.memory_space<vmem>> -> memref<128xi32, #tpu.memory_space<vmem>>
        %dma_start3A_173 = arith.constant 0 : i32
        %dma_start3A_174 = arith.constant 0 : i32
        %dma_start3A_175 = tpu.memref_slice %arg15[%dma_start3A_173, %dma_start3A_174] : memref<10240x128xf32, #tpu.memory_space<vmem_shared>> -> memref<10240x128xf32, #tpu.memory_space<vmem_shared>>
        tpu.enqueue_indirect_dma source(%arg14 : memref<128x128xf32, #tpu.memory_space<vmem>>) target(%dma_start3A_175 : memref<10240x128xf32, #tpu.memory_space<vmem_shared>>) offsets(%dma_start3A_172 : memref<128xi32, #tpu.memory_space<vmem>>) semaphore(%arg19 : memref<!tpu.dma_semaphore, #tpu.memory_space<semaphore_mem>>) {add = true}
        %dma_wait3A_176 = arith.constant 0 : i32
        %dma_wait3A_177 = arith.constant 0 : i32
        %dma_wait3A_178 = tpu.memref_slice %arg15[%dma_wait3A_176, %dma_wait3A_177] : memref<10240x128xf32, #tpu.memory_space<vmem_shared>> -> memref<128x128xf32, #tpu.memory_space<vmem_shared>>
        %dma_wait3A_179 = arith.constant 0 : i32
        %dma_wait3A_180 = arith.constant 0 : i32
        %dma_wait3A_181 = tpu.memref_slice %arg15[%dma_wait3A_179, %dma_wait3A_180] : memref<10240x128xf32, #tpu.memory_space<vmem_shared>> -> memref<128x128xf32, #tpu.memory_space<vmem_shared>>
        tpu.wait_dma2 semaphore(%arg18 : memref<!tpu.dma_semaphore, #tpu.memory_space<semaphore_mem>>) src(%arg13 : memref<128x128xf32, #tpu.memory_space<vmem>>) dst(%dma_wait3A_181 : memref<128x128xf32, #tpu.memory_space<vmem_shared>>)
        %dma_start3A_182 = arith.constant 4 : i32
        %dma_start3A_183 = arith.constant 0 : i32
        %dma_start3A_184 = tpu.memref_slice %arg10[%dma_start3A_182, %dma_start3A_183] : memref<8x128xi32, #tpu.memory_space<vmem>> -> memref<1x128xi32, #tpu.memory_space<vmem>>
        %dma_start3A_185 = tpu.memref_squeeze %dma_start3A_184 : memref<1x128xi32, #tpu.memory_space<vmem>> -> memref<128xi32, #tpu.memory_space<vmem>>
        %dma_start3A_186 = arith.constant 0 : i32
        %dma_start3A_187 = arith.constant 0 : i32
        %dma_start3A_188 = tpu.memref_slice %arg2[%dma_start3A_186, %dma_start3A_187] : memref<10000x128xf32, #tpu.memory_space<hbm>> -> memref<10000x128xf32, #tpu.memory_space<hbm>>
        tpu.enqueue_indirect_dma source(%dma_start3A_188 : memref<10000x128xf32, #tpu.memory_space<hbm>>) target(%arg13 : memref<128x128xf32, #tpu.memory_space<vmem>>) offsets(%dma_start3A_185 : memref<128xi32, #tpu.memory_space<vmem>>) semaphore(%arg16 : memref<!tpu.dma_semaphore, #tpu.memory_space<semaphore_mem>>)
        %dma_wait3A_189 = arith.constant 0 : i32
        %dma_wait3A_190 = arith.constant 0 : i32
        %dma_wait3A_191 = tpu.memref_slice %arg2[%dma_wait3A_189, %dma_wait3A_190] : memref<10000x128xf32, #tpu.memory_space<hbm>> -> memref<128x128xf32, #tpu.memory_space<hbm>>
        %dma_wait3A_192 = arith.constant 0 : i32
        %dma_wait3A_193 = arith.constant 0 : i32
        %dma_wait3A_194 = tpu.memref_slice %arg2[%dma_wait3A_192, %dma_wait3A_193] : memref<10000x128xf32, #tpu.memory_space<hbm>> -> memref<128x128xf32, #tpu.memory_space<hbm>>
        tpu.wait_dma2 semaphore(%arg16 : memref<!tpu.dma_semaphore, #tpu.memory_space<semaphore_mem>>) src(%dma_wait3A_194 : memref<128x128xf32, #tpu.memory_space<hbm>>) dst(%arg13 : memref<128x128xf32, #tpu.memory_space<vmem>>)
        %dma_start3A_195 = arith.constant 4 : i32
        %dma_start3A_196 = arith.constant 0 : i32
        %dma_start3A_197 = tpu.memref_slice %arg12[%dma_start3A_195, %dma_start3A_196] : memref<8x128xi32, #tpu.memory_space<vmem>> -> memref<1x128xi32, #tpu.memory_space<vmem>>
        %dma_start3A_198 = tpu.memref_squeeze %dma_start3A_197 : memref<1x128xi32, #tpu.memory_space<vmem>> -> memref<128xi32, #tpu.memory_space<vmem>>
        %dma_start3A_199 = arith.constant 0 : i32
        %dma_start3A_200 = arith.constant 0 : i32
        %dma_start3A_201 = tpu.memref_slice %arg15[%dma_start3A_199, %dma_start3A_200] : memref<10240x128xf32, #tpu.memory_space<vmem_shared>> -> memref<10240x128xf32, #tpu.memory_space<vmem_shared>>
        tpu.enqueue_indirect_dma source(%arg13 : memref<128x128xf32, #tpu.memory_space<vmem>>) target(%dma_start3A_201 : memref<10240x128xf32, #tpu.memory_space<vmem_shared>>) offsets(%dma_start3A_198 : memref<128xi32, #tpu.memory_space<vmem>>) semaphore(%arg18 : memref<!tpu.dma_semaphore, #tpu.memory_space<semaphore_mem>>) {add = true}
        %dma_wait3A_202 = arith.constant 0 : i32
        %dma_wait3A_203 = arith.constant 0 : i32
        %dma_wait3A_204 = tpu.memref_slice %arg15[%dma_wait3A_202, %dma_wait3A_203] : memref<10240x128xf32, #tpu.memory_space<vmem_shared>> -> memref<128x128xf32, #tpu.memory_space<vmem_shared>>
        %dma_wait3A_205 = arith.constant 0 : i32
        %dma_wait3A_206 = arith.constant 0 : i32
        %dma_wait3A_207 = tpu.memref_slice %arg15[%dma_wait3A_205, %dma_wait3A_206] : memref<10240x128xf32, #tpu.memory_space<vmem_shared>> -> memref<128x128xf32, #tpu.memory_space<vmem_shared>>
        tpu.wait_dma2 semaphore(%arg19 : memref<!tpu.dma_semaphore, #tpu.memory_space<semaphore_mem>>) src(%arg14 : memref<128x128xf32, #tpu.memory_space<vmem>>) dst(%dma_wait3A_207 : memref<128x128xf32, #tpu.memory_space<vmem_shared>>)
        %dma_start3A_208 = arith.constant 5 : i32
        %dma_start3A_209 = arith.constant 0 : i32
        %dma_start3A_210 = tpu.memref_slice %arg10[%dma_start3A_208, %dma_start3A_209] : memref<8x128xi32, #tpu.memory_space<vmem>> -> memref<1x128xi32, #tpu.memory_space<vmem>>
        %dma_start3A_211 = tpu.memref_squeeze %dma_start3A_210 : memref<1x128xi32, #tpu.memory_space<vmem>> -> memref<128xi32, #tpu.memory_space<vmem>>
        %dma_start3A_212 = arith.constant 0 : i32
        %dma_start3A_213 = arith.constant 0 : i32
        %dma_start3A_214 = tpu.memref_slice %arg2[%dma_start3A_212, %dma_start3A_213] : memref<10000x128xf32, #tpu.memory_space<hbm>> -> memref<10000x128xf32, #tpu.memory_space<hbm>>
        tpu.enqueue_indirect_dma source(%dma_start3A_214 : memref<10000x128xf32, #tpu.memory_space<hbm>>) target(%arg14 : memref<128x128xf32, #tpu.memory_space<vmem>>) offsets(%dma_start3A_211 : memref<128xi32, #tpu.memory_space<vmem>>) semaphore(%arg17 : memref<!tpu.dma_semaphore, #tpu.memory_space<semaphore_mem>>)
        %dma_wait3A_215 = arith.constant 0 : i32
        %dma_wait3A_216 = arith.constant 0 : i32
        %dma_wait3A_217 = tpu.memref_slice %arg2[%dma_wait3A_215, %dma_wait3A_216] : memref<10000x128xf32, #tpu.memory_space<hbm>> -> memref<128x128xf32, #tpu.memory_space<hbm>>
        %dma_wait3A_218 = arith.constant 0 : i32
        %dma_wait3A_219 = arith.constant 0 : i32
        %dma_wait3A_220 = tpu.memref_slice %arg2[%dma_wait3A_218, %dma_wait3A_219] : memref<10000x128xf32, #tpu.memory_space<hbm>> -> memref<128x128xf32, #tpu.memory_space<hbm>>
        tpu.wait_dma2 semaphore(%arg17 : memref<!tpu.dma_semaphore, #tpu.memory_space<semaphore_mem>>) src(%dma_wait3A_220 : memref<128x128xf32, #tpu.memory_space<hbm>>) dst(%arg14 : memref<128x128xf32, #tpu.memory_space<vmem>>)
        %dma_start3A_221 = arith.constant 5 : i32
        %dma_start3A_222 = arith.constant 0 : i32
        %dma_start3A_223 = tpu.memref_slice %arg12[%dma_start3A_221, %dma_start3A_222] : memref<8x128xi32, #tpu.memory_space<vmem>> -> memref<1x128xi32, #tpu.memory_space<vmem>>
        %dma_start3A_224 = tpu.memref_squeeze %dma_start3A_223 : memref<1x128xi32, #tpu.memory_space<vmem>> -> memref<128xi32, #tpu.memory_space<vmem>>
        %dma_start3A_225 = arith.constant 0 : i32
        %dma_start3A_226 = arith.constant 0 : i32
        %dma_start3A_227 = tpu.memref_slice %arg15[%dma_start3A_225, %dma_start3A_226] : memref<10240x128xf32, #tpu.memory_space<vmem_shared>> -> memref<10240x128xf32, #tpu.memory_space<vmem_shared>>
        tpu.enqueue_indirect_dma source(%arg14 : memref<128x128xf32, #tpu.memory_space<vmem>>) target(%dma_start3A_227 : memref<10240x128xf32, #tpu.memory_space<vmem_shared>>) offsets(%dma_start3A_224 : memref<128xi32, #tpu.memory_space<vmem>>) semaphore(%arg19 : memref<!tpu.dma_semaphore, #tpu.memory_space<semaphore_mem>>) {add = true}
        %dma_wait3A_228 = arith.constant 0 : i32
        %dma_wait3A_229 = arith.constant 0 : i32
        %dma_wait3A_230 = tpu.memref_slice %arg15[%dma_wait3A_228, %dma_wait3A_229] : memref<10240x128xf32, #tpu.memory_space<vmem_shared>> -> memref<128x128xf32, #tpu.memory_space<vmem_shared>>
        %dma_wait3A_231 = arith.constant 0 : i32
        %dma_wait3A_232 = arith.constant 0 : i32
        %dma_wait3A_233 = tpu.memref_slice %arg15[%dma_wait3A_231, %dma_wait3A_232] : memref<10240x128xf32, #tpu.memory_space<vmem_shared>> -> memref<128x128xf32, #tpu.memory_space<vmem_shared>>
        tpu.wait_dma2 semaphore(%arg18 : memref<!tpu.dma_semaphore, #tpu.memory_space<semaphore_mem>>) src(%arg13 : memref<128x128xf32, #tpu.memory_space<vmem>>) dst(%dma_wait3A_233 : memref<128x128xf32, #tpu.memory_space<vmem_shared>>)
        %dma_start3A_234 = arith.constant 6 : i32
        %dma_start3A_235 = arith.constant 0 : i32
        %dma_start3A_236 = tpu.memref_slice %arg10[%dma_start3A_234, %dma_start3A_235] : memref<8x128xi32, #tpu.memory_space<vmem>> -> memref<1x128xi32, #tpu.memory_space<vmem>>
        %dma_start3A_237 = tpu.memref_squeeze %dma_start3A_236 : memref<1x128xi32, #tpu.memory_space<vmem>> -> memref<128xi32, #tpu.memory_space<vmem>>
        %dma_start3A_238 = arith.constant 0 : i32
        %dma_start3A_239 = arith.constant 0 : i32
        %dma_start3A_240 = tpu.memref_slice %arg2[%dma_start3A_238, %dma_start3A_239] : memref<10000x128xf32, #tpu.memory_space<hbm>> -> memref<10000x128xf32, #tpu.memory_space<hbm>>
        tpu.enqueue_indirect_dma source(%dma_start3A_240 : memref<10000x128xf32, #tpu.memory_space<hbm>>) target(%arg13 : memref<128x128xf32, #tpu.memory_space<vmem>>) offsets(%dma_start3A_237 : memref<128xi32, #tpu.memory_space<vmem>>) semaphore(%arg16 : memref<!tpu.dma_semaphore, #tpu.memory_space<semaphore_mem>>)
        %dma_wait3A_241 = arith.constant 0 : i32
        %dma_wait3A_242 = arith.constant 0 : i32
        %dma_wait3A_243 = tpu.memref_slice %arg2[%dma_wait3A_241, %dma_wait3A_242] : memref<10000x128xf32, #tpu.memory_space<hbm>> -> memref<128x128xf32, #tpu.memory_space<hbm>>
        %dma_wait3A_244 = arith.constant 0 : i32
        %dma_wait3A_245 = arith.constant 0 : i32
        %dma_wait3A_246 = tpu.memref_slice %arg2[%dma_wait3A_244, %dma_wait3A_245] : memref<10000x128xf32, #tpu.memory_space<hbm>> -> memref<128x128xf32, #tpu.memory_space<hbm>>
        tpu.wait_dma2 semaphore(%arg16 : memref<!tpu.dma_semaphore, #tpu.memory_space<semaphore_mem>>) src(%dma_wait3A_246 : memref<128x128xf32, #tpu.memory_space<hbm>>) dst(%arg13 : memref<128x128xf32, #tpu.memory_space<vmem>>)
        %dma_start3A_247 = arith.constant 6 : i32
        %dma_start3A_248 = arith.constant 0 : i32
        %dma_start3A_249 = tpu.memref_slice %arg12[%dma_start3A_247, %dma_start3A_248] : memref<8x128xi32, #tpu.memory_space<vmem>> -> memref<1x128xi32, #tpu.memory_space<vmem>>
        %dma_start3A_250 = tpu.memref_squeeze %dma_start3A_249 : memref<1x128xi32, #tpu.memory_space<vmem>> -> memref<128xi32, #tpu.memory_space<vmem>>
        %dma_start3A_251 = arith.constant 0 : i32
        %dma_start3A_252 = arith.constant 0 : i32
        %dma_start3A_253 = tpu.memref_slice %arg15[%dma_start3A_251, %dma_start3A_252] : memref<10240x128xf32, #tpu.memory_space<vmem_shared>> -> memref<10240x128xf32, #tpu.memory_space<vmem_shared>>
        tpu.enqueue_indirect_dma source(%arg13 : memref<128x128xf32, #tpu.memory_space<vmem>>) target(%dma_start3A_253 : memref<10240x128xf32, #tpu.memory_space<vmem_shared>>) offsets(%dma_start3A_250 : memref<128xi32, #tpu.memory_space<vmem>>) semaphore(%arg18 : memref<!tpu.dma_semaphore, #tpu.memory_space<semaphore_mem>>) {add = true}
        %dma_wait3A_254 = arith.constant 0 : i32
        %dma_wait3A_255 = arith.constant 0 : i32
        %dma_wait3A_256 = tpu.memref_slice %arg15[%dma_wait3A_254, %dma_wait3A_255] : memref<10240x128xf32, #tpu.memory_space<vmem_shared>> -> memref<128x128xf32, #tpu.memory_space<vmem_shared>>
        %dma_wait3A_257 = arith.constant 0 : i32
        %dma_wait3A_258 = arith.constant 0 : i32
        %dma_wait3A_259 = tpu.memref_slice %arg15[%dma_wait3A_257, %dma_wait3A_258] : memref<10240x128xf32, #tpu.memory_space<vmem_shared>> -> memref<128x128xf32, #tpu.memory_space<vmem_shared>>
        tpu.wait_dma2 semaphore(%arg19 : memref<!tpu.dma_semaphore, #tpu.memory_space<semaphore_mem>>) src(%arg14 : memref<128x128xf32, #tpu.memory_space<vmem>>) dst(%dma_wait3A_259 : memref<128x128xf32, #tpu.memory_space<vmem_shared>>)
        %dma_start3A_260 = arith.constant 7 : i32
        %dma_start3A_261 = arith.constant 0 : i32
        %dma_start3A_262 = tpu.memref_slice %arg10[%dma_start3A_260, %dma_start3A_261] : memref<8x128xi32, #tpu.memory_space<vmem>> -> memref<1x128xi32, #tpu.memory_space<vmem>>
        %dma_start3A_263 = tpu.memref_squeeze %dma_start3A_262 : memref<1x128xi32, #tpu.memory_space<vmem>> -> memref<128xi32, #tpu.memory_space<vmem>>
        %dma_start3A_264 = arith.constant 0 : i32
        %dma_start3A_265 = arith.constant 0 : i32
        %dma_start3A_266 = tpu.memref_slice %arg2[%dma_start3A_264, %dma_start3A_265] : memref<10000x128xf32, #tpu.memory_space<hbm>> -> memref<10000x128xf32, #tpu.memory_space<hbm>>
        tpu.enqueue_indirect_dma source(%dma_start3A_266 : memref<10000x128xf32, #tpu.memory_space<hbm>>) target(%arg14 : memref<128x128xf32, #tpu.memory_space<vmem>>) offsets(%dma_start3A_263 : memref<128xi32, #tpu.memory_space<vmem>>) semaphore(%arg17 : memref<!tpu.dma_semaphore, #tpu.memory_space<semaphore_mem>>)
        %dma_wait3A_267 = arith.constant 0 : i32
        %dma_wait3A_268 = arith.constant 0 : i32
        %dma_wait3A_269 = tpu.memref_slice %arg2[%dma_wait3A_267, %dma_wait3A_268] : memref<10000x128xf32, #tpu.memory_space<hbm>> -> memref<128x128xf32, #tpu.memory_space<hbm>>
        %dma_wait3A_270 = arith.constant 0 : i32
        %dma_wait3A_271 = arith.constant 0 : i32
        %dma_wait3A_272 = tpu.memref_slice %arg2[%dma_wait3A_270, %dma_wait3A_271] : memref<10000x128xf32, #tpu.memory_space<hbm>> -> memref<128x128xf32, #tpu.memory_space<hbm>>
        tpu.wait_dma2 semaphore(%arg17 : memref<!tpu.dma_semaphore, #tpu.memory_space<semaphore_mem>>) src(%dma_wait3A_272 : memref<128x128xf32, #tpu.memory_space<hbm>>) dst(%arg14 : memref<128x128xf32, #tpu.memory_space<vmem>>)
        %dma_start3A_273 = arith.constant 7 : i32
        %dma_start3A_274 = arith.constant 0 : i32
        %dma_start3A_275 = tpu.memref_slice %arg12[%dma_start3A_273, %dma_start3A_274] : memref<8x128xi32, #tpu.memory_space<vmem>> -> memref<1x128xi32, #tpu.memory_space<vmem>>
        %dma_start3A_276 = tpu.memref_squeeze %dma_start3A_275 : memref<1x128xi32, #tpu.memory_space<vmem>> -> memref<128xi32, #tpu.memory_space<vmem>>
        %dma_start3A_277 = arith.constant 0 : i32
        %dma_start3A_278 = arith.constant 0 : i32
        %dma_start3A_279 = tpu.memref_slice %arg15[%dma_start3A_277, %dma_start3A_278] : memref<10240x128xf32, #tpu.memory_space<vmem_shared>> -> memref<10240x128xf32, #tpu.memory_space<vmem_shared>>
        tpu.enqueue_indirect_dma source(%arg14 : memref<128x128xf32, #tpu.memory_space<vmem>>) target(%dma_start3A_279 : memref<10240x128xf32, #tpu.memory_space<vmem_shared>>) offsets(%dma_start3A_276 : memref<128xi32, #tpu.memory_space<vmem>>) semaphore(%arg19 : memref<!tpu.dma_semaphore, #tpu.memory_space<semaphore_mem>>) {add = true}
        %dma_wait3A_280 = arith.constant 0 : i32
        %dma_wait3A_281 = arith.constant 0 : i32
        %dma_wait3A_282 = tpu.memref_slice %arg15[%dma_wait3A_280, %dma_wait3A_281] : memref<10240x128xf32, #tpu.memory_space<vmem_shared>> -> memref<128x128xf32, #tpu.memory_space<vmem_shared>>
        %dma_wait3A_283 = arith.constant 0 : i32
        %dma_wait3A_284 = arith.constant 0 : i32
        %dma_wait3A_285 = tpu.memref_slice %arg15[%dma_wait3A_283, %dma_wait3A_284] : memref<10240x128xf32, #tpu.memory_space<vmem_shared>> -> memref<128x128xf32, #tpu.memory_space<vmem_shared>>
        tpu.wait_dma2 semaphore(%arg18 : memref<!tpu.dma_semaphore, #tpu.memory_space<semaphore_mem>>) src(%arg13 : memref<128x128xf32, #tpu.memory_space<vmem>>) dst(%dma_wait3A_285 : memref<128x128xf32, #tpu.memory_space<vmem_shared>>)
        %lt3A_286 = arith.constant 9 : i32
        %lt3A_287 = arith.cmpi slt, %scan3A_43, %lt3A_286 : i32
        %convert_element_type3A_288 = arith.extui %lt3A_287 : i1 to i32
        %cond3A_289 = arith.constant 0 : i32
        %cond3A_290 = arith.cmpi ne, %convert_element_type3A_288, %cond3A_289 : i32
        scf.if %cond3A_290 {
          %dma_start3A_291 = arith.constant 0 : i32
          %dma_start3A_292 = arith.constant 0 : i32
          %dma_start3A_293 = tpu.memref_slice %arg9[%dma_start3A_291, %dma_start3A_292] : memref<8x128xi32, #tpu.memory_space<vmem>> -> memref<1x128xi32, #tpu.memory_space<vmem>>
          %dma_start3A_294 = tpu.memref_squeeze %dma_start3A_293 : memref<1x128xi32, #tpu.memory_space<vmem>> -> memref<128xi32, #tpu.memory_space<vmem>>
          %dma_start3A_295 = arith.constant 0 : i32
          %dma_start3A_296 = arith.constant 0 : i32
          %dma_start3A_297 = tpu.memref_slice %arg2[%dma_start3A_295, %dma_start3A_296] : memref<10000x128xf32, #tpu.memory_space<hbm>> -> memref<10000x128xf32, #tpu.memory_space<hbm>>
          tpu.enqueue_indirect_dma source(%dma_start3A_297 : memref<10000x128xf32, #tpu.memory_space<hbm>>) target(%arg13 : memref<128x128xf32, #tpu.memory_space<vmem>>) offsets(%dma_start3A_294 : memref<128xi32, #tpu.memory_space<vmem>>) semaphore(%arg16 : memref<!tpu.dma_semaphore, #tpu.memory_space<semaphore_mem>>)
        } else {
        }
      } else {
      }
    }
    %scan3A_15 = arith.constant 10 : i32
    %dma_wait3A = arith.constant 0 : i32
    %dma_wait3A_16 = arith.constant 0 : i32
    %dma_wait3A_17 = tpu.memref_slice %arg15[%dma_wait3A, %dma_wait3A_16] : memref<10240x128xf32, #tpu.memory_space<vmem_shared>> -> memref<128x128xf32, #tpu.memory_space<vmem_shared>>
    %dma_wait3A_18 = arith.constant 0 : i32
    %dma_wait3A_19 = arith.constant 0 : i32
    %dma_wait3A_20 = tpu.memref_slice %arg15[%dma_wait3A_18, %dma_wait3A_19] : memref<10240x128xf32, #tpu.memory_space<vmem_shared>> -> memref<128x128xf32, #tpu.memory_space<vmem_shared>>
    tpu.wait_dma2 semaphore(%arg19 : memref<!tpu.dma_semaphore, #tpu.memory_space<semaphore_mem>>) src(%arg14 : memref<128x128xf32, #tpu.memory_space<vmem>>) dst(%dma_wait3A_20 : memref<128x128xf32, #tpu.memory_space<vmem_shared>>)
    %barrier3A_21 = arith.constant 0 : index
    tpu.barrier barrier_id(%barrier3A_21)
    "tpu.region"() ({
      %run_scoped3A = tpu.sem_alloc : memref<!tpu.dma_semaphore, #tpu.memory_space<semaphore_mem>>
      %dma_start3A_43 = arith.constant 0 : i32
      %dma_start3A_44 = tpu.memref_slice %arg7[%arg0, %mul3A_2, %dma_start3A_43] : memref<2x10240x128xf32, #tpu.memory_space<hbm>> -> memref<1x640x128xf32, #tpu.memory_space<hbm>>
      %dma_start3A_45 = tpu.memref_squeeze %dma_start3A_44 : memref<1x640x128xf32, #tpu.memory_space<hbm>> -> memref<640x128xf32, #tpu.memory_space<hbm>>
      %dma_start3A_46 = arith.constant 0 : i32
      %dma_start3A_47 = tpu.memref_slice %arg15[%mul3A_2, %dma_start3A_46] : memref<10240x128xf32, #tpu.memory_space<vmem_shared>> -> memref<640x128xf32, #tpu.memory_space<vmem_shared>>
      tpu.enqueue_dma source(%dma_start3A_47 : memref<640x128xf32, #tpu.memory_space<vmem_shared>>) target(%dma_start3A_45 : memref<640x128xf32, #tpu.memory_space<hbm>>) target_semaphore(%run_scoped3A : memref<!tpu.dma_semaphore, #tpu.memory_space<semaphore_mem>>)
      %dma_wait3A_48 = arith.constant 0 : i32
      %dma_wait3A_49 = tpu.memref_slice %arg7[%arg0, %mul3A_2, %dma_wait3A_48] : memref<2x10240x128xf32, #tpu.memory_space<hbm>> -> memref<1x640x128xf32, #tpu.memory_space<hbm>>
      %dma_wait3A_50 = tpu.memref_squeeze %dma_wait3A_49 : memref<1x640x128xf32, #tpu.memory_space<hbm>> -> memref<640x128xf32, #tpu.memory_space<hbm>>
      %dma_wait3A_51 = arith.constant 0 : i32
      %dma_wait3A_52 = tpu.memref_slice %arg15[%mul3A_2, %dma_wait3A_51] : memref<10240x128xf32, #tpu.memory_space<vmem_shared>> -> memref<640x128xf32, #tpu.memory_space<vmem_shared>>
      tpu.wait_dma2 semaphore(%run_scoped3A : memref<!tpu.dma_semaphore, #tpu.memory_space<semaphore_mem>>) src(%dma_wait3A_52 : memref<640x128xf32, #tpu.memory_space<vmem_shared>>) dst(%dma_wait3A_50 : memref<640x128xf32, #tpu.memory_space<hbm>>)
      tpu.yield
    }) : () -> ()
    "tpu.region"() ({
      %run_scoped3A = tpu.sem_alloc : memref<!tpu.dma_semaphore, #tpu.memory_space<semaphore_mem>>
      tpu.enqueue_dma source(%arg6 : memref<128x128xf32, #tpu.memory_space<hbm>>) target(%arg13 : memref<128x128xf32, #tpu.memory_space<vmem>>) target_semaphore(%run_scoped3A : memref<!tpu.dma_semaphore, #tpu.memory_space<semaphore_mem>>)
      tpu.wait_dma2 semaphore(%run_scoped3A : memref<!tpu.dma_semaphore, #tpu.memory_space<semaphore_mem>>) src(%arg6 : memref<128x128xf32, #tpu.memory_space<hbm>>) dst(%arg13 : memref<128x128xf32, #tpu.memory_space<vmem>>)
      tpu.yield
    }) : () -> ()
    "tpu.region"() ({
      %run_scoped3A = tpu.sem_alloc : memref<!tpu.dma_semaphore, #tpu.memory_space<semaphore_mem>>
      tpu.enqueue_dma source(%arg6 : memref<128x128xf32, #tpu.memory_space<hbm>>) target(%arg14 : memref<128x128xf32, #tpu.memory_space<vmem>>) target_semaphore(%run_scoped3A : memref<!tpu.dma_semaphore, #tpu.memory_space<semaphore_mem>>)
      tpu.wait_dma2 semaphore(%run_scoped3A : memref<!tpu.dma_semaphore, #tpu.memory_space<semaphore_mem>>) src(%arg6 : memref<128x128xf32, #tpu.memory_space<hbm>>) dst(%arg14 : memref<128x128xf32, #tpu.memory_space<vmem>>)
      tpu.yield
    }) : () -> ()
    %barrier3A_22 = arith.constant 0 : index
    tpu.barrier barrier_id(%barrier3A_22)
    "tpu.region"() ({
      %run_scoped3A = tpu.sem_alloc : memref<!tpu.dma_semaphore, #tpu.memory_space<semaphore_mem>>
      %dma_start3A_43 = arith.constant 0 : i32
      %dma_start3A_44 = tpu.memref_slice %arg15[%mul3A_2, %dma_start3A_43] : memref<10240x128xf32, #tpu.memory_space<vmem_shared>> -> memref<640x128xf32, #tpu.memory_space<vmem_shared>>
      tpu.enqueue_dma source(%arg5 : memref<640x128xf32, #tpu.memory_space<hbm>>) target(%dma_start3A_44 : memref<640x128xf32, #tpu.memory_space<vmem_shared>>) target_semaphore(%run_scoped3A : memref<!tpu.dma_semaphore, #tpu.memory_space<semaphore_mem>>)
      %dma_wait3A_45 = arith.constant 0 : i32
      %dma_wait3A_46 = tpu.memref_slice %arg15[%mul3A_2, %dma_wait3A_45] : memref<10240x128xf32, #tpu.memory_space<vmem_shared>> -> memref<640x128xf32, #tpu.memory_space<vmem_shared>>
      tpu.wait_dma2 semaphore(%run_scoped3A : memref<!tpu.dma_semaphore, #tpu.memory_space<semaphore_mem>>) src(%arg5 : memref<640x128xf32, #tpu.memory_space<hbm>>) dst(%dma_wait3A_46 : memref<640x128xf32, #tpu.memory_space<vmem_shared>>)
      tpu.yield
    }) : () -> ()
    %barrier3A_23 = arith.constant 0 : index
    tpu.barrier barrier_id(%barrier3A_23)
    "tpu.region"() ({
      %run_scoped3A = tpu.sem_alloc : memref<!tpu.dma_semaphore, #tpu.memory_space<semaphore_mem>>
      %dma_start3A_43 = arith.constant 0 : i32
      %dma_start3A_44 = tpu.memref_slice %arg4[%mul3A_4, %dma_start3A_43] : memref<2560x128xi32, #tpu.memory_space<hbm>> -> memref<8x128xi32, #tpu.memory_space<hbm>>
      %dma_start3A_45 = arith.constant 0 : i32
      %dma_start3A_46 = tpu.memref_slice %arg4[%mul3A_4, %dma_start3A_45] : memref<2560x128xi32, #tpu.memory_space<hbm>> -> memref<8x128xi32, #tpu.memory_space<hbm>>
      tpu.enqueue_dma source(%dma_start3A_46 : memref<8x128xi32, #tpu.memory_space<hbm>>) target(%arg11 : memref<8x128xi32, #tpu.memory_space<vmem>>) target_semaphore(%run_scoped3A : memref<!tpu.dma_semaphore, #tpu.memory_space<semaphore_mem>>)
      %dma_wait3A_47 = arith.constant 0 : i32
      %dma_wait3A_48 = tpu.memref_slice %arg4[%mul3A_4, %dma_wait3A_47] : memref<2560x128xi32, #tpu.memory_space<hbm>> -> memref<8x128xi32, #tpu.memory_space<hbm>>
      %dma_wait3A_49 = arith.constant 0 : i32
      %dma_wait3A_50 = tpu.memref_slice %arg4[%mul3A_4, %dma_wait3A_49] : memref<2560x128xi32, #tpu.memory_space<hbm>> -> memref<8x128xi32, #tpu.memory_space<hbm>>
      tpu.wait_dma2 semaphore(%run_scoped3A : memref<!tpu.dma_semaphore, #tpu.memory_space<semaphore_mem>>) src(%dma_wait3A_50 : memref<8x128xi32, #tpu.memory_space<hbm>>) dst(%arg11 : memref<8x128xi32, #tpu.memory_space<vmem>>)
      tpu.yield
    }) : () -> ()
    %scan3A_24 = arith.constant 0 : i32
    %scan3A_25 = arith.constant 0 : i32
    %scan3A_26 = arith.constant 10 : i32
    %scan3A_27 = arith.addi %scan3A_25, %scan3A_26 : i32
    %scan3A_28 = arith.constant 1 : i32
    scf.for %scan3A_43 = %scan3A_25 to %scan3A_27 step %scan3A_28  : i32 {
      %jit3A = arith.constant 2 : i32
      %eq3A = arith.constant 0 : i32
      %eq3A_44 = arith.cmpi eq, %jit3A, %eq3A : i32
      %jit3A_45 = arith.constant 1 : i32
      %select_n3A = arith.select %eq3A_44, %jit3A_45, %jit3A : i32
      %rem3A = arith.remsi %scan3A_43, %select_n3A : i32
      %ne3A = arith.constant 0 : i32
      %ne3A_46 = arith.cmpi ne, %rem3A, %ne3A : i32
      %lt3A = arith.constant 0 : i32
      %lt3A_47 = arith.cmpi slt, %rem3A, %lt3A : i32
      %lt3A_48 = arith.constant 0 : i32
      %lt3A_49 = arith.cmpi slt, %select_n3A, %lt3A_48 : i32
      %ne3A_50 = arith.xori %lt3A_47, %lt3A_49 : i1
      %and3A = arith.andi %ne3A_50, %ne3A_46 : i1
      %add3A_51 = arith.addi %rem3A, %select_n3A : i32
      %select_n3A_52 = arith.select %and3A, %add3A_51, %rem3A : i32
      %eq3A_53 = arith.constant 0 : i32
      %eq3A_54 = arith.cmpi eq, %select_n3A_52, %eq3A_53 : i32
      %convert_element_type3A = arith.extui %eq3A_54 : i1 to i32
      %cond3A = arith.constant 0 : i32
      %cond3A_55 = arith.cmpi ne, %convert_element_type3A, %cond3A : i32
      scf.if %cond3A_55 {
        %gt3A = arith.constant 0 : i32
        %gt3A_77 = arith.cmpi sgt, %scan3A_43, %gt3A : i32
        %convert_element_type3A_78 = arith.extui %gt3A_77 : i1 to i32
        %cond3A_79 = arith.constant 0 : i32
        %cond3A_80 = arith.cmpi ne, %convert_element_type3A_78, %cond3A_79 : i32
        scf.if %cond3A_80 {
          %dma_wait3A_183 = arith.constant 0 : i32
          %dma_wait3A_184 = arith.constant 0 : i32
          %dma_wait3A_185 = tpu.memref_slice %arg15[%dma_wait3A_183, %dma_wait3A_184] : memref<10240x128xf32, #tpu.memory_space<vmem_shared>> -> memref<128x128xf32, #tpu.memory_space<vmem_shared>>
          %dma_wait3A_186 = arith.constant 0 : i32
          %dma_wait3A_187 = arith.constant 0 : i32
          %dma_wait3A_188 = tpu.memref_slice %arg15[%dma_wait3A_186, %dma_wait3A_187] : memref<10240x128xf32, #tpu.memory_space<vmem_shared>> -> memref<128x128xf32, #tpu.memory_space<vmem_shared>>
          tpu.wait_dma2 semaphore(%arg18 : memref<!tpu.dma_semaphore, #tpu.memory_space<semaphore_mem>>) src(%arg13 : memref<128x128xf32, #tpu.memory_space<vmem>>) dst(%dma_wait3A_188 : memref<128x128xf32, #tpu.memory_space<vmem_shared>>)
        } else {
        }
        %dma_start3A_81 = arith.constant 0 : i32
        %dma_start3A_82 = arith.constant 0 : i32
        %dma_start3A_83 = tpu.memref_slice %arg11[%dma_start3A_81, %dma_start3A_82] : memref<8x128xi32, #tpu.memory_space<vmem>> -> memref<1x128xi32, #tpu.memory_space<vmem>>
        %dma_start3A_84 = tpu.memref_squeeze %dma_start3A_83 : memref<1x128xi32, #tpu.memory_space<vmem>> -> memref<128xi32, #tpu.memory_space<vmem>>
        %dma_start3A_85 = arith.constant 0 : i32
        %dma_start3A_86 = arith.constant 0 : i32
        %dma_start3A_87 = tpu.memref_slice %arg15[%dma_start3A_85, %dma_start3A_86] : memref<10240x128xf32, #tpu.memory_space<vmem_shared>> -> memref<10240x128xf32, #tpu.memory_space<vmem_shared>>
        tpu.enqueue_indirect_dma source(%arg13 : memref<128x128xf32, #tpu.memory_space<vmem>>) target(%dma_start3A_87 : memref<10240x128xf32, #tpu.memory_space<vmem_shared>>) offsets(%dma_start3A_84 : memref<128xi32, #tpu.memory_space<vmem>>) semaphore(%arg18 : memref<!tpu.dma_semaphore, #tpu.memory_space<semaphore_mem>>) {add = true}
        %gt3A_88 = arith.constant 0 : i32
        %gt3A_89 = arith.cmpi sgt, %scan3A_43, %gt3A_88 : i32
        %convert_element_type3A_90 = arith.extui %gt3A_89 : i1 to i32
        %cond3A_91 = arith.constant 0 : i32
        %cond3A_92 = arith.cmpi ne, %convert_element_type3A_90, %cond3A_91 : i32
        scf.if %cond3A_92 {
          %dma_wait3A_183 = arith.constant 0 : i32
          %dma_wait3A_184 = arith.constant 0 : i32
          %dma_wait3A_185 = tpu.memref_slice %arg15[%dma_wait3A_183, %dma_wait3A_184] : memref<10240x128xf32, #tpu.memory_space<vmem_shared>> -> memref<128x128xf32, #tpu.memory_space<vmem_shared>>
          %dma_wait3A_186 = arith.constant 0 : i32
          %dma_wait3A_187 = arith.constant 0 : i32
          %dma_wait3A_188 = tpu.memref_slice %arg15[%dma_wait3A_186, %dma_wait3A_187] : memref<10240x128xf32, #tpu.memory_space<vmem_shared>> -> memref<128x128xf32, #tpu.memory_space<vmem_shared>>
          tpu.wait_dma2 semaphore(%arg19 : memref<!tpu.dma_semaphore, #tpu.memory_space<semaphore_mem>>) src(%arg14 : memref<128x128xf32, #tpu.memory_space<vmem>>) dst(%dma_wait3A_188 : memref<128x128xf32, #tpu.memory_space<vmem_shared>>)
        } else {
        }
        %dma_start3A_93 = arith.constant 1 : i32
        %dma_start3A_94 = arith.constant 0 : i32
        %dma_start3A_95 = tpu.memref_slice %arg11[%dma_start3A_93, %dma_start3A_94] : memref<8x128xi32, #tpu.memory_space<vmem>> -> memref<1x128xi32, #tpu.memory_space<vmem>>
        %dma_start3A_96 = tpu.memref_squeeze %dma_start3A_95 : memref<1x128xi32, #tpu.memory_space<vmem>> -> memref<128xi32, #tpu.memory_space<vmem>>
        %dma_start3A_97 = arith.constant 0 : i32
        %dma_start3A_98 = arith.constant 0 : i32
        %dma_start3A_99 = tpu.memref_slice %arg15[%dma_start3A_97, %dma_start3A_98] : memref<10240x128xf32, #tpu.memory_space<vmem_shared>> -> memref<10240x128xf32, #tpu.memory_space<vmem_shared>>
        tpu.enqueue_indirect_dma source(%arg14 : memref<128x128xf32, #tpu.memory_space<vmem>>) target(%dma_start3A_99 : memref<10240x128xf32, #tpu.memory_space<vmem_shared>>) offsets(%dma_start3A_96 : memref<128xi32, #tpu.memory_space<vmem>>) semaphore(%arg19 : memref<!tpu.dma_semaphore, #tpu.memory_space<semaphore_mem>>) {add = true}
        %lt3A_100 = arith.constant 9 : i32
        %lt3A_101 = arith.cmpi slt, %scan3A_43, %lt3A_100 : i32
        %convert_element_type3A_102 = arith.extui %lt3A_101 : i1 to i32
        %cond3A_103 = arith.constant 0 : i32
        %cond3A_104 = arith.cmpi ne, %convert_element_type3A_102, %cond3A_103 : i32
        scf.if %cond3A_104 {
          %add3A_183 = arith.constant 1 : i32
          %add3A_184 = arith.addi %scan3A_43, %add3A_183 : i32
          %mul3A_185 = arith.constant 8 : i32
          %mul3A_186 = arith.muli %add3A_184, %mul3A_185 : i32
          %add3A_187 = arith.addi %mul3A_4, %mul3A_186 : i32
          "tpu.region"() ({
            %run_scoped3A = tpu.sem_alloc : memref<!tpu.dma_semaphore, #tpu.memory_space<semaphore_mem>>
            %dma_start3A_188 = arith.constant 0 : i32
            %dma_start3A_189 = tpu.memref_slice %arg4[%add3A_187, %dma_start3A_188] : memref<2560x128xi32, #tpu.memory_space<hbm>> -> memref<8x128xi32, #tpu.memory_space<hbm>>
            %dma_start3A_190 = arith.constant 0 : i32
            %dma_start3A_191 = tpu.memref_slice %arg4[%add3A_187, %dma_start3A_190] : memref<2560x128xi32, #tpu.memory_space<hbm>> -> memref<8x128xi32, #tpu.memory_space<hbm>>
            tpu.enqueue_dma source(%dma_start3A_191 : memref<8x128xi32, #tpu.memory_space<hbm>>) target(%arg12 : memref<8x128xi32, #tpu.memory_space<vmem>>) target_semaphore(%run_scoped3A : memref<!tpu.dma_semaphore, #tpu.memory_space<semaphore_mem>>)
            %dma_wait3A_192 = arith.constant 0 : i32
            %dma_wait3A_193 = tpu.memref_slice %arg4[%add3A_187, %dma_wait3A_192] : memref<2560x128xi32, #tpu.memory_space<hbm>> -> memref<8x128xi32, #tpu.memory_space<hbm>>
            %dma_wait3A_194 = arith.constant 0 : i32
            %dma_wait3A_195 = tpu.memref_slice %arg4[%add3A_187, %dma_wait3A_194] : memref<2560x128xi32, #tpu.memory_space<hbm>> -> memref<8x128xi32, #tpu.memory_space<hbm>>
            tpu.wait_dma2 semaphore(%run_scoped3A : memref<!tpu.dma_semaphore, #tpu.memory_space<semaphore_mem>>) src(%dma_wait3A_195 : memref<8x128xi32, #tpu.memory_space<hbm>>) dst(%arg12 : memref<8x128xi32, #tpu.memory_space<vmem>>)
            tpu.yield
          }) : () -> ()
        } else {
        }
        %dma_wait3A_105 = arith.constant 0 : i32
        %dma_wait3A_106 = arith.constant 0 : i32
        %dma_wait3A_107 = tpu.memref_slice %arg15[%dma_wait3A_105, %dma_wait3A_106] : memref<10240x128xf32, #tpu.memory_space<vmem_shared>> -> memref<128x128xf32, #tpu.memory_space<vmem_shared>>
        %dma_wait3A_108 = arith.constant 0 : i32
        %dma_wait3A_109 = arith.constant 0 : i32
        %dma_wait3A_110 = tpu.memref_slice %arg15[%dma_wait3A_108, %dma_wait3A_109] : memref<10240x128xf32, #tpu.memory_space<vmem_shared>> -> memref<128x128xf32, #tpu.memory_space<vmem_shared>>
        tpu.wait_dma2 semaphore(%arg18 : memref<!tpu.dma_semaphore, #tpu.memory_space<semaphore_mem>>) src(%arg13 : memref<128x128xf32, #tpu.memory_space<vmem>>) dst(%dma_wait3A_110 : memref<128x128xf32, #tpu.memory_space<vmem_shared>>)
        %dma_start3A_111 = arith.constant 2 : i32
        %dma_start3A_112 = arith.constant 0 : i32
        %dma_start3A_113 = tpu.memref_slice %arg11[%dma_start3A_111, %dma_start3A_112] : memref<8x128xi32, #tpu.memory_space<vmem>> -> memref<1x128xi32, #tpu.memory_space<vmem>>
        %dma_start3A_114 = tpu.memref_squeeze %dma_start3A_113 : memref<1x128xi32, #tpu.memory_space<vmem>> -> memref<128xi32, #tpu.memory_space<vmem>>
        %dma_start3A_115 = arith.constant 0 : i32
        %dma_start3A_116 = arith.constant 0 : i32
        %dma_start3A_117 = tpu.memref_slice %arg15[%dma_start3A_115, %dma_start3A_116] : memref<10240x128xf32, #tpu.memory_space<vmem_shared>> -> memref<10240x128xf32, #tpu.memory_space<vmem_shared>>
        tpu.enqueue_indirect_dma source(%arg13 : memref<128x128xf32, #tpu.memory_space<vmem>>) target(%dma_start3A_117 : memref<10240x128xf32, #tpu.memory_space<vmem_shared>>) offsets(%dma_start3A_114 : memref<128xi32, #tpu.memory_space<vmem>>) semaphore(%arg18 : memref<!tpu.dma_semaphore, #tpu.memory_space<semaphore_mem>>) {add = true}
        %dma_wait3A_118 = arith.constant 0 : i32
        %dma_wait3A_119 = arith.constant 0 : i32
        %dma_wait3A_120 = tpu.memref_slice %arg15[%dma_wait3A_118, %dma_wait3A_119] : memref<10240x128xf32, #tpu.memory_space<vmem_shared>> -> memref<128x128xf32, #tpu.memory_space<vmem_shared>>
        %dma_wait3A_121 = arith.constant 0 : i32
        %dma_wait3A_122 = arith.constant 0 : i32
        %dma_wait3A_123 = tpu.memref_slice %arg15[%dma_wait3A_121, %dma_wait3A_122] : memref<10240x128xf32, #tpu.memory_space<vmem_shared>> -> memref<128x128xf32, #tpu.memory_space<vmem_shared>>
        tpu.wait_dma2 semaphore(%arg19 : memref<!tpu.dma_semaphore, #tpu.memory_space<semaphore_mem>>) src(%arg14 : memref<128x128xf32, #tpu.memory_space<vmem>>) dst(%dma_wait3A_123 : memref<128x128xf32, #tpu.memory_space<vmem_shared>>)
        %dma_start3A_124 = arith.constant 3 : i32
        %dma_start3A_125 = arith.constant 0 : i32
        %dma_start3A_126 = tpu.memref_slice %arg11[%dma_start3A_124, %dma_start3A_125] : memref<8x128xi32, #tpu.memory_space<vmem>> -> memref<1x128xi32, #tpu.memory_space<vmem>>
        %dma_start3A_127 = tpu.memref_squeeze %dma_start3A_126 : memref<1x128xi32, #tpu.memory_space<vmem>> -> memref<128xi32, #tpu.memory_space<vmem>>
        %dma_start3A_128 = arith.constant 0 : i32
        %dma_start3A_129 = arith.constant 0 : i32
        %dma_start3A_130 = tpu.memref_slice %arg15[%dma_start3A_128, %dma_start3A_129] : memref<10240x128xf32, #tpu.memory_space<vmem_shared>> -> memref<10240x128xf32, #tpu.memory_space<vmem_shared>>
        tpu.enqueue_indirect_dma source(%arg14 : memref<128x128xf32, #tpu.memory_space<vmem>>) target(%dma_start3A_130 : memref<10240x128xf32, #tpu.memory_space<vmem_shared>>) offsets(%dma_start3A_127 : memref<128xi32, #tpu.memory_space<vmem>>) semaphore(%arg19 : memref<!tpu.dma_semaphore, #tpu.memory_space<semaphore_mem>>) {add = true}
        %dma_wait3A_131 = arith.constant 0 : i32
        %dma_wait3A_132 = arith.constant 0 : i32
        %dma_wait3A_133 = tpu.memref_slice %arg15[%dma_wait3A_131, %dma_wait3A_132] : memref<10240x128xf32, #tpu.memory_space<vmem_shared>> -> memref<128x128xf32, #tpu.memory_space<vmem_shared>>
        %dma_wait3A_134 = arith.constant 0 : i32
        %dma_wait3A_135 = arith.constant 0 : i32
        %dma_wait3A_136 = tpu.memref_slice %arg15[%dma_wait3A_134, %dma_wait3A_135] : memref<10240x128xf32, #tpu.memory_space<vmem_shared>> -> memref<128x128xf32, #tpu.memory_space<vmem_shared>>
        tpu.wait_dma2 semaphore(%arg18 : memref<!tpu.dma_semaphore, #tpu.memory_space<semaphore_mem>>) src(%arg13 : memref<128x128xf32, #tpu.memory_space<vmem>>) dst(%dma_wait3A_136 : memref<128x128xf32, #tpu.memory_space<vmem_shared>>)
        %dma_start3A_137 = arith.constant 4 : i32
        %dma_start3A_138 = arith.constant 0 : i32
        %dma_start3A_139 = tpu.memref_slice %arg11[%dma_start3A_137, %dma_start3A_138] : memref<8x128xi32, #tpu.memory_space<vmem>> -> memref<1x128xi32, #tpu.memory_space<vmem>>
        %dma_start3A_140 = tpu.memref_squeeze %dma_start3A_139 : memref<1x128xi32, #tpu.memory_space<vmem>> -> memref<128xi32, #tpu.memory_space<vmem>>
        %dma_start3A_141 = arith.constant 0 : i32
        %dma_start3A_142 = arith.constant 0 : i32
        %dma_start3A_143 = tpu.memref_slice %arg15[%dma_start3A_141, %dma_start3A_142] : memref<10240x128xf32, #tpu.memory_space<vmem_shared>> -> memref<10240x128xf32, #tpu.memory_space<vmem_shared>>
        tpu.enqueue_indirect_dma source(%arg13 : memref<128x128xf32, #tpu.memory_space<vmem>>) target(%dma_start3A_143 : memref<10240x128xf32, #tpu.memory_space<vmem_shared>>) offsets(%dma_start3A_140 : memref<128xi32, #tpu.memory_space<vmem>>) semaphore(%arg18 : memref<!tpu.dma_semaphore, #tpu.memory_space<semaphore_mem>>) {add = true}
        %dma_wait3A_144 = arith.constant 0 : i32
        %dma_wait3A_145 = arith.constant 0 : i32
        %dma_wait3A_146 = tpu.memref_slice %arg15[%dma_wait3A_144, %dma_wait3A_145] : memref<10240x128xf32, #tpu.memory_space<vmem_shared>> -> memref<128x128xf32, #tpu.memory_space<vmem_shared>>
        %dma_wait3A_147 = arith.constant 0 : i32
        %dma_wait3A_148 = arith.constant 0 : i32
        %dma_wait3A_149 = tpu.memref_slice %arg15[%dma_wait3A_147, %dma_wait3A_148] : memref<10240x128xf32, #tpu.memory_space<vmem_shared>> -> memref<128x128xf32, #tpu.memory_space<vmem_shared>>
        tpu.wait_dma2 semaphore(%arg19 : memref<!tpu.dma_semaphore, #tpu.memory_space<semaphore_mem>>) src(%arg14 : memref<128x128xf32, #tpu.memory_space<vmem>>) dst(%dma_wait3A_149 : memref<128x128xf32, #tpu.memory_space<vmem_shared>>)
        %dma_start3A_150 = arith.constant 5 : i32
        %dma_start3A_151 = arith.constant 0 : i32
        %dma_start3A_152 = tpu.memref_slice %arg11[%dma_start3A_150, %dma_start3A_151] : memref<8x128xi32, #tpu.memory_space<vmem>> -> memref<1x128xi32, #tpu.memory_space<vmem>>
        %dma_start3A_153 = tpu.memref_squeeze %dma_start3A_152 : memref<1x128xi32, #tpu.memory_space<vmem>> -> memref<128xi32, #tpu.memory_space<vmem>>
        %dma_start3A_154 = arith.constant 0 : i32
        %dma_start3A_155 = arith.constant 0 : i32
        %dma_start3A_156 = tpu.memref_slice %arg15[%dma_start3A_154, %dma_start3A_155] : memref<10240x128xf32, #tpu.memory_space<vmem_shared>> -> memref<10240x128xf32, #tpu.memory_space<vmem_shared>>
        tpu.enqueue_indirect_dma source(%arg14 : memref<128x128xf32, #tpu.memory_space<vmem>>) target(%dma_start3A_156 : memref<10240x128xf32, #tpu.memory_space<vmem_shared>>) offsets(%dma_start3A_153 : memref<128xi32, #tpu.memory_space<vmem>>) semaphore(%arg19 : memref<!tpu.dma_semaphore, #tpu.memory_space<semaphore_mem>>) {add = true}
        %dma_wait3A_157 = arith.constant 0 : i32
        %dma_wait3A_158 = arith.constant 0 : i32
        %dma_wait3A_159 = tpu.memref_slice %arg15[%dma_wait3A_157, %dma_wait3A_158] : memref<10240x128xf32, #tpu.memory_space<vmem_shared>> -> memref<128x128xf32, #tpu.memory_space<vmem_shared>>
        %dma_wait3A_160 = arith.constant 0 : i32
        %dma_wait3A_161 = arith.constant 0 : i32
        %dma_wait3A_162 = tpu.memref_slice %arg15[%dma_wait3A_160, %dma_wait3A_161] : memref<10240x128xf32, #tpu.memory_space<vmem_shared>> -> memref<128x128xf32, #tpu.memory_space<vmem_shared>>
        tpu.wait_dma2 semaphore(%arg18 : memref<!tpu.dma_semaphore, #tpu.memory_space<semaphore_mem>>) src(%arg13 : memref<128x128xf32, #tpu.memory_space<vmem>>) dst(%dma_wait3A_162 : memref<128x128xf32, #tpu.memory_space<vmem_shared>>)
        %dma_start3A_163 = arith.constant 6 : i32
        %dma_start3A_164 = arith.constant 0 : i32
        %dma_start3A_165 = tpu.memref_slice %arg11[%dma_start3A_163, %dma_start3A_164] : memref<8x128xi32, #tpu.memory_space<vmem>> -> memref<1x128xi32, #tpu.memory_space<vmem>>
        %dma_start3A_166 = tpu.memref_squeeze %dma_start3A_165 : memref<1x128xi32, #tpu.memory_space<vmem>> -> memref<128xi32, #tpu.memory_space<vmem>>
        %dma_start3A_167 = arith.constant 0 : i32
        %dma_start3A_168 = arith.constant 0 : i32
        %dma_start3A_169 = tpu.memref_slice %arg15[%dma_start3A_167, %dma_start3A_168] : memref<10240x128xf32, #tpu.memory_space<vmem_shared>> -> memref<10240x128xf32, #tpu.memory_space<vmem_shared>>
        tpu.enqueue_indirect_dma source(%arg13 : memref<128x128xf32, #tpu.memory_space<vmem>>) target(%dma_start3A_169 : memref<10240x128xf32, #tpu.memory_space<vmem_shared>>) offsets(%dma_start3A_166 : memref<128xi32, #tpu.memory_space<vmem>>) semaphore(%arg18 : memref<!tpu.dma_semaphore, #tpu.memory_space<semaphore_mem>>) {add = true}
        %dma_wait3A_170 = arith.constant 0 : i32
        %dma_wait3A_171 = arith.constant 0 : i32
        %dma_wait3A_172 = tpu.memref_slice %arg15[%dma_wait3A_170, %dma_wait3A_171] : memref<10240x128xf32, #tpu.memory_space<vmem_shared>> -> memref<128x128xf32, #tpu.memory_space<vmem_shared>>
        %dma_wait3A_173 = arith.constant 0 : i32
        %dma_wait3A_174 = arith.constant 0 : i32
        %dma_wait3A_175 = tpu.memref_slice %arg15[%dma_wait3A_173, %dma_wait3A_174] : memref<10240x128xf32, #tpu.memory_space<vmem_shared>> -> memref<128x128xf32, #tpu.memory_space<vmem_shared>>
        tpu.wait_dma2 semaphore(%arg19 : memref<!tpu.dma_semaphore, #tpu.memory_space<semaphore_mem>>) src(%arg14 : memref<128x128xf32, #tpu.memory_space<vmem>>) dst(%dma_wait3A_175 : memref<128x128xf32, #tpu.memory_space<vmem_shared>>)
        %dma_start3A_176 = arith.constant 7 : i32
        %dma_start3A_177 = arith.constant 0 : i32
        %dma_start3A_178 = tpu.memref_slice %arg11[%dma_start3A_176, %dma_start3A_177] : memref<8x128xi32, #tpu.memory_space<vmem>> -> memref<1x128xi32, #tpu.memory_space<vmem>>
        %dma_start3A_179 = tpu.memref_squeeze %dma_start3A_178 : memref<1x128xi32, #tpu.memory_space<vmem>> -> memref<128xi32, #tpu.memory_space<vmem>>
        %dma_start3A_180 = arith.constant 0 : i32
        %dma_start3A_181 = arith.constant 0 : i32
        %dma_start3A_182 = tpu.memref_slice %arg15[%dma_start3A_180, %dma_start3A_181] : memref<10240x128xf32, #tpu.memory_space<vmem_shared>> -> memref<10240x128xf32, #tpu.memory_space<vmem_shared>>
        tpu.enqueue_indirect_dma source(%arg14 : memref<128x128xf32, #tpu.memory_space<vmem>>) target(%dma_start3A_182 : memref<10240x128xf32, #tpu.memory_space<vmem_shared>>) offsets(%dma_start3A_179 : memref<128xi32, #tpu.memory_space<vmem>>) semaphore(%arg19 : memref<!tpu.dma_semaphore, #tpu.memory_space<semaphore_mem>>) {add = true}
      } else {
      }
      %jit3A_56 = arith.constant 2 : i32
      %eq3A_57 = arith.constant 0 : i32
      %eq3A_58 = arith.cmpi eq, %jit3A_56, %eq3A_57 : i32
      %jit3A_59 = arith.constant 1 : i32
      %select_n3A_60 = arith.select %eq3A_58, %jit3A_59, %jit3A_56 : i32
      %rem3A_61 = arith.remsi %scan3A_43, %select_n3A_60 : i32
      %ne3A_62 = arith.constant 0 : i32
      %ne3A_63 = arith.cmpi ne, %rem3A_61, %ne3A_62 : i32
      %lt3A_64 = arith.constant 0 : i32
      %lt3A_65 = arith.cmpi slt, %rem3A_61, %lt3A_64 : i32
      %lt3A_66 = arith.constant 0 : i32
      %lt3A_67 = arith.cmpi slt, %select_n3A_60, %lt3A_66 : i32
      %ne3A_68 = arith.xori %lt3A_65, %lt3A_67 : i1
      %and3A_69 = arith.andi %ne3A_68, %ne3A_63 : i1
      %add3A_70 = arith.addi %rem3A_61, %select_n3A_60 : i32
      %select_n3A_71 = arith.select %and3A_69, %add3A_70, %rem3A_61 : i32
      %eq3A_72 = arith.constant 1 : i32
      %eq3A_73 = arith.cmpi eq, %select_n3A_71, %eq3A_72 : i32
      %convert_element_type3A_74 = arith.extui %eq3A_73 : i1 to i32
      %cond3A_75 = arith.constant 0 : i32
      %cond3A_76 = arith.cmpi ne, %convert_element_type3A_74, %cond3A_75 : i32
      scf.if %cond3A_76 {
        %gt3A = arith.constant 0 : i32
        %gt3A_77 = arith.cmpi sgt, %scan3A_43, %gt3A : i32
        %convert_element_type3A_78 = arith.extui %gt3A_77 : i1 to i32
        %cond3A_79 = arith.constant 0 : i32
        %cond3A_80 = arith.cmpi ne, %convert_element_type3A_78, %cond3A_79 : i32
        scf.if %cond3A_80 {
          %dma_wait3A_183 = arith.constant 0 : i32
          %dma_wait3A_184 = arith.constant 0 : i32
          %dma_wait3A_185 = tpu.memref_slice %arg15[%dma_wait3A_183, %dma_wait3A_184] : memref<10240x128xf32, #tpu.memory_space<vmem_shared>> -> memref<128x128xf32, #tpu.memory_space<vmem_shared>>
          %dma_wait3A_186 = arith.constant 0 : i32
          %dma_wait3A_187 = arith.constant 0 : i32
          %dma_wait3A_188 = tpu.memref_slice %arg15[%dma_wait3A_186, %dma_wait3A_187] : memref<10240x128xf32, #tpu.memory_space<vmem_shared>> -> memref<128x128xf32, #tpu.memory_space<vmem_shared>>
          tpu.wait_dma2 semaphore(%arg18 : memref<!tpu.dma_semaphore, #tpu.memory_space<semaphore_mem>>) src(%arg13 : memref<128x128xf32, #tpu.memory_space<vmem>>) dst(%dma_wait3A_188 : memref<128x128xf32, #tpu.memory_space<vmem_shared>>)
        } else {
        }
        %dma_start3A_81 = arith.constant 0 : i32
        %dma_start3A_82 = arith.constant 0 : i32
        %dma_start3A_83 = tpu.memref_slice %arg12[%dma_start3A_81, %dma_start3A_82] : memref<8x128xi32, #tpu.memory_space<vmem>> -> memref<1x128xi32, #tpu.memory_space<vmem>>
        %dma_start3A_84 = tpu.memref_squeeze %dma_start3A_83 : memref<1x128xi32, #tpu.memory_space<vmem>> -> memref<128xi32, #tpu.memory_space<vmem>>
        %dma_start3A_85 = arith.constant 0 : i32
        %dma_start3A_86 = arith.constant 0 : i32
        %dma_start3A_87 = tpu.memref_slice %arg15[%dma_start3A_85, %dma_start3A_86] : memref<10240x128xf32, #tpu.memory_space<vmem_shared>> -> memref<10240x128xf32, #tpu.memory_space<vmem_shared>>
        tpu.enqueue_indirect_dma source(%arg13 : memref<128x128xf32, #tpu.memory_space<vmem>>) target(%dma_start3A_87 : memref<10240x128xf32, #tpu.memory_space<vmem_shared>>) offsets(%dma_start3A_84 : memref<128xi32, #tpu.memory_space<vmem>>) semaphore(%arg18 : memref<!tpu.dma_semaphore, #tpu.memory_space<semaphore_mem>>) {add = true}
        %gt3A_88 = arith.constant 0 : i32
        %gt3A_89 = arith.cmpi sgt, %scan3A_43, %gt3A_88 : i32
        %convert_element_type3A_90 = arith.extui %gt3A_89 : i1 to i32
        %cond3A_91 = arith.constant 0 : i32
        %cond3A_92 = arith.cmpi ne, %convert_element_type3A_90, %cond3A_91 : i32
        scf.if %cond3A_92 {
          %dma_wait3A_183 = arith.constant 0 : i32
          %dma_wait3A_184 = arith.constant 0 : i32
          %dma_wait3A_185 = tpu.memref_slice %arg15[%dma_wait3A_183, %dma_wait3A_184] : memref<10240x128xf32, #tpu.memory_space<vmem_shared>> -> memref<128x128xf32, #tpu.memory_space<vmem_shared>>
          %dma_wait3A_186 = arith.constant 0 : i32
          %dma_wait3A_187 = arith.constant 0 : i32
          %dma_wait3A_188 = tpu.memref_slice %arg15[%dma_wait3A_186, %dma_wait3A_187] : memref<10240x128xf32, #tpu.memory_space<vmem_shared>> -> memref<128x128xf32, #tpu.memory_space<vmem_shared>>
          tpu.wait_dma2 semaphore(%arg19 : memref<!tpu.dma_semaphore, #tpu.memory_space<semaphore_mem>>) src(%arg14 : memref<128x128xf32, #tpu.memory_space<vmem>>) dst(%dma_wait3A_188 : memref<128x128xf32, #tpu.memory_space<vmem_shared>>)
        } else {
        }
        %dma_start3A_93 = arith.constant 1 : i32
        %dma_start3A_94 = arith.constant 0 : i32
        %dma_start3A_95 = tpu.memref_slice %arg12[%dma_start3A_93, %dma_start3A_94] : memref<8x128xi32, #tpu.memory_space<vmem>> -> memref<1x128xi32, #tpu.memory_space<vmem>>
        %dma_start3A_96 = tpu.memref_squeeze %dma_start3A_95 : memref<1x128xi32, #tpu.memory_space<vmem>> -> memref<128xi32, #tpu.memory_space<vmem>>
        %dma_start3A_97 = arith.constant 0 : i32
        %dma_start3A_98 = arith.constant 0 : i32
        %dma_start3A_99 = tpu.memref_slice %arg15[%dma_start3A_97, %dma_start3A_98] : memref<10240x128xf32, #tpu.memory_space<vmem_shared>> -> memref<10240x128xf32, #tpu.memory_space<vmem_shared>>
        tpu.enqueue_indirect_dma source(%arg14 : memref<128x128xf32, #tpu.memory_space<vmem>>) target(%dma_start3A_99 : memref<10240x128xf32, #tpu.memory_space<vmem_shared>>) offsets(%dma_start3A_96 : memref<128xi32, #tpu.memory_space<vmem>>) semaphore(%arg19 : memref<!tpu.dma_semaphore, #tpu.memory_space<semaphore_mem>>) {add = true}
        %lt3A_100 = arith.constant 9 : i32
        %lt3A_101 = arith.cmpi slt, %scan3A_43, %lt3A_100 : i32
        %convert_element_type3A_102 = arith.extui %lt3A_101 : i1 to i32
        %cond3A_103 = arith.constant 0 : i32
        %cond3A_104 = arith.cmpi ne, %convert_element_type3A_102, %cond3A_103 : i32
        scf.if %cond3A_104 {
          %add3A_183 = arith.constant 1 : i32
          %add3A_184 = arith.addi %scan3A_43, %add3A_183 : i32
          %mul3A_185 = arith.constant 8 : i32
          %mul3A_186 = arith.muli %add3A_184, %mul3A_185 : i32
          %add3A_187 = arith.addi %mul3A_4, %mul3A_186 : i32
          "tpu.region"() ({
            %run_scoped3A = tpu.sem_alloc : memref<!tpu.dma_semaphore, #tpu.memory_space<semaphore_mem>>
            %dma_start3A_188 = arith.constant 0 : i32
            %dma_start3A_189 = tpu.memref_slice %arg4[%add3A_187, %dma_start3A_188] : memref<2560x128xi32, #tpu.memory_space<hbm>> -> memref<8x128xi32, #tpu.memory_space<hbm>>
            %dma_start3A_190 = arith.constant 0 : i32
            %dma_start3A_191 = tpu.memref_slice %arg4[%add3A_187, %dma_start3A_190] : memref<2560x128xi32, #tpu.memory_space<hbm>> -> memref<8x128xi32, #tpu.memory_space<hbm>>
            tpu.enqueue_dma source(%dma_start3A_191 : memref<8x128xi32, #tpu.memory_space<hbm>>) target(%arg11 : memref<8x128xi32, #tpu.memory_space<vmem>>) target_semaphore(%run_scoped3A : memref<!tpu.dma_semaphore, #tpu.memory_space<semaphore_mem>>)
            %dma_wait3A_192 = arith.constant 0 : i32
            %dma_wait3A_193 = tpu.memref_slice %arg4[%add3A_187, %dma_wait3A_192] : memref<2560x128xi32, #tpu.memory_space<hbm>> -> memref<8x128xi32, #tpu.memory_space<hbm>>
            %dma_wait3A_194 = arith.constant 0 : i32
            %dma_wait3A_195 = tpu.memref_slice %arg4[%add3A_187, %dma_wait3A_194] : memref<2560x128xi32, #tpu.memory_space<hbm>> -> memref<8x128xi32, #tpu.memory_space<hbm>>
            tpu.wait_dma2 semaphore(%run_scoped3A : memref<!tpu.dma_semaphore, #tpu.memory_space<semaphore_mem>>) src(%dma_wait3A_195 : memref<8x128xi32, #tpu.memory_space<hbm>>) dst(%arg11 : memref<8x128xi32, #tpu.memory_space<vmem>>)
            tpu.yield
          }) : () -> ()
        } else {
        }
        %dma_wait3A_105 = arith.constant 0 : i32
        %dma_wait3A_106 = arith.constant 0 : i32
        %dma_wait3A_107 = tpu.memref_slice %arg15[%dma_wait3A_105, %dma_wait3A_106] : memref<10240x128xf32, #tpu.memory_space<vmem_shared>> -> memref<128x128xf32, #tpu.memory_space<vmem_shared>>
        %dma_wait3A_108 = arith.constant 0 : i32
        %dma_wait3A_109 = arith.constant 0 : i32
        %dma_wait3A_110 = tpu.memref_slice %arg15[%dma_wait3A_108, %dma_wait3A_109] : memref<10240x128xf32, #tpu.memory_space<vmem_shared>> -> memref<128x128xf32, #tpu.memory_space<vmem_shared>>
        tpu.wait_dma2 semaphore(%arg18 : memref<!tpu.dma_semaphore, #tpu.memory_space<semaphore_mem>>) src(%arg13 : memref<128x128xf32, #tpu.memory_space<vmem>>) dst(%dma_wait3A_110 : memref<128x128xf32, #tpu.memory_space<vmem_shared>>)
        %dma_start3A_111 = arith.constant 2 : i32
        %dma_start3A_112 = arith.constant 0 : i32
        %dma_start3A_113 = tpu.memref_slice %arg12[%dma_start3A_111, %dma_start3A_112] : memref<8x128xi32, #tpu.memory_space<vmem>> -> memref<1x128xi32, #tpu.memory_space<vmem>>
        %dma_start3A_114 = tpu.memref_squeeze %dma_start3A_113 : memref<1x128xi32, #tpu.memory_space<vmem>> -> memref<128xi32, #tpu.memory_space<vmem>>
        %dma_start3A_115 = arith.constant 0 : i32
        %dma_start3A_116 = arith.constant 0 : i32
        %dma_start3A_117 = tpu.memref_slice %arg15[%dma_start3A_115, %dma_start3A_116] : memref<10240x128xf32, #tpu.memory_space<vmem_shared>> -> memref<10240x128xf32, #tpu.memory_space<vmem_shared>>
        tpu.enqueue_indirect_dma source(%arg13 : memref<128x128xf32, #tpu.memory_space<vmem>>) target(%dma_start3A_117 : memref<10240x128xf32, #tpu.memory_space<vmem_shared>>) offsets(%dma_start3A_114 : memref<128xi32, #tpu.memory_space<vmem>>) semaphore(%arg18 : memref<!tpu.dma_semaphore, #tpu.memory_space<semaphore_mem>>) {add = true}
        %dma_wait3A_118 = arith.constant 0 : i32
        %dma_wait3A_119 = arith.constant 0 : i32
        %dma_wait3A_120 = tpu.memref_slice %arg15[%dma_wait3A_118, %dma_wait3A_119] : memref<10240x128xf32, #tpu.memory_space<vmem_shared>> -> memref<128x128xf32, #tpu.memory_space<vmem_shared>>
        %dma_wait3A_121 = arith.constant 0 : i32
        %dma_wait3A_122 = arith.constant 0 : i32
        %dma_wait3A_123 = tpu.memref_slice %arg15[%dma_wait3A_121, %dma_wait3A_122] : memref<10240x128xf32, #tpu.memory_space<vmem_shared>> -> memref<128x128xf32, #tpu.memory_space<vmem_shared>>
        tpu.wait_dma2 semaphore(%arg19 : memref<!tpu.dma_semaphore, #tpu.memory_space<semaphore_mem>>) src(%arg14 : memref<128x128xf32, #tpu.memory_space<vmem>>) dst(%dma_wait3A_123 : memref<128x128xf32, #tpu.memory_space<vmem_shared>>)
        %dma_start3A_124 = arith.constant 3 : i32
        %dma_start3A_125 = arith.constant 0 : i32
        %dma_start3A_126 = tpu.memref_slice %arg12[%dma_start3A_124, %dma_start3A_125] : memref<8x128xi32, #tpu.memory_space<vmem>> -> memref<1x128xi32, #tpu.memory_space<vmem>>
        %dma_start3A_127 = tpu.memref_squeeze %dma_start3A_126 : memref<1x128xi32, #tpu.memory_space<vmem>> -> memref<128xi32, #tpu.memory_space<vmem>>
        %dma_start3A_128 = arith.constant 0 : i32
        %dma_start3A_129 = arith.constant 0 : i32
        %dma_start3A_130 = tpu.memref_slice %arg15[%dma_start3A_128, %dma_start3A_129] : memref<10240x128xf32, #tpu.memory_space<vmem_shared>> -> memref<10240x128xf32, #tpu.memory_space<vmem_shared>>
        tpu.enqueue_indirect_dma source(%arg14 : memref<128x128xf32, #tpu.memory_space<vmem>>) target(%dma_start3A_130 : memref<10240x128xf32, #tpu.memory_space<vmem_shared>>) offsets(%dma_start3A_127 : memref<128xi32, #tpu.memory_space<vmem>>) semaphore(%arg19 : memref<!tpu.dma_semaphore, #tpu.memory_space<semaphore_mem>>) {add = true}
        %dma_wait3A_131 = arith.constant 0 : i32
        %dma_wait3A_132 = arith.constant 0 : i32
        %dma_wait3A_133 = tpu.memref_slice %arg15[%dma_wait3A_131, %dma_wait3A_132] : memref<10240x128xf32, #tpu.memory_space<vmem_shared>> -> memref<128x128xf32, #tpu.memory_space<vmem_shared>>
        %dma_wait3A_134 = arith.constant 0 : i32
        %dma_wait3A_135 = arith.constant 0 : i32
        %dma_wait3A_136 = tpu.memref_slice %arg15[%dma_wait3A_134, %dma_wait3A_135] : memref<10240x128xf32, #tpu.memory_space<vmem_shared>> -> memref<128x128xf32, #tpu.memory_space<vmem_shared>>
        tpu.wait_dma2 semaphore(%arg18 : memref<!tpu.dma_semaphore, #tpu.memory_space<semaphore_mem>>) src(%arg13 : memref<128x128xf32, #tpu.memory_space<vmem>>) dst(%dma_wait3A_136 : memref<128x128xf32, #tpu.memory_space<vmem_shared>>)
        %dma_start3A_137 = arith.constant 4 : i32
        %dma_start3A_138 = arith.constant 0 : i32
        %dma_start3A_139 = tpu.memref_slice %arg12[%dma_start3A_137, %dma_start3A_138] : memref<8x128xi32, #tpu.memory_space<vmem>> -> memref<1x128xi32, #tpu.memory_space<vmem>>
        %dma_start3A_140 = tpu.memref_squeeze %dma_start3A_139 : memref<1x128xi32, #tpu.memory_space<vmem>> -> memref<128xi32, #tpu.memory_space<vmem>>
        %dma_start3A_141 = arith.constant 0 : i32
        %dma_start3A_142 = arith.constant 0 : i32
        %dma_start3A_143 = tpu.memref_slice %arg15[%dma_start3A_141, %dma_start3A_142] : memref<10240x128xf32, #tpu.memory_space<vmem_shared>> -> memref<10240x128xf32, #tpu.memory_space<vmem_shared>>
        tpu.enqueue_indirect_dma source(%arg13 : memref<128x128xf32, #tpu.memory_space<vmem>>) target(%dma_start3A_143 : memref<10240x128xf32, #tpu.memory_space<vmem_shared>>) offsets(%dma_start3A_140 : memref<128xi32, #tpu.memory_space<vmem>>) semaphore(%arg18 : memref<!tpu.dma_semaphore, #tpu.memory_space<semaphore_mem>>) {add = true}
        %dma_wait3A_144 = arith.constant 0 : i32
        %dma_wait3A_145 = arith.constant 0 : i32
        %dma_wait3A_146 = tpu.memref_slice %arg15[%dma_wait3A_144, %dma_wait3A_145] : memref<10240x128xf32, #tpu.memory_space<vmem_shared>> -> memref<128x128xf32, #tpu.memory_space<vmem_shared>>
        %dma_wait3A_147 = arith.constant 0 : i32
        %dma_wait3A_148 = arith.constant 0 : i32
        %dma_wait3A_149 = tpu.memref_slice %arg15[%dma_wait3A_147, %dma_wait3A_148] : memref<10240x128xf32, #tpu.memory_space<vmem_shared>> -> memref<128x128xf32, #tpu.memory_space<vmem_shared>>
        tpu.wait_dma2 semaphore(%arg19 : memref<!tpu.dma_semaphore, #tpu.memory_space<semaphore_mem>>) src(%arg14 : memref<128x128xf32, #tpu.memory_space<vmem>>) dst(%dma_wait3A_149 : memref<128x128xf32, #tpu.memory_space<vmem_shared>>)
        %dma_start3A_150 = arith.constant 5 : i32
        %dma_start3A_151 = arith.constant 0 : i32
        %dma_start3A_152 = tpu.memref_slice %arg12[%dma_start3A_150, %dma_start3A_151] : memref<8x128xi32, #tpu.memory_space<vmem>> -> memref<1x128xi32, #tpu.memory_space<vmem>>
        %dma_start3A_153 = tpu.memref_squeeze %dma_start3A_152 : memref<1x128xi32, #tpu.memory_space<vmem>> -> memref<128xi32, #tpu.memory_space<vmem>>
        %dma_start3A_154 = arith.constant 0 : i32
        %dma_start3A_155 = arith.constant 0 : i32
        %dma_start3A_156 = tpu.memref_slice %arg15[%dma_start3A_154, %dma_start3A_155] : memref<10240x128xf32, #tpu.memory_space<vmem_shared>> -> memref<10240x128xf32, #tpu.memory_space<vmem_shared>>
        tpu.enqueue_indirect_dma source(%arg14 : memref<128x128xf32, #tpu.memory_space<vmem>>) target(%dma_start3A_156 : memref<10240x128xf32, #tpu.memory_space<vmem_shared>>) offsets(%dma_start3A_153 : memref<128xi32, #tpu.memory_space<vmem>>) semaphore(%arg19 : memref<!tpu.dma_semaphore, #tpu.memory_space<semaphore_mem>>) {add = true}
        %dma_wait3A_157 = arith.constant 0 : i32
        %dma_wait3A_158 = arith.constant 0 : i32
        %dma_wait3A_159 = tpu.memref_slice %arg15[%dma_wait3A_157, %dma_wait3A_158] : memref<10240x128xf32, #tpu.memory_space<vmem_shared>> -> memref<128x128xf32, #tpu.memory_space<vmem_shared>>
        %dma_wait3A_160 = arith.constant 0 : i32
        %dma_wait3A_161 = arith.constant 0 : i32
        %dma_wait3A_162 = tpu.memref_slice %arg15[%dma_wait3A_160, %dma_wait3A_161] : memref<10240x128xf32, #tpu.memory_space<vmem_shared>> -> memref<128x128xf32, #tpu.memory_space<vmem_shared>>
        tpu.wait_dma2 semaphore(%arg18 : memref<!tpu.dma_semaphore, #tpu.memory_space<semaphore_mem>>) src(%arg13 : memref<128x128xf32, #tpu.memory_space<vmem>>) dst(%dma_wait3A_162 : memref<128x128xf32, #tpu.memory_space<vmem_shared>>)
        %dma_start3A_163 = arith.constant 6 : i32
        %dma_start3A_164 = arith.constant 0 : i32
        %dma_start3A_165 = tpu.memref_slice %arg12[%dma_start3A_163, %dma_start3A_164] : memref<8x128xi32, #tpu.memory_space<vmem>> -> memref<1x128xi32, #tpu.memory_space<vmem>>
        %dma_start3A_166 = tpu.memref_squeeze %dma_start3A_165 : memref<1x128xi32, #tpu.memory_space<vmem>> -> memref<128xi32, #tpu.memory_space<vmem>>
        %dma_start3A_167 = arith.constant 0 : i32
        %dma_start3A_168 = arith.constant 0 : i32
        %dma_start3A_169 = tpu.memref_slice %arg15[%dma_start3A_167, %dma_start3A_168] : memref<10240x128xf32, #tpu.memory_space<vmem_shared>> -> memref<10240x128xf32, #tpu.memory_space<vmem_shared>>
        tpu.enqueue_indirect_dma source(%arg13 : memref<128x128xf32, #tpu.memory_space<vmem>>) target(%dma_start3A_169 : memref<10240x128xf32, #tpu.memory_space<vmem_shared>>) offsets(%dma_start3A_166 : memref<128xi32, #tpu.memory_space<vmem>>) semaphore(%arg18 : memref<!tpu.dma_semaphore, #tpu.memory_space<semaphore_mem>>) {add = true}
        %dma_wait3A_170 = arith.constant 0 : i32
        %dma_wait3A_171 = arith.constant 0 : i32
        %dma_wait3A_172 = tpu.memref_slice %arg15[%dma_wait3A_170, %dma_wait3A_171] : memref<10240x128xf32, #tpu.memory_space<vmem_shared>> -> memref<128x128xf32, #tpu.memory_space<vmem_shared>>
        %dma_wait3A_173 = arith.constant 0 : i32
        %dma_wait3A_174 = arith.constant 0 : i32
        %dma_wait3A_175 = tpu.memref_slice %arg15[%dma_wait3A_173, %dma_wait3A_174] : memref<10240x128xf32, #tpu.memory_space<vmem_shared>> -> memref<128x128xf32, #tpu.memory_space<vmem_shared>>
        tpu.wait_dma2 semaphore(%arg19 : memref<!tpu.dma_semaphore, #tpu.memory_space<semaphore_mem>>) src(%arg14 : memref<128x128xf32, #tpu.memory_space<vmem>>) dst(%dma_wait3A_175 : memref<128x128xf32, #tpu.memory_space<vmem_shared>>)
        %dma_start3A_176 = arith.constant 7 : i32
        %dma_start3A_177 = arith.constant 0 : i32
        %dma_start3A_178 = tpu.memref_slice %arg12[%dma_start3A_176, %dma_start3A_177] : memref<8x128xi32, #tpu.memory_space<vmem>> -> memref<1x128xi32, #tpu.memory_space<vmem>>
        %dma_start3A_179 = tpu.memref_squeeze %dma_start3A_178 : memref<1x128xi32, #tpu.memory_space<vmem>> -> memref<128xi32, #tpu.memory_space<vmem>>
        %dma_start3A_180 = arith.constant 0 : i32
        %dma_start3A_181 = arith.constant 0 : i32
        %dma_start3A_182 = tpu.memref_slice %arg15[%dma_start3A_180, %dma_start3A_181] : memref<10240x128xf32, #tpu.memory_space<vmem_shared>> -> memref<10240x128xf32, #tpu.memory_space<vmem_shared>>
        tpu.enqueue_indirect_dma source(%arg14 : memref<128x128xf32, #tpu.memory_space<vmem>>) target(%dma_start3A_182 : memref<10240x128xf32, #tpu.memory_space<vmem_shared>>) offsets(%dma_start3A_179 : memref<128xi32, #tpu.memory_space<vmem>>) semaphore(%arg19 : memref<!tpu.dma_semaphore, #tpu.memory_space<semaphore_mem>>) {add = true}
      } else {
      }
    }
    %scan3A_29 = arith.constant 10 : i32
    %dma_wait3A_30 = arith.constant 0 : i32
    %dma_wait3A_31 = arith.constant 0 : i32
    %dma_wait3A_32 = tpu.memref_slice %arg15[%dma_wait3A_30, %dma_wait3A_31] : memref<10240x128xf32, #tpu.memory_space<vmem_shared>> -> memref<128x128xf32, #tpu.memory_space<vmem_shared>>
    %dma_wait3A_33 = arith.constant 0 : i32
    %dma_wait3A_34 = arith.constant 0 : i32
    %dma_wait3A_35 = tpu.memref_slice %arg15[%dma_wait3A_33, %dma_wait3A_34] : memref<10240x128xf32, #tpu.memory_space<vmem_shared>> -> memref<128x128xf32, #tpu.memory_space<vmem_shared>>
    tpu.wait_dma2 semaphore(%arg18 : memref<!tpu.dma_semaphore, #tpu.memory_space<semaphore_mem>>) src(%arg13 : memref<128x128xf32, #tpu.memory_space<vmem>>) dst(%dma_wait3A_35 : memref<128x128xf32, #tpu.memory_space<vmem_shared>>)
    %dma_wait3A_36 = arith.constant 0 : i32
    %dma_wait3A_37 = arith.constant 0 : i32
    %dma_wait3A_38 = tpu.memref_slice %arg15[%dma_wait3A_36, %dma_wait3A_37] : memref<10240x128xf32, #tpu.memory_space<vmem_shared>> -> memref<128x128xf32, #tpu.memory_space<vmem_shared>>
    %dma_wait3A_39 = arith.constant 0 : i32
    %dma_wait3A_40 = arith.constant 0 : i32
    %dma_wait3A_41 = tpu.memref_slice %arg15[%dma_wait3A_39, %dma_wait3A_40] : memref<10240x128xf32, #tpu.memory_space<vmem_shared>> -> memref<128x128xf32, #tpu.memory_space<vmem_shared>>
    tpu.wait_dma2 semaphore(%arg19 : memref<!tpu.dma_semaphore, #tpu.memory_space<semaphore_mem>>) src(%arg14 : memref<128x128xf32, #tpu.memory_space<vmem>>) dst(%dma_wait3A_41 : memref<128x128xf32, #tpu.memory_space<vmem_shared>>)
    %barrier3A_42 = arith.constant 0 : index
    tpu.barrier barrier_id(%barrier3A_42)
    "tpu.region"() ({
      %run_scoped3A = tpu.sem_alloc : memref<!tpu.dma_semaphore, #tpu.memory_space<semaphore_mem>>
      %dma_start3A_43 = arith.constant 0 : i32
      %dma_start3A_44 = tpu.memref_slice %arg8[%arg0, %mul3A_2, %dma_start3A_43] : memref<2x10240x128xf32, #tpu.memory_space<hbm>> -> memref<1x640x128xf32, #tpu.memory_space<hbm>>
      %dma_start3A_45 = tpu.memref_squeeze %dma_start3A_44 : memref<1x640x128xf32, #tpu.memory_space<hbm>> -> memref<640x128xf32, #tpu.memory_space<hbm>>
      %dma_start3A_46 = arith.constant 0 : i32
      %dma_start3A_47 = tpu.memref_slice %arg15[%mul3A_2, %dma_start3A_46] : memref<10240x128xf32, #tpu.memory_space<vmem_shared>> -> memref<640x128xf32, #tpu.memory_space<vmem_shared>>
      tpu.enqueue_dma source(%dma_start3A_47 : memref<640x128xf32, #tpu.memory_space<vmem_shared>>) target(%dma_start3A_45 : memref<640x128xf32, #tpu.memory_space<hbm>>) target_semaphore(%run_scoped3A : memref<!tpu.dma_semaphore, #tpu.memory_space<semaphore_mem>>)
      %dma_wait3A_48 = arith.constant 0 : i32
      %dma_wait3A_49 = tpu.memref_slice %arg8[%arg0, %mul3A_2, %dma_wait3A_48] : memref<2x10240x128xf32, #tpu.memory_space<hbm>> -> memref<1x640x128xf32, #tpu.memory_space<hbm>>
      %dma_wait3A_50 = tpu.memref_squeeze %dma_wait3A_49 : memref<1x640x128xf32, #tpu.memory_space<hbm>> -> memref<640x128xf32, #tpu.memory_space<hbm>>
      %dma_wait3A_51 = arith.constant 0 : i32
      %dma_wait3A_52 = tpu.memref_slice %arg15[%mul3A_2, %dma_wait3A_51] : memref<10240x128xf32, #tpu.memory_space<vmem_shared>> -> memref<640x128xf32, #tpu.memory_space<vmem_shared>>
      tpu.wait_dma2 semaphore(%run_scoped3A : memref<!tpu.dma_semaphore, #tpu.memory_space<semaphore_mem>>) src(%dma_wait3A_52 : memref<640x128xf32, #tpu.memory_space<vmem_shared>>) dst(%dma_wait3A_50 : memref<640x128xf32, #tpu.memory_space<hbm>>)
      tpu.yield
    }) : () -> ()
    return
  }
}

module attributes {stable_mosaic.version = 14 : i64} {
  func.func @_layer_body(%arg0: i32, %arg1: memref<1000x128xf32, #tpu.memory_space<vmem>>, %arg2: memref<1x1000x128xf32, #tpu.memory_space<vmem>>, %arg3: memref<1x1000x128xf32, #tpu.memory_space<vmem>>, %arg4: memref<1x1000x128xf32, #tpu.memory_space<vmem>>, %arg5: memref<1x1000x128xf32, #tpu.memory_space<vmem>>, %arg6: memref<128x128xf32, #tpu.memory_space<vmem>>, %arg7: memref<128x128xf32, #tpu.memory_space<vmem>>, %arg8: memref<1x128xf32, #tpu.memory_space<vmem>>, %arg9: memref<1000x128xf32, #tpu.memory_space<vmem>>) attributes {dimension_semantics = [#tpu.dimension_semantics<arbitrary>], iteration_bounds = array<i64: 10>, scalar_prefetch = 0 : i64, scratch_operands = 0 : i64, tpu.core_type = #tpu.core_type<tc>, window_params = [{transform_indices = @transform_0, window_bounds = array<i64: 1000, 128>}, {transform_indices = @transform_1, window_bounds = array<i64: 1, 1000, 128>}, {transform_indices = @transform_2, window_bounds = array<i64: 1, 1000, 128>}, {transform_indices = @transform_3, window_bounds = array<i64: 1, 1000, 128>}, {transform_indices = @transform_4, window_bounds = array<i64: 1, 1000, 128>}, {pipeline_mode = #tpu.pipeline_mode<synchronous>, transform_indices = @transform_5, window_bounds = array<i64: 128, 128>}, {pipeline_mode = #tpu.pipeline_mode<synchronous>, transform_indices = @transform_6, window_bounds = array<i64: 128, 128>}, {pipeline_mode = #tpu.pipeline_mode<synchronous>, transform_indices = @transform_7, window_bounds = array<i64: 1, 128>}, {transform_indices = @transform_8, window_bounds = array<i64: 1000, 128>}]} {
    %get3A = arith.constant 0 : index
    %get3A_0 = arith.constant 0 : index
    %get3A_1 = arith.constant 0 : index
    %get3A_2 = vector.load %arg4[%get3A, %get3A_0, %get3A_1] : memref<1x1000x128xf32, #tpu.memory_space<vmem>>, vector<1x1000x128xf32>
    %get3A_3 = vector.shape_cast %get3A_2 : vector<1x1000x128xf32> to vector<1000x128xf32>
    %slice3A = vector.extract_strided_slice %get3A_3 {offsets = [0, 0], sizes = [1000, 1], strides = [1, 1]} : vector<1000x128xf32> to vector<1000x1xf32>
    %get3A_4 = arith.constant 0 : index
    %get3A_5 = arith.constant 0 : index
    %get3A_6 = arith.constant 0 : index
    %get3A_7 = vector.load %arg5[%get3A_4, %get3A_5, %get3A_6] : memref<1x1000x128xf32, #tpu.memory_space<vmem>>, vector<1x1000x128xf32>
    %get3A_8 = vector.shape_cast %get3A_7 : vector<1x1000x128xf32> to vector<1000x128xf32>
    %slice3A_9 = vector.extract_strided_slice %get3A_8 {offsets = [0, 0], sizes = [1000, 1], strides = [1, 1]} : vector<1000x128xf32> to vector<1000x1xf32>
    %add3A = arith.addf %slice3A, %slice3A_9 : vector<1000x1xf32>
    %max3A = arith.constant 1.000000e+00 : f32
    %max3A_10 = vector.broadcast %max3A : f32 to vector<1000x1xf32>
    %max3A_11 = arith.maximumf %add3A, %max3A_10 : vector<1000x1xf32>
    %get3A_12 = arith.constant 0 : index
    %get3A_13 = arith.constant 0 : index
    %get3A_14 = arith.constant 0 : index
    %get3A_15 = vector.load %arg2[%get3A_12, %get3A_13, %get3A_14] : memref<1x1000x128xf32, #tpu.memory_space<vmem>>, vector<1x1000x128xf32>
    %get3A_16 = vector.shape_cast %get3A_15 : vector<1x1000x128xf32> to vector<1000x128xf32>
    %get3A_17 = arith.constant 0 : index
    %get3A_18 = arith.constant 0 : index
    %get3A_19 = arith.constant 0 : index
    %get3A_20 = vector.load %arg3[%get3A_17, %get3A_18, %get3A_19] : memref<1x1000x128xf32, #tpu.memory_space<vmem>>, vector<1x1000x128xf32>
    %get3A_21 = vector.shape_cast %get3A_20 : vector<1x1000x128xf32> to vector<1000x128xf32>
    %add3A_22 = arith.addf %get3A_16, %get3A_21 : vector<1000x128xf32>
    %div3A = vector.broadcast %max3A_11 : vector<1000x1xf32> to vector<1000x128xf32>
    %div3A_23 = arith.divf %add3A_22, %div3A : vector<1000x128xf32>
    %get3A_24 = arith.constant 0 : index
    %get3A_25 = arith.constant 0 : index
    %get3A_26 = vector.load %arg1[%get3A_24, %get3A_25] : memref<1000x128xf32, #tpu.memory_space<vmem>>, vector<1000x128xf32>
    %get3A_27 = arith.constant 0 : index
    %get3A_28 = arith.constant 0 : index
    %get3A_29 = vector.load %arg6[%get3A_27, %get3A_28] : memref<128x128xf32, #tpu.memory_space<vmem>>, vector<128x128xf32>
    %dot_general3A = arith.constant dense<0.000000e+00> : vector<1000x128xf32>
    %dot_general3A_30 = tpu.matmul %get3A_26, %get3A_29, %dot_general3A {dimension_numbers = #tpu.dot_dimension_numbers<[1], [0], [0], [1], [0, 0, 1, 1], [], []>, transpose_lhs_hint = false} : vector<1000x128xf32>, vector<128x128xf32>, vector<1000x128xf32> -> vector<1000x128xf32>
    %get3A_31 = arith.constant 0 : index
    %get3A_32 = arith.constant 0 : index
    %get3A_33 = vector.load %arg7[%get3A_31, %get3A_32] : memref<128x128xf32, #tpu.memory_space<vmem>>, vector<128x128xf32>
    %dot_general3A_34 = arith.constant dense<0.000000e+00> : vector<1000x128xf32>
    %dot_general3A_35 = tpu.matmul %div3A_23, %get3A_33, %dot_general3A_34 {dimension_numbers = #tpu.dot_dimension_numbers<[1], [0], [0], [1], [0, 0, 1, 1], [], []>, transpose_lhs_hint = false} : vector<1000x128xf32>, vector<128x128xf32>, vector<1000x128xf32> -> vector<1000x128xf32>
    %add3A_36 = arith.addf %dot_general3A_30, %dot_general3A_35 : vector<1000x128xf32>
    %get3A_37 = arith.constant 0 : index
    %get3A_38 = arith.constant 0 : index
    %get3A_39 = vector.load %arg8[%get3A_37, %get3A_38] : memref<1x128xf32, #tpu.memory_space<vmem>>, vector<1x128xf32>
    %add3A_40 = vector.broadcast %get3A_39 : vector<1x128xf32> to vector<1000x128xf32>
    %add3A_41 = arith.addf %add3A_36, %add3A_40 : vector<1000x128xf32>
    %max3A_42 = arith.constant 0.000000e+00 : f32
    %max3A_43 = vector.broadcast %max3A_42 : f32 to vector<1000x128xf32>
    %max3A_44 = arith.maximumf %add3A_41, %max3A_43 : vector<1000x128xf32>
    %swap3A = arith.constant 0 : index
    %swap3A_45 = arith.constant 0 : index
    %swap3A_46 = vector.load %arg9[%swap3A, %swap3A_45] : memref<1000x128xf32, #tpu.memory_space<vmem>>, vector<1000x128xf32>
    tpu.vector_store %arg9[%swap3A, %swap3A_45], %max3A_44 {strides = array<i32>} : memref<1000x128xf32, #tpu.memory_space<vmem>>, vector<1000x128xf32>,
    return
  }
  func.func @transform_0(%arg0: i32) -> (i32, i32) {
    %c0_i32 = arith.constant 0 : i32
    %c0_i32_0 = arith.constant 0 : i32
    return %arg0, %c0_i32 : i32, i32
  }
  func.func @transform_1(%arg0: i32) -> (i32, i32, i32) {
    %c0_i32 = arith.constant 0 : i32
    %c0_i32_0 = arith.constant 0 : i32
    %c0_i32_1 = arith.constant 0 : i32
    return %c0_i32, %arg0, %c0_i32_0 : i32, i32, i32
  }
  func.func @transform_2(%arg0: i32) -> (i32, i32, i32) {
    %c1_i32 = arith.constant 1 : i32
    %c0_i32 = arith.constant 0 : i32
    %c0_i32_0 = arith.constant 0 : i32
    return %c1_i32, %arg0, %c0_i32 : i32, i32, i32
  }
  func.func @transform_3(%arg0: i32) -> (i32, i32, i32) {
    %c0_i32 = arith.constant 0 : i32
    %c0_i32_0 = arith.constant 0 : i32
    %c0_i32_1 = arith.constant 0 : i32
    return %c0_i32, %arg0, %c0_i32_0 : i32, i32, i32
  }
  func.func @transform_4(%arg0: i32) -> (i32, i32, i32) {
    %c1_i32 = arith.constant 1 : i32
    %c0_i32 = arith.constant 0 : i32
    %c0_i32_0 = arith.constant 0 : i32
    return %c1_i32, %arg0, %c0_i32 : i32, i32, i32
  }
  func.func @transform_5(%arg0: i32) -> (i32, i32) {
    %c0_i32 = arith.constant 0 : i32
    %c0_i32_0 = arith.constant 0 : i32
    %c0_i32_1 = arith.constant 0 : i32
    return %c0_i32, %c0_i32_0 : i32, i32
  }
  func.func @transform_6(%arg0: i32) -> (i32, i32) {
    %c0_i32 = arith.constant 0 : i32
    %c0_i32_0 = arith.constant 0 : i32
    %c0_i32_1 = arith.constant 0 : i32
    return %c0_i32, %c0_i32_0 : i32, i32
  }
  func.func @transform_7(%arg0: i32) -> (i32, i32) {
    %c0_i32 = arith.constant 0 : i32
    %c0_i32_0 = arith.constant 0 : i32
    %c0_i32_1 = arith.constant 0 : i32
    return %c0_i32, %c0_i32_0 : i32, i32
  }
  func.func @transform_8(%arg0: i32) -> (i32, i32) {
    %c0_i32 = arith.constant 0 : i32
    %c0_i32_0 = arith.constant 0 : i32
    return %arg0, %c0_i32 : i32, i32
  }
}

module attributes {stable_mosaic.version = 14 : i64} {
  func.func @_layer_body(%arg0: i32, %arg1: memref<1000x128xf32, #tpu.memory_space<vmem>>, %arg2: memref<1x1000x128xf32, #tpu.memory_space<vmem>>, %arg3: memref<1x1000x128xf32, #tpu.memory_space<vmem>>, %arg4: memref<1x1000x128xf32, #tpu.memory_space<vmem>>, %arg5: memref<1x1000x128xf32, #tpu.memory_space<vmem>>, %arg6: memref<128x128xf32, #tpu.memory_space<vmem>>, %arg7: memref<128x128xf32, #tpu.memory_space<vmem>>, %arg8: memref<1x128xf32, #tpu.memory_space<vmem>>, %arg9: memref<1000x128xf32, #tpu.memory_space<vmem>>) attributes {dimension_semantics = [#tpu.dimension_semantics<arbitrary>], iteration_bounds = array<i64: 10>, scalar_prefetch = 0 : i64, scratch_operands = 0 : i64, tpu.core_type = #tpu.core_type<tc>, window_params = [{transform_indices = @transform_0, window_bounds = array<i64: 1000, 128>}, {transform_indices = @transform_1, window_bounds = array<i64: 1, 1000, 128>}, {transform_indices = @transform_2, window_bounds = array<i64: 1, 1000, 128>}, {transform_indices = @transform_3, window_bounds = array<i64: 1, 1000, 128>}, {transform_indices = @transform_4, window_bounds = array<i64: 1, 1000, 128>}, {pipeline_mode = #tpu.pipeline_mode<synchronous>, transform_indices = @transform_5, window_bounds = array<i64: 128, 128>}, {pipeline_mode = #tpu.pipeline_mode<synchronous>, transform_indices = @transform_6, window_bounds = array<i64: 128, 128>}, {pipeline_mode = #tpu.pipeline_mode<synchronous>, transform_indices = @transform_7, window_bounds = array<i64: 1, 128>}, {transform_indices = @transform_8, window_bounds = array<i64: 1000, 128>}]} {
    %get3A = arith.constant 0 : index
    %get3A_0 = arith.constant 0 : index
    %get3A_1 = arith.constant 0 : index
    %get3A_2 = vector.load %arg4[%get3A, %get3A_0, %get3A_1] : memref<1x1000x128xf32, #tpu.memory_space<vmem>>, vector<1x1000x128xf32>
    %get3A_3 = vector.shape_cast %get3A_2 : vector<1x1000x128xf32> to vector<1000x128xf32>
    %slice3A = vector.extract_strided_slice %get3A_3 {offsets = [0, 0], sizes = [1000, 1], strides = [1, 1]} : vector<1000x128xf32> to vector<1000x1xf32>
    %get3A_4 = arith.constant 0 : index
    %get3A_5 = arith.constant 0 : index
    %get3A_6 = arith.constant 0 : index
    %get3A_7 = vector.load %arg5[%get3A_4, %get3A_5, %get3A_6] : memref<1x1000x128xf32, #tpu.memory_space<vmem>>, vector<1x1000x128xf32>
    %get3A_8 = vector.shape_cast %get3A_7 : vector<1x1000x128xf32> to vector<1000x128xf32>
    %slice3A_9 = vector.extract_strided_slice %get3A_8 {offsets = [0, 0], sizes = [1000, 1], strides = [1, 1]} : vector<1000x128xf32> to vector<1000x1xf32>
    %add3A = arith.addf %slice3A, %slice3A_9 : vector<1000x1xf32>
    %max3A = arith.constant 1.000000e+00 : f32
    %max3A_10 = vector.broadcast %max3A : f32 to vector<1000x1xf32>
    %max3A_11 = arith.maximumf %add3A, %max3A_10 : vector<1000x1xf32>
    %get3A_12 = arith.constant 0 : index
    %get3A_13 = arith.constant 0 : index
    %get3A_14 = arith.constant 0 : index
    %get3A_15 = vector.load %arg2[%get3A_12, %get3A_13, %get3A_14] : memref<1x1000x128xf32, #tpu.memory_space<vmem>>, vector<1x1000x128xf32>
    %get3A_16 = vector.shape_cast %get3A_15 : vector<1x1000x128xf32> to vector<1000x128xf32>
    %get3A_17 = arith.constant 0 : index
    %get3A_18 = arith.constant 0 : index
    %get3A_19 = arith.constant 0 : index
    %get3A_20 = vector.load %arg3[%get3A_17, %get3A_18, %get3A_19] : memref<1x1000x128xf32, #tpu.memory_space<vmem>>, vector<1x1000x128xf32>
    %get3A_21 = vector.shape_cast %get3A_20 : vector<1x1000x128xf32> to vector<1000x128xf32>
    %add3A_22 = arith.addf %get3A_16, %get3A_21 : vector<1000x128xf32>
    %div3A = vector.broadcast %max3A_11 : vector<1000x1xf32> to vector<1000x128xf32>
    %div3A_23 = arith.divf %add3A_22, %div3A : vector<1000x128xf32>
    %get3A_24 = arith.constant 0 : index
    %get3A_25 = arith.constant 0 : index
    %get3A_26 = vector.load %arg1[%get3A_24, %get3A_25] : memref<1000x128xf32, #tpu.memory_space<vmem>>, vector<1000x128xf32>
    %get3A_27 = arith.constant 0 : index
    %get3A_28 = arith.constant 0 : index
    %get3A_29 = vector.load %arg6[%get3A_27, %get3A_28] : memref<128x128xf32, #tpu.memory_space<vmem>>, vector<128x128xf32>
    %dot_general3A = arith.constant dense<0.000000e+00> : vector<1000x128xf32>
    %dot_general3A_30 = tpu.matmul %get3A_26, %get3A_29, %dot_general3A {dimension_numbers = #tpu.dot_dimension_numbers<[1], [0], [0], [1], [0, 0, 1, 1], [], []>, transpose_lhs_hint = false} : vector<1000x128xf32>, vector<128x128xf32>, vector<1000x128xf32> -> vector<1000x128xf32>
    %get3A_31 = arith.constant 0 : index
    %get3A_32 = arith.constant 0 : index
    %get3A_33 = vector.load %arg7[%get3A_31, %get3A_32] : memref<128x128xf32, #tpu.memory_space<vmem>>, vector<128x128xf32>
    %dot_general3A_34 = arith.constant dense<0.000000e+00> : vector<1000x128xf32>
    %dot_general3A_35 = tpu.matmul %div3A_23, %get3A_33, %dot_general3A_34 {dimension_numbers = #tpu.dot_dimension_numbers<[1], [0], [0], [1], [0, 0, 1, 1], [], []>, transpose_lhs_hint = false} : vector<1000x128xf32>, vector<128x128xf32>, vector<1000x128xf32> -> vector<1000x128xf32>
    %add3A_36 = arith.addf %dot_general3A_30, %dot_general3A_35 : vector<1000x128xf32>
    %get3A_37 = arith.constant 0 : index
    %get3A_38 = arith.constant 0 : index
    %get3A_39 = vector.load %arg8[%get3A_37, %get3A_38] : memref<1x128xf32, #tpu.memory_space<vmem>>, vector<1x128xf32>
    %add3A_40 = vector.broadcast %get3A_39 : vector<1x128xf32> to vector<1000x128xf32>
    %add3A_41 = arith.addf %add3A_36, %add3A_40 : vector<1000x128xf32>
    %swap3A = arith.constant 0 : index
    %swap3A_42 = arith.constant 0 : index
    %swap3A_43 = vector.load %arg9[%swap3A, %swap3A_42] : memref<1000x128xf32, #tpu.memory_space<vmem>>, vector<1000x128xf32>
    tpu.vector_store %arg9[%swap3A, %swap3A_42], %add3A_41 {strides = array<i32>} : memref<1000x128xf32, #tpu.memory_space<vmem>>, vector<1000x128xf32>,
    return
  }
  func.func @transform_0(%arg0: i32) -> (i32, i32) {
    %c0_i32 = arith.constant 0 : i32
    %c0_i32_0 = arith.constant 0 : i32
    return %arg0, %c0_i32 : i32, i32
  }
  func.func @transform_1(%arg0: i32) -> (i32, i32, i32) {
    %c0_i32 = arith.constant 0 : i32
    %c0_i32_0 = arith.constant 0 : i32
    %c0_i32_1 = arith.constant 0 : i32
    return %c0_i32, %arg0, %c0_i32_0 : i32, i32, i32
  }
  func.func @transform_2(%arg0: i32) -> (i32, i32, i32) {
    %c1_i32 = arith.constant 1 : i32
    %c0_i32 = arith.constant 0 : i32
    %c0_i32_0 = arith.constant 0 : i32
    return %c1_i32, %arg0, %c0_i32 : i32, i32, i32
  }
  func.func @transform_3(%arg0: i32) -> (i32, i32, i32) {
    %c0_i32 = arith.constant 0 : i32
    %c0_i32_0 = arith.constant 0 : i32
    %c0_i32_1 = arith.constant 0 : i32
    return %c0_i32, %arg0, %c0_i32_0 : i32, i32, i32
  }
  func.func @transform_4(%arg0: i32) -> (i32, i32, i32) {
    %c1_i32 = arith.constant 1 : i32
    %c0_i32 = arith.constant 0 : i32
    %c0_i32_0 = arith.constant 0 : i32
    return %c1_i32, %arg0, %c0_i32 : i32, i32, i32
  }
  func.func @transform_5(%arg0: i32) -> (i32, i32) {
    %c0_i32 = arith.constant 0 : i32
    %c0_i32_0 = arith.constant 0 : i32
    %c0_i32_1 = arith.constant 0 : i32
    return %c0_i32, %c0_i32_0 : i32, i32
  }
  func.func @transform_6(%arg0: i32) -> (i32, i32) {
    %c0_i32 = arith.constant 0 : i32
    %c0_i32_0 = arith.constant 0 : i32
    %c0_i32_1 = arith.constant 0 : i32
    return %c0_i32, %c0_i32_0 : i32, i32
  }
  func.func @transform_7(%arg0: i32) -> (i32, i32) {
    %c0_i32 = arith.constant 0 : i32
    %c0_i32_0 = arith.constant 0 : i32
    %c0_i32_1 = arith.constant 0 : i32
    return %c0_i32, %c0_i32_0 : i32, i32
  }
  func.func @transform_8(%arg0: i32) -> (i32, i32) {
    %c0_i32 = arith.constant 0 : i32
    %c0_i32_0 = arith.constant 0 : i32
    return %arg0, %c0_i32 : i32, i32
  }
}

module attributes {stable_mosaic.version = 14 : i64} {
  func.func @_pred_body(%arg0: memref<1024x128xf32, #tpu.memory_space<vmem>>, %arg1: memref<1024x128xf32, #tpu.memory_space<vmem>>, %arg2: memref<128x128xf32, #tpu.memory_space<vmem>>, %arg3: memref<1x128xf32, #tpu.memory_space<vmem>>, %arg4: memref<128x128xf32, #tpu.memory_space<vmem>>, %arg5: memref<1x128xf32, #tpu.memory_space<vmem>>, %arg6: memref<128x1xf32, #tpu.memory_space<vmem>>, %arg7: memref<1x1xf32, #tpu.memory_space<vmem>>, %arg8: memref<1024x1xf32, #tpu.memory_space<vmem>>) attributes {dimension_semantics = [], scalar_prefetch = 0 : i64, scratch_operands = 0 : i64, tpu.core_type = #tpu.core_type<tc>} {
    %get3A = arith.constant 0 : index
    %get3A_0 = arith.constant 0 : index
    %get3A_1 = vector.load %arg0[%get3A, %get3A_0] : memref<1024x128xf32, #tpu.memory_space<vmem>>, vector<1024x128xf32>
    %get3A_2 = arith.constant 0 : index
    %get3A_3 = arith.constant 0 : index
    %get3A_4 = vector.load %arg1[%get3A_2, %get3A_3] : memref<1024x128xf32, #tpu.memory_space<vmem>>, vector<1024x128xf32>
    %mul3A = arith.mulf %get3A_1, %get3A_4 : vector<1024x128xf32>
    %get3A_5 = arith.constant 0 : index
    %get3A_6 = arith.constant 0 : index
    %get3A_7 = vector.load %arg2[%get3A_5, %get3A_6] : memref<128x128xf32, #tpu.memory_space<vmem>>, vector<128x128xf32>
    %dot_general3A = arith.constant dense<0.000000e+00> : vector<1024x128xf32>
    %dot_general3A_8 = tpu.matmul %mul3A, %get3A_7, %dot_general3A {dimension_numbers = #tpu.dot_dimension_numbers<[1], [0], [0], [1], [0, 0, 1, 1], [], []>, transpose_lhs_hint = false} : vector<1024x128xf32>, vector<128x128xf32>, vector<1024x128xf32> -> vector<1024x128xf32>
    %get3A_9 = arith.constant 0 : index
    %get3A_10 = arith.constant 0 : index
    %get3A_11 = vector.load %arg3[%get3A_9, %get3A_10] : memref<1x128xf32, #tpu.memory_space<vmem>>, vector<1x128xf32>
    %add3A = vector.broadcast %get3A_11 : vector<1x128xf32> to vector<1024x128xf32>
    %add3A_12 = arith.addf %dot_general3A_8, %add3A : vector<1024x128xf32>
    %max3A = arith.constant 0.000000e+00 : f32
    %max3A_13 = vector.broadcast %max3A : f32 to vector<1024x128xf32>
    %max3A_14 = arith.maximumf %add3A_12, %max3A_13 : vector<1024x128xf32>
    %get3A_15 = arith.constant 0 : index
    %get3A_16 = arith.constant 0 : index
    %get3A_17 = vector.load %arg4[%get3A_15, %get3A_16] : memref<128x128xf32, #tpu.memory_space<vmem>>, vector<128x128xf32>
    %dot_general3A_18 = arith.constant dense<0.000000e+00> : vector<1024x128xf32>
    %dot_general3A_19 = tpu.matmul %max3A_14, %get3A_17, %dot_general3A_18 {dimension_numbers = #tpu.dot_dimension_numbers<[1], [0], [0], [1], [0, 0, 1, 1], [], []>, transpose_lhs_hint = false} : vector<1024x128xf32>, vector<128x128xf32>, vector<1024x128xf32> -> vector<1024x128xf32>
    %get3A_20 = arith.constant 0 : index
    %get3A_21 = arith.constant 0 : index
    %get3A_22 = vector.load %arg5[%get3A_20, %get3A_21] : memref<1x128xf32, #tpu.memory_space<vmem>>, vector<1x128xf32>
    %add3A_23 = vector.broadcast %get3A_22 : vector<1x128xf32> to vector<1024x128xf32>
    %add3A_24 = arith.addf %dot_general3A_19, %add3A_23 : vector<1024x128xf32>
    %max3A_25 = arith.constant 0.000000e+00 : f32
    %max3A_26 = vector.broadcast %max3A_25 : f32 to vector<1024x128xf32>
    %max3A_27 = arith.maximumf %add3A_24, %max3A_26 : vector<1024x128xf32>
    %get3A_28 = arith.constant 0 : index
    %get3A_29 = arith.constant 0 : index
    %get3A_30 = vector.load %arg6[%get3A_28, %get3A_29] : memref<128x1xf32, #tpu.memory_space<vmem>>, vector<128x1xf32>
    %dot_general3A_31 = arith.constant dense<0.000000e+00> : vector<1024x1xf32>
    %dot_general3A_32 = tpu.matmul %max3A_27, %get3A_30, %dot_general3A_31 {dimension_numbers = #tpu.dot_dimension_numbers<[1], [0], [0], [1], [0, 0, 1, 1], [], []>, transpose_lhs_hint = false} : vector<1024x128xf32>, vector<128x1xf32>, vector<1024x1xf32> -> vector<1024x1xf32>
    %get3A_33 = arith.constant 0 : index
    %get3A_34 = arith.constant 0 : index
    %get3A_35 = vector.load %arg7[%get3A_33, %get3A_34] : memref<1x1xf32, #tpu.memory_space<vmem>>, vector<1x1xf32>
    %add3A_36 = vector.broadcast %get3A_35 : vector<1x1xf32> to vector<1024x1xf32>
    %add3A_37 = arith.addf %dot_general3A_32, %add3A_36 : vector<1024x1xf32>
    %swap3A = arith.constant 0 : index
    %swap3A_38 = arith.constant 0 : index
    %swap3A_39 = vector.load %arg8[%swap3A, %swap3A_38] : memref<1024x1xf32, #tpu.memory_space<vmem>>, vector<1024x1xf32>
    tpu.vector_store %arg8[%swap3A, %swap3A_38], %add3A_37 {strides = array<i32>} : memref<1024x1xf32, #tpu.memory_space<vmem>>, vector<1024x1xf32>,
    return
  }
}

</mosaic_0001>

<sc_bundles>
// kernel: kernel.11.cloned.1.call-start
scs
__scs_entry_jumppad:
0x0: {  	(pc) =	sbr.rel $0x88, $3  }
0x1: {  	(tag) =	ssettag $0x0;
	lr =	simm.s32 $0x1  }
0x2: {  	[smem:$0x3F93] =	sst lr;
	_ =	strace $0xD0000000  }
0x3: {  	_ = 	snop  }
0x4: {  	_ = 	snop  }
0x5: {  	_ = 	snop  }
0x6: {  	_ = 	snop  }
0x7: {  	_ = 	snop  }
__scs_overlays_trampoline_lowered:
0x8: {  	[smem:$0x3FA2] =	sst s0  }
0x9: {  	[smem:$0x3FA3] =	sst s1  }
0xa: {  	[smem:$0x3FA4] =	sst s2  }
0xb: {  	[smem:$0x3FA5] =	sst s3  }
0xc: {  	[smem:$0x3FA6] =	sst s4  }
0xd: {  	[smem:$0x3FA7] =	sst s5  }
0xe: {  	[smem:$0x3FA8] =	sst s6  }
0xf: {  	[smem:$0x3FA9] =	sst s7  }
0x10: {  	[smem:$0x3FAA] =	sst s8  }
0x11: {  	[smem:$0x3FAB] =	sst s9;
	s0 =	simm.s32 @!p0 $0x0  }
0x12: {  	s1 =	sld [smem:$0x3F91];
	s0 =	simm.s32 @p0 $0x1  }
0x13: {  	[smem:$0x3FAC] =	sst s0;
	s0 =	simm.s32 @!p1 $0x0  }
0x14: {  	s2 =	sld [smem:$0x3F90];
	s0 =	simm.s32 @p1 $0x1  }
0x15: {  	[smem:$0x3FAD] =	sst s0;
	s0 =	simm.s32 @!p2 $0x0  }
0x16: {  	s3 =	sld [smem:$0x3FDB];
	s0 =	simm.s32 @p2 $0x1  }
0x17: {  	s4 =	simm.s32 $0x1BF5;
	[smem:$0x3FAF] =	sst s0  }
0x18: {  	s0 =	sld [smem:$0x3F92];
	_ =	swait.ge [sflag:s4], $0x0  }
0x19: {  	s7 =	sld [smem:$0x3F93]  }
0x1a: {  	s8 =	sadd.s32 $0xFFFFE003, lr  }
0x1b: {  	s9 =	sadd.s32 $0xFFFFFEF7, lr;
	s5 =	simm.s32 $0xFFFFFFFF;
	p2 =	slt.u32 s8, $0xFFFFF086  }
0x1c: {  	p1 =	slt.u32 s9, $0xF7A;
	s5 =	simm.s32 @!p2 $0x0  }
0x1d: {  	s5 =	simm.s32 @p1 $0x1;
	p0 =	seq.s32 s7, s2  }
0x1e: {  	s7 =	smul.u32 @!p0 $0xF7A, s2;
	p2 =	seq.s32 @!p0 s5, $0x0  }
0x1f: {  	s9 =	smul.u32 $0xF7A, s1;
	s8 =	simm.s32 @!p0 $0x1BF5;
	p2 =	por !p2, p0  }
0x20: {  	[sflag:s8] =	ssyncset.s32 @!p0 $0xFFFFF086;
	s6 =	sadd.s32 @!p0 s3, s7;
	s7 =	simm.s32 @!p0 $0x108  }
0x21: {  	s3 =	sadd.s32 s3, s9;
	s6 =	sadd.s32 @!p0 $0x88, s6;
	s7 =	simm.s32 @p2 $0x1082  }
0x22: {  	[simem:s7], [sflag:s8] =	dma.local @!p0 [hbm:s6], $0xF7A  }
0x23: {  	s9 =	sor.u32 $0xD0000000, s2;
	s6 =	simm.s32 $0x108;
	_ =	swait.ge @!p0 [sflag:s8], $0x0  }
0x24: {  	s3 =	sadd.s32 $0x88, s3;
	s6 =	simm.s32 @!p1 $0x1082;
	[sflag:s4] =	ssyncset.s32 $0xFFFFF086  }
0x25: {  	[simem:s6], [sflag:s4] =	dma.local [hbm:s3], $0xF7A  }
0x26: {  	[smem:$0x3F93] =	sst s1;
	(tag) =	ssettag s2;
	_ =	strace s9  }
0x27: {  	s1 =	sld [smem:$0x3FA3]  }
0x28: {  	s2 =	sld [smem:$0x3FA4]  }
0x29: {  	s4 =	sld [smem:$0x3FA6]  }
0x2a: {  	p0 =	seq.s32 s5, $0x0;
	s5 =	sld [smem:$0x3FA7]  }
0x2b: {  	s6 =	sld [smem:$0x3FA8]  }
0x2c: {  	s7 =	sld [smem:$0x3FA9]  }
0x2d: {  	s3 =	simm.s32 $0x108;
	s8 =	sld [smem:$0x3FAA]  }
0x2e: {  	s3 =	simm.s32 @!p0 $0x1082;
	s9 =	sld [smem:$0x3FAB]  }
0x2f: {  	lr =	sadd.s32 s0, s3;
	s0 =	sld [smem:$0x3FA2]  }
0x30: {  	s3 =	sld [smem:$0x3FA5]  }
0x31: {  	[smem:$0x3FAE] =	sst s10  }
0x32: {  	s10 =	sld [smem:$0x3FAC];
	_ =	sdelay $0x3  }
0x33: {  	p0 =	seq.s32 s10, $0x1;
	s10 =	sld [smem:$0x3FAE];
	_ =	sdelay $0x3  }
0x34: {  	[smem:$0x3FAE] =	sst s10  }
0x35: {  	s10 =	sld [smem:$0x3FAD];
	_ =	sdelay $0x3  }
0x36: {  	p1 =	seq.s32 s10, $0x1;
	s10 =	sld [smem:$0x3FAE];
	_ =	sdelay $0x3  }
0x37: {  	[smem:$0x3FAE] =	sst s10  }
0x38: {  	s10 =	sld [smem:$0x3FAF]  }
0x39: {  	_ = 	snop;
	(pc) =	sbr.ind lr, $3  }
0x3a: {  	_ = 	snop  }
0x3b: {  	_ = 	snop  }
0x3c: {  	p2 =	seq.s32 s10, $0x1;
	s10 =	sld [smem:$0x3FAE]  }
0x3d: {  	_ =	shalt  }
0x3e: {  	_ =	shalt  }
0x3f: {  	_ =	shalt  }
0x40: {  	_ =	shalt  }
0x41: {  	_ =	shalt  }
0x42: {  	_ =	shalt  }
0x43: {  	_ =	shalt  }
0x44: {  	_ =	shalt  }
0x45: {  	_ =	shalt  }
0x46: {  	_ =	shalt  }
0x47: {  	_ =	shalt  }
0x48: {  	_ =	shalt  }
0x49: {  	_ =	shalt  }
0x4a: {  	_ =	shalt  }
0x4b: {  	_ =	shalt  }
0x4c: {  	_ =	shalt  }
0x4d: {  	_ =	shalt  }
0x4e: {  	_ =	shalt  }
0x4f: {  	_ =	shalt  }
0x50: {  	_ =	shalt  }
0x51: {  	_ =	shalt  }
0x52: {  	_ =	shalt  }
0x53: {  	_ =	shalt  }
0x54: {  	_ =	shalt  }
0x55: {  	_ =	shalt  }
0x56: {  	_ =	shalt  }
0x57: {  	_ =	shalt  }
0x58: {  	_ =	shalt  }
0x59: {  	_ =	shalt  }
0x5a: {  	_ =	shalt  }
0x5b: {  	_ =	shalt  }
0x5c: {  	_ =	shalt  }
0x5d: {  	_ =	shalt  }
0x5e: {  	_ =	shalt  }
0x5f: {  	_ =	shalt  }
0x60: {  	_ =	shalt  }
0x61: {  	_ =	shalt  }
0x62: {  	_ =	shalt  }
0x63: {  	_ =	shalt  }
0x64: {  	_ =	shalt  }
0x65: {  	_ =	shalt  }
0x66: {  	_ =	shalt  }
0x67: {  	_ =	shalt  }
0x68: {  	_ =	shalt  }
0x69: {  	_ =	shalt  }
0x6a: {  	_ =	shalt  }
0x6b: {  	_ =	shalt  }
0x6c: {  	_ =	shalt  }
0x6d: {  	_ =	shalt  }
0x6e: {  	_ =	shalt  }
0x6f: {  	_ =	shalt  }
0x70: {  	_ =	shalt  }
0x71: {  	_ =	shalt  }
0x72: {  	_ =	shalt  }
0x73: {  	_ =	shalt  }
0x74: {  	_ =	shalt  }
0x75: {  	_ =	shalt  }
0x76: {  	_ =	shalt  }
0x77: {  	_ =	shalt  }
0x78: {  	_ =	shalt  }
0x79: {  	_ =	shalt  }
0x7a: {  	_ =	shalt  }
0x7b: {  	_ =	shalt  }
0x7c: {  	_ =	shalt  }
0x7d: {  	_ =	shalt  }
0x7e: {  	_ =	shalt  }
0x7f: {  	_ =	shalt  }
0x80: {  	_ =	shalt  }
0x81: {  	_ =	shalt  }
0x82: {  	_ =	shalt  }
0x83: {  	_ =	shalt  }
0x84: {  	_ =	shalt  }
0x85: {  	_ =	shalt  }
0x86: {  	_ =	shalt  }
0x87: {  	_ =	shalt  }
.Lfunc_end0:
.L_simem_size_0:
called_computation.1_lowered:
.L_overlay_start_0:
0x88: {  	s2 =	sld [smem:$0x3FD9]  }
0x89: {  	s3 =	sld [smem:$0x3FFE];
	_ =	sdelay $0x1  }
0x8a: {  	s1 =	srdreg.scid  }
0x8b: {  	s0 =	sand.u32 $0x1, s1  }
0x8c: {  	s16 =	sshll.u32 s0, $0xA;
	s2 =	sadd.s32 s3, s2  }
0x8d: {  	s2 =	sadd.s32 s2, s16  }
0x8e: {  	[smem:$0x3FBA] =	sst s2  }
0x8f: {  	_ = 	snop  }
0x90: {  	(tm) =	ssettm $0x1  }
0x91: {  	s17 =	sld [smem:$0x3FFB];
	_ =	sdelay $0x3  }
0x92: {  	_ =	strace s17  }
0x93: {  	s2 =	sld [smem:$0x3FFC];
	_ =	sdelay $0x3  }
0x94: {  	_ =	strace s2  }
0x95: {  	s2 =	sld [smem:$0x3FFD];
	_ =	sdelay $0x3  }
0x96: {  	_ =	strace s2  }
0x97: {  	_ =	strace $0x8FFFFFFF  }
0x98: {  	s18 =	sld [smem:$0x3FDB];
	_ =	sdelay $0x1  }
0x99: {  	s19 =	simm.s32 $_scs_section_size  }
0x9a: {  	s4 =	simm.s32 $_size__tile_overlayer_lowered;
	s5 =	simm.s32 $_tile_overlayer_lowered  }
0x9b: {  	s22 =	simm.s32 $0x1BFF;
	s21 =	sshll.u32 s5, $0x1;
	s2 =	sadd.s32 s19, s18  }
0x9c: {  	s6 =	simm.s32 $0x0;
	s20 =	sshll.u32 s4, $0x1;
	s4 =	sadd.s32 s21, s2  }
0x9d: {  	[timem:s6], [sflag:s22] =	dma.local [hbm:s4], s20  }
0x9e: {  	_ =	swait.ge [sflag:s22], s20  }
0x9f: {  	s3 =	ssub.s32 $0x0, s20;
	[sflag:s22] =	ssyncset.done $0x0  }
0xa0: {  	[sflag:s22] =	ssyncadd.s32 s3;
	_ =	sdelay $0x1  }
0xa1: {  	s23 =	simm.s32 $0x1B8B  }
0xa2: {  	_ =	swait.ge [sflag:s23], $0x1  }
0xa3: {  	[sflag:s23] =	ssyncset.done $0x0  }
0xa4: {  	s25 =	simm.s32 $0x1B8E;
	s24 =	sld [smem:$0x3FFE];
	[sflag:s23] =	ssyncadd.s32 $0xFFFFFFFF  }
0xa5: {  	s26 =	simm.s32 $execute0_lowered;
	[smem:$0x3FD2] =	sst s25  }
0xa6: {  	s4 =	sshll.u32 s26, $0x1;
	_ =	strace $0x80000049;
	[dreg:$0x1] =	wrdreg $0xFFFFFFFF  }
0xa7: {  	s28 =	simm.s32 $_size_execute0_lowered;
	s2 =	sadd.s32 s2, s4;
	[dreg:$0x0] =	wrdreg $0x0  }
0xa8: {  	s4 =	sshll.u32 s28, $0x1;
	[dreg:$0x2] =	wrdreg s2  }
0xa9: {  	[dreg:$0x3] =	wrdreg s4  }
0xaa: {  	[dreg:$0x4] =	wrdreg $0xC0  }
0xab: {  	_ =	task [dreg:s6], $0x5FFFF  }
0xac: {  	[dreg:$0x1] =	wrdreg $0xFFFFFFFF  }
0xad: {  	[dreg:$0x0] =	wrdreg $0x60  }
0xae: {  	[dreg:$0x2] =	wrdreg s24  }
0xaf: {  	[dreg:$0x3] =	wrdreg $0x90000  }
0xb0: {  	[dreg:$0x4] =	wrdreg $0x9  }
0xb1: {  	_ =	task.clear_ibuf [dreg:s6], $0x5FFFF;
	_ =	strace $0x90000049  }
0xb2: {  	s29 =	simm.s32 $0x9;
	_ =	strace $0x8000004B  }
0xb3: {  	_ =	swait.ge [sflag:s29], $0x1  }
0xb4: {  	[sflag:s29] =	ssyncadd.s32 $0xFFFFFFFF  }
0xb5: {  	_ =	strace $0x9000004B  }
0xb6: {  	_ =	sfence  }
0xb7: {  	s30 =	sld [smem:$0x0];
	_ =	sdelay $0x2  }
0xb8: {  	s31 =	sshll.u32 s1, $0xD;
	s1 =	sshrl.u32 s1, $0x2  }
0xb9: {  	s3 =	sand.u32 $0x4000, s31;
	s1 =	sadd.s32 s1, s30  }
0xba: {  	s0 =	sor.u32 s3, s0;
	s1 =	sshll.u32 s1, $0x11  }
0xbb: {  	s0 =	sor.u32 s1, s0  }
0xbc: {  	s0 =	sadd.s32 $0x8F2B, s0  }
0xbd: {  	[sflag:s0] =	ssyncadd.remote.s32 $0x1  }
0xbe: {  	_ =	sfence.sel $0xFFFF  }
0xbf: {  	[dreg:$0x0] =	wrdreg $0xFFFFFFFF;
	(pc) =	sbr.abs _section_cstart, $3  }
0xc0: {  	[dreg:$0x1] =	wrdreg $0xFFFFFFFF  }
0xc1: {  	_ =	task.clear_ibuf [dreg:s6], $0x2FFFF;
	_ =	strace $0x9FFFFFFF  }
0xc2: {  	(tm) =	ssettm $0x7FFFFFFF  }
0xc3: {  	_ =	shalt  }
tec
execute0_lowered:
.L_overlay_start_1:
0x0: {  	(tag) =	ssettag $0x1  }
0x1: {  	s0 =	rddreg [dreg:$0x0]  }
0x2: {  	s1 =	rddreg [dreg:$0x1];
	s2 =	srdreg.scid  }
0x3: {  	s3 =	simm.s32 $0x0;
	s12 =	stileid.u32;
	s14 =	simm.s32 $0x5  }
0x4: {  	s16 =	simm.s32 $0x80;
	s17 =	simm.s32 $0x1000;
	s18 =	simm.s32 $0x4  }
0x5: {  	s20 =	simm.s32 $0x5000;
	s15 =	simm.s32 $0x700;
	s2 =	sand.u32 $0x1, s2  }
0x6: {  	[smem:$0x7FF] =	sst s3;
	s6 =	smul.u32 $0x14000, s12;
	s4 =	sadd.s32 $0x1A600, s0  }
0x7: {  	s7 =	sadd.s32 $0xD600, s0;
	s8 =	sadd.s32 $0x3600, s0;
	s11 =	smul.u32 $0x50000, s12  }
0x8: {  	s21 =	sadd.s32 $0x17600, s0;
	s10 =	sshll.u32 s12, $0x1;
	s28 =	smul.u32 $0xA00, s12  }
0x9: {  	s26 =	sshll.u32 s12, $0x6;
	s5 =	smul.u32 $0x140000, s2;
	_ =	strace $0x8000004A  }
0xa: {  	[dreg:$0x3] =	wrdreg s21;
	s22 =	ssub.s32 $0x2, s2;
	s24 =	sor.u32 s2, s10  }
0xb: {  	s13 =	sor.u32 $0x1C05, s26;
	s2 =	smul.u32 $0x500, s2;
	s21 =	simm.s32 $0x2  }
0xc: {  	s9 =	sshrl.u32 s22, $0x1;
	s25 =	sshrl.u32 s11, $0x2;
	s30 =	sadd.s32 s28, s8  }
0xd: {  	s31 =	sadd.s32 s28, s7;
	[dreg:$0x4] =	wrdreg s13;
	s5 =	sadd.s32 s6, s5  }
0xe: {  	s23 =	ssub.s32 s22, s9;
	s6 =	smul.u32 $0x500, s24;
	s5 =	sshrl.u32 s5, $0x3  }
0xf: {  	s9 =	sadd.s32 s25, s1;
	s25 =	simm.s32 $0x1;
	s0 =	sadd.s32 s5, s0  }
0x10: {  	s29 =	sadd.s32 s7, s6;
	s6 =	sadd.s32 s8, s6;
	s5 =	smax.u32 s23, $0x1  }
0x11: {  	s23 =	simm.s32 $0x3;
	s7 =	simm.s32 $0x780;
	[dreg:$0x5] =	wrdreg s29  }
.Ltmp0:
0x12: {  	s8 =	simm.s32 $0xF80;
	[dreg:$0x6] =	wrdreg s6;
	(pc) =	sbr.rel .LBB2_1-.Ltmp0, $4  }
0x13: {  	s0 =	sadd.s32 $0xBA600, s0;
	[dreg:$0x8] =	wrdreg s5;
	s6 =	sshrl.u32 s9, $0x3  }
0x14: {  	s5 =	simm.s32 $0xF00;
	s9 =	simm.s32 $0x0;
	[dreg:$0x7] =	wrdreg s0  }
0x15: {  	s0 =	sadd.s32 s2, s30;
	s2 =	sadd.s32 s2, s31;
	[dreg:$0x9] =	wrdreg s6  }
0x16: {  	s11 =	sadd.s32 $0x80, s0;
	s12 =	sadd.s32 $0x80, s2;
	s2 =	simm.s32 $0xE80  }
.LBB2_6:
0x17: {  	_ =	swait.ge [sflag:s18], $0x4000  }
0x18: {  	[sflag:s18] =	ssyncset.done $0x0  }
0x19: {  	[sflag:s18] =	ssyncadd.s32 $0xFFFFC000  }
0x1a: {  	[bflag:$0x0] =	sbarrier.arrive $0xFFFF  }
0x1b: {  	s13 =	rddreg [dreg:$0x4]  }
0x1c: {  	s0 =	rddreg [dreg:$0x7]  }
0x1d: {  	s6 =	rddreg [dreg:$0x9]  }
0x1e: {  	[hbm:s0], [sflag:s13] =	dma.local [spmem:s6], $0x2800  }
0x1f: {  	_ =	swait.ge [sflag:s14], $0x2800  }
0x20: {  	s9 =	sadd.s32 $0x1, s9;
	s31 =	rddreg [dreg:$0x8]  }
0x21: {  	p0 =	sne.s32 s9, s31  }
.Ltmp1:
0x22: {  	_ = 	snop;
	(pc) =	sbr.rel @!p0 .LBB2_7-.Ltmp1, $3  }
0x23: {  	_ =	sdelay $0x1  }
0x24: {  	[sflag:s14] =	ssyncset.done $0x0  }
0x25: {  	[sflag:s14] =	ssyncadd.s32 $0xFFFFD800  }
.LBB2_1:
0x26: {  	s0 =	rddreg [dreg:$0x3]  }
0x27: {  	[spmem:s6], [sflag:s13] =	dma.local [hbm:s0], $0x2800  }
0x28: {  	_ =	swait.ge [sflag:s14], $0x2800  }
0x29: {  	[sflag:s14] =	ssyncset.done $0x0  }
0x2a: {  	[sflag:s14] =	ssyncadd.s32 $0xFFFFD800  }
0x2b: {  	[bflag:$0x0] =	sbarrier.arrive $0xFFFF  }
0x2c: {  	s29 =	rddreg [dreg:$0x5]  }
0x2d: {  	[tilespmem:s3], [sflag:$0x5] =	stream.linear.gather [hbm4b:s29+s3], $0x400, $0x38;
	[tilespmem:$0x1D000] =	vst v63  }
0x2e: {  	_ =	swait.ge [sflag:s14], $0x400  }
0x2f: {  	[sflag:s14] =	ssyncset.done $0x0  }
0x30: {  	s31 =	simm.s32 $0x800;
	s30 =	rddreg [dreg:$0x6];
	[sflag:s14] =	ssyncadd.s32 $0xFFFFFC00  }
0x31: {  	[tilespmem:s31], [sflag:$0x5] =	stream.linear.gather [hbm4b:s30+s3], $0x400, $0x38;
	[tilespmem:$0x1D000] =	vst v63  }
.Ltmp2:
0x32: {  	_ = 	snop;
	(pc) =	sbr.rel .LBB2_2-.Ltmp2, $4  }
0x33: {  	_ =	swait.ge [sflag:s14], $0x400  }
0x34: {  	[sflag:s14] =	ssyncset.done $0x0  }
0x35: {  	s10 =	simm.s32 $0x0;
	s6 =	simm.s32 $0x0;
	[sflag:s14] =	ssyncadd.s32 $0xFFFFFC00  }
0x36: {  	[tilespmem:s17], [sflag:$0x1] =	stream.indirect.gather [hbm4b:s4+s16], $0x80, s3, s16, $0xb8;
	[tilespmem:$0x1D000] =	vst v63  }
.LBB2_5:
0x37: {  	s10 =	sadd.s32 $0x80, s10  }
0x38: {  	p0 =	sne.s32 s10, $0x500  }
.Ltmp3:
0x39: {  	_ = 	snop;
	(pc) =	sbr.rel @!p0 .LBB2_6-.Ltmp3, $2  }
0x3a: {  	_ =	sdelay $0x2  }
0x3b: {  	s6 =	sadd.s32 $0x1, s6  }
.LBB2_2:
0x3c: {  	s13 =	sand.u32 $0x1, s6  }
0x3d: {  	p0 =	seq.s32 s13, $0x1  }
0x3e: {  	s22 =	sadd.s32 @!p0 s10, s12  }
0x3f: {  	s28 =	simm.s32 @!p0 $0x0;
	s19 =	simm.s32 @!p0 $0x400;
	s29 =	simm.s32 @!p0 $0x5  }
0x40: {  	[tilespmem:s19], [sflag:$0x5] =	stream.linear.gather @!p0 [hbm4b:s22+s28], $0x400, $0x38;
	[tilespmem:$0x1D000] =	vst v63  }
0x41: {  	_ =	swait.ge @!p0 [sflag:s29], $0x400  }
0x42: {  	[sflag:s29] =	ssyncset.done @!p0 $0x0  }
0x43: {  	s26 =	simm.s32 @!p0 $0x1;
	[sflag:s29] =	ssyncadd.s32 @!p0 $0xFFFFFC00  }
0x44: {  	s30 =	simm.s32 @!p0 $0x800;
	_ =	swait.ge @!p0 [sflag:s26], $0x4000  }
0x45: {  	s24 =	simm.s32 @!p0 $0x1000;
	p1 =	seq.s32 @!p0 s10, $0x0;
	[sflag:s26] =	ssyncset.done @!p0 $0x0  }
0x46: {  	s22 =	simm.s32 @!p0 $0x80;
	p1 =	por p1, p0;
	[sflag:s26] =	ssyncadd.s32 @!p0 $0xFFFFC000  }
0x47: {  	[spmem:s1] =	stream.indirect.scatter.add.f32 @!p0 [tilespmem:s24], [sflag:$0x3], $0x80, s30, s22, $0xb8;
	[tilespmem:$0x1D000] =	vst v63  }
0x48: {  	s30 =	simm.s32 @!p1 $0x4  }
0x49: {  	_ =	swait.ge @!p1 [sflag:s30], $0x4000  }
0x4a: {  	[sflag:s30] =	ssyncset.done @!p1 $0x0  }
0x4b: {  	s31 =	simm.s32 @!p0 $0xC00;
	[sflag:s30] =	ssyncadd.s32 @!p1 $0xFFFFC000;
	s30 =	sadd.s32 @!p0 s10, s11  }
0x4c: {  	[tilespmem:s31], [sflag:$0x5] =	stream.linear.gather @!p0 [hbm4b:s30+s28], $0x400, $0x38;
	[tilespmem:$0x1D000] =	vst v63  }
0x4d: {  	_ =	swait.ge @!p0 [sflag:s29], $0x400  }
0x4e: {  	[sflag:s29] =	ssyncset.done @!p0 $0x0  }
0x4f: {  	s28 =	simm.s32 @!p0 $0x5000;
	[sflag:s29] =	ssyncadd.s32 @!p0 $0xFFFFFC00;
	s29 =	simm.s32 @!p0 $0x2  }
0x50: {  	[tilespmem:s28], [sflag:$0x2] =	stream.indirect.gather @!p0 [hbm4b:s4+s22], $0x80, s22, s22, $0xb8;
	[tilespmem:$0x1D000] =	vst v63  }
0x51: {  	_ =	swait.ge @!p0 [sflag:s29], $0x4000  }
0x52: {  	[sflag:s29] =	ssyncset.done @!p0 $0x0  }
0x53: {  	s30 =	simm.s32 @!p0 $0x880;
	[sflag:s29] =	ssyncadd.s32 @!p0 $0xFFFFC000  }
0x54: {  	[spmem:s1] =	stream.indirect.scatter.add.f32 @!p0 [tilespmem:s28], [sflag:$0x4], $0x80, s30, s22, $0xb8;
	[tilespmem:$0x1D000] =	vst v63  }
0x55: {  	s30 =	simm.s32 @!p0 $0x3  }
0x56: {  	_ =	swait.ge @!p0 [sflag:s30], $0x4000  }
0x57: {  	[sflag:s30] =	ssyncset.done @!p0 $0x0  }
0x58: {  	s31 =	simm.s32 @!p0 $0x100;
	[sflag:s30] =	ssyncadd.s32 @!p0 $0xFFFFC000  }
0x59: {  	[tilespmem:s24], [sflag:$0x1] =	stream.indirect.gather @!p0 [hbm4b:s4+s22], $0x80, s31, s22, $0xb8;
	[tilespmem:$0x1D000] =	vst v63  }
0x5a: {  	_ =	swait.ge @!p0 [sflag:s26], $0x4000  }
0x5b: {  	[sflag:s26] =	ssyncset.done @!p0 $0x0  }
0x5c: {  	s31 =	simm.s32 @!p0 $0x900;
	[sflag:s26] =	ssyncadd.s32 @!p0 $0xFFFFC000  }
0x5d: {  	[spmem:s1] =	stream.indirect.scatter.add.f32 @!p0 [tilespmem:s24], [sflag:$0x3], $0x80, s31, s22, $0xb8;
	[tilespmem:$0x1D000] =	vst v63  }
0x5e: {  	s31 =	simm.s32 @!p0 $0x4  }
0x5f: {  	_ =	swait.ge @!p0 [sflag:s31], $0x4000  }
0x60: {  	[sflag:s31] =	ssyncset.done @!p0 $0x0  }
0x61: {  	s0 =	simm.s32 @!p0 $0x180;
	[sflag:s31] =	ssyncadd.s32 @!p0 $0xFFFFC000  }
0x62: {  	[tilespmem:s28], [sflag:$0x2] =	stream.indirect.gather @!p0 [hbm4b:s4+s22], $0x80, s0, s22, $0xb8;
	[tilespmem:$0x1D000] =	vst v63  }
0x63: {  	_ =	swait.ge @!p0 [sflag:s29], $0x4000  }
0x64: {  	[sflag:s29] =	ssyncset.done @!p0 $0x0  }
0x65: {  	s0 =	simm.s32 @!p0 $0x980;
	[sflag:s29] =	ssyncadd.s32 @!p0 $0xFFFFC000  }
0x66: {  	[spmem:s1] =	stream.indirect.scatter.add.f32 @!p0 [tilespmem:s28], [sflag:$0x4], $0x80, s0, s22, $0xb8;
	[tilespmem:$0x1D000] =	vst v63  }
0x67: {  	_ =	swait.ge @!p0 [sflag:s30], $0x4000  }
0x68: {  	[sflag:s30] =	ssyncset.done @!p0 $0x0  }
0x69: {  	s0 =	simm.s32 @!p0 $0x200;
	[sflag:s30] =	ssyncadd.s32 @!p0 $0xFFFFC000  }
0x6a: {  	[tilespmem:s24], [sflag:$0x1] =	stream.indirect.gather @!p0 [hbm4b:s4+s22], $0x80, s0, s22, $0xb8;
	[tilespmem:$0x1D000] =	vst v63  }
0x6b: {  	_ =	swait.ge @!p0 [sflag:s26], $0x4000  }
0x6c: {  	[sflag:s26] =	ssyncset.done @!p0 $0x0  }
0x6d: {  	s0 =	simm.s32 @!p0 $0xA00;
	[sflag:s26] =	ssyncadd.s32 @!p0 $0xFFFFC000  }
0x6e: {  	[spmem:s1] =	stream.indirect.scatter.add.f32 @!p0 [tilespmem:s24], [sflag:$0x3], $0x80, s0, s22, $0xb8;
	[tilespmem:$0x1D000] =	vst v63  }
0x6f: {  	_ =	swait.ge @!p0 [sflag:s31], $0x4000  }
0x70: {  	[sflag:s31] =	ssyncset.done @!p0 $0x0  }
0x71: {  	s0 =	simm.s32 @!p0 $0x280;
	[sflag:s31] =	ssyncadd.s32 @!p0 $0xFFFFC000  }
0x72: {  	[tilespmem:s28], [sflag:$0x2] =	stream.indirect.gather @!p0 [hbm4b:s4+s22], $0x80, s0, s22, $0xb8;
	[tilespmem:$0x1D000] =	vst v63  }
0x73: {  	_ =	swait.ge @!p0 [sflag:s29], $0x4000  }
0x74: {  	[sflag:s29] =	ssyncset.done @!p0 $0x0  }
0x75: {  	s0 =	simm.s32 @!p0 $0xA80;
	[sflag:s29] =	ssyncadd.s32 @!p0 $0xFFFFC000  }
0x76: {  	[spmem:s1] =	stream.indirect.scatter.add.f32 @!p0 [tilespmem:s28], [sflag:$0x4], $0x80, s0, s22, $0xb8;
	[tilespmem:$0x1D000] =	vst v63  }
0x77: {  	_ =	swait.ge @!p0 [sflag:s30], $0x4000  }
0x78: {  	[sflag:s30] =	ssyncset.done @!p0 $0x0  }
0x79: {  	s0 =	simm.s32 @!p0 $0x300;
	[sflag:s30] =	ssyncadd.s32 @!p0 $0xFFFFC000  }
0x7a: {  	[tilespmem:s24], [sflag:$0x1] =	stream.indirect.gather @!p0 [hbm4b:s4+s22], $0x80, s0, s22, $0xb8;
	[tilespmem:$0x1D000] =	vst v63  }
0x7b: {  	_ =	swait.ge @!p0 [sflag:s26], $0x4000  }
0x7c: {  	[sflag:s26] =	ssyncset.done @!p0 $0x0  }
0x7d: {  	s0 =	simm.s32 @!p0 $0xB00;
	[sflag:s26] =	ssyncadd.s32 @!p0 $0xFFFFC000  }
0x7e: {  	[spmem:s1] =	stream.indirect.scatter.add.f32 @!p0 [tilespmem:s24], [sflag:$0x3], $0x80, s0, s22, $0xb8;
	[tilespmem:$0x1D000] =	vst v63  }
0x7f: {  	_ =	swait.ge @!p0 [sflag:s31], $0x4000  }
0x80: {  	[sflag:s31] =	ssyncset.done @!p0 $0x0  }
0x81: {  	s0 =	simm.s32 @!p0 $0x380;
	[sflag:s31] =	ssyncadd.s32 @!p0 $0xFFFFC000  }
0x82: {  	[tilespmem:s28], [sflag:$0x2] =	stream.indirect.gather @!p0 [hbm4b:s4+s22], $0x80, s0, s22, $0xb8;
	[tilespmem:$0x1D000] =	vst v63  }
0x83: {  	_ =	swait.ge @!p0 [sflag:s29], $0x4000  }
0x84: {  	[sflag:s29] =	ssyncset.done @!p0 $0x0  }
0x85: {  	s0 =	simm.s32 @!p0 $0xB80;
	[sflag:s29] =	ssyncadd.s32 @!p0 $0xFFFFC000  }
0x86: {  	[spmem:s1] =	stream.indirect.scatter.add.f32 @!p0 [tilespmem:s28], [sflag:$0x4], $0x80, s0, s22, $0xb8;
	[tilespmem:$0x1D000] =	vst v63  }
0x87: {  	_ =	swait.ge @!p0 [sflag:s30], $0x4000  }
0x88: {  	[sflag:s30] =	ssyncset.done @!p0 $0x0  }
0x89: {  	p1 =	seq.s32 @!p0 s13, $0x0;
	[sflag:s30] =	ssyncadd.s32 @!p0 $0xFFFFC000  }
0x8a: {  	[tilespmem:s24], [sflag:$0x1] =	stream.indirect.gather @!p0 [hbm4b:s4+s22], $0x80, s19, s22, $0xb8;
	[tilespmem:$0x1D000] =	vst v63  }
0x8b: {  	p0 =	por p0, !p1  }
.Ltmp4:
0x8c: {  	_ = 	snop;
	(pc) =	sbr.rel @!p0 .LBB2_5-.Ltmp4, $1  }
0x8d: {  	_ =	sdelay $0x3  }
0x8e: {  	p0 =	seq.s32 s10, $0x480  }
0x8f: {  	s0 =	simm.s32 @p0 $0x1  }
0x90: {  	_ =	swait.ge @p0 [sflag:s0], $0x4000  }
0x91: {  	s13 =	simm.s32 @p0 $0xC00;
	[sflag:s0] =	ssyncset.done @p0 $0x0  }
0x92: {  	s19 =	simm.s32 @p0 $0x1000;
	[sflag:s0] =	ssyncadd.s32 @p0 $0xFFFFC000;
	s0 =	simm.s32 @p0 $0x80  }
0x93: {  	[spmem:s1] =	stream.indirect.scatter.add.f32 @p0 [tilespmem:s19], [sflag:$0x3], $0x80, s13, s0, $0xb8;
	[tilespmem:$0x1D000] =	vst v63  }
0x94: {  	s0 =	simm.s32 @p0 $0x4  }
0x95: {  	_ =	swait.ge @p0 [sflag:s0], $0x4000  }
0x96: {  	[sflag:s0] =	ssyncset.done @p0 $0x0  }
0x97: {  	s13 =	simm.s32 @!p0 $0x0;
	[sflag:s0] =	ssyncadd.s32 @p0 $0xFFFFC000;
	s0 =	sadd.s32 @!p0 s10, s12  }
0x98: {  	[tilespmem:s13], [sflag:$0x5] =	stream.linear.gather @!p0 [hbm4b:s0+s13], $0x400, $0x38;
	[tilespmem:$0x1D000] =	vst v63  }
0x99: {  	s0 =	simm.s32 @!p0 $0x5  }
0x9a: {  	_ =	swait.ge @!p0 [sflag:s0], $0x400  }
0x9b: {  	[sflag:s0] =	ssyncset.done @!p0 $0x0  }
0x9c: {  	s19 =	simm.s32 @!p0 $0x1;
	[sflag:s0] =	ssyncadd.s32 @!p0 $0xFFFFFC00  }
0x9d: {  	_ =	swait.ge @!p0 [sflag:s19], $0x4000  }
0x9e: {  	s22 =	simm.s32 @!p0 $0xC00;
	[sflag:s19] =	ssyncset.done @!p0 $0x0  }
0x9f: {  	s24 =	simm.s32 @!p0 $0x1000;
	[sflag:s19] =	ssyncadd.s32 @!p0 $0xFFFFC000;
	s19 =	simm.s32 @!p0 $0x80  }
0xa0: {  	[spmem:s1] =	stream.indirect.scatter.add.f32 @!p0 [tilespmem:s24], [sflag:$0x3], $0x80, s22, s19, $0xb8;
	[tilespmem:$0x1D000] =	vst v63  }
0xa1: {  	s19 =	simm.s32 @!p0 $0x4  }
0xa2: {  	_ =	swait.ge @!p0 [sflag:s19], $0x4000  }
0xa3: {  	[sflag:s19] =	ssyncset.done @!p0 $0x0  }
0xa4: {  	s22 =	simm.s32 @!p0 $0x800;
	[sflag:s19] =	ssyncadd.s32 @!p0 $0xFFFFC000;
	s19 =	sadd.s32 @!p0 s10, s11  }
0xa5: {  	[tilespmem:s22], [sflag:$0x5] =	stream.linear.gather @!p0 [hbm4b:s19+s13], $0x400, $0x38;
	[tilespmem:$0x1D000] =	vst v63  }
0xa6: {  	_ =	swait.ge @!p0 [sflag:s0], $0x400  }
0xa7: {  	[sflag:s0] =	ssyncset.done @!p0 $0x0  }
0xa8: {  	s13 =	simm.s32 $0x480;
	[sflag:s0] =	ssyncadd.s32 @!p0 $0xFFFFFC00  }
0xa9: {  	[tilespmem:s20], [sflag:$0x2] =	stream.indirect.gather [hbm4b:s4+s16], $0x80, s13, s16, $0xb8;
	[tilespmem:$0x1D000] =	vst v63  }
0xaa: {  	_ =	swait.ge [sflag:s21], $0x4000  }
0xab: {  	[sflag:s21] =	ssyncset.done $0x0  }
0xac: {  	s19 =	simm.s32 $0xC80;
	[sflag:s21] =	ssyncadd.s32 $0xFFFFC000  }
0xad: {  	[spmem:s1] =	stream.indirect.scatter.add.f32 [tilespmem:s20], [sflag:$0x4], $0x80, s19, s16, $0xb8;
	[tilespmem:$0x1D000] =	vst v63  }
0xae: {  	_ =	swait.ge [sflag:s23], $0x4000  }
0xaf: {  	[sflag:s23] =	ssyncset.done $0x0  }
0xb0: {  	s22 =	simm.s32 $0x500;
	[sflag:s23] =	ssyncadd.s32 $0xFFFFC000  }
0xb1: {  	[tilespmem:s17], [sflag:$0x1] =	stream.indirect.gather [hbm4b:s4+s16], $0x80, s22, s16, $0xb8;
	[tilespmem:$0x1D000] =	vst v63  }
0xb2: {  	_ =	swait.ge [sflag:s25], $0x4000  }
0xb3: {  	[sflag:s25] =	ssyncset.done $0x0  }
0xb4: {  	s24 =	simm.s32 $0xD00;
	[sflag:s25] =	ssyncadd.s32 $0xFFFFC000  }
0xb5: {  	[spmem:s1] =	stream.indirect.scatter.add.f32 [tilespmem:s17], [sflag:$0x3], $0x80, s24, s16, $0xb8;
	[tilespmem:$0x1D000] =	vst v63  }
0xb6: {  	_ =	swait.ge [sflag:s18], $0x4000  }
0xb7: {  	[sflag:s18] =	ssyncset.done $0x0  }
0xb8: {  	s26 =	simm.s32 $0x580;
	[sflag:s18] =	ssyncadd.s32 $0xFFFFC000  }
0xb9: {  	[tilespmem:s20], [sflag:$0x2] =	stream.indirect.gather [hbm4b:s4+s16], $0x80, s26, s16, $0xb8;
	[tilespmem:$0x1D000] =	vst v63  }
0xba: {  	_ =	swait.ge [sflag:s21], $0x4000  }
0xbb: {  	[sflag:s21] =	ssyncset.done $0x0  }
0xbc: {  	s28 =	simm.s32 $0xD80;
	[sflag:s21] =	ssyncadd.s32 $0xFFFFC000  }
0xbd: {  	[spmem:s1] =	stream.indirect.scatter.add.f32 [tilespmem:s20], [sflag:$0x4], $0x80, s28, s16, $0xb8;
	[tilespmem:$0x1D000] =	vst v63  }
0xbe: {  	_ =	swait.ge [sflag:s23], $0x4000  }
0xbf: {  	[sflag:s23] =	ssyncset.done $0x0  }
0xc0: {  	s29 =	simm.s32 $0x600;
	[sflag:s23] =	ssyncadd.s32 $0xFFFFC000  }
0xc1: {  	[tilespmem:s17], [sflag:$0x1] =	stream.indirect.gather [hbm4b:s4+s16], $0x80, s29, s16, $0xb8;
	[tilespmem:$0x1D000] =	vst v63  }
0xc2: {  	_ =	swait.ge [sflag:s25], $0x4000  }
0xc3: {  	[sflag:s25] =	ssyncset.done $0x0  }
0xc4: {  	s30 =	simm.s32 $0xE00;
	[sflag:s25] =	ssyncadd.s32 $0xFFFFC000  }
0xc5: {  	[spmem:s1] =	stream.indirect.scatter.add.f32 [tilespmem:s17], [sflag:$0x3], $0x80, s30, s16, $0xb8;
	[tilespmem:$0x1D000] =	vst v63  }
0xc6: {  	_ =	swait.ge [sflag:s18], $0x4000  }
0xc7: {  	[sflag:s18] =	ssyncset.done $0x0  }
0xc8: {  	s31 =	simm.s32 $0x680;
	[sflag:s18] =	ssyncadd.s32 $0xFFFFC000  }
0xc9: {  	[tilespmem:s20], [sflag:$0x2] =	stream.indirect.gather [hbm4b:s4+s16], $0x80, s31, s16, $0xb8;
	[tilespmem:$0x1D000] =	vst v63  }
0xca: {  	_ =	swait.ge [sflag:s21], $0x4000  }
0xcb: {  	[sflag:s21] =	ssyncset.done $0x0  }
0xcc: {  	[sflag:s21] =	ssyncadd.s32 $0xFFFFC000  }
0xcd: {  	[spmem:s1] =	stream.indirect.scatter.add.f32 [tilespmem:s20], [sflag:$0x4], $0x80, s2, s16, $0xb8;
	[tilespmem:$0x1D000] =	vst v63  }
0xce: {  	_ =	swait.ge [sflag:s23], $0x4000  }
0xcf: {  	[sflag:s23] =	ssyncset.done $0x0  }
0xd0: {  	[sflag:s23] =	ssyncadd.s32 $0xFFFFC000  }
0xd1: {  	[tilespmem:s17], [sflag:$0x1] =	stream.indirect.gather [hbm4b:s4+s16], $0x80, s15, s16, $0xb8;
	[tilespmem:$0x1D000] =	vst v63  }
0xd2: {  	_ =	swait.ge [sflag:s25], $0x4000  }
0xd3: {  	[sflag:s25] =	ssyncset.done $0x0  }
0xd4: {  	[sflag:s25] =	ssyncadd.s32 $0xFFFFC000  }
0xd5: {  	[spmem:s1] =	stream.indirect.scatter.add.f32 [tilespmem:s17], [sflag:$0x3], $0x80, s5, s16, $0xb8;
	[tilespmem:$0x1D000] =	vst v63  }
0xd6: {  	_ =	swait.ge [sflag:s18], $0x4000  }
0xd7: {  	[sflag:s18] =	ssyncset.done $0x0  }
0xd8: {  	[sflag:s18] =	ssyncadd.s32 $0xFFFFC000  }
0xd9: {  	[tilespmem:s20], [sflag:$0x2] =	stream.indirect.gather [hbm4b:s4+s16], $0x80, s7, s16, $0xb8;
	[tilespmem:$0x1D000] =	vst v63  }
0xda: {  	_ =	swait.ge [sflag:s21], $0x4000  }
0xdb: {  	[sflag:s21] =	ssyncset.done $0x0  }
.Ltmp5:
0xdc: {  	[sflag:s21] =	ssyncadd.s32 $0xFFFFC000;
	(pc) =	sbr.rel @p0 .LBB2_6-.Ltmp5, $4  }
0xdd: {  	[spmem:s1] =	stream.indirect.scatter.add.f32 [tilespmem:s20], [sflag:$0x4], $0x80, s8, s16, $0xb8;
	[tilespmem:$0x1D000] =	vst v63  }
0xde: {  	_ =	swait.ge [sflag:s23], $0x4000  }
0xdf: {  	[sflag:s23] =	ssyncset.done $0x0  }
0xe0: {  	[sflag:s23] =	ssyncadd.s32 $0xFFFFC000  }
.Ltmp6:
0xe1: {  	(pc) =	sbr.rel .LBB2_5-.Ltmp6, $2  }
0xe2: {  	_ =	sdelay $0x2  }
0xe3: {  	[tilespmem:s17], [sflag:$0x1] =	stream.indirect.gather [hbm4b:s4+s16], $0x80, s3, s16, $0xb8;
	[tilespmem:$0x1D000] =	vst v63  }
.LBB2_7:
0xe4: {  	_ =	sfence.sel $0x180000  }
0xe5: {  	[bflag:$0x0] =	sbarrier.arrive $0xFFFF  }
0xe6: {  	_ =	strace $0x9000004A  }
0xe7: {  	s0 =	stileid.u32;
	[bflag:$0x2] =	sbarrier.arrive $0xFFFF  }
0xe8: {  	p0 =	sne.s32 s0, $0x0;
	s0 =	rddreg [dreg:$0x2]  }
0xe9: {  	s0 =	sadd.s32 @!p0 $0x100000, s0  }
0xea: {  	[sflag:s0] =	ssyncadd.tile.s32 @!p0 $0x1;
	_ =	shalt  }
.Lfunc_end2:
_tile_overlayer_lowered:
.L_overlay_start_2:
0xeb: {  	(tag) =	ssettag $0x2  }
0xec: {  	s0 =	rddreg [dreg:$0x0];
	s2 =	stileid.u32  }
0xed: {  	s1 =	rddreg [dreg:$0x1];
	p0 =	sne.s32 s2, $0x0  }
0xee: {  	s3 =	rddreg [dreg:$0x2];
	[bflag:$0x3] =	sbarrier.arrive $0xFFFF;
	s2 =	simm.s32 @!p0 $0x1C05  }
0xef: {  	[timem:s3], [sflag:s2] =	dma.local @!p0 [hbm:s0], s1  }
0xf0: {  	s0 =	simm.s32 @!p0 $0x5  }
0xf1: {  	_ =	swait.ge @!p0 [sflag:s0], s1  }
0xf2: {  	s1 =	ssub.s32 @!p0 $0x0, s1;
	[sflag:s0] =	ssyncset.done @!p0 $0x0  }
0xf3: {  	[sflag:s0] =	ssyncadd.s32 @!p0 s1  }
0xf4: {  	[bflag:$0x3] =	sbarrier.arrive $0xFFFF  }
0xf5: {  	_ =	shalt  }

// kernel: kernel.14.cloned.1.call-start
scs
__scs_entry_jumppad:
0x0: {  	(pc) =	sbr.rel $0x88, $3  }
0x1: {  	(tag) =	ssettag $0x0;
	lr =	simm.s32 $0x1  }
0x2: {  	[smem:$0x3F93] =	sst lr;
	_ =	strace $0xD0000000  }
0x3: {  	_ = 	snop  }
0x4: {  	_ = 	snop  }
0x5: {  	_ = 	snop  }
0x6: {  	_ = 	snop  }
0x7: {  	_ = 	snop  }
__scs_overlays_trampoline_lowered:
0x8: {  	[smem:$0x3FA2] =	sst s0  }
0x9: {  	[smem:$0x3FA3] =	sst s1  }
0xa: {  	[smem:$0x3FA4] =	sst s2  }
0xb: {  	[smem:$0x3FA5] =	sst s3  }
0xc: {  	[smem:$0x3FA6] =	sst s4  }
0xd: {  	[smem:$0x3FA7] =	sst s5  }
0xe: {  	[smem:$0x3FA8] =	sst s6  }
0xf: {  	[smem:$0x3FA9] =	sst s7  }
0x10: {  	[smem:$0x3FAA] =	sst s8  }
0x11: {  	[smem:$0x3FAB] =	sst s9;
	s0 =	simm.s32 @!p0 $0x0  }
0x12: {  	s1 =	sld [smem:$0x3F91];
	s0 =	simm.s32 @p0 $0x1  }
0x13: {  	[smem:$0x3FAC] =	sst s0;
	s0 =	simm.s32 @!p1 $0x0  }
0x14: {  	s2 =	sld [smem:$0x3F90];
	s0 =	simm.s32 @p1 $0x1  }
0x15: {  	[smem:$0x3FAD] =	sst s0;
	s0 =	simm.s32 @!p2 $0x0  }
0x16: {  	s3 =	sld [smem:$0x3FDB];
	s0 =	simm.s32 @p2 $0x1  }
0x17: {  	s4 =	simm.s32 $0x1BF5;
	[smem:$0x3FAF] =	sst s0  }
0x18: {  	s0 =	sld [smem:$0x3F92];
	_ =	swait.ge [sflag:s4], $0x0  }
0x19: {  	s7 =	sld [smem:$0x3F93]  }
0x1a: {  	s8 =	sadd.s32 $0xFFFFE003, lr  }
0x1b: {  	s9 =	sadd.s32 $0xFFFFFEF7, lr;
	s5 =	simm.s32 $0xFFFFFFFF;
	p2 =	slt.u32 s8, $0xFFFFF086  }
0x1c: {  	p1 =	slt.u32 s9, $0xF7A;
	s5 =	simm.s32 @!p2 $0x0  }
0x1d: {  	s5 =	simm.s32 @p1 $0x1;
	p0 =	seq.s32 s7, s2  }
0x1e: {  	s7 =	smul.u32 @!p0 $0xF7A, s2;
	p2 =	seq.s32 @!p0 s5, $0x0  }
0x1f: {  	s9 =	smul.u32 $0xF7A, s1;
	s8 =	simm.s32 @!p0 $0x1BF5;
	p2 =	por !p2, p0  }
0x20: {  	[sflag:s8] =	ssyncset.s32 @!p0 $0xFFFFF086;
	s6 =	sadd.s32 @!p0 s3, s7;
	s7 =	simm.s32 @!p0 $0x108  }
0x21: {  	s3 =	sadd.s32 s3, s9;
	s6 =	sadd.s32 @!p0 $0x88, s6;
	s7 =	simm.s32 @p2 $0x1082  }
0x22: {  	[simem:s7], [sflag:s8] =	dma.local @!p0 [hbm:s6], $0xF7A  }
0x23: {  	s9 =	sor.u32 $0xD0000000, s2;
	s6 =	simm.s32 $0x108;
	_ =	swait.ge @!p0 [sflag:s8], $0x0  }
0x24: {  	s3 =	sadd.s32 $0x88, s3;
	s6 =	simm.s32 @!p1 $0x1082;
	[sflag:s4] =	ssyncset.s32 $0xFFFFF086  }
0x25: {  	[simem:s6], [sflag:s4] =	dma.local [hbm:s3], $0xF7A  }
0x26: {  	[smem:$0x3F93] =	sst s1;
	(tag) =	ssettag s2;
	_ =	strace s9  }
0x27: {  	s1 =	sld [smem:$0x3FA3]  }
0x28: {  	s2 =	sld [smem:$0x3FA4]  }
0x29: {  	s4 =	sld [smem:$0x3FA6]  }
0x2a: {  	p0 =	seq.s32 s5, $0x0;
	s5 =	sld [smem:$0x3FA7]  }
0x2b: {  	s6 =	sld [smem:$0x3FA8]  }
0x2c: {  	s7 =	sld [smem:$0x3FA9]  }
0x2d: {  	s3 =	simm.s32 $0x108;
	s8 =	sld [smem:$0x3FAA]  }
0x2e: {  	s3 =	simm.s32 @!p0 $0x1082;
	s9 =	sld [smem:$0x3FAB]  }
0x2f: {  	lr =	sadd.s32 s0, s3;
	s0 =	sld [smem:$0x3FA2]  }
0x30: {  	s3 =	sld [smem:$0x3FA5]  }
0x31: {  	[smem:$0x3FAE] =	sst s10  }
0x32: {  	s10 =	sld [smem:$0x3FAC];
	_ =	sdelay $0x3  }
0x33: {  	p0 =	seq.s32 s10, $0x1;
	s10 =	sld [smem:$0x3FAE];
	_ =	sdelay $0x3  }
0x34: {  	[smem:$0x3FAE] =	sst s10  }
0x35: {  	s10 =	sld [smem:$0x3FAD];
	_ =	sdelay $0x3  }
0x36: {  	p1 =	seq.s32 s10, $0x1;
	s10 =	sld [smem:$0x3FAE];
	_ =	sdelay $0x3  }
0x37: {  	[smem:$0x3FAE] =	sst s10  }
0x38: {  	s10 =	sld [smem:$0x3FAF]  }
0x39: {  	_ = 	snop;
	(pc) =	sbr.ind lr, $3  }
0x3a: {  	_ = 	snop  }
0x3b: {  	_ = 	snop  }
0x3c: {  	p2 =	seq.s32 s10, $0x1;
	s10 =	sld [smem:$0x3FAE]  }
0x3d: {  	_ =	shalt  }
0x3e: {  	_ =	shalt  }
0x3f: {  	_ =	shalt  }
0x40: {  	_ =	shalt  }
0x41: {  	_ =	shalt  }
0x42: {  	_ =	shalt  }
0x43: {  	_ =	shalt  }
0x44: {  	_ =	shalt  }
0x45: {  	_ =	shalt  }
0x46: {  	_ =	shalt  }
0x47: {  	_ =	shalt  }
0x48: {  	_ =	shalt  }
0x49: {  	_ =	shalt  }
0x4a: {  	_ =	shalt  }
0x4b: {  	_ =	shalt  }
0x4c: {  	_ =	shalt  }
0x4d: {  	_ =	shalt  }
0x4e: {  	_ =	shalt  }
0x4f: {  	_ =	shalt  }
0x50: {  	_ =	shalt  }
0x51: {  	_ =	shalt  }
0x52: {  	_ =	shalt  }
0x53: {  	_ =	shalt  }
0x54: {  	_ =	shalt  }
0x55: {  	_ =	shalt  }
0x56: {  	_ =	shalt  }
0x57: {  	_ =	shalt  }
0x58: {  	_ =	shalt  }
0x59: {  	_ =	shalt  }
0x5a: {  	_ =	shalt  }
0x5b: {  	_ =	shalt  }
0x5c: {  	_ =	shalt  }
0x5d: {  	_ =	shalt  }
0x5e: {  	_ =	shalt  }
0x5f: {  	_ =	shalt  }
0x60: {  	_ =	shalt  }
0x61: {  	_ =	shalt  }
0x62: {  	_ =	shalt  }
0x63: {  	_ =	shalt  }
0x64: {  	_ =	shalt  }
0x65: {  	_ =	shalt  }
0x66: {  	_ =	shalt  }
0x67: {  	_ =	shalt  }
0x68: {  	_ =	shalt  }
0x69: {  	_ =	shalt  }
0x6a: {  	_ =	shalt  }
0x6b: {  	_ =	shalt  }
0x6c: {  	_ =	shalt  }
0x6d: {  	_ =	shalt  }
0x6e: {  	_ =	shalt  }
0x6f: {  	_ =	shalt  }
0x70: {  	_ =	shalt  }
0x71: {  	_ =	shalt  }
0x72: {  	_ =	shalt  }
0x73: {  	_ =	shalt  }
0x74: {  	_ =	shalt  }
0x75: {  	_ =	shalt  }
0x76: {  	_ =	shalt  }
0x77: {  	_ =	shalt  }
0x78: {  	_ =	shalt  }
0x79: {  	_ =	shalt  }
0x7a: {  	_ =	shalt  }
0x7b: {  	_ =	shalt  }
0x7c: {  	_ =	shalt  }
0x7d: {  	_ =	shalt  }
0x7e: {  	_ =	shalt  }
0x7f: {  	_ =	shalt  }
0x80: {  	_ =	shalt  }
0x81: {  	_ =	shalt  }
0x82: {  	_ =	shalt  }
0x83: {  	_ =	shalt  }
0x84: {  	_ =	shalt  }
0x85: {  	_ =	shalt  }
0x86: {  	_ =	shalt  }
0x87: {  	_ =	shalt  }
.Lfunc_end0:
.L_simem_size_0:
called_computation.2_lowered:
.L_overlay_start_0:
0x88: {  	s2 =	sld [smem:$0x3FD9]  }
0x89: {  	s3 =	sld [smem:$0x3FFE];
	_ =	sdelay $0x1  }
0x8a: {  	s1 =	srdreg.scid  }
0x8b: {  	s0 =	sand.u32 $0x1, s1  }
0x8c: {  	s16 =	sshll.u32 s0, $0xA;
	s2 =	sadd.s32 s3, s2  }
0x8d: {  	s2 =	sadd.s32 s2, s16  }
0x8e: {  	[smem:$0x3FBA] =	sst s2  }
0x8f: {  	_ = 	snop  }
0x90: {  	(tm) =	ssettm $0x1  }
0x91: {  	s17 =	sld [smem:$0x3FFB];
	_ =	sdelay $0x3  }
0x92: {  	_ =	strace s17  }
0x93: {  	s2 =	sld [smem:$0x3FFC];
	_ =	sdelay $0x3  }
0x94: {  	_ =	strace s2  }
0x95: {  	s2 =	sld [smem:$0x3FFD];
	_ =	sdelay $0x3  }
0x96: {  	_ =	strace s2  }
0x97: {  	_ =	strace $0x8FFFFFFF  }
0x98: {  	s18 =	sld [smem:$0x3FDB];
	_ =	sdelay $0x1  }
0x99: {  	s19 =	simm.s32 $_scs_section_size  }
0x9a: {  	s4 =	simm.s32 $_size__tile_overlayer_lowered;
	s5 =	simm.s32 $_tile_overlayer_lowered  }
0x9b: {  	s22 =	simm.s32 $0x1BFF;
	s21 =	sshll.u32 s5, $0x1;
	s2 =	sadd.s32 s19, s18  }
0x9c: {  	s6 =	simm.s32 $0x0;
	s20 =	sshll.u32 s4, $0x1;
	s4 =	sadd.s32 s21, s2  }
0x9d: {  	[timem:s6], [sflag:s22] =	dma.local [hbm:s4], s20  }
0x9e: {  	_ =	swait.ge [sflag:s22], s20  }
0x9f: {  	s3 =	ssub.s32 $0x0, s20;
	[sflag:s22] =	ssyncset.done $0x0  }
0xa0: {  	[sflag:s22] =	ssyncadd.s32 s3;
	_ =	sdelay $0x1  }
0xa1: {  	s23 =	simm.s32 $0x1B8B  }
0xa2: {  	_ =	swait.ge [sflag:s23], $0x1  }
0xa3: {  	[sflag:s23] =	ssyncset.done $0x0  }
0xa4: {  	s25 =	simm.s32 $0x1B8E;
	s24 =	sld [smem:$0x3FFE];
	[sflag:s23] =	ssyncadd.s32 $0xFFFFFFFF  }
0xa5: {  	s26 =	simm.s32 $execute0_lowered;
	[smem:$0x3FD2] =	sst s25  }
0xa6: {  	s4 =	sshll.u32 s26, $0x1;
	_ =	strace $0x8000004C;
	[dreg:$0x1] =	wrdreg $0xFFFFFFFF  }
0xa7: {  	s28 =	simm.s32 $_size_execute0_lowered;
	s2 =	sadd.s32 s2, s4;
	[dreg:$0x0] =	wrdreg $0x0  }
0xa8: {  	s4 =	sshll.u32 s28, $0x1;
	[dreg:$0x2] =	wrdreg s2  }
0xa9: {  	[dreg:$0x3] =	wrdreg s4  }
0xaa: {  	[dreg:$0x4] =	wrdreg $0xC0  }
0xab: {  	_ =	task [dreg:s6], $0x5FFFF  }
0xac: {  	[dreg:$0x1] =	wrdreg $0xFFFFFFFF  }
0xad: {  	[dreg:$0x0] =	wrdreg $0x60  }
0xae: {  	[dreg:$0x2] =	wrdreg s24  }
0xaf: {  	[dreg:$0x3] =	wrdreg $0x9  }
0xb0: {  	_ =	task.clear_ibuf [dreg:s6], $0x4FFFF;
	_ =	strace $0x9000004C  }
0xb1: {  	s29 =	simm.s32 $0x9;
	_ =	strace $0x8000004E  }
0xb2: {  	_ =	swait.ge [sflag:s29], $0x1  }
0xb3: {  	[sflag:s29] =	ssyncadd.s32 $0xFFFFFFFF  }
0xb4: {  	_ =	strace $0x9000004E  }
0xb5: {  	_ =	sfence  }
0xb6: {  	s30 =	sld [smem:$0x0];
	_ =	sdelay $0x2  }
0xb7: {  	s31 =	sshll.u32 s1, $0xD;
	s1 =	sshrl.u32 s1, $0x2  }
0xb8: {  	s3 =	sand.u32 $0x4000, s31;
	s1 =	sadd.s32 s1, s30  }
0xb9: {  	s0 =	sor.u32 s3, s0;
	s1 =	sshll.u32 s1, $0x11  }
0xba: {  	s0 =	sor.u32 s1, s0  }
0xbb: {  	s0 =	sadd.s32 $0x8F2B, s0  }
0xbc: {  	[sflag:s0] =	ssyncadd.remote.s32 $0x1  }
0xbd: {  	_ =	sfence.sel $0xFFFF  }
0xbe: {  	[dreg:$0x0] =	wrdreg $0xFFFFFFFF;
	(pc) =	sbr.abs _section_cstart, $3  }
0xbf: {  	[dreg:$0x1] =	wrdreg $0xFFFFFFFF  }
0xc0: {  	_ =	task.clear_ibuf [dreg:s6], $0x2FFFF;
	_ =	strace $0x9FFFFFFF  }
0xc1: {  	(tm) =	ssettm $0x7FFFFFFF  }
tec
execute0_lowered:
.L_overlay_start_1:
0x0: {  	(tag) =	ssettag $0x1  }
0x1: {  	s1 =	srdreg.scid  }
0x2: {  	s0 =	stileid.u32;
	s9 =	rddreg [dreg:$0x0];
	s6 =	sand.u32 $0x1, s1  }
0x3: {  	s7 =	simm.s32 $0x80;
	s30 =	sshll.u32 s0, $0x7;
	s2 =	sshll.u32 s6, $0x6  }
0x4: {  	s8 =	simm.s32 $0x1;
	s1 =	rddreg [dreg:$0x1];
	s10 =	sor.u32 s2, s30  }
0x5: {  	s5 =	sadd.s32 $0x3600, s9;
	s2 =	simm.s32 $0x0;
	s3 =	sshrl.u32 s10, $0x3  }
0x6: {  	s11 =	ssub.s32 $0x2, s6;
	[smem:$0x7FF] =	sst s2;
	s3 =	sadd.s32 s3, s9  }
0x7: {  	_ =	strace $0x8000004D;
	s4 =	sadd.s32 $0x41800, s3;
	s3 =	simm.s32 $0x2  }
0x8: {  	[tilespmem:s2], [sflag:$0x2] =	stream.linear.gather [hbm4b:s4+s2], $0x40, $0x38;
	[tilespmem:$0x2080] =	vst v63  }
0x9: {  	s6 =	simm.s32 $0x40;
	s12 =	sshrl.u32 s11, $0x1;
	_ =	swait.ge [sflag:s3], $0x40  }
0xa: {  	s10 =	sshll.u32 s10, $0x4;
	s31 =	ssub.s32 s11, s12;
	[sflag:s3] =	ssyncset.done $0x0  }
0xb: {  	s9 =	sadd.s32 s10, s9;
	s10 =	smax.u32 s31, $0x1;
	[sflag:s3] =	ssyncadd.s32 $0xFFFFFFC0  }
0xc: {  	[tilespmem:s7], [sflag:$0x1] =	stream.indirect.gather [hbm4b:s5+s6], $0x80, s2, s6, $0xb8;
	[tilespmem:$0x2080] =	vst v63  }
0xd: {  	p0 =	sne.s32 s10, $0x1;
	_ =	swait.ge [sflag:s8], $0x2000  }
.Ltmp0:
0xe: {  	[sflag:s8] =	ssyncset.done $0x0;
	(pc) =	sbr.rel @!p0 .LBB2_2-.Ltmp0, $4  }
0xf: {  	s9 =	sadd.s32 $0x2A800, s9;
	[sflag:s8] =	ssyncadd.s32 $0xFFFFE000  }
0x10: {  	[hbm4b:s9+s2] =	stream.linear.scatter [tilespmem:s7], [sflag:$0x2], $0x2000, $0x38;
	[tilespmem:$0x2080] =	vst v63  }
0x11: {  	_ =	swait.ge [sflag:s3], $0x2000  }
0x12: {  	s10 =	sadd.s32 $0xFFFFFFFF, s10;
	[sflag:s3] =	ssyncset.done $0x0  }
.LBB2_1:
0x13: {  	p0 =	sne.s32 s10, $0x1;
	s10 =	sadd.s32 $0xFFFFFFFF, s10;
	[sflag:s3] =	ssyncadd.s32 $0xFFFFE000  }
0x14: {  	[tilespmem:s2], [sflag:$0x2] =	stream.linear.gather [hbm4b:s4+s2], $0x40, $0x38;
	[tilespmem:$0x2080] =	vst v63  }
0x15: {  	_ =	swait.ge [sflag:s3], $0x40  }
0x16: {  	[sflag:s3] =	ssyncset.done $0x0  }
0x17: {  	[sflag:s3] =	ssyncadd.s32 $0xFFFFFFC0  }
0x18: {  	[tilespmem:s7], [sflag:$0x1] =	stream.indirect.gather [hbm4b:s5+s6], $0x80, s2, s6, $0xb8;
	[tilespmem:$0x2080] =	vst v63  }
0x19: {  	_ =	swait.ge [sflag:s8], $0x2000  }
.Ltmp1:
0x1a: {  	[sflag:s8] =	ssyncset.done $0x0;
	(pc) =	sbr.rel @p0 .LBB2_1-.Ltmp1, $4  }
0x1b: {  	[sflag:s8] =	ssyncadd.s32 $0xFFFFE000  }
0x1c: {  	[hbm4b:s9+s2] =	stream.linear.scatter [tilespmem:s7], [sflag:$0x2], $0x2000, $0x38;
	[tilespmem:$0x2080] =	vst v63  }
0x1d: {  	_ =	swait.ge [sflag:s3], $0x2000  }
0x1e: {  	[sflag:s3] =	ssyncset.done $0x0  }
.LBB2_2:
0x1f: {  	[sflag:s3] =	ssyncadd.s32 $0xFFFFE000  }
0x20: {  	_ =	sfence.sel $0x180000  }
0x21: {  	[bflag:$0x0] =	sbarrier.arrive $0xFFFF  }
0x22: {  	p0 =	sne.s32 s0, $0x0;
	_ =	strace $0x9000004D  }
0x23: {  	s0 =	sadd.s32 @!p0 $0x100000, s1;
	[bflag:$0x2] =	sbarrier.arrive $0xFFFF  }
0x24: {  	[sflag:s0] =	ssyncadd.tile.s32 @!p0 $0x1;
	_ =	shalt  }
.Lfunc_end2:
_tile_overlayer_lowered:
.L_overlay_start_2:
0x25: {  	(tag) =	ssettag $0x2  }
0x26: {  	s0 =	rddreg [dreg:$0x0];
	s2 =	stileid.u32  }
0x27: {  	s1 =	rddreg [dreg:$0x1];
	p0 =	sne.s32 s2, $0x0  }
0x28: {  	s3 =	rddreg [dreg:$0x2];
	[bflag:$0x3] =	sbarrier.arrive $0xFFFF;
	s2 =	simm.s32 @!p0 $0x1C02  }
0x29: {  	[timem:s3], [sflag:s2] =	dma.local @!p0 [hbm:s0], s1  }
0x2a: {  	s0 =	simm.s32 @!p0 $0x2  }
0x2b: {  	_ =	swait.ge @!p0 [sflag:s0], s1  }
0x2c: {  	s1 =	ssub.s32 @!p0 $0x0, s1;
	[sflag:s0] =	ssyncset.done @!p0 $0x0  }
0x2d: {  	[sflag:s0] =	ssyncadd.s32 @!p0 s1  }
0x2e: {  	[bflag:$0x3] =	sbarrier.arrive $0xFFFF  }
0x2f: {  	_ =	shalt  }

// kernel: kernel.8.cloned.1.call-start
scs
__scs_entry_jumppad:
0x0: {  	(pc) =	sbr.rel $0x88, $3  }
0x1: {  	(tag) =	ssettag $0x0;
	lr =	simm.s32 $0x1  }
0x2: {  	[smem:$0x3F93] =	sst lr;
	_ =	strace $0xD0000000  }
0x3: {  	_ = 	snop  }
0x4: {  	_ = 	snop  }
0x5: {  	_ = 	snop  }
0x6: {  	_ = 	snop  }
0x7: {  	_ = 	snop  }
__scs_overlays_trampoline_lowered:
0x8: {  	[smem:$0x3FA2] =	sst s0  }
0x9: {  	[smem:$0x3FA3] =	sst s1  }
0xa: {  	[smem:$0x3FA4] =	sst s2  }
0xb: {  	[smem:$0x3FA5] =	sst s3  }
0xc: {  	[smem:$0x3FA6] =	sst s4  }
0xd: {  	[smem:$0x3FA7] =	sst s5  }
0xe: {  	[smem:$0x3FA8] =	sst s6  }
0xf: {  	[smem:$0x3FA9] =	sst s7  }
0x10: {  	[smem:$0x3FAA] =	sst s8  }
0x11: {  	[smem:$0x3FAB] =	sst s9;
	s0 =	simm.s32 @!p0 $0x0  }
0x12: {  	s1 =	sld [smem:$0x3F91];
	s0 =	simm.s32 @p0 $0x1  }
0x13: {  	[smem:$0x3FAC] =	sst s0;
	s0 =	simm.s32 @!p1 $0x0  }
0x14: {  	s2 =	sld [smem:$0x3F90];
	s0 =	simm.s32 @p1 $0x1  }
0x15: {  	[smem:$0x3FAD] =	sst s0;
	s0 =	simm.s32 @!p2 $0x0  }
0x16: {  	s3 =	sld [smem:$0x3FDB];
	s0 =	simm.s32 @p2 $0x1  }
0x17: {  	s4 =	simm.s32 $0x1BF5;
	[smem:$0x3FAF] =	sst s0  }
0x18: {  	s0 =	sld [smem:$0x3F92];
	_ =	swait.ge [sflag:s4], $0x0  }
0x19: {  	s7 =	sld [smem:$0x3F93]  }
0x1a: {  	s8 =	sadd.s32 $0xFFFFE003, lr  }
0x1b: {  	s9 =	sadd.s32 $0xFFFFFEF7, lr;
	s5 =	simm.s32 $0xFFFFFFFF;
	p2 =	slt.u32 s8, $0xFFFFF086  }
0x1c: {  	p1 =	slt.u32 s9, $0xF7A;
	s5 =	simm.s32 @!p2 $0x0  }
0x1d: {  	s5 =	simm.s32 @p1 $0x1;
	p0 =	seq.s32 s7, s2  }
0x1e: {  	s7 =	smul.u32 @!p0 $0xF7A, s2;
	p2 =	seq.s32 @!p0 s5, $0x0  }
0x1f: {  	s9 =	smul.u32 $0xF7A, s1;
	s8 =	simm.s32 @!p0 $0x1BF5;
	p2 =	por !p2, p0  }
0x20: {  	[sflag:s8] =	ssyncset.s32 @!p0 $0xFFFFF086;
	s6 =	sadd.s32 @!p0 s3, s7;
	s7 =	simm.s32 @!p0 $0x108  }
0x21: {  	s3 =	sadd.s32 s3, s9;
	s6 =	sadd.s32 @!p0 $0x88, s6;
	s7 =	simm.s32 @p2 $0x1082  }
0x22: {  	[simem:s7], [sflag:s8] =	dma.local @!p0 [hbm:s6], $0xF7A  }
0x23: {  	s9 =	sor.u32 $0xD0000000, s2;
	s6 =	simm.s32 $0x108;
	_ =	swait.ge @!p0 [sflag:s8], $0x0  }
0x24: {  	s3 =	sadd.s32 $0x88, s3;
	s6 =	simm.s32 @!p1 $0x1082;
	[sflag:s4] =	ssyncset.s32 $0xFFFFF086  }
0x25: {  	[simem:s6], [sflag:s4] =	dma.local [hbm:s3], $0xF7A  }
0x26: {  	[smem:$0x3F93] =	sst s1;
	(tag) =	ssettag s2;
	_ =	strace s9  }
0x27: {  	s1 =	sld [smem:$0x3FA3]  }
0x28: {  	s2 =	sld [smem:$0x3FA4]  }
0x29: {  	s4 =	sld [smem:$0x3FA6]  }
0x2a: {  	p0 =	seq.s32 s5, $0x0;
	s5 =	sld [smem:$0x3FA7]  }
0x2b: {  	s6 =	sld [smem:$0x3FA8]  }
0x2c: {  	s7 =	sld [smem:$0x3FA9]  }
0x2d: {  	s3 =	simm.s32 $0x108;
	s8 =	sld [smem:$0x3FAA]  }
0x2e: {  	s3 =	simm.s32 @!p0 $0x1082;
	s9 =	sld [smem:$0x3FAB]  }
0x2f: {  	lr =	sadd.s32 s0, s3;
	s0 =	sld [smem:$0x3FA2]  }
0x30: {  	s3 =	sld [smem:$0x3FA5]  }
0x31: {  	[smem:$0x3FAE] =	sst s10  }
0x32: {  	s10 =	sld [smem:$0x3FAC];
	_ =	sdelay $0x3  }
0x33: {  	p0 =	seq.s32 s10, $0x1;
	s10 =	sld [smem:$0x3FAE];
	_ =	sdelay $0x3  }
0x34: {  	[smem:$0x3FAE] =	sst s10  }
0x35: {  	s10 =	sld [smem:$0x3FAD];
	_ =	sdelay $0x3  }
0x36: {  	p1 =	seq.s32 s10, $0x1;
	s10 =	sld [smem:$0x3FAE];
	_ =	sdelay $0x3  }
0x37: {  	[smem:$0x3FAE] =	sst s10  }
0x38: {  	s10 =	sld [smem:$0x3FAF]  }
0x39: {  	_ = 	snop;
	(pc) =	sbr.ind lr, $3  }
0x3a: {  	_ = 	snop  }
0x3b: {  	_ = 	snop  }
0x3c: {  	p2 =	seq.s32 s10, $0x1;
	s10 =	sld [smem:$0x3FAE]  }
0x3d: {  	_ =	shalt  }
0x3e: {  	_ =	shalt  }
0x3f: {  	_ =	shalt  }
0x40: {  	_ =	shalt  }
0x41: {  	_ =	shalt  }
0x42: {  	_ =	shalt  }
0x43: {  	_ =	shalt  }
0x44: {  	_ =	shalt  }
0x45: {  	_ =	shalt  }
0x46: {  	_ =	shalt  }
0x47: {  	_ =	shalt  }
0x48: {  	_ =	shalt  }
0x49: {  	_ =	shalt  }
0x4a: {  	_ =	shalt  }
0x4b: {  	_ =	shalt  }
0x4c: {  	_ =	shalt  }
0x4d: {  	_ =	shalt  }
0x4e: {  	_ =	shalt  }
0x4f: {  	_ =	shalt  }
0x50: {  	_ =	shalt  }
0x51: {  	_ =	shalt  }
0x52: {  	_ =	shalt  }
0x53: {  	_ =	shalt  }
0x54: {  	_ =	shalt  }
0x55: {  	_ =	shalt  }
0x56: {  	_ =	shalt  }
0x57: {  	_ =	shalt  }
0x58: {  	_ =	shalt  }
0x59: {  	_ =	shalt  }
0x5a: {  	_ =	shalt  }
0x5b: {  	_ =	shalt  }
0x5c: {  	_ =	shalt  }
0x5d: {  	_ =	shalt  }
0x5e: {  	_ =	shalt  }
0x5f: {  	_ =	shalt  }
0x60: {  	_ =	shalt  }
0x61: {  	_ =	shalt  }
0x62: {  	_ =	shalt  }
0x63: {  	_ =	shalt  }
0x64: {  	_ =	shalt  }
0x65: {  	_ =	shalt  }
0x66: {  	_ =	shalt  }
0x67: {  	_ =	shalt  }
0x68: {  	_ =	shalt  }
0x69: {  	_ =	shalt  }
0x6a: {  	_ =	shalt  }
0x6b: {  	_ =	shalt  }
0x6c: {  	_ =	shalt  }
0x6d: {  	_ =	shalt  }
0x6e: {  	_ =	shalt  }
0x6f: {  	_ =	shalt  }
0x70: {  	_ =	shalt  }
0x71: {  	_ =	shalt  }
0x72: {  	_ =	shalt  }
0x73: {  	_ =	shalt  }
0x74: {  	_ =	shalt  }
0x75: {  	_ =	shalt  }
0x76: {  	_ =	shalt  }
0x77: {  	_ =	shalt  }
0x78: {  	_ =	shalt  }
0x79: {  	_ =	shalt  }
0x7a: {  	_ =	shalt  }
0x7b: {  	_ =	shalt  }
0x7c: {  	_ =	shalt  }
0x7d: {  	_ =	shalt  }
0x7e: {  	_ =	shalt  }
0x7f: {  	_ =	shalt  }
0x80: {  	_ =	shalt  }
0x81: {  	_ =	shalt  }
0x82: {  	_ =	shalt  }
0x83: {  	_ =	shalt  }
0x84: {  	_ =	shalt  }
0x85: {  	_ =	shalt  }
0x86: {  	_ =	shalt  }
0x87: {  	_ =	shalt  }
.Lfunc_end0:
.L_simem_size_0:
called_computation_lowered:
.L_overlay_start_0:
0x88: {  	s2 =	sld [smem:$0x3FD9]  }
0x89: {  	s3 =	sld [smem:$0x3FFE];
	_ =	sdelay $0x1  }
0x8a: {  	s1 =	srdreg.scid  }
0x8b: {  	s0 =	sand.u32 $0x1, s1  }
0x8c: {  	s17 =	sshll.u32 s0, $0xA;
	s2 =	sadd.s32 s3, s2  }
0x8d: {  	s2 =	sadd.s32 s2, s17  }
0x8e: {  	[smem:$0x3FBA] =	sst s2  }
0x8f: {  	_ = 	snop  }
0x90: {  	s2 =	sld [smem:$0x3FC9];
	(tm) =	ssettm $0x1  }
0x91: {  	s18 =	sld [smem:$0x3FFB];
	_ =	sdelay $0x3  }
0x92: {  	_ =	strace s18  }
0x93: {  	s3 =	sld [smem:$0x3FFC];
	_ =	sdelay $0x3  }
0x94: {  	_ =	strace s3  }
0x95: {  	s3 =	sld [smem:$0x3FFD];
	_ =	sdelay $0x3  }
0x96: {  	_ =	strace s3  }
0x97: {  	_ =	strace $0x8FFFFFFF  }
0x98: {  	s19 =	sld [smem:$0x3FDB];
	_ =	sdelay $0x1  }
0x99: {  	s4 =	simm.s32 $_scs_section_size  }
0x9a: {  	s5 =	simm.s32 $_size__tile_overlayer_lowered;
	s6 =	simm.s32 $_tile_overlayer_lowered  }
0x9b: {  	s22 =	simm.s32 $0x1BFF;
	s21 =	sshll.u32 s6, $0x1;
	s3 =	sadd.s32 s4, s19  }
0x9c: {  	s7 =	simm.s32 $0x0;
	s20 =	sshll.u32 s5, $0x1;
	s5 =	sadd.s32 s21, s3  }
0x9d: {  	[timem:s7], [sflag:s22] =	dma.local [hbm:s5], s20  }
0x9e: {  	_ =	swait.ge [sflag:s22], s20  }
0x9f: {  	s4 =	ssub.s32 $0x0, s20;
	[sflag:s22] =	ssyncset.done $0x0  }
0xa0: {  	[sflag:s22] =	ssyncadd.s32 s4;
	_ =	sdelay $0x1  }
0xa1: {  	s23 =	simm.s32 $0x1B8B  }
0xa2: {  	_ =	swait.ge [sflag:s23], $0x1  }
0xa3: {  	[sflag:s23] =	ssyncset.done $0x0  }
0xa4: {  	s25 =	simm.s32 $0x1B8E;
	s24 =	sld [smem:$0x3FFE];
	[sflag:s23] =	ssyncadd.s32 $0xFFFFFFFF  }
0xa5: {  	s26 =	simm.s32 $execute0_lowered;
	[smem:$0x3FD2] =	sst s25  }
0xa6: {  	s5 =	sshll.u32 s26, $0x1;
	_ =	strace $0x80000046;
	[dreg:$0x1] =	wrdreg $0xFFFFFFFF  }
0xa7: {  	s28 =	simm.s32 $_size_execute0_lowered;
	s3 =	sadd.s32 s3, s5;
	[dreg:$0x0] =	wrdreg $0x0  }
0xa8: {  	s5 =	sshll.u32 s28, $0x1;
	[dreg:$0x2] =	wrdreg s3  }
0xa9: {  	[dreg:$0x3] =	wrdreg s5  }
0xaa: {  	[dreg:$0x4] =	wrdreg $0xC0  }
0xab: {  	_ =	task [dreg:s7], $0x5FFFF  }
0xac: {  	[dreg:$0x1] =	wrdreg $0xFFFFFFFF  }
0xad: {  	[dreg:$0x0] =	wrdreg $0x60  }
0xae: {  	[dreg:$0x2] =	wrdreg s2  }
0xaf: {  	[dreg:$0x3] =	wrdreg s24  }
0xb0: {  	[dreg:$0x4] =	wrdreg $0x90000  }
0xb1: {  	[dreg:$0x5] =	wrdreg $0x9  }
0xb2: {  	_ =	task.clear_ibuf [dreg:s7], $0x6FFFF;
	_ =	strace $0x90000046  }
0xb3: {  	s29 =	simm.s32 $0x9;
	_ =	strace $0x80000048  }
0xb4: {  	_ =	swait.ge [sflag:s29], $0x1  }
0xb5: {  	[sflag:s29] =	ssyncadd.s32 $0xFFFFFFFF  }
0xb6: {  	_ =	strace $0x90000048  }
0xb7: {  	_ =	sfence  }
0xb8: {  	s30 =	sld [smem:$0x0];
	_ =	sdelay $0x2  }
0xb9: {  	s31 =	sshll.u32 s1, $0xD;
	s1 =	sshrl.u32 s1, $0x2  }
0xba: {  	s3 =	sand.u32 $0x4000, s31;
	s1 =	sadd.s32 s1, s30  }
0xbb: {  	s0 =	sor.u32 s3, s0;
	s1 =	sshll.u32 s1, $0x11  }
0xbc: {  	s0 =	sor.u32 s1, s0  }
0xbd: {  	s0 =	sadd.s32 $0x8F2B, s0  }
0xbe: {  	[sflag:s0] =	ssyncadd.remote.s32 $0x1  }
0xbf: {  	_ =	sfence.sel $0xFFFF  }
0xc0: {  	[dreg:$0x0] =	wrdreg $0xFFFFFFFF;
	(pc) =	sbr.abs _section_cstart, $3  }
0xc1: {  	[dreg:$0x1] =	wrdreg $0xFFFFFFFF  }
0xc2: {  	_ =	task.clear_ibuf [dreg:s7], $0x2FFFF;
	_ =	strace $0x9FFFFFFF  }
0xc3: {  	(tm) =	ssettm $0x7FFFFFFF  }
tec
execute0_lowered:
.L_overlay_start_1:
0x0: {  	(tag) =	ssettag $0x1  }
0x1: {  	s1 =	rddreg [dreg:$0x0]  }
0x2: {  	s0 =	rddreg [dreg:$0x1]  }
0x3: {  	s2 =	rddreg [dreg:$0x2]  }
0x4: {  	s3 =	srdreg.scid;
	s5 =	simm.s32 $0x0;
	s10 =	stileid.u32  }
0x5: {  	s16 =	simm.s32 $0x5;
	s28 =	simm.s32 $0xE00;
	s29 =	simm.s32 $0xE80  }
0x6: {  	s30 =	simm.s32 $0xF00;
	s31 =	simm.s32 $0xF80;
	s3 =	sand.u32 $0x1, s3  }
0x7: {  	[smem:$0x7FF] =	sst s5;
	s17 =	smul.u32 $0x14000, s10;
	s6 =	sadd.s32 $0xD600, s0  }
0x8: {  	s7 =	sadd.s32 $0x3600, s0;
	s18 =	sadd.s32 $0x17600, s0;
	s19 =	sadd.s32 $0x19E00, s0  }
0x9: {  	s8 =	sshll.u32 s10, $0x1;
	s9 =	smul.u32 $0x50000, s10;
	s23 =	sshll.u32 s10, $0x6  }
0xa: {  	s10 =	smul.u32 $0xA00, s10;
	_ =	strace $0x80000047;
	[dreg:$0x4] =	wrdreg s18  }
0xb: {  	s4 =	smul.u32 $0x140000, s3;
	[dreg:$0x5] =	wrdreg s19;
	s20 =	ssub.s32 $0x2, s3  }
0xc: {  	s8 =	sor.u32 s3, s8;
	s3 =	smul.u32 $0x500, s3;
	s18 =	simm.s32 $0x80  }
0xd: {  	s19 =	simm.s32 $0x1000;
	s21 =	sshrl.u32 s20, $0x1;
	s22 =	sshrl.u32 s9, $0x2  }
0xe: {  	s8 =	smul.u32 $0x500, s8;
	s9 =	sor.u32 $0x1C05, s23;
	s4 =	sadd.s32 s17, s4  }
0xf: {  	s5 =	sadd.s32 s22, s2;
	s22 =	simm.s32 $0x3;
	[dreg:$0x6] =	wrdreg s9  }
0x10: {  	s4 =	sshrl.u32 s4, $0x3;
	s11 =	sadd.s32 s6, s8;
	s8 =	sadd.s32 s7, s8  }
0x11: {  	s7 =	sadd.s32 s10, s7;
	s6 =	sadd.s32 s10, s6;
	s10 =	simm.s32 $0x1  }
0x12: {  	s0 =	sadd.s32 s4, s0;
	s4 =	ssub.s32 s20, s21;
	[dreg:$0x7] =	wrdreg s11  }
0x13: {  	[dreg:$0x8] =	wrdreg s8;
	s25 =	sadd.s32 s3, s7;
	s26 =	sadd.s32 s3, s6  }
0x14: {  	s20 =	simm.s32 $0x4;
	s21 =	simm.s32 $0x5000;
	s3 =	simm.s32 $0x2  }
.Ltmp0:
0x15: {  	s24 =	sadd.s32 $0x1A600, s0;
	s0 =	sadd.s32 $0x6A600, s0;
	(pc) =	sbr.rel .LBB2_1-.Ltmp0, $4  }
0x16: {  	s4 =	smax.u32 s4, $0x1;
	s13 =	sadd.s32 $0x80, s25;
	[dreg:$0x9] =	wrdreg s24  }
0x17: {  	s14 =	sadd.s32 $0x80, s26;
	s25 =	simm.s32 $0xD00;
	[dreg:$0xa] =	wrdreg s0  }
0x18: {  	s26 =	simm.s32 $0xD80;
	[dreg:$0xb] =	wrdreg s4;
	s4 =	sshrl.u32 s5, $0x3  }
0x19: {  	s24 =	simm.s32 $0xC80;
	s5 =	simm.s32 $0x0;
	[dreg:$0xc] =	wrdreg s4  }
.LBB2_10:
0x1a: {  	_ =	swait.ge [sflag:s22], $0x4000  }
0x1b: {  	[sflag:s22] =	ssyncset.done $0x0  }
0x1c: {  	[sflag:s22] =	ssyncadd.s32 $0xFFFFC000  }
0x1d: {  	_ =	swait.ge [sflag:s20], $0x4000  }
0x1e: {  	[sflag:s20] =	ssyncset.done $0x0  }
0x1f: {  	[sflag:s20] =	ssyncadd.s32 $0xFFFFC000  }
0x20: {  	[bflag:$0x0] =	sbarrier.arrive $0xFFFF  }
0x21: {  	s9 =	rddreg [dreg:$0x6]  }
0x22: {  	s0 =	rddreg [dreg:$0xa]  }
0x23: {  	s4 =	rddreg [dreg:$0xc]  }
0x24: {  	[hbm:s0], [sflag:s9] =	dma.local [spmem:s4], $0x2800  }
0x25: {  	_ =	swait.ge [sflag:s16], $0x2800  }
0x26: {  	s5 =	rddreg [dreg:$0xd]  }
0x27: {  	s23 =	rddreg [dreg:$0xb];
	s5 =	sadd.s32 $0x1, s5  }
0x28: {  	p0 =	sne.s32 s5, s23  }
.Ltmp1:
0x29: {  	_ = 	snop;
	(pc) =	sbr.rel @!p0 .LBB2_11-.Ltmp1, $3  }
0x2a: {  	_ =	sdelay $0x1  }
0x2b: {  	[sflag:s16] =	ssyncset.done $0x0  }
0x2c: {  	[sflag:s16] =	ssyncadd.s32 $0xFFFFD800  }
.LBB2_1:
0x2d: {  	[dreg:$0xd] =	wrdreg s5  }
0x2e: {  	s0 =	rddreg [dreg:$0x4]  }
0x2f: {  	[spmem:s4], [sflag:s9] =	dma.local [hbm:s0], $0x2800  }
0x30: {  	_ =	swait.ge [sflag:s16], $0x2800  }
0x31: {  	[sflag:s16] =	ssyncset.done $0x0  }
0x32: {  	[sflag:s16] =	ssyncadd.s32 $0xFFFFD800  }
0x33: {  	[bflag:$0x0] =	sbarrier.arrive $0xFFFF  }
0x34: {  	s12 =	simm.s32 $0x0;
	s15 =	rddreg [dreg:$0x7]  }
0x35: {  	[tilespmem:s12], [sflag:$0x5] =	stream.linear.gather [hbm4b:s15+s12], $0x400, $0x38;
	[tilespmem:$0x1D000] =	vst v63  }
0x36: {  	_ =	swait.ge [sflag:s16], $0x400  }
0x37: {  	[sflag:s16] =	ssyncset.done $0x0  }
0x38: {  	s23 =	simm.s32 $0x800;
	s17 =	rddreg [dreg:$0x8];
	[sflag:s16] =	ssyncadd.s32 $0xFFFFFC00  }
0x39: {  	[tilespmem:s23], [sflag:$0x5] =	stream.linear.gather [hbm4b:s17+s12], $0x400, $0x38;
	[tilespmem:$0x1D000] =	vst v63  }
.Ltmp2:
0x3a: {  	_ = 	snop;
	(pc) =	sbr.rel .LBB2_2-.Ltmp2, $4  }
0x3b: {  	_ =	swait.ge [sflag:s16], $0x400  }
0x3c: {  	[sflag:s16] =	ssyncset.done $0x0  }
0x3d: {  	s7 =	simm.s32 $0x0;
	s15 =	simm.s32 $0x0;
	[sflag:s16] =	ssyncadd.s32 $0xFFFFFC00  }
0x3e: {  	[tilespmem:s19], [sflag:$0x1] =	stream.indirect.gather [hbm4b:s1+s18], $0x80, s12, s18, $0xb8;
	[tilespmem:$0x1D000] =	vst v63  }
.LBB2_5:
0x3f: {  	s7 =	sadd.s32 $0x80, s7  }
0x40: {  	p0 =	sne.s32 s7, $0x500  }
.Ltmp3:
0x41: {  	_ = 	snop;
	(pc) =	sbr.rel @!p0 .LBB2_6-.Ltmp3, $2  }
0x42: {  	_ =	sdelay $0x2  }
0x43: {  	s15 =	sadd.s32 $0x1, s15  }
.LBB2_2:
0x44: {  	s0 =	sand.u32 $0x1, s15  }
0x45: {  	p0 =	seq.s32 s0, $0x1  }
0x46: {  	s4 =	sadd.s32 @!p0 s7, s14;
	s5 =	simm.s32 @!p0 $0x0;
	s8 =	simm.s32 @!p0 $0x400  }
0x47: {  	[tilespmem:s8], [sflag:$0x5] =	stream.linear.gather @!p0 [hbm4b:s4+s5], $0x400, $0x38;
	[tilespmem:$0x1D000] =	vst v63  }
0x48: {  	s4 =	simm.s32 @!p0 $0x5  }
0x49: {  	_ =	swait.ge @!p0 [sflag:s4], $0x400  }
0x4a: {  	[sflag:s4] =	ssyncset.done @!p0 $0x0  }
0x4b: {  	s12 =	simm.s32 @!p0 $0x1;
	[sflag:s4] =	ssyncadd.s32 @!p0 $0xFFFFFC00  }
0x4c: {  	s11 =	simm.s32 @!p0 $0x80;
	_ =	swait.ge @!p0 [sflag:s12], $0x4000  }
0x4d: {  	s6 =	simm.s32 @!p0 $0x800;
	p1 =	seq.s32 @!p0 s7, $0x0;
	[sflag:s12] =	ssyncset.done @!p0 $0x0  }
0x4e: {  	s17 =	simm.s32 @!p0 $0x1000;
	p1 =	por p1, p0;
	[sflag:s12] =	ssyncadd.s32 @!p0 $0xFFFFC000  }
0x4f: {  	[spmem:s2] =	stream.indirect.scatter.add.f32 @!p0 [tilespmem:s17], [sflag:$0x3], $0x80, s6, s11, $0xb8;
	[tilespmem:$0x1D000] =	vst v63  }
0x50: {  	s6 =	simm.s32 @!p1 $0x4  }
0x51: {  	_ =	swait.ge @!p1 [sflag:s6], $0x4000  }
0x52: {  	[sflag:s6] =	ssyncset.done @!p1 $0x0  }
0x53: {  	s9 =	simm.s32 @!p0 $0xC00;
	[sflag:s6] =	ssyncadd.s32 @!p1 $0xFFFFC000;
	s6 =	sadd.s32 @!p0 s7, s13  }
0x54: {  	[tilespmem:s9], [sflag:$0x5] =	stream.linear.gather @!p0 [hbm4b:s6+s5], $0x400, $0x38;
	[tilespmem:$0x1D000] =	vst v63  }
0x55: {  	_ =	swait.ge @!p0 [sflag:s4], $0x400  }
0x56: {  	[sflag:s4] =	ssyncset.done @!p0 $0x0  }
0x57: {  	s5 =	simm.s32 @!p0 $0x5000;
	s6 =	simm.s32 @!p0 $0x2;
	[sflag:s4] =	ssyncadd.s32 @!p0 $0xFFFFFC00  }
0x58: {  	[tilespmem:s5], [sflag:$0x2] =	stream.indirect.gather @!p0 [hbm4b:s1+s11], $0x80, s11, s11, $0xb8;
	[tilespmem:$0x1D000] =	vst v63  }
0x59: {  	_ =	swait.ge @!p0 [sflag:s6], $0x4000  }
0x5a: {  	[sflag:s6] =	ssyncset.done @!p0 $0x0  }
0x5b: {  	s4 =	simm.s32 @!p0 $0x880;
	[sflag:s6] =	ssyncadd.s32 @!p0 $0xFFFFC000  }
0x5c: {  	[spmem:s2] =	stream.indirect.scatter.add.f32 @!p0 [tilespmem:s5], [sflag:$0x4], $0x80, s4, s11, $0xb8;
	[tilespmem:$0x1D000] =	vst v63  }
0x5d: {  	s4 =	simm.s32 @!p0 $0x3  }
0x5e: {  	_ =	swait.ge @!p0 [sflag:s4], $0x4000  }
0x5f: {  	[sflag:s4] =	ssyncset.done @!p0 $0x0  }
0x60: {  	s9 =	simm.s32 @!p0 $0x100;
	[sflag:s4] =	ssyncadd.s32 @!p0 $0xFFFFC000  }
0x61: {  	[tilespmem:s17], [sflag:$0x1] =	stream.indirect.gather @!p0 [hbm4b:s1+s11], $0x80, s9, s11, $0xb8;
	[tilespmem:$0x1D000] =	vst v63  }
0x62: {  	_ =	swait.ge @!p0 [sflag:s12], $0x4000  }
0x63: {  	[sflag:s12] =	ssyncset.done @!p0 $0x0  }
0x64: {  	s9 =	simm.s32 @!p0 $0x900;
	[sflag:s12] =	ssyncadd.s32 @!p0 $0xFFFFC000  }
0x65: {  	[spmem:s2] =	stream.indirect.scatter.add.f32 @!p0 [tilespmem:s17], [sflag:$0x3], $0x80, s9, s11, $0xb8;
	[tilespmem:$0x1D000] =	vst v63  }
0x66: {  	s9 =	simm.s32 @!p0 $0x4  }
0x67: {  	_ =	swait.ge @!p0 [sflag:s9], $0x4000  }
0x68: {  	[sflag:s9] =	ssyncset.done @!p0 $0x0  }
0x69: {  	s23 =	simm.s32 @!p0 $0x180;
	[sflag:s9] =	ssyncadd.s32 @!p0 $0xFFFFC000  }
0x6a: {  	[tilespmem:s5], [sflag:$0x2] =	stream.indirect.gather @!p0 [hbm4b:s1+s11], $0x80, s23, s11, $0xb8;
	[tilespmem:$0x1D000] =	vst v63  }
0x6b: {  	_ =	swait.ge @!p0 [sflag:s6], $0x4000  }
0x6c: {  	[sflag:s6] =	ssyncset.done @!p0 $0x0  }
0x6d: {  	s23 =	simm.s32 @!p0 $0x980;
	[sflag:s6] =	ssyncadd.s32 @!p0 $0xFFFFC000  }
0x6e: {  	[spmem:s2] =	stream.indirect.scatter.add.f32 @!p0 [tilespmem:s5], [sflag:$0x4], $0x80, s23, s11, $0xb8;
	[tilespmem:$0x1D000] =	vst v63  }
0x6f: {  	_ =	swait.ge @!p0 [sflag:s4], $0x4000  }
0x70: {  	[sflag:s4] =	ssyncset.done @!p0 $0x0  }
0x71: {  	s23 =	simm.s32 @!p0 $0x200;
	[sflag:s4] =	ssyncadd.s32 @!p0 $0xFFFFC000  }
0x72: {  	[tilespmem:s17], [sflag:$0x1] =	stream.indirect.gather @!p0 [hbm4b:s1+s11], $0x80, s23, s11, $0xb8;
	[tilespmem:$0x1D000] =	vst v63  }
0x73: {  	_ =	swait.ge @!p0 [sflag:s12], $0x4000  }
0x74: {  	[sflag:s12] =	ssyncset.done @!p0 $0x0  }
0x75: {  	s23 =	simm.s32 @!p0 $0xA00;
	[sflag:s12] =	ssyncadd.s32 @!p0 $0xFFFFC000  }
0x76: {  	[spmem:s2] =	stream.indirect.scatter.add.f32 @!p0 [tilespmem:s17], [sflag:$0x3], $0x80, s23, s11, $0xb8;
	[tilespmem:$0x1D000] =	vst v63  }
0x77: {  	_ =	swait.ge @!p0 [sflag:s9], $0x4000  }
0x78: {  	[sflag:s9] =	ssyncset.done @!p0 $0x0  }
0x79: {  	s23 =	simm.s32 @!p0 $0x280;
	[sflag:s9] =	ssyncadd.s32 @!p0 $0xFFFFC000  }
0x7a: {  	[tilespmem:s5], [sflag:$0x2] =	stream.indirect.gather @!p0 [hbm4b:s1+s11], $0x80, s23, s11, $0xb8;
	[tilespmem:$0x1D000] =	vst v63  }
0x7b: {  	_ =	swait.ge @!p0 [sflag:s6], $0x4000  }
0x7c: {  	[sflag:s6] =	ssyncset.done @!p0 $0x0  }
0x7d: {  	s23 =	simm.s32 @!p0 $0xA80;
	[sflag:s6] =	ssyncadd.s32 @!p0 $0xFFFFC000  }
0x7e: {  	[spmem:s2] =	stream.indirect.scatter.add.f32 @!p0 [tilespmem:s5], [sflag:$0x4], $0x80, s23, s11, $0xb8;
	[tilespmem:$0x1D000] =	vst v63  }
0x7f: {  	_ =	swait.ge @!p0 [sflag:s4], $0x4000  }
0x80: {  	[sflag:s4] =	ssyncset.done @!p0 $0x0  }
0x81: {  	s23 =	simm.s32 @!p0 $0x300;
	[sflag:s4] =	ssyncadd.s32 @!p0 $0xFFFFC000  }
0x82: {  	[tilespmem:s17], [sflag:$0x1] =	stream.indirect.gather @!p0 [hbm4b:s1+s11], $0x80, s23, s11, $0xb8;
	[tilespmem:$0x1D000] =	vst v63  }
0x83: {  	_ =	swait.ge @!p0 [sflag:s12], $0x4000  }
0x84: {  	[sflag:s12] =	ssyncset.done @!p0 $0x0  }
0x85: {  	[sflag:s12] =	ssyncadd.s32 @!p0 $0xFFFFC000;
	s12 =	simm.s32 @!p0 $0xB00  }
0x86: {  	[spmem:s2] =	stream.indirect.scatter.add.f32 @!p0 [tilespmem:s17], [sflag:$0x3], $0x80, s12, s11, $0xb8;
	[tilespmem:$0x1D000] =	vst v63  }
0x87: {  	_ =	swait.ge @!p0 [sflag:s9], $0x4000  }
0x88: {  	[sflag:s9] =	ssyncset.done @!p0 $0x0  }
0x89: {  	[sflag:s9] =	ssyncadd.s32 @!p0 $0xFFFFC000;
	s9 =	simm.s32 @!p0 $0x380  }
0x8a: {  	[tilespmem:s5], [sflag:$0x2] =	stream.indirect.gather @!p0 [hbm4b:s1+s11], $0x80, s9, s11, $0xb8;
	[tilespmem:$0x1D000] =	vst v63  }
0x8b: {  	_ =	swait.ge @!p0 [sflag:s6], $0x4000  }
0x8c: {  	[sflag:s6] =	ssyncset.done @!p0 $0x0  }
0x8d: {  	[sflag:s6] =	ssyncadd.s32 @!p0 $0xFFFFC000;
	s6 =	simm.s32 @!p0 $0xB80  }
0x8e: {  	[spmem:s2] =	stream.indirect.scatter.add.f32 @!p0 [tilespmem:s5], [sflag:$0x4], $0x80, s6, s11, $0xb8;
	[tilespmem:$0x1D000] =	vst v63  }
0x8f: {  	_ =	swait.ge @!p0 [sflag:s4], $0x4000  }
0x90: {  	[sflag:s4] =	ssyncset.done @!p0 $0x0  }
0x91: {  	p1 =	seq.s32 @!p0 s0, $0x0;
	[sflag:s4] =	ssyncadd.s32 @!p0 $0xFFFFC000  }
0x92: {  	[tilespmem:s17], [sflag:$0x1] =	stream.indirect.gather @!p0 [hbm4b:s1+s11], $0x80, s8, s11, $0xb8;
	[tilespmem:$0x1D000] =	vst v63  }
0x93: {  	p0 =	por p0, !p1  }
.Ltmp4:
0x94: {  	_ = 	snop;
	(pc) =	sbr.rel @!p0 .LBB2_5-.Ltmp4, $1  }
0x95: {  	_ =	sdelay $0x3  }
0x96: {  	p0 =	seq.s32 s7, $0x480  }
0x97: {  	s0 =	simm.s32 @p0 $0x1  }
0x98: {  	_ =	swait.ge @p0 [sflag:s0], $0x4000  }
0x99: {  	s4 =	simm.s32 @p0 $0xC00;
	[sflag:s0] =	ssyncset.done @p0 $0x0  }
0x9a: {  	s5 =	simm.s32 @p0 $0x1000;
	[sflag:s0] =	ssyncadd.s32 @p0 $0xFFFFC000;
	s0 =	simm.s32 @p0 $0x80  }
0x9b: {  	[spmem:s2] =	stream.indirect.scatter.add.f32 @p0 [tilespmem:s5], [sflag:$0x3], $0x80, s4, s0, $0xb8;
	[tilespmem:$0x1D000] =	vst v63  }
0x9c: {  	s0 =	simm.s32 @p0 $0x4  }
0x9d: {  	_ =	swait.ge @p0 [sflag:s0], $0x4000  }
0x9e: {  	[sflag:s0] =	ssyncset.done @p0 $0x0  }
0x9f: {  	s4 =	simm.s32 @!p0 $0x0;
	[sflag:s0] =	ssyncadd.s32 @p0 $0xFFFFC000;
	s0 =	sadd.s32 @!p0 s7, s14  }
0xa0: {  	[tilespmem:s4], [sflag:$0x5] =	stream.linear.gather @!p0 [hbm4b:s0+s4], $0x400, $0x38;
	[tilespmem:$0x1D000] =	vst v63  }
0xa1: {  	s0 =	simm.s32 @!p0 $0x5  }
0xa2: {  	_ =	swait.ge @!p0 [sflag:s0], $0x400  }
0xa3: {  	[sflag:s0] =	ssyncset.done @!p0 $0x0  }
0xa4: {  	s5 =	simm.s32 @!p0 $0x1;
	[sflag:s0] =	ssyncadd.s32 @!p0 $0xFFFFFC00  }
0xa5: {  	_ =	swait.ge @!p0 [sflag:s5], $0x4000  }
0xa6: {  	s6 =	simm.s32 @!p0 $0xC00;
	[sflag:s5] =	ssyncset.done @!p0 $0x0  }
0xa7: {  	s8 =	simm.s32 @!p0 $0x1000;
	[sflag:s5] =	ssyncadd.s32 @!p0 $0xFFFFC000;
	s5 =	simm.s32 @!p0 $0x80  }
0xa8: {  	[spmem:s2] =	stream.indirect.scatter.add.f32 @!p0 [tilespmem:s8], [sflag:$0x3], $0x80, s6, s5, $0xb8;
	[tilespmem:$0x1D000] =	vst v63  }
0xa9: {  	s5 =	simm.s32 @!p0 $0x4  }
0xaa: {  	_ =	swait.ge @!p0 [sflag:s5], $0x4000  }
0xab: {  	[sflag:s5] =	ssyncset.done @!p0 $0x0  }
0xac: {  	s6 =	simm.s32 @!p0 $0x800;
	[sflag:s5] =	ssyncadd.s32 @!p0 $0xFFFFC000;
	s5 =	sadd.s32 @!p0 s7, s13  }
0xad: {  	[tilespmem:s6], [sflag:$0x5] =	stream.linear.gather @!p0 [hbm4b:s5+s4], $0x400, $0x38;
	[tilespmem:$0x1D000] =	vst v63  }
0xae: {  	_ =	swait.ge @!p0 [sflag:s0], $0x400  }
0xaf: {  	[sflag:s0] =	ssyncset.done @!p0 $0x0  }
0xb0: {  	s6 =	simm.s32 $0x480;
	[sflag:s0] =	ssyncadd.s32 @!p0 $0xFFFFFC00  }
0xb1: {  	[tilespmem:s21], [sflag:$0x2] =	stream.indirect.gather [hbm4b:s1+s18], $0x80, s6, s18, $0xb8;
	[tilespmem:$0x1D000] =	vst v63  }
0xb2: {  	_ =	swait.ge [sflag:s3], $0x4000  }
0xb3: {  	[sflag:s3] =	ssyncset.done $0x0  }
0xb4: {  	[sflag:s3] =	ssyncadd.s32 $0xFFFFC000  }
0xb5: {  	[spmem:s2] =	stream.indirect.scatter.add.f32 [tilespmem:s21], [sflag:$0x4], $0x80, s24, s18, $0xb8;
	[tilespmem:$0x1D000] =	vst v63  }
0xb6: {  	_ =	swait.ge [sflag:s22], $0x4000  }
0xb7: {  	[sflag:s22] =	ssyncset.done $0x0  }
0xb8: {  	s8 =	simm.s32 $0x500;
	[sflag:s22] =	ssyncadd.s32 $0xFFFFC000  }
0xb9: {  	[tilespmem:s19], [sflag:$0x1] =	stream.indirect.gather [hbm4b:s1+s18], $0x80, s8, s18, $0xb8;
	[tilespmem:$0x1D000] =	vst v63  }
0xba: {  	_ =	swait.ge [sflag:s10], $0x4000  }
0xbb: {  	[sflag:s10] =	ssyncset.done $0x0  }
0xbc: {  	[sflag:s10] =	ssyncadd.s32 $0xFFFFC000  }
0xbd: {  	[spmem:s2] =	stream.indirect.scatter.add.f32 [tilespmem:s19], [sflag:$0x3], $0x80, s25, s18, $0xb8;
	[tilespmem:$0x1D000] =	vst v63  }
0xbe: {  	_ =	swait.ge [sflag:s20], $0x4000  }
0xbf: {  	[sflag:s20] =	ssyncset.done $0x0  }
0xc0: {  	s9 =	simm.s32 $0x580;
	[sflag:s20] =	ssyncadd.s32 $0xFFFFC000  }
0xc1: {  	[tilespmem:s21], [sflag:$0x2] =	stream.indirect.gather [hbm4b:s1+s18], $0x80, s9, s18, $0xb8;
	[tilespmem:$0x1D000] =	vst v63  }
0xc2: {  	_ =	swait.ge [sflag:s3], $0x4000  }
0xc3: {  	[sflag:s3] =	ssyncset.done $0x0  }
0xc4: {  	[sflag:s3] =	ssyncadd.s32 $0xFFFFC000  }
0xc5: {  	[spmem:s2] =	stream.indirect.scatter.add.f32 [tilespmem:s21], [sflag:$0x4], $0x80, s26, s18, $0xb8;
	[tilespmem:$0x1D000] =	vst v63  }
0xc6: {  	_ =	swait.ge [sflag:s22], $0x4000  }
0xc7: {  	[sflag:s22] =	ssyncset.done $0x0  }
0xc8: {  	s11 =	simm.s32 $0x600;
	[sflag:s22] =	ssyncadd.s32 $0xFFFFC000  }
0xc9: {  	[tilespmem:s19], [sflag:$0x1] =	stream.indirect.gather [hbm4b:s1+s18], $0x80, s11, s18, $0xb8;
	[tilespmem:$0x1D000] =	vst v63  }
0xca: {  	_ =	swait.ge [sflag:s10], $0x4000  }
0xcb: {  	[sflag:s10] =	ssyncset.done $0x0  }
0xcc: {  	[sflag:s10] =	ssyncadd.s32 $0xFFFFC000  }
0xcd: {  	[spmem:s2] =	stream.indirect.scatter.add.f32 [tilespmem:s19], [sflag:$0x3], $0x80, s28, s18, $0xb8;
	[tilespmem:$0x1D000] =	vst v63  }
0xce: {  	_ =	swait.ge [sflag:s20], $0x4000  }
0xcf: {  	[sflag:s20] =	ssyncset.done $0x0  }
0xd0: {  	s12 =	simm.s32 $0x680;
	[sflag:s20] =	ssyncadd.s32 $0xFFFFC000  }
0xd1: {  	[tilespmem:s21], [sflag:$0x2] =	stream.indirect.gather [hbm4b:s1+s18], $0x80, s12, s18, $0xb8;
	[tilespmem:$0x1D000] =	vst v63  }
0xd2: {  	_ =	swait.ge [sflag:s3], $0x4000  }
0xd3: {  	[sflag:s3] =	ssyncset.done $0x0  }
0xd4: {  	[sflag:s3] =	ssyncadd.s32 $0xFFFFC000  }
0xd5: {  	[spmem:s2] =	stream.indirect.scatter.add.f32 [tilespmem:s21], [sflag:$0x4], $0x80, s29, s18, $0xb8;
	[tilespmem:$0x1D000] =	vst v63  }
0xd6: {  	_ =	swait.ge [sflag:s22], $0x4000  }
0xd7: {  	[sflag:s22] =	ssyncset.done $0x0  }
0xd8: {  	s17 =	simm.s32 $0x700;
	[sflag:s22] =	ssyncadd.s32 $0xFFFFC000  }
0xd9: {  	[tilespmem:s19], [sflag:$0x1] =	stream.indirect.gather [hbm4b:s1+s18], $0x80, s17, s18, $0xb8;
	[tilespmem:$0x1D000] =	vst v63  }
0xda: {  	_ =	swait.ge [sflag:s10], $0x4000  }
0xdb: {  	[sflag:s10] =	ssyncset.done $0x0  }
0xdc: {  	[sflag:s10] =	ssyncadd.s32 $0xFFFFC000  }
0xdd: {  	[spmem:s2] =	stream.indirect.scatter.add.f32 [tilespmem:s19], [sflag:$0x3], $0x80, s30, s18, $0xb8;
	[tilespmem:$0x1D000] =	vst v63  }
0xde: {  	_ =	swait.ge [sflag:s20], $0x4000  }
0xdf: {  	[sflag:s20] =	ssyncset.done $0x0  }
0xe0: {  	s23 =	simm.s32 $0x780;
	[sflag:s20] =	ssyncadd.s32 $0xFFFFC000  }
0xe1: {  	[tilespmem:s21], [sflag:$0x2] =	stream.indirect.gather [hbm4b:s1+s18], $0x80, s23, s18, $0xb8;
	[tilespmem:$0x1D000] =	vst v63  }
0xe2: {  	_ =	swait.ge [sflag:s3], $0x4000  }
0xe3: {  	[sflag:s3] =	ssyncset.done $0x0  }
.Ltmp5:
0xe4: {  	[sflag:s3] =	ssyncadd.s32 $0xFFFFC000;
	(pc) =	sbr.rel @p0 .LBB2_6-.Ltmp5, $4  }
0xe5: {  	[spmem:s2] =	stream.indirect.scatter.add.f32 [tilespmem:s21], [sflag:$0x4], $0x80, s31, s18, $0xb8;
	[tilespmem:$0x1D000] =	vst v63  }
0xe6: {  	_ =	swait.ge [sflag:s22], $0x4000  }
0xe7: {  	[sflag:s22] =	ssyncset.done $0x0  }
0xe8: {  	[sflag:s22] =	ssyncadd.s32 $0xFFFFC000  }
.Ltmp6:
0xe9: {  	(pc) =	sbr.rel .LBB2_5-.Ltmp6, $3  }
0xea: {  	_ =	sdelay $0x1  }
0xeb: {  	s0 =	simm.s32 $0x0  }
0xec: {  	[tilespmem:s19], [sflag:$0x1] =	stream.indirect.gather [hbm4b:s1+s18], $0x80, s0, s18, $0xb8;
	[tilespmem:$0x1D000] =	vst v63  }
.LBB2_6:
0xed: {  	_ =	swait.ge [sflag:s20], $0x4000  }
0xee: {  	[sflag:s20] =	ssyncset.done $0x0  }
0xef: {  	[sflag:s20] =	ssyncadd.s32 $0xFFFFC000  }
0xf0: {  	[bflag:$0x0] =	sbarrier.arrive $0xFFFF  }
0xf1: {  	s4 =	rddreg [dreg:$0x6]  }
0xf2: {  	s0 =	rddreg [dreg:$0x9]  }
0xf3: {  	s5 =	rddreg [dreg:$0xc]  }
0xf4: {  	[hbm:s0], [sflag:s4] =	dma.local [spmem:s5], $0x2800  }
0xf5: {  	_ =	swait.ge [sflag:s16], $0x2800  }
0xf6: {  	[sflag:s16] =	ssyncset.done $0x0  }
0xf7: {  	s7 =	simm.s32 $0x0;
	s12 =	rddreg [dreg:$0x5];
	[sflag:s16] =	ssyncadd.s32 $0xFFFFD800  }
0xf8: {  	[tilespmem:s19], [sflag:$0x5] =	stream.linear.gather [hbm4b:s12+s7], $0x4000, $0x38;
	[tilespmem:$0x1D000] =	vst v63  }
0xf9: {  	_ =	swait.ge [sflag:s16], $0x4000  }
0xfa: {  	[sflag:s16] =	ssyncset.done $0x0  }
0xfb: {  	[sflag:s16] =	ssyncadd.s32 $0xFFFFC000  }
0xfc: {  	[tilespmem:s21], [sflag:$0x5] =	stream.linear.gather [hbm4b:s12+s7], $0x4000, $0x38;
	[tilespmem:$0x1D000] =	vst v63  }
0xfd: {  	_ =	swait.ge [sflag:s16], $0x4000  }
0xfe: {  	[sflag:s16] =	ssyncset.done $0x0  }
0xff: {  	[sflag:s16] =	ssyncadd.s32 $0xFFFFC000  }
0x100: {  	[bflag:$0x0] =	sbarrier.arrive $0xFFFF  }
0x101: {  	s15 =	rddreg [dreg:$0x4]  }
0x102: {  	[spmem:s5], [sflag:s4] =	dma.local [hbm:s15], $0x2800  }
0x103: {  	_ =	swait.ge [sflag:s16], $0x2800  }
0x104: {  	[sflag:s16] =	ssyncset.done $0x0  }
0x105: {  	[sflag:s16] =	ssyncadd.s32 $0xFFFFD800  }
0x106: {  	[bflag:$0x0] =	sbarrier.arrive $0xFFFF  }
.Ltmp7:
0x107: {  	s23 =	simm.s32 $0x800;
	s17 =	rddreg [dreg:$0x8];
	(pc) =	sbr.rel .LBB2_7-.Ltmp7, $4  }
0x108: {  	[tilespmem:s23], [sflag:$0x5] =	stream.linear.gather [hbm4b:s17+s7], $0x400, $0x38;
	[tilespmem:$0x1D000] =	vst v63  }
0x109: {  	_ =	swait.ge [sflag:s16], $0x400  }
0x10a: {  	[sflag:s16] =	ssyncset.done $0x0  }
0x10b: {  	s15 =	smov.u32 s13;
	[sflag:s16] =	ssyncadd.s32 $0xFFFFFC00  }
.LBB2_9:
0x10c: {  	s7 =	sadd.s32 $0x1, s7  }
0x10d: {  	p0 =	sne.s32 s7, $0xA  }
.Ltmp8:
0x10e: {  	_ = 	snop;
	(pc) =	sbr.rel @!p0 .LBB2_10-.Ltmp8, $2  }
0x10f: {  	_ =	sdelay $0x2  }
0x110: {  	s15 =	sadd.s32 $0x80, s15  }
.LBB2_7:
0x111: {  	s0 =	sand.u32 $0x1, s7  }
0x112: {  	p0 =	seq.s32 s0, $0x1  }
0x113: {  	p1 =	sne.s32 @!p0 s7, $0x0  }
0x114: {  	p2 =	por !p1, p0  }
0x115: {  	s4 =	simm.s32 @!p2 $0x3  }
0x116: {  	_ =	swait.ge @!p2 [sflag:s4], $0x4000  }
0x117: {  	s5 =	simm.s32 @!p2 $0x800;
	[sflag:s4] =	ssyncset.done @!p2 $0x0  }
0x118: {  	s6 =	simm.s32 @!p2 $0x1000;
	[sflag:s4] =	ssyncadd.s32 @!p2 $0xFFFFC000;
	s4 =	simm.s32 @!p2 $0x80  }
0x119: {  	[spmem:s2] =	stream.indirect.scatter.add.f32 @!p2 [tilespmem:s6], [sflag:$0x3], $0x80, s5, s4, $0xb8;
	[tilespmem:$0x1D000] =	vst v63  }
0x11a: {  	s4 =	simm.s32 @!p2 $0x4  }
0x11b: {  	p1 =	por p1, p0;
	_ =	swait.ge @!p2 [sflag:s4], $0x4000  }
0x11c: {  	s5 =	simm.s32 @!p1 $0x800;
	[sflag:s4] =	ssyncset.done @!p2 $0x0  }
0x11d: {  	s6 =	simm.s32 @!p1 $0x1000;
	[sflag:s4] =	ssyncadd.s32 @!p2 $0xFFFFC000;
	s4 =	simm.s32 @!p1 $0x80  }
0x11e: {  	[spmem:s2] =	stream.indirect.scatter.add.f32 @!p1 [tilespmem:s6], [sflag:$0x3], $0x80, s5, s4, $0xb8;
	[tilespmem:$0x1D000] =	vst v63  }
0x11f: {  	s4 =	simm.s32 @!p0 $0x80;
	s5 =	simm.s32 @!p0 $0x880;
	s6 =	simm.s32 @!p0 $0x5000  }
0x120: {  	[spmem:s2] =	stream.indirect.scatter.add.f32 @!p0 [tilespmem:s6], [sflag:$0x4], $0x80, s5, s4, $0xb8;
	[tilespmem:$0x1D000] =	vst v63  }
0x121: {  	s8 =	simm.s32 @!p0 $0xC00;
	s5 =	simm.s32 @!p0 $0x0  }
0x122: {  	[tilespmem:s8], [sflag:$0x5] =	stream.linear.gather @!p0 [hbm4b:s15+s5], $0x400, $0x38;
	[tilespmem:$0x1D000] =	vst v63  }
0x123: {  	s5 =	simm.s32 @!p0 $0x5  }
0x124: {  	_ =	swait.ge @!p0 [sflag:s5], $0x400  }
0x125: {  	[sflag:s5] =	ssyncset.done @!p0 $0x0  }
0x126: {  	[sflag:s5] =	ssyncadd.s32 @!p0 $0xFFFFFC00;
	s5 =	simm.s32 @!p0 $0x3  }
0x127: {  	_ =	swait.ge @!p0 [sflag:s5], $0x4000  }
0x128: {  	[sflag:s5] =	ssyncset.done @!p0 $0x0  }
0x129: {  	s9 =	simm.s32 @!p0 $0x1000;
	s8 =	simm.s32 @!p0 $0x900;
	[sflag:s5] =	ssyncadd.s32 @!p0 $0xFFFFC000  }
0x12a: {  	[spmem:s2] =	stream.indirect.scatter.add.f32 @!p0 [tilespmem:s9], [sflag:$0x3], $0x80, s8, s4, $0xb8;
	[tilespmem:$0x1D000] =	vst v63  }
0x12b: {  	s8 =	simm.s32 @!p0 $0x4  }
0x12c: {  	_ =	swait.ge @!p0 [sflag:s8], $0x4000  }
0x12d: {  	[sflag:s8] =	ssyncset.done @!p0 $0x0  }
0x12e: {  	s11 =	simm.s32 @!p0 $0x980;
	[sflag:s8] =	ssyncadd.s32 @!p0 $0xFFFFC000  }
0x12f: {  	[spmem:s2] =	stream.indirect.scatter.add.f32 @!p0 [tilespmem:s6], [sflag:$0x4], $0x80, s11, s4, $0xb8;
	[tilespmem:$0x1D000] =	vst v63  }
0x130: {  	_ =	swait.ge @!p0 [sflag:s5], $0x4000  }
0x131: {  	[sflag:s5] =	ssyncset.done @!p0 $0x0  }
0x132: {  	s11 =	simm.s32 @!p0 $0xA00;
	[sflag:s5] =	ssyncadd.s32 @!p0 $0xFFFFC000  }
0x133: {  	[spmem:s2] =	stream.indirect.scatter.add.f32 @!p0 [tilespmem:s9], [sflag:$0x3], $0x80, s11, s4, $0xb8;
	[tilespmem:$0x1D000] =	vst v63  }
0x134: {  	_ =	swait.ge @!p0 [sflag:s8], $0x4000  }
0x135: {  	[sflag:s8] =	ssyncset.done @!p0 $0x0  }
0x136: {  	s11 =	simm.s32 @!p0 $0xA80;
	[sflag:s8] =	ssyncadd.s32 @!p0 $0xFFFFC000  }
0x137: {  	[spmem:s2] =	stream.indirect.scatter.add.f32 @!p0 [tilespmem:s6], [sflag:$0x4], $0x80, s11, s4, $0xb8;
	[tilespmem:$0x1D000] =	vst v63  }
0x138: {  	_ =	swait.ge @!p0 [sflag:s5], $0x4000  }
0x139: {  	[sflag:s5] =	ssyncset.done @!p0 $0x0  }
0x13a: {  	[sflag:s5] =	ssyncadd.s32 @!p0 $0xFFFFC000;
	s5 =	simm.s32 @!p0 $0xB00  }
0x13b: {  	[spmem:s2] =	stream.indirect.scatter.add.f32 @!p0 [tilespmem:s9], [sflag:$0x3], $0x80, s5, s4, $0xb8;
	[tilespmem:$0x1D000] =	vst v63  }
0x13c: {  	_ =	swait.ge @!p0 [sflag:s8], $0x4000  }
0x13d: {  	[sflag:s8] =	ssyncset.done @!p0 $0x0  }
0x13e: {  	p1 =	seq.s32 @!p0 s0, $0x0;
	s5 =	simm.s32 @!p0 $0xB80;
	[sflag:s8] =	ssyncadd.s32 @!p0 $0xFFFFC000  }
0x13f: {  	[spmem:s2] =	stream.indirect.scatter.add.f32 @!p0 [tilespmem:s6], [sflag:$0x4], $0x80, s5, s4, $0xb8;
	[tilespmem:$0x1D000] =	vst v63  }
0x140: {  	p0 =	por p0, !p1  }
.Ltmp9:
0x141: {  	_ = 	snop;
	(pc) =	sbr.rel @!p0 .LBB2_9-.Ltmp9, $1  }
0x142: {  	_ =	sdelay $0x3  }
0x143: {  	_ =	swait.ge [sflag:s22], $0x4000  }
0x144: {  	[sflag:s22] =	ssyncset.done $0x0  }
0x145: {  	s0 =	simm.s32 $0xC00;
	[sflag:s22] =	ssyncadd.s32 $0xFFFFC000  }
0x146: {  	[spmem:s2] =	stream.indirect.scatter.add.f32 [tilespmem:s19], [sflag:$0x3], $0x80, s0, s18, $0xb8;
	[tilespmem:$0x1D000] =	vst v63  }
0x147: {  	_ =	swait.ge [sflag:s20], $0x4000  }
0x148: {  	[sflag:s20] =	ssyncset.done $0x0  }
0x149: {  	p0 =	seq.s32 s7, $0x9;
	[sflag:s20] =	ssyncadd.s32 $0xFFFFC000  }
0x14a: {  	[spmem:s2] =	stream.indirect.scatter.add.f32 [tilespmem:s21], [sflag:$0x4], $0x80, s24, s18, $0xb8;
	[tilespmem:$0x1D000] =	vst v63  }
0x14b: {  	s4 =	simm.s32 @!p0 $0x800;
	s0 =	simm.s32 @!p0 $0x0  }
0x14c: {  	[tilespmem:s4], [sflag:$0x5] =	stream.linear.gather @!p0 [hbm4b:s15+s0], $0x400, $0x38;
	[tilespmem:$0x1D000] =	vst v63  }
0x14d: {  	s0 =	simm.s32 @!p0 $0x5  }
0x14e: {  	_ =	swait.ge @!p0 [sflag:s0], $0x400  }
0x14f: {  	[sflag:s0] =	ssyncset.done @!p0 $0x0  }
0x150: {  	[sflag:s0] =	ssyncadd.s32 @!p0 $0xFFFFFC00  }
0x151: {  	_ =	swait.ge [sflag:s22], $0x4000  }
0x152: {  	[sflag:s22] =	ssyncset.done $0x0  }
0x153: {  	[sflag:s22] =	ssyncadd.s32 $0xFFFFC000  }
0x154: {  	[spmem:s2] =	stream.indirect.scatter.add.f32 [tilespmem:s19], [sflag:$0x3], $0x80, s25, s18, $0xb8;
	[tilespmem:$0x1D000] =	vst v63  }
0x155: {  	_ =	swait.ge [sflag:s20], $0x4000  }
0x156: {  	[sflag:s20] =	ssyncset.done $0x0  }
0x157: {  	[sflag:s20] =	ssyncadd.s32 $0xFFFFC000  }
0x158: {  	[spmem:s2] =	stream.indirect.scatter.add.f32 [tilespmem:s21], [sflag:$0x4], $0x80, s26, s18, $0xb8;
	[tilespmem:$0x1D000] =	vst v63  }
0x159: {  	_ =	swait.ge [sflag:s22], $0x4000  }
0x15a: {  	[sflag:s22] =	ssyncset.done $0x0  }
0x15b: {  	[sflag:s22] =	ssyncadd.s32 $0xFFFFC000  }
0x15c: {  	[spmem:s2] =	stream.indirect.scatter.add.f32 [tilespmem:s19], [sflag:$0x3], $0x80, s28, s18, $0xb8;
	[tilespmem:$0x1D000] =	vst v63  }
0x15d: {  	_ =	swait.ge [sflag:s20], $0x4000  }
0x15e: {  	[sflag:s20] =	ssyncset.done $0x0  }
0x15f: {  	[sflag:s20] =	ssyncadd.s32 $0xFFFFC000  }
0x160: {  	[spmem:s2] =	stream.indirect.scatter.add.f32 [tilespmem:s21], [sflag:$0x4], $0x80, s29, s18, $0xb8;
	[tilespmem:$0x1D000] =	vst v63  }
0x161: {  	_ =	swait.ge [sflag:s22], $0x4000  }
0x162: {  	[sflag:s22] =	ssyncset.done $0x0  }
0x163: {  	[sflag:s22] =	ssyncadd.s32 $0xFFFFC000  }
0x164: {  	[spmem:s2] =	stream.indirect.scatter.add.f32 [tilespmem:s19], [sflag:$0x3], $0x80, s30, s18, $0xb8;
	[tilespmem:$0x1D000] =	vst v63  }
.Ltmp10:
0x165: {  	_ = 	snop;
	(pc) =	sbr.rel .LBB2_9-.Ltmp10, $4  }
0x166: {  	_ =	swait.ge [sflag:s20], $0x4000  }
0x167: {  	[sflag:s20] =	ssyncset.done $0x0  }
0x168: {  	[sflag:s20] =	ssyncadd.s32 $0xFFFFC000  }
0x169: {  	[spmem:s2] =	stream.indirect.scatter.add.f32 [tilespmem:s21], [sflag:$0x4], $0x80, s31, s18, $0xb8;
	[tilespmem:$0x1D000] =	vst v63  }
.LBB2_11:
0x16a: {  	_ =	sfence.sel $0x180000  }
0x16b: {  	[bflag:$0x0] =	sbarrier.arrive $0xFFFF  }
0x16c: {  	_ =	strace $0x90000047  }
0x16d: {  	s0 =	stileid.u32;
	[bflag:$0x2] =	sbarrier.arrive $0xFFFF  }
0x16e: {  	p0 =	sne.s32 s0, $0x0;
	s0 =	rddreg [dreg:$0x3]  }
0x16f: {  	s0 =	sadd.s32 @!p0 $0x100000, s0  }
0x170: {  	[sflag:s0] =	ssyncadd.tile.s32 @!p0 $0x1;
	_ =	shalt  }
.Lfunc_end2:
_tile_overlayer_lowered:
.L_overlay_start_2:
0x171: {  	(tag) =	ssettag $0x2  }
0x172: {  	s0 =	rddreg [dreg:$0x0];
	s2 =	stileid.u32  }
0x173: {  	s1 =	rddreg [dreg:$0x1];
	p0 =	sne.s32 s2, $0x0  }
0x174: {  	s3 =	rddreg [dreg:$0x2];
	[bflag:$0x3] =	sbarrier.arrive $0xFFFF;
	s2 =	simm.s32 @!p0 $0x1C05  }
0x175: {  	[timem:s3], [sflag:s2] =	dma.local @!p0 [hbm:s0], s1  }
0x176: {  	s0 =	simm.s32 @!p0 $0x5  }
0x177: {  	_ =	swait.ge @!p0 [sflag:s0], s1  }
0x178: {  	s1 =	ssub.s32 @!p0 $0x0, s1;
	[sflag:s0] =	ssyncset.done @!p0 $0x0  }
0x179: {  	[sflag:s0] =	ssyncadd.s32 @!p0 s1  }
0x17a: {  	[bflag:$0x3] =	sbarrier.arrive $0xFFFF  }
0x17b: {  	_ =	shalt  }

</sc_bundles>
